<compile_context>
chip_gen: v7x
topology: tpu7x:2x2x1
jax: 0.10.2.dev20260603
libtpu: 0.0.44.dev20260713+nightly
codegen_flags: <defaults>
</compile_context>

<pallas_src>
import functools

import jax
import jax.numpy as jnp
from jax import lax
from jax.experimental import pallas as pl
from jax.experimental.pallas import tpu as pltpu
from jax.experimental.pallas import tpu_sc as plsc

_N = 10000
_E = 320000
_H = 128
_B = 100
_NN = 100
_L = 4
_NC = 2
_NS = 16
_NW = _NC * _NS
_EPT = _E // _NS
_EPW = _E // _NW
_K = 100
_NCH = _EPW // _K
_RPT = _N // _NS
_NPAD = 10240
_HR = _NPAD // 16
_BLK = 2000
_G = _N // _BLK

_mesh = plsc.VectorSubcoreMesh(core_axis_name="c", subcore_axis_name="s")


_KD = 80
_NCHD = _EPT // _KD
_NPT = _NPAD // _NS


@functools.partial(
    pl.kernel,
    out_type=jax.ShapeDtypeStruct((_NC * _NPAD,), jnp.float32),
    mesh=_mesh,
    scratch_types=[
        pltpu.VMEM((_NCHD, _KD), jnp.int32),
        pltpu.VMEM((_KD,), jnp.float32),
        pltpu.VMEM((_NPT,), jnp.float32),
        pltpu.VMEM_SHARED((_NPAD,), jnp.float32),
    ],
)
def _deg_call(dst_src_hbm, deg_hbm, idx_v, ones_v, zb_v, acc_sh):
    c = lax.axis_index("c")
    s = lax.axis_index("s")
    zeros16 = jnp.zeros((16,), jnp.float32)
    ones16 = jnp.ones((16,), jnp.float32)

    def zb_body(i, _):
        zb_v[pl.ds(i * 16, 16)] = zeros16
        return 0

    lax.fori_loop(0, _NPT // 16, zb_body, 0)

    def ob_body(i, _):
        ones_v[pl.ds(i * 16, 16)] = ones16
        return 0

    lax.fori_loop(0, _KD // 16, ob_body, 0)

    pltpu.sync_copy(zb_v, acc_sh.at[pl.ds(s * _NPT, _NPT)])
    pltpu.sync_copy(dst_src_hbm.at[c, s], idx_v)
    plsc.subcore_barrier()

    def body(j, _):
        pltpu.sync_copy(ones_v, acc_sh.at[idx_v.at[j]], add=True)
        return 0

    lax.fori_loop(0, _NCHD, body, 0)
    plsc.subcore_barrier()
    base = pl.multiple_of(c * _NPAD + s * _NPT, 128)
    pltpu.sync_copy(
        acc_sh.at[pl.ds(s * _NPT, _NPT)],
        deg_hbm.at[pl.ds(base, _NPT)],
    )


_NBUF = 2
_RQ = _N // _NS - 1


@functools.partial(
    pl.kernel,
    out_type=jax.ShapeDtypeStruct((_NC, _N, _H), jnp.float32),
    mesh=_mesh,
    scratch_types=[
        pltpu.VMEM((_NCH, _K), jnp.int32),
        pltpu.VMEM((_NBUF, 1, _K), jnp.int32),
        pltpu.VMEM((_NBUF * _K, _H), jnp.float32),
        pltpu.SemaphoreType.DMA,
        pltpu.SemaphoreType.DMA,
        pltpu.SemaphoreType.DMA,
        pltpu.VMEM_SHARED((_N, _H), jnp.float32),
    ],
)
def _spmm_call(hs_hbm, src_hbm, dst_hbm, zero_hbm, out_hbm,
               dstv, sbuf, rows_v, gs0, gs1, ss, agg_sh):
    c = lax.axis_index("c")
    s = lax.axis_index("s")
    wid = c * _NS + s
    gsems = (gs0, gs1)
    pltpu.sync_copy(zero_hbm.at[pl.ds(s * _RQ, _RQ)], agg_sh.at[pl.ds(s * _RQ, _RQ)])

    @pl.when(s == 0)
    def _():
        pltpu.sync_copy(
            zero_hbm.at[pl.ds(_RQ * _NS, _N - _RQ * _NS)],
            agg_sh.at[pl.ds(_RQ * _NS, _N - _RQ * _NS)],
        )

    pltpu.sync_copy(dst_hbm.at[wid], dstv)
    for b in range(_NBUF):
        pltpu.sync_copy(src_hbm.at[wid, b], sbuf.at[b])
    plsc.subcore_barrier()

    def body(i, _):
        j = i * _NBUF
        g = [
            pltpu.async_copy(
                hs_hbm.at[sbuf.at[b, 0]], rows_v.at[pl.ds(b * _K, _K)], gsems[b]
            )
            for b in range(_NBUF)
        ]
        sc = []
        for b in range(_NBUF):
            g[b].wait()
            sc.append(
                pltpu.async_copy(
                    rows_v.at[pl.ds(b * _K, _K)],
                    agg_sh.at[dstv.at[j + b]],
                    ss,
                    add=True,
                )
            )

        @pl.when(j + _NBUF < _NCH)
        def _():
            for b in range(_NBUF):
                pltpu.sync_copy(src_hbm.at[wid, j + _NBUF + b], sbuf.at[b])

        for b in range(_NBUF):
            sc[b].wait()
        return 0

    lax.fori_loop(0, _NCH // _NBUF, body, 0)
    plsc.subcore_barrier()
    pltpu.sync_copy(agg_sh.at[pl.ds(s * _RQ, _RQ)], out_hbm.at[c, pl.ds(s * _RQ, _RQ)])

    @pl.when(s == 0)
    def _():
        pltpu.sync_copy(
            agg_sh.at[pl.ds(_RQ * _NS, _N - _RQ * _NS)],
            out_hbm.at[c, pl.ds(_RQ * _NS, _N - _RQ * _NS)],
        )




def _dotx(a, b):
    return jnp.dot(
        a.astype(jnp.bfloat16),
        b.astype(jnp.bfloat16),
        preferred_element_type=jnp.float32,
    )

def _pe_body(pe_emb_ref, wpe_ref, bpe_ref, out_ref):
    out_ref[...] = (
        _dotx(pe_emb_ref[...], wpe_ref[...])
        + bpe_ref[...]
    )


_pe_call = pl.pallas_call(
    _pe_body,
    out_shape=jax.ShapeDtypeStruct((_NN, _H), jnp.float32),
)


def _prep_body(h_ref, pef_ref, wh_ref, bh_ref, od_ref, h0_ref, hs_ref):
    h0 = (
        _dotx(h_ref[...], wh_ref[...])
        + bh_ref[...]
        + pef_ref[...]
    )
    inv_out = 1.0 / jnp.sqrt(jnp.maximum(od_ref[...], 1.0))
    h0_ref[...] = h0
    hs_ref[...] = h0 * inv_out


_prep_call = pl.pallas_call(
    _prep_body,
    grid=(_G,),
    in_specs=[
        pl.BlockSpec((_BLK, _H), lambda g: (g, 0)),
        pl.BlockSpec((_BLK, _H), lambda g: (0, 0)),
        pl.BlockSpec((_H, _H), lambda g: (0, 0)),
        pl.BlockSpec((1, _H), lambda g: (0, 0)),
        pl.BlockSpec((_BLK, 1), lambda g: (g, 0)),
    ],
    out_specs=[
        pl.BlockSpec((_BLK, _H), lambda g: (g, 0)),
        pl.BlockSpec((_BLK, _H), lambda g: (g, 0)),
    ],
    out_shape=[
        jax.ShapeDtypeStruct((_N, _H), jnp.float32),
        jax.ShapeDtypeStruct((_N, _H), jnp.float32),
    ],
)


def _layer_body(a_ref, b_ref, id_ref, w_ref, bias_ref, hin_ref, gm_ref, be_ref,
                od_ref, h_ref, hs_ref, z_scr, s1_scr, s2_scr):
    ph = pl.program_id(0)
    g = pl.program_id(1)

    @pl.when(ph == 0)
    def _():
        inv_in = 1.0 / jnp.sqrt(jnp.maximum(id_ref[...], 1.0))
        agg = (a_ref[0] + b_ref[0]) * inv_in
        z = (
            _dotx(agg, w_ref[...])
            + bias_ref[...]
        )
        z_scr[pl.ds(g * _BLK, _BLK), :] = z

        @pl.when(g == 0)
        def _():
            s1_scr[...] = jnp.zeros((1, _H), jnp.float32)
            s2_scr[...] = jnp.zeros((1, _H), jnp.float32)

        s1_scr[...] += jnp.sum(z, axis=0, keepdims=True)
        s2_scr[...] += jnp.sum(z * z, axis=0, keepdims=True)

    @pl.when(ph == 1)
    def _():
        mu = s1_scr[...] * (1.0 / _N)
        var = s2_scr[...] * (1.0 / _N) - mu * mu
        z = z_scr[pl.ds(g * _BLK, _BLK), :]
        zn = (z - mu) / jnp.sqrt(var + 1e-5) * gm_ref[...] + be_ref[...]
        hnew = hin_ref[...] + jnp.maximum(zn, 0.0)
        h_ref[...] = hnew
        hs_ref[...] = hnew * (1.0 / jnp.sqrt(jnp.maximum(od_ref[...], 1.0)))


_layer_call = pl.pallas_call(
    _layer_body,
    grid=(2, _G),
    in_specs=[
        pl.BlockSpec((1, _BLK, _H), lambda ph, g: (0, g * (1 - ph), 0)),
        pl.BlockSpec((1, _BLK, _H), lambda ph, g: (1, g * (1 - ph), 0)),
        pl.BlockSpec((_BLK, 1), lambda ph, g: (g * (1 - ph), 0)),
        pl.BlockSpec((_H, _H), lambda ph, g: (0, 0)),
        pl.BlockSpec((1, _H), lambda ph, g: (0, 0)),
        pl.BlockSpec((_BLK, _H), lambda ph, g: (g * ph, 0)),
        pl.BlockSpec((1, _H), lambda ph, g: (0, 0)),
        pl.BlockSpec((1, _H), lambda ph, g: (0, 0)),
        pl.BlockSpec((_BLK, 1), lambda ph, g: (g * ph, 0)),
    ],
    out_specs=[
        pl.BlockSpec((_BLK, _H), lambda ph, g: (g * ph, 0)),
        pl.BlockSpec((_BLK, _H), lambda ph, g: (g * ph, 0)),
    ],
    out_shape=[
        jax.ShapeDtypeStruct((_N, _H), jnp.float32),
        jax.ShapeDtypeStruct((_N, _H), jnp.float32),
    ],
    scratch_shapes=[
        pltpu.VMEM((_N, _H), jnp.float32),
        pltpu.VMEM((1, _H), jnp.float32),
        pltpu.VMEM((1, _H), jnp.float32),
    ],
)


def _readout_body(h3_ref, w0_ref, b0_ref, w1_ref, b1_ref, w2_ref, b2_ref, out_ref):
    hg = jnp.mean(h3_ref[...], axis=1)
    x = jnp.maximum(
        _dotx(hg, w0_ref[...]) + b0_ref[...], 0.0
    )
    x = jnp.maximum(
        _dotx(x, w1_ref[...]) + b1_ref[...], 0.0
    )
    out_ref[...] = (
        _dotx(x, w2_ref[...]) + b2_ref[...]
    )


_readout_call = pl.pallas_call(
    _readout_body,
    out_shape=jax.ShapeDtypeStruct((_B, 2), jnp.float32),
)


def kernel(h, e, batch_llms, edge_index, W_h, b_h, pe_emb, W_pe, b_pe, Wl, bl,
           gamma, beta, W1, b1, Wg, bg, Wr0, br0, Wr1, br1, Wr2, br2):
    ei = edge_index.astype(jnp.int32)
    dst_src = jnp.stack([ei[1], ei[0]]).reshape(_NC, _NS, _NCHD, _KD)
    deg = _deg_call(dst_src)
    in_deg = deg[:_N].reshape(_N, 1)
    out_deg = deg[_NPAD:_NPAD + _N].reshape(_N, 1)

    pe = _pe_call(pe_emb, W_pe, b_pe.reshape(1, _H))
    pef = jnp.broadcast_to(pe[None], (_BLK // _NN, _NN, _H)).reshape(_BLK, _H)
    hcur, hs = _prep_call(h, pef, W_h, b_h.reshape(1, _H), out_deg)

    src = ei[0].reshape(_NW, _NCH, 1, _K)
    dst = ei[1].reshape(_NW, _NCH, _K)
    zeros_n = jnp.zeros((_N, _H), jnp.float32)
    for l in range(_L):
        agg = _spmm_call(hs, src, dst, zeros_n)
        hcur, hs = _layer_call(
            agg, agg, in_deg, Wl[l], bl[l].reshape(1, _H),
            hcur, gamma[l].reshape(1, _H), beta[l].reshape(1, _H), out_deg,
        )

    return _readout_call(
        hcur.reshape(_B, _NN, _H),
        Wr0, br0.reshape(1, -1),
        Wr1, br1.reshape(1, -1),
        Wr2, br2.reshape(1, -1),
    )

# --- scband reference (transcript-rebuilt; emitter-appended) ---
"""Pipeline reference for scband-brain-prompt-gnet-48043504173617 (READ-ONLY COPY).

The authoritative reference and input builder live on the scoring server;
editing this copy changes nothing except your own understanding.
"""

import jax, jax.numpy as jnp
import numpy as np

N = 10000
E = 320000
D_IN = 128
D_EDGE = 16
H = 128
NODE_NUM = 100
B = 100
LM = 2048
NC = 2
L = 4

def setup_inputs(seed: int = 0):
    key = jax.random.key(seed)
    ks = jax.random.split(key, 16)
    def nrm(k, shape, s=0.05):
        return jax.random.normal(k, shape, jnp.float32) * s
    inp = {}
    inp["h"] = jax.random.normal(ks[0], (N, D_IN), jnp.float32)
    inp["e"] = jax.random.normal(ks[1], (E, D_EDGE), jnp.float32)
    inp["batch_llms"] = jax.random.normal(ks[2], (B, 1, LM), jnp.float32)
    inp["edge_index"] = jax.random.randint(ks[3], (2, E), 0, N)
    inp["W_h"] = nrm(ks[4], (D_IN, H))
    inp["b_h"] = jnp.zeros((H,), jnp.float32)
    inp["pe_emb"] = nrm(ks[5], (NODE_NUM, LM))
    inp["W_pe"] = nrm(ks[6], (LM, H), 0.02)
    inp["b_pe"] = jnp.zeros((H,), jnp.float32)
    inp["Wl"] = nrm(ks[7], (L, H, H))
    inp["bl"] = jnp.zeros((L, H), jnp.float32)
    inp["gamma"] = jnp.ones((L, H), jnp.float32)
    inp["beta"] = jnp.zeros((L, H), jnp.float32)
    inp["W1"] = nrm(ks[8], (LM, H), 0.02)
    inp["b1"] = jnp.zeros((H,), jnp.float32)
    inp["Wg"] = nrm(ks[9], (H, H))
    inp["bg"] = jnp.zeros((H,), jnp.float32)
    inp["Wr0"] = nrm(ks[10], (H, H // 2))
    inp["br0"] = jnp.zeros((H // 2,), jnp.float32)
    inp["Wr1"] = nrm(ks[11], (H // 2, H // 4))
    inp["br1"] = jnp.zeros((H // 4,), jnp.float32)
    inp["Wr2"] = nrm(ks[12], (H // 4, NC))
    inp["br2"] = jnp.zeros((NC,), jnp.float32)
    return inp

def _sim(x):
    xn = x / jnp.maximum(jnp.linalg.norm(x, axis=1, keepdims=True), 1e-12)
    return jax.nn.sigmoid(xn @ xn.T)

def _forward(h, e, batch_llms, edge_index, W_h, b_h, pe_emb, W_pe, b_pe, Wl, bl, gamma, beta, W1, b1, Wg, bg, Wr0, br0, Wr1, br1, Wr2, br2):
    src, dst = edge_index[0], edge_index[1]
    # embedding_h
    h = h @ W_h + b_h
    # LMPE: LM-embedding-derived positional encoding, projected and added per ROI
    pe = pe_emb @ W_pe + b_pe
    h = (h.reshape(B, NODE_NUM, H) + pe[None, :, :]).reshape(N, H)
    # degree normalization (GraphConv norm='both')
    ones = jnp.ones((E,), jnp.float32)
    in_deg = jax.ops.segment_sum(ones, dst, num_segments=N)
    out_deg = jax.ops.segment_sum(ones, src, num_segments=N)
    inv_in = 1.0 / jnp.sqrt(jnp.maximum(in_deg, 1.0))
    inv_out = 1.0 / jnp.sqrt(jnp.maximum(out_deg, 1.0))
    # GCN layers: gather -> scatter-add -> dense -> BN -> relu -> residual; e passed through
    for l in range(L):
        h_in = h
        m = h[src] * inv_out[src][:, None]
        agg = jax.ops.segment_sum(m, dst, num_segments=N) * inv_in[:, None]
        z = agg @ Wl[l] + bl[l]
        mu = z.mean(axis=0)
        var = z.var(axis=0)
        z = (z - mu) / jnp.sqrt(var + 1e-5) * gamma[l] + beta[l]
        z = jax.nn.relu(z)
        h = h_in + z
    # mean readout per graph (each graph has NODE_NUM nodes)
    hg = h.reshape(B, NODE_NUM, H).mean(axis=1)
    # LLM branch
    llm = batch_llms.squeeze(1)
    meta = llm @ W1 + b1
    binm = (_sim(hg) * _sim(meta) > 0.8).astype(jnp.float32)
    # simpleGCNLayer over the binary cross-sample graph, residual
    fused = jax.nn.relu(binm @ (hg @ Wg + bg)) + hg
    # MLPReadout (2 halving layers)
    x = jax.nn.relu(fused @ Wr0 + br0)
    x = jax.nn.relu(x @ Wr1 + br1)
    return x @ Wr2 + br2

def reference(h, e, batch_llms, edge_index, W_h, b_h, pe_emb, W_pe, b_pe, Wl, bl, gamma, beta, W1, b1, Wg, bg, Wr0, br0, Wr1, br1, Wr2, br2):
    return _forward(h, e, batch_llms, edge_index, W_h, b_h, pe_emb, W_pe, b_pe, Wl, bl, gamma, beta, W1, b1, Wg, bg, Wr0, br0, Wr1, br1, Wr2, br2)

if __name__ == "__main__":
    import jax
    _d = setup_inputs()
    print(jax.jit(kernel)(*tuple(_d.values())))

</pallas_src>

<mosaic_0001>
#map = affine_map<(d0, d1) -> (0, 0)>
#map1 = affine_map<(d0, d1) -> (0, 0, 0, 0)>
#map2 = affine_map<(d0, d1) -> (0, 0, 0)>
module attributes {stable_mosaic.version = 14 : i64} {
  func.func @_spmm_call(%arg0: i32, %arg1: i32, %arg2: memref<10000x128xf32, #tpu.memory_space<hbm>>, %arg3: memref<32x100x1x100xi32, #tpu.memory_space<hbm>>, %arg4: memref<32x100x100xi32, #tpu.memory_space<hbm>>, %arg5: memref<10000x128xf32, #tpu.memory_space<hbm>>, %arg6: memref<2x10000x128xf32, #tpu.memory_space<hbm>>, %arg7: memref<100x100xi32, #tpu.memory_space<vmem>>, %arg8: memref<2x1x100xi32, #tpu.memory_space<vmem>>, %arg9: memref<200x128xf32, #tpu.memory_space<vmem>>, %arg10: memref<!tpu.dma_semaphore, #tpu.memory_space<semaphore_mem>>, %arg11: memref<!tpu.dma_semaphore, #tpu.memory_space<semaphore_mem>>, %arg12: memref<!tpu.dma_semaphore, #tpu.memory_space<semaphore_mem>>, %arg13: memref<10000x128xf32, #tpu.memory_space<vmem_shared>>) attributes {dimension_semantics = [#tpu.dimension_semantics<core_parallel>, #tpu.dimension_semantics<subcore_parallel>], iteration_bounds = array<i64: 2, 16>, scalar_prefetch = 0 : i64, scratch_operands = 7 : i64, tpu.core_type = #tpu.core_type<sc_vector_subcore>, window_params = [{transform_indices = #map}, {transform_indices = #map1}, {transform_indices = #map2}, {transform_indices = #map}, {transform_indices = #map2}]} {
    %mul3A = arith.constant 16 : i32
    %mul3A_0 = arith.muli %arg0, %mul3A : i32
    %add3A = arith.addi %mul3A_0, %arg1 : i32
    %mul3A_1 = arith.constant 624 : i32
    %mul3A_2 = arith.muli %arg1, %mul3A_1 : i32
    %mul3A_3 = arith.constant 624 : i32
    %mul3A_4 = arith.muli %arg1, %mul3A_3 : i32
    "tpu.region"() ({
      %run_scoped3A_26 = tpu.sem_alloc : memref<!tpu.dma_semaphore, #tpu.memory_space<semaphore_mem>>
      %dma_start3A = arith.constant 0 : i32
      %dma_start3A_27 = tpu.memref_slice %arg13[%mul3A_4, %dma_start3A] : memref<10000x128xf32, #tpu.memory_space<vmem_shared>> -> memref<624x128xf32, #tpu.memory_space<vmem_shared>>
      %dma_start3A_28 = arith.constant 0 : i32
      %dma_start3A_29 = tpu.memref_slice %arg5[%mul3A_2, %dma_start3A_28] : memref<10000x128xf32, #tpu.memory_space<hbm>> -> memref<624x128xf32, #tpu.memory_space<hbm>>
      tpu.enqueue_dma source(%dma_start3A_29 : memref<624x128xf32, #tpu.memory_space<hbm>>) target(%dma_start3A_27 : memref<624x128xf32, #tpu.memory_space<vmem_shared>>) target_semaphore(%run_scoped3A_26 : memref<!tpu.dma_semaphore, #tpu.memory_space<semaphore_mem>>)
      %dma_wait3A = arith.constant 0 : i32
      %dma_wait3A_30 = tpu.memref_slice %arg13[%mul3A_4, %dma_wait3A] : memref<10000x128xf32, #tpu.memory_space<vmem_shared>> -> memref<624x128xf32, #tpu.memory_space<vmem_shared>>
      %dma_wait3A_31 = arith.constant 0 : i32
      %dma_wait3A_32 = tpu.memref_slice %arg5[%mul3A_2, %dma_wait3A_31] : memref<10000x128xf32, #tpu.memory_space<hbm>> -> memref<624x128xf32, #tpu.memory_space<hbm>>
      tpu.wait_dma2 semaphore(%run_scoped3A_26 : memref<!tpu.dma_semaphore, #tpu.memory_space<semaphore_mem>>) src(%dma_wait3A_32 : memref<624x128xf32, #tpu.memory_space<hbm>>) dst(%dma_wait3A_30 : memref<624x128xf32, #tpu.memory_space<vmem_shared>>)
      tpu.yield
    }) : () -> ()
    %eq3A = arith.constant 0 : i32
    %eq3A_5 = arith.cmpi eq, %arg1, %eq3A : i32
    %convert_element_type3A = arith.extui %eq3A_5 : i1 to i32
    %cond3A = arith.constant 0 : i32
    %cond3A_6 = arith.cmpi ne, %convert_element_type3A, %cond3A : i32
    scf.if %cond3A_6 {
      "tpu.region"() ({
        %run_scoped3A_26 = tpu.sem_alloc : memref<!tpu.dma_semaphore, #tpu.memory_space<semaphore_mem>>
        %dma_start3A = arith.constant 9984 : i32
        %dma_start3A_27 = arith.constant 0 : i32
        %dma_start3A_28 = tpu.memref_slice %arg13[%dma_start3A, %dma_start3A_27] : memref<10000x128xf32, #tpu.memory_space<vmem_shared>> -> memref<16x128xf32, #tpu.memory_space<vmem_shared>>
        %dma_start3A_29 = arith.constant 9984 : i32
        %dma_start3A_30 = arith.constant 0 : i32
        %dma_start3A_31 = tpu.memref_slice %arg5[%dma_start3A_29, %dma_start3A_30] : memref<10000x128xf32, #tpu.memory_space<hbm>> -> memref<16x128xf32, #tpu.memory_space<hbm>>
        tpu.enqueue_dma source(%dma_start3A_31 : memref<16x128xf32, #tpu.memory_space<hbm>>) target(%dma_start3A_28 : memref<16x128xf32, #tpu.memory_space<vmem_shared>>) target_semaphore(%run_scoped3A_26 : memref<!tpu.dma_semaphore, #tpu.memory_space<semaphore_mem>>)
        %dma_wait3A = arith.constant 9984 : i32
        %dma_wait3A_32 = arith.constant 0 : i32
        %dma_wait3A_33 = tpu.memref_slice %arg13[%dma_wait3A, %dma_wait3A_32] : memref<10000x128xf32, #tpu.memory_space<vmem_shared>> -> memref<16x128xf32, #tpu.memory_space<vmem_shared>>
        %dma_wait3A_34 = arith.constant 9984 : i32
        %dma_wait3A_35 = arith.constant 0 : i32
        %dma_wait3A_36 = tpu.memref_slice %arg5[%dma_wait3A_34, %dma_wait3A_35] : memref<10000x128xf32, #tpu.memory_space<hbm>> -> memref<16x128xf32, #tpu.memory_space<hbm>>
        tpu.wait_dma2 semaphore(%run_scoped3A_26 : memref<!tpu.dma_semaphore, #tpu.memory_space<semaphore_mem>>) src(%dma_wait3A_36 : memref<16x128xf32, #tpu.memory_space<hbm>>) dst(%dma_wait3A_33 : memref<16x128xf32, #tpu.memory_space<vmem_shared>>)
        tpu.yield
      }) : () -> ()
    } else {
    }
    "tpu.region"() ({
      %run_scoped3A_26 = tpu.sem_alloc : memref<!tpu.dma_semaphore, #tpu.memory_space<semaphore_mem>>
      %dma_start3A = arith.constant 0 : i32
      %dma_start3A_27 = arith.constant 0 : i32
      %dma_start3A_28 = tpu.memref_slice %arg4[%add3A, %dma_start3A, %dma_start3A_27] : memref<32x100x100xi32, #tpu.memory_space<hbm>> -> memref<1x100x100xi32, #tpu.memory_space<hbm>>
      %dma_start3A_29 = tpu.memref_squeeze %dma_start3A_28 : memref<1x100x100xi32, #tpu.memory_space<hbm>> -> memref<100x100xi32, #tpu.memory_space<hbm>>
      %dma_start3A_30 = arith.constant 0 : i32
      %dma_start3A_31 = arith.constant 0 : i32
      %dma_start3A_32 = tpu.memref_slice %arg4[%add3A, %dma_start3A_30, %dma_start3A_31] : memref<32x100x100xi32, #tpu.memory_space<hbm>> -> memref<1x100x100xi32, #tpu.memory_space<hbm>>
      %dma_start3A_33 = tpu.memref_squeeze %dma_start3A_32 : memref<1x100x100xi32, #tpu.memory_space<hbm>> -> memref<100x100xi32, #tpu.memory_space<hbm>>
      tpu.enqueue_dma source(%dma_start3A_33 : memref<100x100xi32, #tpu.memory_space<hbm>>) target(%arg7 : memref<100x100xi32, #tpu.memory_space<vmem>>) target_semaphore(%run_scoped3A_26 : memref<!tpu.dma_semaphore, #tpu.memory_space<semaphore_mem>>)
      %dma_wait3A = arith.constant 0 : i32
      %dma_wait3A_34 = arith.constant 0 : i32
      %dma_wait3A_35 = tpu.memref_slice %arg4[%add3A, %dma_wait3A, %dma_wait3A_34] : memref<32x100x100xi32, #tpu.memory_space<hbm>> -> memref<1x100x100xi32, #tpu.memory_space<hbm>>
      %dma_wait3A_36 = tpu.memref_squeeze %dma_wait3A_35 : memref<1x100x100xi32, #tpu.memory_space<hbm>> -> memref<100x100xi32, #tpu.memory_space<hbm>>
      %dma_wait3A_37 = arith.constant 0 : i32
      %dma_wait3A_38 = arith.constant 0 : i32
      %dma_wait3A_39 = tpu.memref_slice %arg4[%add3A, %dma_wait3A_37, %dma_wait3A_38] : memref<32x100x100xi32, #tpu.memory_space<hbm>> -> memref<1x100x100xi32, #tpu.memory_space<hbm>>
      %dma_wait3A_40 = tpu.memref_squeeze %dma_wait3A_39 : memref<1x100x100xi32, #tpu.memory_space<hbm>> -> memref<100x100xi32, #tpu.memory_space<hbm>>
      tpu.wait_dma2 semaphore(%run_scoped3A_26 : memref<!tpu.dma_semaphore, #tpu.memory_space<semaphore_mem>>) src(%dma_wait3A_40 : memref<100x100xi32, #tpu.memory_space<hbm>>) dst(%arg7 : memref<100x100xi32, #tpu.memory_space<vmem>>)
      tpu.yield
    }) : () -> ()
    %run_scoped3A = arith.constant 0 : i32
    %run_scoped3A_7 = arith.constant 0 : i32
    "tpu.region"() ({
      %run_scoped3A_26 = tpu.sem_alloc : memref<!tpu.dma_semaphore, #tpu.memory_space<semaphore_mem>>
      %dma_start3A = arith.constant 0 : i32
      %dma_start3A_27 = arith.constant 0 : i32
      %dma_start3A_28 = tpu.memref_slice %arg8[%run_scoped3A_7, %dma_start3A, %dma_start3A_27] : memref<2x1x100xi32, #tpu.memory_space<vmem>> -> memref<1x1x100xi32, #tpu.memory_space<vmem>>
      %dma_start3A_29 = tpu.memref_squeeze %dma_start3A_28 : memref<1x1x100xi32, #tpu.memory_space<vmem>> -> memref<1x100xi32, #tpu.memory_space<vmem>>
      %dma_start3A_30 = arith.constant 0 : i32
      %dma_start3A_31 = arith.constant 0 : i32
      %dma_start3A_32 = tpu.memref_slice %arg3[%add3A, %run_scoped3A, %dma_start3A_30, %dma_start3A_31] : memref<32x100x1x100xi32, #tpu.memory_space<hbm>> -> memref<1x1x1x100xi32, #tpu.memory_space<hbm>>
      %dma_start3A_33 = tpu.memref_squeeze %dma_start3A_32 : memref<1x1x1x100xi32, #tpu.memory_space<hbm>> -> memref<1x100xi32, #tpu.memory_space<hbm>>
      %dma_start3A_34 = arith.constant 0 : i32
      %dma_start3A_35 = arith.constant 0 : i32
      %dma_start3A_36 = tpu.memref_slice %arg8[%run_scoped3A_7, %dma_start3A_34, %dma_start3A_35] : memref<2x1x100xi32, #tpu.memory_space<vmem>> -> memref<1x1x100xi32, #tpu.memory_space<vmem>>
      %dma_start3A_37 = tpu.memref_squeeze %dma_start3A_36 : memref<1x1x100xi32, #tpu.memory_space<vmem>> -> memref<1x100xi32, #tpu.memory_space<vmem>>
      %dma_start3A_38 = arith.constant 0 : i32
      %dma_start3A_39 = arith.constant 0 : i32
      %dma_start3A_40 = tpu.memref_slice %arg3[%add3A, %run_scoped3A, %dma_start3A_38, %dma_start3A_39] : memref<32x100x1x100xi32, #tpu.memory_space<hbm>> -> memref<1x1x1x100xi32, #tpu.memory_space<hbm>>
      %dma_start3A_41 = tpu.memref_squeeze %dma_start3A_40 : memref<1x1x1x100xi32, #tpu.memory_space<hbm>> -> memref<1x100xi32, #tpu.memory_space<hbm>>
      tpu.enqueue_dma source(%dma_start3A_41 : memref<1x100xi32, #tpu.memory_space<hbm>>) target(%dma_start3A_37 : memref<1x100xi32, #tpu.memory_space<vmem>>) target_semaphore(%run_scoped3A_26 : memref<!tpu.dma_semaphore, #tpu.memory_space<semaphore_mem>>)
      %dma_wait3A = arith.constant 0 : i32
      %dma_wait3A_42 = arith.constant 0 : i32
      %dma_wait3A_43 = tpu.memref_slice %arg8[%run_scoped3A_7, %dma_wait3A, %dma_wait3A_42] : memref<2x1x100xi32, #tpu.memory_space<vmem>> -> memref<1x1x100xi32, #tpu.memory_space<vmem>>
      %dma_wait3A_44 = tpu.memref_squeeze %dma_wait3A_43 : memref<1x1x100xi32, #tpu.memory_space<vmem>> -> memref<1x100xi32, #tpu.memory_space<vmem>>
      %dma_wait3A_45 = arith.constant 0 : i32
      %dma_wait3A_46 = arith.constant 0 : i32
      %dma_wait3A_47 = tpu.memref_slice %arg3[%add3A, %run_scoped3A, %dma_wait3A_45, %dma_wait3A_46] : memref<32x100x1x100xi32, #tpu.memory_space<hbm>> -> memref<1x1x1x100xi32, #tpu.memory_space<hbm>>
      %dma_wait3A_48 = tpu.memref_squeeze %dma_wait3A_47 : memref<1x1x1x100xi32, #tpu.memory_space<hbm>> -> memref<1x100xi32, #tpu.memory_space<hbm>>
      %dma_wait3A_49 = arith.constant 0 : i32
      %dma_wait3A_50 = arith.constant 0 : i32
      %dma_wait3A_51 = tpu.memref_slice %arg8[%run_scoped3A_7, %dma_wait3A_49, %dma_wait3A_50] : memref<2x1x100xi32, #tpu.memory_space<vmem>> -> memref<1x1x100xi32, #tpu.memory_space<vmem>>
      %dma_wait3A_52 = tpu.memref_squeeze %dma_wait3A_51 : memref<1x1x100xi32, #tpu.memory_space<vmem>> -> memref<1x100xi32, #tpu.memory_space<vmem>>
      %dma_wait3A_53 = arith.constant 0 : i32
      %dma_wait3A_54 = arith.constant 0 : i32
      %dma_wait3A_55 = tpu.memref_slice %arg3[%add3A, %run_scoped3A, %dma_wait3A_53, %dma_wait3A_54] : memref<32x100x1x100xi32, #tpu.memory_space<hbm>> -> memref<1x1x1x100xi32, #tpu.memory_space<hbm>>
      %dma_wait3A_56 = tpu.memref_squeeze %dma_wait3A_55 : memref<1x1x1x100xi32, #tpu.memory_space<hbm>> -> memref<1x100xi32, #tpu.memory_space<hbm>>
      tpu.wait_dma2 semaphore(%run_scoped3A_26 : memref<!tpu.dma_semaphore, #tpu.memory_space<semaphore_mem>>) src(%dma_wait3A_56 : memref<1x100xi32, #tpu.memory_space<hbm>>) dst(%dma_wait3A_52 : memref<1x100xi32, #tpu.memory_space<vmem>>)
      tpu.yield
    }) : () -> ()
    %run_scoped3A_8 = arith.constant 1 : i32
    %run_scoped3A_9 = arith.constant 1 : i32
    "tpu.region"() ({
      %run_scoped3A_26 = tpu.sem_alloc : memref<!tpu.dma_semaphore, #tpu.memory_space<semaphore_mem>>
      %dma_start3A = arith.constant 0 : i32
      %dma_start3A_27 = arith.constant 0 : i32
      %dma_start3A_28 = tpu.memref_slice %arg8[%run_scoped3A_9, %dma_start3A, %dma_start3A_27] : memref<2x1x100xi32, #tpu.memory_space<vmem>> -> memref<1x1x100xi32, #tpu.memory_space<vmem>>
      %dma_start3A_29 = tpu.memref_squeeze %dma_start3A_28 : memref<1x1x100xi32, #tpu.memory_space<vmem>> -> memref<1x100xi32, #tpu.memory_space<vmem>>
      %dma_start3A_30 = arith.constant 0 : i32
      %dma_start3A_31 = arith.constant 0 : i32
      %dma_start3A_32 = tpu.memref_slice %arg3[%add3A, %run_scoped3A_8, %dma_start3A_30, %dma_start3A_31] : memref<32x100x1x100xi32, #tpu.memory_space<hbm>> -> memref<1x1x1x100xi32, #tpu.memory_space<hbm>>
      %dma_start3A_33 = tpu.memref_squeeze %dma_start3A_32 : memref<1x1x1x100xi32, #tpu.memory_space<hbm>> -> memref<1x100xi32, #tpu.memory_space<hbm>>
      %dma_start3A_34 = arith.constant 0 : i32
      %dma_start3A_35 = arith.constant 0 : i32
      %dma_start3A_36 = tpu.memref_slice %arg8[%run_scoped3A_9, %dma_start3A_34, %dma_start3A_35] : memref<2x1x100xi32, #tpu.memory_space<vmem>> -> memref<1x1x100xi32, #tpu.memory_space<vmem>>
      %dma_start3A_37 = tpu.memref_squeeze %dma_start3A_36 : memref<1x1x100xi32, #tpu.memory_space<vmem>> -> memref<1x100xi32, #tpu.memory_space<vmem>>
      %dma_start3A_38 = arith.constant 0 : i32
      %dma_start3A_39 = arith.constant 0 : i32
      %dma_start3A_40 = tpu.memref_slice %arg3[%add3A, %run_scoped3A_8, %dma_start3A_38, %dma_start3A_39] : memref<32x100x1x100xi32, #tpu.memory_space<hbm>> -> memref<1x1x1x100xi32, #tpu.memory_space<hbm>>
      %dma_start3A_41 = tpu.memref_squeeze %dma_start3A_40 : memref<1x1x1x100xi32, #tpu.memory_space<hbm>> -> memref<1x100xi32, #tpu.memory_space<hbm>>
      tpu.enqueue_dma source(%dma_start3A_41 : memref<1x100xi32, #tpu.memory_space<hbm>>) target(%dma_start3A_37 : memref<1x100xi32, #tpu.memory_space<vmem>>) target_semaphore(%run_scoped3A_26 : memref<!tpu.dma_semaphore, #tpu.memory_space<semaphore_mem>>)
      %dma_wait3A = arith.constant 0 : i32
      %dma_wait3A_42 = arith.constant 0 : i32
      %dma_wait3A_43 = tpu.memref_slice %arg8[%run_scoped3A_9, %dma_wait3A, %dma_wait3A_42] : memref<2x1x100xi32, #tpu.memory_space<vmem>> -> memref<1x1x100xi32, #tpu.memory_space<vmem>>
      %dma_wait3A_44 = tpu.memref_squeeze %dma_wait3A_43 : memref<1x1x100xi32, #tpu.memory_space<vmem>> -> memref<1x100xi32, #tpu.memory_space<vmem>>
      %dma_wait3A_45 = arith.constant 0 : i32
      %dma_wait3A_46 = arith.constant 0 : i32
      %dma_wait3A_47 = tpu.memref_slice %arg3[%add3A, %run_scoped3A_8, %dma_wait3A_45, %dma_wait3A_46] : memref<32x100x1x100xi32, #tpu.memory_space<hbm>> -> memref<1x1x1x100xi32, #tpu.memory_space<hbm>>
      %dma_wait3A_48 = tpu.memref_squeeze %dma_wait3A_47 : memref<1x1x1x100xi32, #tpu.memory_space<hbm>> -> memref<1x100xi32, #tpu.memory_space<hbm>>
      %dma_wait3A_49 = arith.constant 0 : i32
      %dma_wait3A_50 = arith.constant 0 : i32
      %dma_wait3A_51 = tpu.memref_slice %arg8[%run_scoped3A_9, %dma_wait3A_49, %dma_wait3A_50] : memref<2x1x100xi32, #tpu.memory_space<vmem>> -> memref<1x1x100xi32, #tpu.memory_space<vmem>>
      %dma_wait3A_52 = tpu.memref_squeeze %dma_wait3A_51 : memref<1x1x100xi32, #tpu.memory_space<vmem>> -> memref<1x100xi32, #tpu.memory_space<vmem>>
      %dma_wait3A_53 = arith.constant 0 : i32
      %dma_wait3A_54 = arith.constant 0 : i32
      %dma_wait3A_55 = tpu.memref_slice %arg3[%add3A, %run_scoped3A_8, %dma_wait3A_53, %dma_wait3A_54] : memref<32x100x1x100xi32, #tpu.memory_space<hbm>> -> memref<1x1x1x100xi32, #tpu.memory_space<hbm>>
      %dma_wait3A_56 = tpu.memref_squeeze %dma_wait3A_55 : memref<1x1x1x100xi32, #tpu.memory_space<hbm>> -> memref<1x100xi32, #tpu.memory_space<hbm>>
      tpu.wait_dma2 semaphore(%run_scoped3A_26 : memref<!tpu.dma_semaphore, #tpu.memory_space<semaphore_mem>>) src(%dma_wait3A_56 : memref<1x100xi32, #tpu.memory_space<hbm>>) dst(%dma_wait3A_52 : memref<1x100xi32, #tpu.memory_space<vmem>>)
      tpu.yield
    }) : () -> ()
    %barrier3A = arith.constant 0 : index
    tpu.barrier barrier_id(%barrier3A)
    %scan3A = arith.constant 0 : i32
    %scan3A_10 = arith.constant 0 : i32
    %scan3A_11 = arith.constant 50 : i32
    %scan3A_12 = arith.addi %scan3A_10, %scan3A_11 : i32
    %scan3A_13 = arith.constant 1 : i32
    %scan3A_14 = scf.for %scan3A_26 = %scan3A_10 to %scan3A_12 step %scan3A_13 iter_args(%scan3A_27 = %scan3A) -> (i32)  : i32 {
      %mul3A_28 = arith.constant 2 : i32
      %mul3A_29 = arith.muli %scan3A_26, %mul3A_28 : i32
      %dma_start3A = arith.constant 0 : i32
      %dma_start3A_30 = arith.constant 0 : i32
      %dma_start3A_31 = arith.constant 0 : i32
      %dma_start3A_32 = arith.constant 0 : i32
      %dma_start3A_33 = tpu.memref_slice %arg9[%dma_start3A_31, %dma_start3A_32] : memref<200x128xf32, #tpu.memory_space<vmem>> -> memref<100x128xf32, #tpu.memory_space<vmem>>
      %dma_start3A_34 = arith.constant 0 : i32
      %dma_start3A_35 = tpu.memref_slice %arg8[%dma_start3A, %dma_start3A_30, %dma_start3A_34] : memref<2x1x100xi32, #tpu.memory_space<vmem>> -> memref<1x1x100xi32, #tpu.memory_space<vmem>>
      %dma_start3A_36 = tpu.memref_squeeze %dma_start3A_35 : memref<1x1x100xi32, #tpu.memory_space<vmem>> -> memref<100xi32, #tpu.memory_space<vmem>>
      %dma_start3A_37 = arith.constant 0 : i32
      %dma_start3A_38 = arith.constant 0 : i32
      %dma_start3A_39 = tpu.memref_slice %arg2[%dma_start3A_37, %dma_start3A_38] : memref<10000x128xf32, #tpu.memory_space<hbm>> -> memref<10000x128xf32, #tpu.memory_space<hbm>>
      tpu.enqueue_indirect_dma source(%dma_start3A_39 : memref<10000x128xf32, #tpu.memory_space<hbm>>) target(%dma_start3A_33 : memref<100x128xf32, #tpu.memory_space<vmem>>) offsets(%dma_start3A_36 : memref<100xi32, #tpu.memory_space<vmem>>) semaphore(%arg10 : memref<!tpu.dma_semaphore, #tpu.memory_space<semaphore_mem>>)
      %dma_start3A_40 = arith.constant 1 : i32
      %dma_start3A_41 = arith.constant 0 : i32
      %dma_start3A_42 = arith.constant 100 : i32
      %dma_start3A_43 = arith.constant 0 : i32
      %dma_start3A_44 = tpu.memref_slice %arg9[%dma_start3A_42, %dma_start3A_43] : memref<200x128xf32, #tpu.memory_space<vmem>> -> memref<100x128xf32, #tpu.memory_space<vmem>>
      %dma_start3A_45 = arith.constant 0 : i32
      %dma_start3A_46 = tpu.memref_slice %arg8[%dma_start3A_40, %dma_start3A_41, %dma_start3A_45] : memref<2x1x100xi32, #tpu.memory_space<vmem>> -> memref<1x1x100xi32, #tpu.memory_space<vmem>>
      %dma_start3A_47 = tpu.memref_squeeze %dma_start3A_46 : memref<1x1x100xi32, #tpu.memory_space<vmem>> -> memref<100xi32, #tpu.memory_space<vmem>>
      %dma_start3A_48 = arith.constant 0 : i32
      %dma_start3A_49 = arith.constant 0 : i32
      %dma_start3A_50 = tpu.memref_slice %arg2[%dma_start3A_48, %dma_start3A_49] : memref<10000x128xf32, #tpu.memory_space<hbm>> -> memref<10000x128xf32, #tpu.memory_space<hbm>>
      tpu.enqueue_indirect_dma source(%dma_start3A_50 : memref<10000x128xf32, #tpu.memory_space<hbm>>) target(%dma_start3A_44 : memref<100x128xf32, #tpu.memory_space<vmem>>) offsets(%dma_start3A_47 : memref<100xi32, #tpu.memory_space<vmem>>) semaphore(%arg11 : memref<!tpu.dma_semaphore, #tpu.memory_space<semaphore_mem>>)
      %dma_wait3A = arith.constant 0 : i32
      %dma_wait3A_51 = arith.constant 0 : i32
      %dma_wait3A_52 = arith.constant 0 : i32
      %dma_wait3A_53 = arith.constant 0 : i32
      %dma_wait3A_54 = tpu.memref_slice %arg9[%dma_wait3A_52, %dma_wait3A_53] : memref<200x128xf32, #tpu.memory_space<vmem>> -> memref<100x128xf32, #tpu.memory_space<vmem>>
      %dma_wait3A_55 = arith.constant 0 : i32
      %dma_wait3A_56 = tpu.memref_slice %arg8[%dma_wait3A, %dma_wait3A_51, %dma_wait3A_55] : memref<2x1x100xi32, #tpu.memory_space<vmem>> -> memref<1x1x100xi32, #tpu.memory_space<vmem>>
      %dma_wait3A_57 = tpu.memref_squeeze %dma_wait3A_56 : memref<1x1x100xi32, #tpu.memory_space<vmem>> -> memref<100xi32, #tpu.memory_space<vmem>>
      %dma_wait3A_58 = arith.constant 0 : i32
      %dma_wait3A_59 = arith.constant 0 : i32
      %dma_wait3A_60 = tpu.memref_slice %arg2[%dma_wait3A_58, %dma_wait3A_59] : memref<10000x128xf32, #tpu.memory_space<hbm>> -> memref<10000x128xf32, #tpu.memory_space<hbm>>
      tpu.wait_indirect_dma semaphore(%arg10 : memref<!tpu.dma_semaphore, #tpu.memory_space<semaphore_mem>>) src(%dma_wait3A_60 : memref<10000x128xf32, #tpu.memory_space<hbm>>) dst(%dma_wait3A_54 : memref<100x128xf32, #tpu.memory_space<vmem>>)
      %add3A_61 = arith.constant 0 : i32
      %add3A_62 = arith.addi %mul3A_29, %add3A_61 : i32
      %dma_start3A_63 = arith.constant 0 : i32
      %dma_start3A_64 = arith.constant 0 : i32
      %dma_start3A_65 = tpu.memref_slice %arg9[%dma_start3A_63, %dma_start3A_64] : memref<200x128xf32, #tpu.memory_space<vmem>> -> memref<100x128xf32, #tpu.memory_space<vmem>>
      %dma_start3A_66 = arith.constant 0 : i32
      %dma_start3A_67 = tpu.memref_slice %arg7[%add3A_62, %dma_start3A_66] : memref<100x100xi32, #tpu.memory_space<vmem>> -> memref<1x100xi32, #tpu.memory_space<vmem>>
      %dma_start3A_68 = tpu.memref_squeeze %dma_start3A_67 : memref<1x100xi32, #tpu.memory_space<vmem>> -> memref<100xi32, #tpu.memory_space<vmem>>
      %dma_start3A_69 = arith.constant 0 : i32
      %dma_start3A_70 = arith.constant 0 : i32
      %dma_start3A_71 = tpu.memref_slice %arg13[%dma_start3A_69, %dma_start3A_70] : memref<10000x128xf32, #tpu.memory_space<vmem_shared>> -> memref<10000x128xf32, #tpu.memory_space<vmem_shared>>
      tpu.enqueue_indirect_dma source(%dma_start3A_65 : memref<100x128xf32, #tpu.memory_space<vmem>>) target(%dma_start3A_71 : memref<10000x128xf32, #tpu.memory_space<vmem_shared>>) offsets(%dma_start3A_68 : memref<100xi32, #tpu.memory_space<vmem>>) semaphore(%arg12 : memref<!tpu.dma_semaphore, #tpu.memory_space<semaphore_mem>>) {add = true}
      %dma_wait3A_72 = arith.constant 1 : i32
      %dma_wait3A_73 = arith.constant 0 : i32
      %dma_wait3A_74 = arith.constant 100 : i32
      %dma_wait3A_75 = arith.constant 0 : i32
      %dma_wait3A_76 = tpu.memref_slice %arg9[%dma_wait3A_74, %dma_wait3A_75] : memref<200x128xf32, #tpu.memory_space<vmem>> -> memref<100x128xf32, #tpu.memory_space<vmem>>
      %dma_wait3A_77 = arith.constant 0 : i32
      %dma_wait3A_78 = tpu.memref_slice %arg8[%dma_wait3A_72, %dma_wait3A_73, %dma_wait3A_77] : memref<2x1x100xi32, #tpu.memory_space<vmem>> -> memref<1x1x100xi32, #tpu.memory_space<vmem>>
      %dma_wait3A_79 = tpu.memref_squeeze %dma_wait3A_78 : memref<1x1x100xi32, #tpu.memory_space<vmem>> -> memref<100xi32, #tpu.memory_space<vmem>>
      %dma_wait3A_80 = arith.constant 0 : i32
      %dma_wait3A_81 = arith.constant 0 : i32
      %dma_wait3A_82 = tpu.memref_slice %arg2[%dma_wait3A_80, %dma_wait3A_81] : memref<10000x128xf32, #tpu.memory_space<hbm>> -> memref<10000x128xf32, #tpu.memory_space<hbm>>
      tpu.wait_indirect_dma semaphore(%arg11 : memref<!tpu.dma_semaphore, #tpu.memory_space<semaphore_mem>>) src(%dma_wait3A_82 : memref<10000x128xf32, #tpu.memory_space<hbm>>) dst(%dma_wait3A_76 : memref<100x128xf32, #tpu.memory_space<vmem>>)
      %add3A_83 = arith.constant 1 : i32
      %add3A_84 = arith.addi %mul3A_29, %add3A_83 : i32
      %dma_start3A_85 = arith.constant 100 : i32
      %dma_start3A_86 = arith.constant 0 : i32
      %dma_start3A_87 = tpu.memref_slice %arg9[%dma_start3A_85, %dma_start3A_86] : memref<200x128xf32, #tpu.memory_space<vmem>> -> memref<100x128xf32, #tpu.memory_space<vmem>>
      %dma_start3A_88 = arith.constant 0 : i32
      %dma_start3A_89 = tpu.memref_slice %arg7[%add3A_84, %dma_start3A_88] : memref<100x100xi32, #tpu.memory_space<vmem>> -> memref<1x100xi32, #tpu.memory_space<vmem>>
      %dma_start3A_90 = tpu.memref_squeeze %dma_start3A_89 : memref<1x100xi32, #tpu.memory_space<vmem>> -> memref<100xi32, #tpu.memory_space<vmem>>
      %dma_start3A_91 = arith.constant 0 : i32
      %dma_start3A_92 = arith.constant 0 : i32
      %dma_start3A_93 = tpu.memref_slice %arg13[%dma_start3A_91, %dma_start3A_92] : memref<10000x128xf32, #tpu.memory_space<vmem_shared>> -> memref<10000x128xf32, #tpu.memory_space<vmem_shared>>
      tpu.enqueue_indirect_dma source(%dma_start3A_87 : memref<100x128xf32, #tpu.memory_space<vmem>>) target(%dma_start3A_93 : memref<10000x128xf32, #tpu.memory_space<vmem_shared>>) offsets(%dma_start3A_90 : memref<100xi32, #tpu.memory_space<vmem>>) semaphore(%arg12 : memref<!tpu.dma_semaphore, #tpu.memory_space<semaphore_mem>>) {add = true}
      %add3A_94 = arith.constant 2 : i32
      %add3A_95 = arith.addi %mul3A_29, %add3A_94 : i32
      %lt3A = arith.constant 100 : i32
      %lt3A_96 = arith.cmpi slt, %add3A_95, %lt3A : i32
      %convert_element_type3A_97 = arith.extui %lt3A_96 : i1 to i32
      %cond3A_98 = arith.constant 0 : i32
      %cond3A_99 = arith.cmpi ne, %convert_element_type3A_97, %cond3A_98 : i32
      scf.if %cond3A_99 {
        %add3A_119 = arith.constant 2 : i32
        %add3A_120 = arith.addi %mul3A_29, %add3A_119 : i32
        %add3A_121 = arith.constant 0 : i32
        %add3A_122 = arith.addi %add3A_120, %add3A_121 : i32
        %run_scoped3A_123 = arith.constant 0 : i32
        "tpu.region"() ({
          %run_scoped3A_129 = tpu.sem_alloc : memref<!tpu.dma_semaphore, #tpu.memory_space<semaphore_mem>>
          %dma_start3A_130 = arith.constant 0 : i32
          %dma_start3A_131 = arith.constant 0 : i32
          %dma_start3A_132 = tpu.memref_slice %arg8[%run_scoped3A_123, %dma_start3A_130, %dma_start3A_131] : memref<2x1x100xi32, #tpu.memory_space<vmem>> -> memref<1x1x100xi32, #tpu.memory_space<vmem>>
          %dma_start3A_133 = tpu.memref_squeeze %dma_start3A_132 : memref<1x1x100xi32, #tpu.memory_space<vmem>> -> memref<1x100xi32, #tpu.memory_space<vmem>>
          %dma_start3A_134 = arith.constant 0 : i32
          %dma_start3A_135 = arith.constant 0 : i32
          %dma_start3A_136 = tpu.memref_slice %arg3[%add3A, %add3A_122, %dma_start3A_134, %dma_start3A_135] : memref<32x100x1x100xi32, #tpu.memory_space<hbm>> -> memref<1x1x1x100xi32, #tpu.memory_space<hbm>>
          %dma_start3A_137 = tpu.memref_squeeze %dma_start3A_136 : memref<1x1x1x100xi32, #tpu.memory_space<hbm>> -> memref<1x100xi32, #tpu.memory_space<hbm>>
          %dma_start3A_138 = arith.constant 0 : i32
          %dma_start3A_139 = arith.constant 0 : i32
          %dma_start3A_140 = tpu.memref_slice %arg8[%run_scoped3A_123, %dma_start3A_138, %dma_start3A_139] : memref<2x1x100xi32, #tpu.memory_space<vmem>> -> memref<1x1x100xi32, #tpu.memory_space<vmem>>
          %dma_start3A_141 = tpu.memref_squeeze %dma_start3A_140 : memref<1x1x100xi32, #tpu.memory_space<vmem>> -> memref<1x100xi32, #tpu.memory_space<vmem>>
          %dma_start3A_142 = arith.constant 0 : i32
          %dma_start3A_143 = arith.constant 0 : i32
          %dma_start3A_144 = tpu.memref_slice %arg3[%add3A, %add3A_122, %dma_start3A_142, %dma_start3A_143] : memref<32x100x1x100xi32, #tpu.memory_space<hbm>> -> memref<1x1x1x100xi32, #tpu.memory_space<hbm>>
          %dma_start3A_145 = tpu.memref_squeeze %dma_start3A_144 : memref<1x1x1x100xi32, #tpu.memory_space<hbm>> -> memref<1x100xi32, #tpu.memory_space<hbm>>
          tpu.enqueue_dma source(%dma_start3A_145 : memref<1x100xi32, #tpu.memory_space<hbm>>) target(%dma_start3A_141 : memref<1x100xi32, #tpu.memory_space<vmem>>) target_semaphore(%run_scoped3A_129 : memref<!tpu.dma_semaphore, #tpu.memory_space<semaphore_mem>>)
          %dma_wait3A_146 = arith.constant 0 : i32
          %dma_wait3A_147 = arith.constant 0 : i32
          %dma_wait3A_148 = tpu.memref_slice %arg8[%run_scoped3A_123, %dma_wait3A_146, %dma_wait3A_147] : memref<2x1x100xi32, #tpu.memory_space<vmem>> -> memref<1x1x100xi32, #tpu.memory_space<vmem>>
          %dma_wait3A_149 = tpu.memref_squeeze %dma_wait3A_148 : memref<1x1x100xi32, #tpu.memory_space<vmem>> -> memref<1x100xi32, #tpu.memory_space<vmem>>
          %dma_wait3A_150 = arith.constant 0 : i32
          %dma_wait3A_151 = arith.constant 0 : i32
          %dma_wait3A_152 = tpu.memref_slice %arg3[%add3A, %add3A_122, %dma_wait3A_150, %dma_wait3A_151] : memref<32x100x1x100xi32, #tpu.memory_space<hbm>> -> memref<1x1x1x100xi32, #tpu.memory_space<hbm>>
          %dma_wait3A_153 = tpu.memref_squeeze %dma_wait3A_152 : memref<1x1x1x100xi32, #tpu.memory_space<hbm>> -> memref<1x100xi32, #tpu.memory_space<hbm>>
          %dma_wait3A_154 = arith.constant 0 : i32
          %dma_wait3A_155 = arith.constant 0 : i32
          %dma_wait3A_156 = tpu.memref_slice %arg8[%run_scoped3A_123, %dma_wait3A_154, %dma_wait3A_155] : memref<2x1x100xi32, #tpu.memory_space<vmem>> -> memref<1x1x100xi32, #tpu.memory_space<vmem>>
          %dma_wait3A_157 = tpu.memref_squeeze %dma_wait3A_156 : memref<1x1x100xi32, #tpu.memory_space<vmem>> -> memref<1x100xi32, #tpu.memory_space<vmem>>
          %dma_wait3A_158 = arith.constant 0 : i32
          %dma_wait3A_159 = arith.constant 0 : i32
          %dma_wait3A_160 = tpu.memref_slice %arg3[%add3A, %add3A_122, %dma_wait3A_158, %dma_wait3A_159] : memref<32x100x1x100xi32, #tpu.memory_space<hbm>> -> memref<1x1x1x100xi32, #tpu.memory_space<hbm>>
          %dma_wait3A_161 = tpu.memref_squeeze %dma_wait3A_160 : memref<1x1x1x100xi32, #tpu.memory_space<hbm>> -> memref<1x100xi32, #tpu.memory_space<hbm>>
          tpu.wait_dma2 semaphore(%run_scoped3A_129 : memref<!tpu.dma_semaphore, #tpu.memory_space<semaphore_mem>>) src(%dma_wait3A_161 : memref<1x100xi32, #tpu.memory_space<hbm>>) dst(%dma_wait3A_157 : memref<1x100xi32, #tpu.memory_space<vmem>>)
          tpu.yield
        }) : () -> ()
        %add3A_124 = arith.constant 2 : i32
        %add3A_125 = arith.addi %mul3A_29, %add3A_124 : i32
        %add3A_126 = arith.constant 1 : i32
        %add3A_127 = arith.addi %add3A_125, %add3A_126 : i32
        %run_scoped3A_128 = arith.constant 1 : i32
        "tpu.region"() ({
          %run_scoped3A_129 = tpu.sem_alloc : memref<!tpu.dma_semaphore, #tpu.memory_space<semaphore_mem>>
          %dma_start3A_130 = arith.constant 0 : i32
          %dma_start3A_131 = arith.constant 0 : i32
          %dma_start3A_132 = tpu.memref_slice %arg8[%run_scoped3A_128, %dma_start3A_130, %dma_start3A_131] : memref<2x1x100xi32, #tpu.memory_space<vmem>> -> memref<1x1x100xi32, #tpu.memory_space<vmem>>
          %dma_start3A_133 = tpu.memref_squeeze %dma_start3A_132 : memref<1x1x100xi32, #tpu.memory_space<vmem>> -> memref<1x100xi32, #tpu.memory_space<vmem>>
          %dma_start3A_134 = arith.constant 0 : i32
          %dma_start3A_135 = arith.constant 0 : i32
          %dma_start3A_136 = tpu.memref_slice %arg3[%add3A, %add3A_127, %dma_start3A_134, %dma_start3A_135] : memref<32x100x1x100xi32, #tpu.memory_space<hbm>> -> memref<1x1x1x100xi32, #tpu.memory_space<hbm>>
          %dma_start3A_137 = tpu.memref_squeeze %dma_start3A_136 : memref<1x1x1x100xi32, #tpu.memory_space<hbm>> -> memref<1x100xi32, #tpu.memory_space<hbm>>
          %dma_start3A_138 = arith.constant 0 : i32
          %dma_start3A_139 = arith.constant 0 : i32
          %dma_start3A_140 = tpu.memref_slice %arg8[%run_scoped3A_128, %dma_start3A_138, %dma_start3A_139] : memref<2x1x100xi32, #tpu.memory_space<vmem>> -> memref<1x1x100xi32, #tpu.memory_space<vmem>>
          %dma_start3A_141 = tpu.memref_squeeze %dma_start3A_140 : memref<1x1x100xi32, #tpu.memory_space<vmem>> -> memref<1x100xi32, #tpu.memory_space<vmem>>
          %dma_start3A_142 = arith.constant 0 : i32
          %dma_start3A_143 = arith.constant 0 : i32
          %dma_start3A_144 = tpu.memref_slice %arg3[%add3A, %add3A_127, %dma_start3A_142, %dma_start3A_143] : memref<32x100x1x100xi32, #tpu.memory_space<hbm>> -> memref<1x1x1x100xi32, #tpu.memory_space<hbm>>
          %dma_start3A_145 = tpu.memref_squeeze %dma_start3A_144 : memref<1x1x1x100xi32, #tpu.memory_space<hbm>> -> memref<1x100xi32, #tpu.memory_space<hbm>>
          tpu.enqueue_dma source(%dma_start3A_145 : memref<1x100xi32, #tpu.memory_space<hbm>>) target(%dma_start3A_141 : memref<1x100xi32, #tpu.memory_space<vmem>>) target_semaphore(%run_scoped3A_129 : memref<!tpu.dma_semaphore, #tpu.memory_space<semaphore_mem>>)
          %dma_wait3A_146 = arith.constant 0 : i32
          %dma_wait3A_147 = arith.constant 0 : i32
          %dma_wait3A_148 = tpu.memref_slice %arg8[%run_scoped3A_128, %dma_wait3A_146, %dma_wait3A_147] : memref<2x1x100xi32, #tpu.memory_space<vmem>> -> memref<1x1x100xi32, #tpu.memory_space<vmem>>
          %dma_wait3A_149 = tpu.memref_squeeze %dma_wait3A_148 : memref<1x1x100xi32, #tpu.memory_space<vmem>> -> memref<1x100xi32, #tpu.memory_space<vmem>>
          %dma_wait3A_150 = arith.constant 0 : i32
          %dma_wait3A_151 = arith.constant 0 : i32
          %dma_wait3A_152 = tpu.memref_slice %arg3[%add3A, %add3A_127, %dma_wait3A_150, %dma_wait3A_151] : memref<32x100x1x100xi32, #tpu.memory_space<hbm>> -> memref<1x1x1x100xi32, #tpu.memory_space<hbm>>
          %dma_wait3A_153 = tpu.memref_squeeze %dma_wait3A_152 : memref<1x1x1x100xi32, #tpu.memory_space<hbm>> -> memref<1x100xi32, #tpu.memory_space<hbm>>
          %dma_wait3A_154 = arith.constant 0 : i32
          %dma_wait3A_155 = arith.constant 0 : i32
          %dma_wait3A_156 = tpu.memref_slice %arg8[%run_scoped3A_128, %dma_wait3A_154, %dma_wait3A_155] : memref<2x1x100xi32, #tpu.memory_space<vmem>> -> memref<1x1x100xi32, #tpu.memory_space<vmem>>
          %dma_wait3A_157 = tpu.memref_squeeze %dma_wait3A_156 : memref<1x1x100xi32, #tpu.memory_space<vmem>> -> memref<1x100xi32, #tpu.memory_space<vmem>>
          %dma_wait3A_158 = arith.constant 0 : i32
          %dma_wait3A_159 = arith.constant 0 : i32
          %dma_wait3A_160 = tpu.memref_slice %arg3[%add3A, %add3A_127, %dma_wait3A_158, %dma_wait3A_159] : memref<32x100x1x100xi32, #tpu.memory_space<hbm>> -> memref<1x1x1x100xi32, #tpu.memory_space<hbm>>
          %dma_wait3A_161 = tpu.memref_squeeze %dma_wait3A_160 : memref<1x1x1x100xi32, #tpu.memory_space<hbm>> -> memref<1x100xi32, #tpu.memory_space<hbm>>
          tpu.wait_dma2 semaphore(%run_scoped3A_129 : memref<!tpu.dma_semaphore, #tpu.memory_space<semaphore_mem>>) src(%dma_wait3A_161 : memref<1x100xi32, #tpu.memory_space<hbm>>) dst(%dma_wait3A_157 : memref<1x100xi32, #tpu.memory_space<vmem>>)
          tpu.yield
        }) : () -> ()
      } else {
      }
      %dma_wait3A_100 = arith.constant 0 : i32
      %dma_wait3A_101 = arith.constant 0 : i32
      %dma_wait3A_102 = tpu.memref_slice %arg9[%dma_wait3A_100, %dma_wait3A_101] : memref<200x128xf32, #tpu.memory_space<vmem>> -> memref<100x128xf32, #tpu.memory_space<vmem>>
      %dma_wait3A_103 = arith.constant 0 : i32
      %dma_wait3A_104 = tpu.memref_slice %arg7[%add3A_62, %dma_wait3A_103] : memref<100x100xi32, #tpu.memory_space<vmem>> -> memref<1x100xi32, #tpu.memory_space<vmem>>
      %dma_wait3A_105 = tpu.memref_squeeze %dma_wait3A_104 : memref<1x100xi32, #tpu.memory_space<vmem>> -> memref<100xi32, #tpu.memory_space<vmem>>
      %dma_wait3A_106 = arith.constant 0 : i32
      %dma_wait3A_107 = arith.constant 0 : i32
      %dma_wait3A_108 = tpu.memref_slice %arg13[%dma_wait3A_106, %dma_wait3A_107] : memref<10000x128xf32, #tpu.memory_space<vmem_shared>> -> memref<10000x128xf32, #tpu.memory_space<vmem_shared>>
      tpu.wait_indirect_dma semaphore(%arg12 : memref<!tpu.dma_semaphore, #tpu.memory_space<semaphore_mem>>) src(%dma_wait3A_102 : memref<100x128xf32, #tpu.memory_space<vmem>>) dst(%dma_wait3A_108 : memref<10000x128xf32, #tpu.memory_space<vmem_shared>>)
      %dma_wait3A_109 = arith.constant 100 : i32
      %dma_wait3A_110 = arith.constant 0 : i32
      %dma_wait3A_111 = tpu.memref_slice %arg9[%dma_wait3A_109, %dma_wait3A_110] : memref<200x128xf32, #tpu.memory_space<vmem>> -> memref<100x128xf32, #tpu.memory_space<vmem>>
      %dma_wait3A_112 = arith.constant 0 : i32
      %dma_wait3A_113 = tpu.memref_slice %arg7[%add3A_84, %dma_wait3A_112] : memref<100x100xi32, #tpu.memory_space<vmem>> -> memref<1x100xi32, #tpu.memory_space<vmem>>
      %dma_wait3A_114 = tpu.memref_squeeze %dma_wait3A_113 : memref<1x100xi32, #tpu.memory_space<vmem>> -> memref<100xi32, #tpu.memory_space<vmem>>
      %dma_wait3A_115 = arith.constant 0 : i32
      %dma_wait3A_116 = arith.constant 0 : i32
      %dma_wait3A_117 = tpu.memref_slice %arg13[%dma_wait3A_115, %dma_wait3A_116] : memref<10000x128xf32, #tpu.memory_space<vmem_shared>> -> memref<10000x128xf32, #tpu.memory_space<vmem_shared>>
      tpu.wait_indirect_dma semaphore(%arg12 : memref<!tpu.dma_semaphore, #tpu.memory_space<semaphore_mem>>) src(%dma_wait3A_111 : memref<100x128xf32, #tpu.memory_space<vmem>>) dst(%dma_wait3A_117 : memref<10000x128xf32, #tpu.memory_space<vmem_shared>>)
      %scan3A_118 = arith.constant 0 : i32
      scf.yield %scan3A_118 : i32
    }
    %scan3A_15 = arith.constant 50 : i32
    %barrier3A_16 = arith.constant 0 : index
    tpu.barrier barrier_id(%barrier3A_16)
    %mul3A_17 = arith.constant 624 : i32
    %mul3A_18 = arith.muli %arg1, %mul3A_17 : i32
    %mul3A_19 = arith.constant 624 : i32
    %mul3A_20 = arith.muli %arg1, %mul3A_19 : i32
    "tpu.region"() ({
      %run_scoped3A_26 = tpu.sem_alloc : memref<!tpu.dma_semaphore, #tpu.memory_space<semaphore_mem>>
      %dma_start3A = arith.constant 0 : i32
      %dma_start3A_27 = tpu.memref_slice %arg6[%arg0, %mul3A_20, %dma_start3A] : memref<2x10000x128xf32, #tpu.memory_space<hbm>> -> memref<1x624x128xf32, #tpu.memory_space<hbm>>
      %dma_start3A_28 = tpu.memref_squeeze %dma_start3A_27 : memref<1x624x128xf32, #tpu.memory_space<hbm>> -> memref<624x128xf32, #tpu.memory_space<hbm>>
      %dma_start3A_29 = arith.constant 0 : i32
      %dma_start3A_30 = tpu.memref_slice %arg13[%mul3A_18, %dma_start3A_29] : memref<10000x128xf32, #tpu.memory_space<vmem_shared>> -> memref<624x128xf32, #tpu.memory_space<vmem_shared>>
      tpu.enqueue_dma source(%dma_start3A_30 : memref<624x128xf32, #tpu.memory_space<vmem_shared>>) target(%dma_start3A_28 : memref<624x128xf32, #tpu.memory_space<hbm>>) target_semaphore(%run_scoped3A_26 : memref<!tpu.dma_semaphore, #tpu.memory_space<semaphore_mem>>)
      %dma_wait3A = arith.constant 0 : i32
      %dma_wait3A_31 = tpu.memref_slice %arg6[%arg0, %mul3A_20, %dma_wait3A] : memref<2x10000x128xf32, #tpu.memory_space<hbm>> -> memref<1x624x128xf32, #tpu.memory_space<hbm>>
      %dma_wait3A_32 = tpu.memref_squeeze %dma_wait3A_31 : memref<1x624x128xf32, #tpu.memory_space<hbm>> -> memref<624x128xf32, #tpu.memory_space<hbm>>
      %dma_wait3A_33 = arith.constant 0 : i32
      %dma_wait3A_34 = tpu.memref_slice %arg13[%mul3A_18, %dma_wait3A_33] : memref<10000x128xf32, #tpu.memory_space<vmem_shared>> -> memref<624x128xf32, #tpu.memory_space<vmem_shared>>
      tpu.wait_dma2 semaphore(%run_scoped3A_26 : memref<!tpu.dma_semaphore, #tpu.memory_space<semaphore_mem>>) src(%dma_wait3A_34 : memref<624x128xf32, #tpu.memory_space<vmem_shared>>) dst(%dma_wait3A_32 : memref<624x128xf32, #tpu.memory_space<hbm>>)
      tpu.yield
    }) : () -> ()
    %eq3A_21 = arith.constant 0 : i32
    %eq3A_22 = arith.cmpi eq, %arg1, %eq3A_21 : i32
    %convert_element_type3A_23 = arith.extui %eq3A_22 : i1 to i32
    %cond3A_24 = arith.constant 0 : i32
    %cond3A_25 = arith.cmpi ne, %convert_element_type3A_23, %cond3A_24 : i32
    scf.if %cond3A_25 {
      "tpu.region"() ({
        %run_scoped3A_26 = tpu.sem_alloc : memref<!tpu.dma_semaphore, #tpu.memory_space<semaphore_mem>>
        %dma_start3A = arith.constant 9984 : i32
        %dma_start3A_27 = arith.constant 0 : i32
        %dma_start3A_28 = tpu.memref_slice %arg6[%arg0, %dma_start3A, %dma_start3A_27] : memref<2x10000x128xf32, #tpu.memory_space<hbm>> -> memref<1x16x128xf32, #tpu.memory_space<hbm>>
        %dma_start3A_29 = tpu.memref_squeeze %dma_start3A_28 : memref<1x16x128xf32, #tpu.memory_space<hbm>> -> memref<16x128xf32, #tpu.memory_space<hbm>>
        %dma_start3A_30 = arith.constant 9984 : i32
        %dma_start3A_31 = arith.constant 0 : i32
        %dma_start3A_32 = tpu.memref_slice %arg13[%dma_start3A_30, %dma_start3A_31] : memref<10000x128xf32, #tpu.memory_space<vmem_shared>> -> memref<16x128xf32, #tpu.memory_space<vmem_shared>>
        tpu.enqueue_dma source(%dma_start3A_32 : memref<16x128xf32, #tpu.memory_space<vmem_shared>>) target(%dma_start3A_29 : memref<16x128xf32, #tpu.memory_space<hbm>>) target_semaphore(%run_scoped3A_26 : memref<!tpu.dma_semaphore, #tpu.memory_space<semaphore_mem>>)
        %dma_wait3A = arith.constant 9984 : i32
        %dma_wait3A_33 = arith.constant 0 : i32
        %dma_wait3A_34 = tpu.memref_slice %arg6[%arg0, %dma_wait3A, %dma_wait3A_33] : memref<2x10000x128xf32, #tpu.memory_space<hbm>> -> memref<1x16x128xf32, #tpu.memory_space<hbm>>
        %dma_wait3A_35 = tpu.memref_squeeze %dma_wait3A_34 : memref<1x16x128xf32, #tpu.memory_space<hbm>> -> memref<16x128xf32, #tpu.memory_space<hbm>>
        %dma_wait3A_36 = arith.constant 9984 : i32
        %dma_wait3A_37 = arith.constant 0 : i32
        %dma_wait3A_38 = tpu.memref_slice %arg13[%dma_wait3A_36, %dma_wait3A_37] : memref<10000x128xf32, #tpu.memory_space<vmem_shared>> -> memref<16x128xf32, #tpu.memory_space<vmem_shared>>
        tpu.wait_dma2 semaphore(%run_scoped3A_26 : memref<!tpu.dma_semaphore, #tpu.memory_space<semaphore_mem>>) src(%dma_wait3A_38 : memref<16x128xf32, #tpu.memory_space<vmem_shared>>) dst(%dma_wait3A_35 : memref<16x128xf32, #tpu.memory_space<hbm>>)
        tpu.yield
      }) : () -> ()
    } else {
    }
    return
  }
}

#map = affine_map<(d0, d1) -> (0, 0, 0, 0)>
#map1 = affine_map<(d0, d1) -> (0)>
module attributes {stable_mosaic.version = 14 : i64} {
  func.func @_deg_call(%arg0: i32, %arg1: i32, %arg2: memref<2x16x250x80xi32, #tpu.memory_space<hbm>>, %arg3: memref<20480xf32, #tpu.memory_space<hbm>>, %arg4: memref<250x80xi32, #tpu.memory_space<vmem>>, %arg5: memref<80xf32, #tpu.memory_space<vmem>>, %arg6: memref<640xf32, #tpu.memory_space<vmem>>, %arg7: memref<10240xf32, #tpu.memory_space<vmem_shared>>) attributes {dimension_semantics = [#tpu.dimension_semantics<core_parallel>, #tpu.dimension_semantics<subcore_parallel>], iteration_bounds = array<i64: 2, 16>, scalar_prefetch = 0 : i64, scratch_operands = 4 : i64, tpu.core_type = #tpu.core_type<sc_vector_subcore>, window_params = [{transform_indices = #map}, {transform_indices = #map1}]} {
    %broadcast_in_dim3A = arith.constant 0.000000e+00 : f32
    %broadcast_in_dim3A_0 = vector.broadcast %broadcast_in_dim3A : f32 to vector<16xf32>
    %broadcast_in_dim3A_1 = arith.constant 1.000000e+00 : f32
    %broadcast_in_dim3A_2 = vector.broadcast %broadcast_in_dim3A_1 : f32 to vector<16xf32>
    %scan3A = arith.constant 0 : i32
    %scan3A_3 = arith.constant 0 : i32
    %scan3A_4 = arith.constant 40 : i32
    %scan3A_5 = arith.addi %scan3A_3, %scan3A_4 : i32
    %scan3A_6 = arith.constant 1 : i32
    %scan3A_7 = scf.for %scan3A_31 = %scan3A_3 to %scan3A_5 step %scan3A_6 iter_args(%scan3A_32 = %scan3A) -> (i32)  : i32 {
      %mul3A_33 = arith.constant 16 : i32
      %mul3A_34 = arith.muli %scan3A_31, %mul3A_33 : i32
      %swap3A = arith.index_cast %mul3A_34 : i32 to index
      %swap3A_35 = tpu.vector_load %arg6[%swap3A] {strides = array<i32>} : memref<640xf32, #tpu.memory_space<vmem>>, vector<16xf32>,
      %swap3A_36 = vector.shape_cast %swap3A_35 : vector<16xf32> to vector<16xf32>
      %swap3A_37 = vector.shape_cast %broadcast_in_dim3A_0 : vector<16xf32> to vector<16xf32>
      tpu.vector_store %arg6[%swap3A], %swap3A_37 {strides = array<i32>} : memref<640xf32, #tpu.memory_space<vmem>>, vector<16xf32>,
      %scan3A_38 = arith.constant 0 : i32
      scf.yield %scan3A_38 : i32
    }
    %scan3A_8 = arith.constant 40 : i32
    %scan3A_9 = arith.constant 0 : i32
    %scan3A_10 = arith.constant 0 : i32
    %scan3A_11 = arith.constant 5 : i32
    %scan3A_12 = arith.addi %scan3A_10, %scan3A_11 : i32
    %scan3A_13 = arith.constant 1 : i32
    %scan3A_14 = scf.for %scan3A_31 = %scan3A_10 to %scan3A_12 step %scan3A_13 iter_args(%scan3A_32 = %scan3A_9) -> (i32)  : i32 {
      %mul3A_33 = arith.constant 16 : i32
      %mul3A_34 = arith.muli %scan3A_31, %mul3A_33 : i32
      %swap3A = arith.index_cast %mul3A_34 : i32 to index
      %swap3A_35 = tpu.vector_load %arg5[%swap3A] {strides = array<i32>} : memref<80xf32, #tpu.memory_space<vmem>>, vector<16xf32>,
      %swap3A_36 = vector.shape_cast %swap3A_35 : vector<16xf32> to vector<16xf32>
      %swap3A_37 = vector.shape_cast %broadcast_in_dim3A_2 : vector<16xf32> to vector<16xf32>
      tpu.vector_store %arg5[%swap3A], %swap3A_37 {strides = array<i32>} : memref<80xf32, #tpu.memory_space<vmem>>, vector<16xf32>,
      %scan3A_38 = arith.constant 0 : i32
      scf.yield %scan3A_38 : i32
    }
    %scan3A_15 = arith.constant 5 : i32
    %mul3A = arith.constant 640 : i32
    %mul3A_16 = arith.muli %arg1, %mul3A : i32
    "tpu.region"() ({
      %run_scoped3A = tpu.sem_alloc : memref<!tpu.dma_semaphore, #tpu.memory_space<semaphore_mem>>
      %dma_start3A = tpu.memref_slice %arg7[%mul3A_16] : memref<10240xf32, #tpu.memory_space<vmem_shared>> -> memref<640xf32, #tpu.memory_space<vmem_shared>>
      %dma_start3A_31 = tpu.memref_slice %arg7[%mul3A_16] : memref<10240xf32, #tpu.memory_space<vmem_shared>> -> memref<640xf32, #tpu.memory_space<vmem_shared>>
      tpu.enqueue_dma source(%arg6 : memref<640xf32, #tpu.memory_space<vmem>>) target(%dma_start3A_31 : memref<640xf32, #tpu.memory_space<vmem_shared>>) target_semaphore(%run_scoped3A : memref<!tpu.dma_semaphore, #tpu.memory_space<semaphore_mem>>)
      %dma_wait3A = tpu.memref_slice %arg7[%mul3A_16] : memref<10240xf32, #tpu.memory_space<vmem_shared>> -> memref<640xf32, #tpu.memory_space<vmem_shared>>
      %dma_wait3A_32 = tpu.memref_slice %arg7[%mul3A_16] : memref<10240xf32, #tpu.memory_space<vmem_shared>> -> memref<640xf32, #tpu.memory_space<vmem_shared>>
      tpu.wait_dma2 semaphore(%run_scoped3A : memref<!tpu.dma_semaphore, #tpu.memory_space<semaphore_mem>>) src(%arg6 : memref<640xf32, #tpu.memory_space<vmem>>) dst(%dma_wait3A_32 : memref<640xf32, #tpu.memory_space<vmem_shared>>)
      tpu.yield
    }) : () -> ()
    "tpu.region"() ({
      %run_scoped3A = tpu.sem_alloc : memref<!tpu.dma_semaphore, #tpu.memory_space<semaphore_mem>>
      %dma_start3A = arith.constant 0 : i32
      %dma_start3A_31 = arith.constant 0 : i32
      %dma_start3A_32 = tpu.memref_slice %arg2[%arg0, %arg1, %dma_start3A, %dma_start3A_31] : memref<2x16x250x80xi32, #tpu.memory_space<hbm>> -> memref<1x1x250x80xi32, #tpu.memory_space<hbm>>
      %dma_start3A_33 = tpu.memref_squeeze %dma_start3A_32 : memref<1x1x250x80xi32, #tpu.memory_space<hbm>> -> memref<250x80xi32, #tpu.memory_space<hbm>>
      %dma_start3A_34 = arith.constant 0 : i32
      %dma_start3A_35 = arith.constant 0 : i32
      %dma_start3A_36 = tpu.memref_slice %arg2[%arg0, %arg1, %dma_start3A_34, %dma_start3A_35] : memref<2x16x250x80xi32, #tpu.memory_space<hbm>> -> memref<1x1x250x80xi32, #tpu.memory_space<hbm>>
      %dma_start3A_37 = tpu.memref_squeeze %dma_start3A_36 : memref<1x1x250x80xi32, #tpu.memory_space<hbm>> -> memref<250x80xi32, #tpu.memory_space<hbm>>
      tpu.enqueue_dma source(%dma_start3A_37 : memref<250x80xi32, #tpu.memory_space<hbm>>) target(%arg4 : memref<250x80xi32, #tpu.memory_space<vmem>>) target_semaphore(%run_scoped3A : memref<!tpu.dma_semaphore, #tpu.memory_space<semaphore_mem>>)
      %dma_wait3A = arith.constant 0 : i32
      %dma_wait3A_38 = arith.constant 0 : i32
      %dma_wait3A_39 = tpu.memref_slice %arg2[%arg0, %arg1, %dma_wait3A, %dma_wait3A_38] : memref<2x16x250x80xi32, #tpu.memory_space<hbm>> -> memref<1x1x250x80xi32, #tpu.memory_space<hbm>>
      %dma_wait3A_40 = tpu.memref_squeeze %dma_wait3A_39 : memref<1x1x250x80xi32, #tpu.memory_space<hbm>> -> memref<250x80xi32, #tpu.memory_space<hbm>>
      %dma_wait3A_41 = arith.constant 0 : i32
      %dma_wait3A_42 = arith.constant 0 : i32
      %dma_wait3A_43 = tpu.memref_slice %arg2[%arg0, %arg1, %dma_wait3A_41, %dma_wait3A_42] : memref<2x16x250x80xi32, #tpu.memory_space<hbm>> -> memref<1x1x250x80xi32, #tpu.memory_space<hbm>>
      %dma_wait3A_44 = tpu.memref_squeeze %dma_wait3A_43 : memref<1x1x250x80xi32, #tpu.memory_space<hbm>> -> memref<250x80xi32, #tpu.memory_space<hbm>>
      tpu.wait_dma2 semaphore(%run_scoped3A : memref<!tpu.dma_semaphore, #tpu.memory_space<semaphore_mem>>) src(%dma_wait3A_44 : memref<250x80xi32, #tpu.memory_space<hbm>>) dst(%arg4 : memref<250x80xi32, #tpu.memory_space<vmem>>)
      tpu.yield
    }) : () -> ()
    %barrier3A = arith.constant 0 : index
    tpu.barrier barrier_id(%barrier3A)
    %scan3A_17 = arith.constant 0 : i32
    %scan3A_18 = arith.constant 0 : i32
    %scan3A_19 = arith.constant 250 : i32
    %scan3A_20 = arith.addi %scan3A_18, %scan3A_19 : i32
    %scan3A_21 = arith.constant 1 : i32
    %scan3A_22 = scf.for %scan3A_31 = %scan3A_18 to %scan3A_20 step %scan3A_21 iter_args(%scan3A_32 = %scan3A_17) -> (i32)  : i32 {
      "tpu.region"() ({
        %run_scoped3A = tpu.sem_alloc : memref<!tpu.dma_semaphore, #tpu.memory_space<semaphore_mem>>
        %dma_start3A = arith.constant 0 : i32
        %dma_start3A_34 = tpu.memref_slice %arg4[%scan3A_31, %dma_start3A] : memref<250x80xi32, #tpu.memory_space<vmem>> -> memref<1x80xi32, #tpu.memory_space<vmem>>
        %dma_start3A_35 = tpu.memref_squeeze %dma_start3A_34 : memref<1x80xi32, #tpu.memory_space<vmem>> -> memref<80xi32, #tpu.memory_space<vmem>>
        %dma_start3A_36 = arith.constant 0 : i32
        %dma_start3A_37 = tpu.memref_slice %arg7[%dma_start3A_36] : memref<10240xf32, #tpu.memory_space<vmem_shared>> -> memref<10240xf32, #tpu.memory_space<vmem_shared>>
        tpu.enqueue_indirect_dma source(%arg5 : memref<80xf32, #tpu.memory_space<vmem>>) target(%dma_start3A_37 : memref<10240xf32, #tpu.memory_space<vmem_shared>>) offsets(%dma_start3A_35 : memref<80xi32, #tpu.memory_space<vmem>>) semaphore(%run_scoped3A : memref<!tpu.dma_semaphore, #tpu.memory_space<semaphore_mem>>) {add = true}
        %dma_wait3A = arith.constant 0 : i32
        %dma_wait3A_38 = tpu.memref_slice %arg4[%scan3A_31, %dma_wait3A] : memref<250x80xi32, #tpu.memory_space<vmem>> -> memref<1x80xi32, #tpu.memory_space<vmem>>
        %dma_wait3A_39 = tpu.memref_squeeze %dma_wait3A_38 : memref<1x80xi32, #tpu.memory_space<vmem>> -> memref<80xi32, #tpu.memory_space<vmem>>
        %dma_wait3A_40 = arith.constant 0 : i32
        %dma_wait3A_41 = tpu.memref_slice %arg7[%dma_wait3A_40] : memref<10240xf32, #tpu.memory_space<vmem_shared>> -> memref<10240xf32, #tpu.memory_space<vmem_shared>>
        tpu.wait_indirect_dma semaphore(%run_scoped3A : memref<!tpu.dma_semaphore, #tpu.memory_space<semaphore_mem>>) src(%arg5 : memref<80xf32, #tpu.memory_space<vmem>>) dst(%dma_wait3A_41 : memref<10240xf32, #tpu.memory_space<vmem_shared>>)
        tpu.yield
      }) : () -> ()
      %scan3A_33 = arith.constant 0 : i32
      scf.yield %scan3A_33 : i32
    }
    %scan3A_23 = arith.constant 250 : i32
    %barrier3A_24 = arith.constant 0 : index
    tpu.barrier barrier_id(%barrier3A_24)
    %mul3A_25 = arith.constant 10240 : i32
    %mul3A_26 = arith.muli %arg0, %mul3A_25 : i32
    %mul3A_27 = arith.constant 640 : i32
    %mul3A_28 = arith.muli %arg1, %mul3A_27 : i32
    %add3A = arith.addi %mul3A_26, %mul3A_28 : i32
    %multiple_of3A = tpu.assume_multiple %add3A, 128 : i32
    %mul3A_29 = arith.constant 640 : i32
    %mul3A_30 = arith.muli %arg1, %mul3A_29 : i32
    "tpu.region"() ({
      %run_scoped3A = tpu.sem_alloc : memref<!tpu.dma_semaphore, #tpu.memory_space<semaphore_mem>>
      %dma_start3A = tpu.memref_slice %arg3[%multiple_of3A] : memref<20480xf32, #tpu.memory_space<hbm>> -> memref<640xf32, #tpu.memory_space<hbm>>
      %dma_start3A_31 = tpu.memref_slice %arg7[%mul3A_30] : memref<10240xf32, #tpu.memory_space<vmem_shared>> -> memref<640xf32, #tpu.memory_space<vmem_shared>>
      tpu.enqueue_dma source(%dma_start3A_31 : memref<640xf32, #tpu.memory_space<vmem_shared>>) target(%dma_start3A : memref<640xf32, #tpu.memory_space<hbm>>) target_semaphore(%run_scoped3A : memref<!tpu.dma_semaphore, #tpu.memory_space<semaphore_mem>>)
      %dma_wait3A = tpu.memref_slice %arg3[%multiple_of3A] : memref<20480xf32, #tpu.memory_space<hbm>> -> memref<640xf32, #tpu.memory_space<hbm>>
      %dma_wait3A_32 = tpu.memref_slice %arg7[%mul3A_30] : memref<10240xf32, #tpu.memory_space<vmem_shared>> -> memref<640xf32, #tpu.memory_space<vmem_shared>>
      tpu.wait_dma2 semaphore(%run_scoped3A : memref<!tpu.dma_semaphore, #tpu.memory_space<semaphore_mem>>) src(%dma_wait3A_32 : memref<640xf32, #tpu.memory_space<vmem_shared>>) dst(%dma_wait3A : memref<640xf32, #tpu.memory_space<hbm>>)
      tpu.yield
    }) : () -> ()
    return
  }
}

#map = affine_map<(d0, d1) -> (0, 0)>
#map1 = affine_map<(d0, d1) -> (0, 0, 0, 0)>
#map2 = affine_map<(d0, d1) -> (0, 0, 0)>
module attributes {stable_mosaic.version = 14 : i64} {
  func.func @_spmm_call(%arg0: i32, %arg1: i32, %arg2: memref<10000x128xf32, #tpu.memory_space<hbm>>, %arg3: memref<32x100x1x100xi32, #tpu.memory_space<hbm>>, %arg4: memref<32x100x100xi32, #tpu.memory_space<hbm>>, %arg5: memref<10000x128xf32, #tpu.memory_space<hbm>>, %arg6: memref<2x10000x128xf32, #tpu.memory_space<hbm>>, %arg7: memref<100x100xi32, #tpu.memory_space<vmem>>, %arg8: memref<2x1x100xi32, #tpu.memory_space<vmem>>, %arg9: memref<200x128xf32, #tpu.memory_space<vmem>>, %arg10: memref<!tpu.dma_semaphore, #tpu.memory_space<semaphore_mem>>, %arg11: memref<!tpu.dma_semaphore, #tpu.memory_space<semaphore_mem>>, %arg12: memref<!tpu.dma_semaphore, #tpu.memory_space<semaphore_mem>>, %arg13: memref<10000x128xf32, #tpu.memory_space<vmem_shared>>) attributes {dimension_semantics = [#tpu.dimension_semantics<core_parallel>, #tpu.dimension_semantics<subcore_parallel>], iteration_bounds = array<i64: 2, 16>, scalar_prefetch = 0 : i64, scratch_operands = 7 : i64, tpu.core_type = #tpu.core_type<sc_vector_subcore>, window_params = [{transform_indices = #map}, {transform_indices = #map1}, {transform_indices = #map2}, {transform_indices = #map}, {transform_indices = #map2}]} {
    %mul3A = arith.constant 16 : i32
    %mul3A_0 = arith.muli %arg0, %mul3A : i32
    %add3A = arith.addi %mul3A_0, %arg1 : i32
    %mul3A_1 = arith.constant 624 : i32
    %mul3A_2 = arith.muli %arg1, %mul3A_1 : i32
    %mul3A_3 = arith.constant 624 : i32
    %mul3A_4 = arith.muli %arg1, %mul3A_3 : i32
    "tpu.region"() ({
      %run_scoped3A_26 = tpu.sem_alloc : memref<!tpu.dma_semaphore, #tpu.memory_space<semaphore_mem>>
      %dma_start3A = arith.constant 0 : i32
      %dma_start3A_27 = tpu.memref_slice %arg13[%mul3A_4, %dma_start3A] : memref<10000x128xf32, #tpu.memory_space<vmem_shared>> -> memref<624x128xf32, #tpu.memory_space<vmem_shared>>
      %dma_start3A_28 = arith.constant 0 : i32
      %dma_start3A_29 = tpu.memref_slice %arg5[%mul3A_2, %dma_start3A_28] : memref<10000x128xf32, #tpu.memory_space<hbm>> -> memref<624x128xf32, #tpu.memory_space<hbm>>
      tpu.enqueue_dma source(%dma_start3A_29 : memref<624x128xf32, #tpu.memory_space<hbm>>) target(%dma_start3A_27 : memref<624x128xf32, #tpu.memory_space<vmem_shared>>) target_semaphore(%run_scoped3A_26 : memref<!tpu.dma_semaphore, #tpu.memory_space<semaphore_mem>>)
      %dma_wait3A = arith.constant 0 : i32
      %dma_wait3A_30 = tpu.memref_slice %arg13[%mul3A_4, %dma_wait3A] : memref<10000x128xf32, #tpu.memory_space<vmem_shared>> -> memref<624x128xf32, #tpu.memory_space<vmem_shared>>
      %dma_wait3A_31 = arith.constant 0 : i32
      %dma_wait3A_32 = tpu.memref_slice %arg5[%mul3A_2, %dma_wait3A_31] : memref<10000x128xf32, #tpu.memory_space<hbm>> -> memref<624x128xf32, #tpu.memory_space<hbm>>
      tpu.wait_dma2 semaphore(%run_scoped3A_26 : memref<!tpu.dma_semaphore, #tpu.memory_space<semaphore_mem>>) src(%dma_wait3A_32 : memref<624x128xf32, #tpu.memory_space<hbm>>) dst(%dma_wait3A_30 : memref<624x128xf32, #tpu.memory_space<vmem_shared>>)
      tpu.yield
    }) : () -> ()
    %eq3A = arith.constant 0 : i32
    %eq3A_5 = arith.cmpi eq, %arg1, %eq3A : i32
    %convert_element_type3A = arith.extui %eq3A_5 : i1 to i32
    %cond3A = arith.constant 0 : i32
    %cond3A_6 = arith.cmpi ne, %convert_element_type3A, %cond3A : i32
    scf.if %cond3A_6 {
      "tpu.region"() ({
        %run_scoped3A_26 = tpu.sem_alloc : memref<!tpu.dma_semaphore, #tpu.memory_space<semaphore_mem>>
        %dma_start3A = arith.constant 9984 : i32
        %dma_start3A_27 = arith.constant 0 : i32
        %dma_start3A_28 = tpu.memref_slice %arg13[%dma_start3A, %dma_start3A_27] : memref<10000x128xf32, #tpu.memory_space<vmem_shared>> -> memref<16x128xf32, #tpu.memory_space<vmem_shared>>
        %dma_start3A_29 = arith.constant 9984 : i32
        %dma_start3A_30 = arith.constant 0 : i32
        %dma_start3A_31 = tpu.memref_slice %arg5[%dma_start3A_29, %dma_start3A_30] : memref<10000x128xf32, #tpu.memory_space<hbm>> -> memref<16x128xf32, #tpu.memory_space<hbm>>
        tpu.enqueue_dma source(%dma_start3A_31 : memref<16x128xf32, #tpu.memory_space<hbm>>) target(%dma_start3A_28 : memref<16x128xf32, #tpu.memory_space<vmem_shared>>) target_semaphore(%run_scoped3A_26 : memref<!tpu.dma_semaphore, #tpu.memory_space<semaphore_mem>>)
        %dma_wait3A = arith.constant 9984 : i32
        %dma_wait3A_32 = arith.constant 0 : i32
        %dma_wait3A_33 = tpu.memref_slice %arg13[%dma_wait3A, %dma_wait3A_32] : memref<10000x128xf32, #tpu.memory_space<vmem_shared>> -> memref<16x128xf32, #tpu.memory_space<vmem_shared>>
        %dma_wait3A_34 = arith.constant 9984 : i32
        %dma_wait3A_35 = arith.constant 0 : i32
        %dma_wait3A_36 = tpu.memref_slice %arg5[%dma_wait3A_34, %dma_wait3A_35] : memref<10000x128xf32, #tpu.memory_space<hbm>> -> memref<16x128xf32, #tpu.memory_space<hbm>>
        tpu.wait_dma2 semaphore(%run_scoped3A_26 : memref<!tpu.dma_semaphore, #tpu.memory_space<semaphore_mem>>) src(%dma_wait3A_36 : memref<16x128xf32, #tpu.memory_space<hbm>>) dst(%dma_wait3A_33 : memref<16x128xf32, #tpu.memory_space<vmem_shared>>)
        tpu.yield
      }) : () -> ()
    } else {
    }
    "tpu.region"() ({
      %run_scoped3A_26 = tpu.sem_alloc : memref<!tpu.dma_semaphore, #tpu.memory_space<semaphore_mem>>
      %dma_start3A = arith.constant 0 : i32
      %dma_start3A_27 = arith.constant 0 : i32
      %dma_start3A_28 = tpu.memref_slice %arg4[%add3A, %dma_start3A, %dma_start3A_27] : memref<32x100x100xi32, #tpu.memory_space<hbm>> -> memref<1x100x100xi32, #tpu.memory_space<hbm>>
      %dma_start3A_29 = tpu.memref_squeeze %dma_start3A_28 : memref<1x100x100xi32, #tpu.memory_space<hbm>> -> memref<100x100xi32, #tpu.memory_space<hbm>>
      %dma_start3A_30 = arith.constant 0 : i32
      %dma_start3A_31 = arith.constant 0 : i32
      %dma_start3A_32 = tpu.memref_slice %arg4[%add3A, %dma_start3A_30, %dma_start3A_31] : memref<32x100x100xi32, #tpu.memory_space<hbm>> -> memref<1x100x100xi32, #tpu.memory_space<hbm>>
      %dma_start3A_33 = tpu.memref_squeeze %dma_start3A_32 : memref<1x100x100xi32, #tpu.memory_space<hbm>> -> memref<100x100xi32, #tpu.memory_space<hbm>>
      tpu.enqueue_dma source(%dma_start3A_33 : memref<100x100xi32, #tpu.memory_space<hbm>>) target(%arg7 : memref<100x100xi32, #tpu.memory_space<vmem>>) target_semaphore(%run_scoped3A_26 : memref<!tpu.dma_semaphore, #tpu.memory_space<semaphore_mem>>)
      %dma_wait3A = arith.constant 0 : i32
      %dma_wait3A_34 = arith.constant 0 : i32
      %dma_wait3A_35 = tpu.memref_slice %arg4[%add3A, %dma_wait3A, %dma_wait3A_34] : memref<32x100x100xi32, #tpu.memory_space<hbm>> -> memref<1x100x100xi32, #tpu.memory_space<hbm>>
      %dma_wait3A_36 = tpu.memref_squeeze %dma_wait3A_35 : memref<1x100x100xi32, #tpu.memory_space<hbm>> -> memref<100x100xi32, #tpu.memory_space<hbm>>
      %dma_wait3A_37 = arith.constant 0 : i32
      %dma_wait3A_38 = arith.constant 0 : i32
      %dma_wait3A_39 = tpu.memref_slice %arg4[%add3A, %dma_wait3A_37, %dma_wait3A_38] : memref<32x100x100xi32, #tpu.memory_space<hbm>> -> memref<1x100x100xi32, #tpu.memory_space<hbm>>
      %dma_wait3A_40 = tpu.memref_squeeze %dma_wait3A_39 : memref<1x100x100xi32, #tpu.memory_space<hbm>> -> memref<100x100xi32, #tpu.memory_space<hbm>>
      tpu.wait_dma2 semaphore(%run_scoped3A_26 : memref<!tpu.dma_semaphore, #tpu.memory_space<semaphore_mem>>) src(%dma_wait3A_40 : memref<100x100xi32, #tpu.memory_space<hbm>>) dst(%arg7 : memref<100x100xi32, #tpu.memory_space<vmem>>)
      tpu.yield
    }) : () -> ()
    %run_scoped3A = arith.constant 0 : i32
    %run_scoped3A_7 = arith.constant 0 : i32
    "tpu.region"() ({
      %run_scoped3A_26 = tpu.sem_alloc : memref<!tpu.dma_semaphore, #tpu.memory_space<semaphore_mem>>
      %dma_start3A = arith.constant 0 : i32
      %dma_start3A_27 = arith.constant 0 : i32
      %dma_start3A_28 = tpu.memref_slice %arg8[%run_scoped3A_7, %dma_start3A, %dma_start3A_27] : memref<2x1x100xi32, #tpu.memory_space<vmem>> -> memref<1x1x100xi32, #tpu.memory_space<vmem>>
      %dma_start3A_29 = tpu.memref_squeeze %dma_start3A_28 : memref<1x1x100xi32, #tpu.memory_space<vmem>> -> memref<1x100xi32, #tpu.memory_space<vmem>>
      %dma_start3A_30 = arith.constant 0 : i32
      %dma_start3A_31 = arith.constant 0 : i32
      %dma_start3A_32 = tpu.memref_slice %arg3[%add3A, %run_scoped3A, %dma_start3A_30, %dma_start3A_31] : memref<32x100x1x100xi32, #tpu.memory_space<hbm>> -> memref<1x1x1x100xi32, #tpu.memory_space<hbm>>
      %dma_start3A_33 = tpu.memref_squeeze %dma_start3A_32 : memref<1x1x1x100xi32, #tpu.memory_space<hbm>> -> memref<1x100xi32, #tpu.memory_space<hbm>>
      %dma_start3A_34 = arith.constant 0 : i32
      %dma_start3A_35 = arith.constant 0 : i32
      %dma_start3A_36 = tpu.memref_slice %arg8[%run_scoped3A_7, %dma_start3A_34, %dma_start3A_35] : memref<2x1x100xi32, #tpu.memory_space<vmem>> -> memref<1x1x100xi32, #tpu.memory_space<vmem>>
      %dma_start3A_37 = tpu.memref_squeeze %dma_start3A_36 : memref<1x1x100xi32, #tpu.memory_space<vmem>> -> memref<1x100xi32, #tpu.memory_space<vmem>>
      %dma_start3A_38 = arith.constant 0 : i32
      %dma_start3A_39 = arith.constant 0 : i32
      %dma_start3A_40 = tpu.memref_slice %arg3[%add3A, %run_scoped3A, %dma_start3A_38, %dma_start3A_39] : memref<32x100x1x100xi32, #tpu.memory_space<hbm>> -> memref<1x1x1x100xi32, #tpu.memory_space<hbm>>
      %dma_start3A_41 = tpu.memref_squeeze %dma_start3A_40 : memref<1x1x1x100xi32, #tpu.memory_space<hbm>> -> memref<1x100xi32, #tpu.memory_space<hbm>>
      tpu.enqueue_dma source(%dma_start3A_41 : memref<1x100xi32, #tpu.memory_space<hbm>>) target(%dma_start3A_37 : memref<1x100xi32, #tpu.memory_space<vmem>>) target_semaphore(%run_scoped3A_26 : memref<!tpu.dma_semaphore, #tpu.memory_space<semaphore_mem>>)
      %dma_wait3A = arith.constant 0 : i32
      %dma_wait3A_42 = arith.constant 0 : i32
      %dma_wait3A_43 = tpu.memref_slice %arg8[%run_scoped3A_7, %dma_wait3A, %dma_wait3A_42] : memref<2x1x100xi32, #tpu.memory_space<vmem>> -> memref<1x1x100xi32, #tpu.memory_space<vmem>>
      %dma_wait3A_44 = tpu.memref_squeeze %dma_wait3A_43 : memref<1x1x100xi32, #tpu.memory_space<vmem>> -> memref<1x100xi32, #tpu.memory_space<vmem>>
      %dma_wait3A_45 = arith.constant 0 : i32
      %dma_wait3A_46 = arith.constant 0 : i32
      %dma_wait3A_47 = tpu.memref_slice %arg3[%add3A, %run_scoped3A, %dma_wait3A_45, %dma_wait3A_46] : memref<32x100x1x100xi32, #tpu.memory_space<hbm>> -> memref<1x1x1x100xi32, #tpu.memory_space<hbm>>
      %dma_wait3A_48 = tpu.memref_squeeze %dma_wait3A_47 : memref<1x1x1x100xi32, #tpu.memory_space<hbm>> -> memref<1x100xi32, #tpu.memory_space<hbm>>
      %dma_wait3A_49 = arith.constant 0 : i32
      %dma_wait3A_50 = arith.constant 0 : i32
      %dma_wait3A_51 = tpu.memref_slice %arg8[%run_scoped3A_7, %dma_wait3A_49, %dma_wait3A_50] : memref<2x1x100xi32, #tpu.memory_space<vmem>> -> memref<1x1x100xi32, #tpu.memory_space<vmem>>
      %dma_wait3A_52 = tpu.memref_squeeze %dma_wait3A_51 : memref<1x1x100xi32, #tpu.memory_space<vmem>> -> memref<1x100xi32, #tpu.memory_space<vmem>>
      %dma_wait3A_53 = arith.constant 0 : i32
      %dma_wait3A_54 = arith.constant 0 : i32
      %dma_wait3A_55 = tpu.memref_slice %arg3[%add3A, %run_scoped3A, %dma_wait3A_53, %dma_wait3A_54] : memref<32x100x1x100xi32, #tpu.memory_space<hbm>> -> memref<1x1x1x100xi32, #tpu.memory_space<hbm>>
      %dma_wait3A_56 = tpu.memref_squeeze %dma_wait3A_55 : memref<1x1x1x100xi32, #tpu.memory_space<hbm>> -> memref<1x100xi32, #tpu.memory_space<hbm>>
      tpu.wait_dma2 semaphore(%run_scoped3A_26 : memref<!tpu.dma_semaphore, #tpu.memory_space<semaphore_mem>>) src(%dma_wait3A_56 : memref<1x100xi32, #tpu.memory_space<hbm>>) dst(%dma_wait3A_52 : memref<1x100xi32, #tpu.memory_space<vmem>>)
      tpu.yield
    }) : () -> ()
    %run_scoped3A_8 = arith.constant 1 : i32
    %run_scoped3A_9 = arith.constant 1 : i32
    "tpu.region"() ({
      %run_scoped3A_26 = tpu.sem_alloc : memref<!tpu.dma_semaphore, #tpu.memory_space<semaphore_mem>>
      %dma_start3A = arith.constant 0 : i32
      %dma_start3A_27 = arith.constant 0 : i32
      %dma_start3A_28 = tpu.memref_slice %arg8[%run_scoped3A_9, %dma_start3A, %dma_start3A_27] : memref<2x1x100xi32, #tpu.memory_space<vmem>> -> memref<1x1x100xi32, #tpu.memory_space<vmem>>
      %dma_start3A_29 = tpu.memref_squeeze %dma_start3A_28 : memref<1x1x100xi32, #tpu.memory_space<vmem>> -> memref<1x100xi32, #tpu.memory_space<vmem>>
      %dma_start3A_30 = arith.constant 0 : i32
      %dma_start3A_31 = arith.constant 0 : i32
      %dma_start3A_32 = tpu.memref_slice %arg3[%add3A, %run_scoped3A_8, %dma_start3A_30, %dma_start3A_31] : memref<32x100x1x100xi32, #tpu.memory_space<hbm>> -> memref<1x1x1x100xi32, #tpu.memory_space<hbm>>
      %dma_start3A_33 = tpu.memref_squeeze %dma_start3A_32 : memref<1x1x1x100xi32, #tpu.memory_space<hbm>> -> memref<1x100xi32, #tpu.memory_space<hbm>>
      %dma_start3A_34 = arith.constant 0 : i32
      %dma_start3A_35 = arith.constant 0 : i32
      %dma_start3A_36 = tpu.memref_slice %arg8[%run_scoped3A_9, %dma_start3A_34, %dma_start3A_35] : memref<2x1x100xi32, #tpu.memory_space<vmem>> -> memref<1x1x100xi32, #tpu.memory_space<vmem>>
      %dma_start3A_37 = tpu.memref_squeeze %dma_start3A_36 : memref<1x1x100xi32, #tpu.memory_space<vmem>> -> memref<1x100xi32, #tpu.memory_space<vmem>>
      %dma_start3A_38 = arith.constant 0 : i32
      %dma_start3A_39 = arith.constant 0 : i32
      %dma_start3A_40 = tpu.memref_slice %arg3[%add3A, %run_scoped3A_8, %dma_start3A_38, %dma_start3A_39] : memref<32x100x1x100xi32, #tpu.memory_space<hbm>> -> memref<1x1x1x100xi32, #tpu.memory_space<hbm>>
      %dma_start3A_41 = tpu.memref_squeeze %dma_start3A_40 : memref<1x1x1x100xi32, #tpu.memory_space<hbm>> -> memref<1x100xi32, #tpu.memory_space<hbm>>
      tpu.enqueue_dma source(%dma_start3A_41 : memref<1x100xi32, #tpu.memory_space<hbm>>) target(%dma_start3A_37 : memref<1x100xi32, #tpu.memory_space<vmem>>) target_semaphore(%run_scoped3A_26 : memref<!tpu.dma_semaphore, #tpu.memory_space<semaphore_mem>>)
      %dma_wait3A = arith.constant 0 : i32
      %dma_wait3A_42 = arith.constant 0 : i32
      %dma_wait3A_43 = tpu.memref_slice %arg8[%run_scoped3A_9, %dma_wait3A, %dma_wait3A_42] : memref<2x1x100xi32, #tpu.memory_space<vmem>> -> memref<1x1x100xi32, #tpu.memory_space<vmem>>
      %dma_wait3A_44 = tpu.memref_squeeze %dma_wait3A_43 : memref<1x1x100xi32, #tpu.memory_space<vmem>> -> memref<1x100xi32, #tpu.memory_space<vmem>>
      %dma_wait3A_45 = arith.constant 0 : i32
      %dma_wait3A_46 = arith.constant 0 : i32
      %dma_wait3A_47 = tpu.memref_slice %arg3[%add3A, %run_scoped3A_8, %dma_wait3A_45, %dma_wait3A_46] : memref<32x100x1x100xi32, #tpu.memory_space<hbm>> -> memref<1x1x1x100xi32, #tpu.memory_space<hbm>>
      %dma_wait3A_48 = tpu.memref_squeeze %dma_wait3A_47 : memref<1x1x1x100xi32, #tpu.memory_space<hbm>> -> memref<1x100xi32, #tpu.memory_space<hbm>>
      %dma_wait3A_49 = arith.constant 0 : i32
      %dma_wait3A_50 = arith.constant 0 : i32
      %dma_wait3A_51 = tpu.memref_slice %arg8[%run_scoped3A_9, %dma_wait3A_49, %dma_wait3A_50] : memref<2x1x100xi32, #tpu.memory_space<vmem>> -> memref<1x1x100xi32, #tpu.memory_space<vmem>>
      %dma_wait3A_52 = tpu.memref_squeeze %dma_wait3A_51 : memref<1x1x100xi32, #tpu.memory_space<vmem>> -> memref<1x100xi32, #tpu.memory_space<vmem>>
      %dma_wait3A_53 = arith.constant 0 : i32
      %dma_wait3A_54 = arith.constant 0 : i32
      %dma_wait3A_55 = tpu.memref_slice %arg3[%add3A, %run_scoped3A_8, %dma_wait3A_53, %dma_wait3A_54] : memref<32x100x1x100xi32, #tpu.memory_space<hbm>> -> memref<1x1x1x100xi32, #tpu.memory_space<hbm>>
      %dma_wait3A_56 = tpu.memref_squeeze %dma_wait3A_55 : memref<1x1x1x100xi32, #tpu.memory_space<hbm>> -> memref<1x100xi32, #tpu.memory_space<hbm>>
      tpu.wait_dma2 semaphore(%run_scoped3A_26 : memref<!tpu.dma_semaphore, #tpu.memory_space<semaphore_mem>>) src(%dma_wait3A_56 : memref<1x100xi32, #tpu.memory_space<hbm>>) dst(%dma_wait3A_52 : memref<1x100xi32, #tpu.memory_space<vmem>>)
      tpu.yield
    }) : () -> ()
    %barrier3A = arith.constant 0 : index
    tpu.barrier barrier_id(%barrier3A)
    %scan3A = arith.constant 0 : i32
    %scan3A_10 = arith.constant 0 : i32
    %scan3A_11 = arith.constant 50 : i32
    %scan3A_12 = arith.addi %scan3A_10, %scan3A_11 : i32
    %scan3A_13 = arith.constant 1 : i32
    %scan3A_14 = scf.for %scan3A_26 = %scan3A_10 to %scan3A_12 step %scan3A_13 iter_args(%scan3A_27 = %scan3A) -> (i32)  : i32 {
      %mul3A_28 = arith.constant 2 : i32
      %mul3A_29 = arith.muli %scan3A_26, %mul3A_28 : i32
      %dma_start3A = arith.constant 0 : i32
      %dma_start3A_30 = arith.constant 0 : i32
      %dma_start3A_31 = arith.constant 0 : i32
      %dma_start3A_32 = arith.constant 0 : i32
      %dma_start3A_33 = tpu.memref_slice %arg9[%dma_start3A_31, %dma_start3A_32] : memref<200x128xf32, #tpu.memory_space<vmem>> -> memref<100x128xf32, #tpu.memory_space<vmem>>
      %dma_start3A_34 = arith.constant 0 : i32
      %dma_start3A_35 = tpu.memref_slice %arg8[%dma_start3A, %dma_start3A_30, %dma_start3A_34] : memref<2x1x100xi32, #tpu.memory_space<vmem>> -> memref<1x1x100xi32, #tpu.memory_space<vmem>>
      %dma_start3A_36 = tpu.memref_squeeze %dma_start3A_35 : memref<1x1x100xi32, #tpu.memory_space<vmem>> -> memref<100xi32, #tpu.memory_space<vmem>>
      %dma_start3A_37 = arith.constant 0 : i32
      %dma_start3A_38 = arith.constant 0 : i32
      %dma_start3A_39 = tpu.memref_slice %arg2[%dma_start3A_37, %dma_start3A_38] : memref<10000x128xf32, #tpu.memory_space<hbm>> -> memref<10000x128xf32, #tpu.memory_space<hbm>>
      tpu.enqueue_indirect_dma source(%dma_start3A_39 : memref<10000x128xf32, #tpu.memory_space<hbm>>) target(%dma_start3A_33 : memref<100x128xf32, #tpu.memory_space<vmem>>) offsets(%dma_start3A_36 : memref<100xi32, #tpu.memory_space<vmem>>) semaphore(%arg10 : memref<!tpu.dma_semaphore, #tpu.memory_space<semaphore_mem>>)
      %dma_start3A_40 = arith.constant 1 : i32
      %dma_start3A_41 = arith.constant 0 : i32
      %dma_start3A_42 = arith.constant 100 : i32
      %dma_start3A_43 = arith.constant 0 : i32
      %dma_start3A_44 = tpu.memref_slice %arg9[%dma_start3A_42, %dma_start3A_43] : memref<200x128xf32, #tpu.memory_space<vmem>> -> memref<100x128xf32, #tpu.memory_space<vmem>>
      %dma_start3A_45 = arith.constant 0 : i32
      %dma_start3A_46 = tpu.memref_slice %arg8[%dma_start3A_40, %dma_start3A_41, %dma_start3A_45] : memref<2x1x100xi32, #tpu.memory_space<vmem>> -> memref<1x1x100xi32, #tpu.memory_space<vmem>>
      %dma_start3A_47 = tpu.memref_squeeze %dma_start3A_46 : memref<1x1x100xi32, #tpu.memory_space<vmem>> -> memref<100xi32, #tpu.memory_space<vmem>>
      %dma_start3A_48 = arith.constant 0 : i32
      %dma_start3A_49 = arith.constant 0 : i32
      %dma_start3A_50 = tpu.memref_slice %arg2[%dma_start3A_48, %dma_start3A_49] : memref<10000x128xf32, #tpu.memory_space<hbm>> -> memref<10000x128xf32, #tpu.memory_space<hbm>>
      tpu.enqueue_indirect_dma source(%dma_start3A_50 : memref<10000x128xf32, #tpu.memory_space<hbm>>) target(%dma_start3A_44 : memref<100x128xf32, #tpu.memory_space<vmem>>) offsets(%dma_start3A_47 : memref<100xi32, #tpu.memory_space<vmem>>) semaphore(%arg11 : memref<!tpu.dma_semaphore, #tpu.memory_space<semaphore_mem>>)
      %dma_wait3A = arith.constant 0 : i32
      %dma_wait3A_51 = arith.constant 0 : i32
      %dma_wait3A_52 = arith.constant 0 : i32
      %dma_wait3A_53 = arith.constant 0 : i32
      %dma_wait3A_54 = tpu.memref_slice %arg9[%dma_wait3A_52, %dma_wait3A_53] : memref<200x128xf32, #tpu.memory_space<vmem>> -> memref<100x128xf32, #tpu.memory_space<vmem>>
      %dma_wait3A_55 = arith.constant 0 : i32
      %dma_wait3A_56 = tpu.memref_slice %arg8[%dma_wait3A, %dma_wait3A_51, %dma_wait3A_55] : memref<2x1x100xi32, #tpu.memory_space<vmem>> -> memref<1x1x100xi32, #tpu.memory_space<vmem>>
      %dma_wait3A_57 = tpu.memref_squeeze %dma_wait3A_56 : memref<1x1x100xi32, #tpu.memory_space<vmem>> -> memref<100xi32, #tpu.memory_space<vmem>>
      %dma_wait3A_58 = arith.constant 0 : i32
      %dma_wait3A_59 = arith.constant 0 : i32
      %dma_wait3A_60 = tpu.memref_slice %arg2[%dma_wait3A_58, %dma_wait3A_59] : memref<10000x128xf32, #tpu.memory_space<hbm>> -> memref<10000x128xf32, #tpu.memory_space<hbm>>
      tpu.wait_indirect_dma semaphore(%arg10 : memref<!tpu.dma_semaphore, #tpu.memory_space<semaphore_mem>>) src(%dma_wait3A_60 : memref<10000x128xf32, #tpu.memory_space<hbm>>) dst(%dma_wait3A_54 : memref<100x128xf32, #tpu.memory_space<vmem>>)
      %add3A_61 = arith.constant 0 : i32
      %add3A_62 = arith.addi %mul3A_29, %add3A_61 : i32
      %dma_start3A_63 = arith.constant 0 : i32
      %dma_start3A_64 = arith.constant 0 : i32
      %dma_start3A_65 = tpu.memref_slice %arg9[%dma_start3A_63, %dma_start3A_64] : memref<200x128xf32, #tpu.memory_space<vmem>> -> memref<100x128xf32, #tpu.memory_space<vmem>>
      %dma_start3A_66 = arith.constant 0 : i32
      %dma_start3A_67 = tpu.memref_slice %arg7[%add3A_62, %dma_start3A_66] : memref<100x100xi32, #tpu.memory_space<vmem>> -> memref<1x100xi32, #tpu.memory_space<vmem>>
      %dma_start3A_68 = tpu.memref_squeeze %dma_start3A_67 : memref<1x100xi32, #tpu.memory_space<vmem>> -> memref<100xi32, #tpu.memory_space<vmem>>
      %dma_start3A_69 = arith.constant 0 : i32
      %dma_start3A_70 = arith.constant 0 : i32
      %dma_start3A_71 = tpu.memref_slice %arg13[%dma_start3A_69, %dma_start3A_70] : memref<10000x128xf32, #tpu.memory_space<vmem_shared>> -> memref<10000x128xf32, #tpu.memory_space<vmem_shared>>
      tpu.enqueue_indirect_dma source(%dma_start3A_65 : memref<100x128xf32, #tpu.memory_space<vmem>>) target(%dma_start3A_71 : memref<10000x128xf32, #tpu.memory_space<vmem_shared>>) offsets(%dma_start3A_68 : memref<100xi32, #tpu.memory_space<vmem>>) semaphore(%arg12 : memref<!tpu.dma_semaphore, #tpu.memory_space<semaphore_mem>>) {add = true}
      %dma_wait3A_72 = arith.constant 1 : i32
      %dma_wait3A_73 = arith.constant 0 : i32
      %dma_wait3A_74 = arith.constant 100 : i32
      %dma_wait3A_75 = arith.constant 0 : i32
      %dma_wait3A_76 = tpu.memref_slice %arg9[%dma_wait3A_74, %dma_wait3A_75] : memref<200x128xf32, #tpu.memory_space<vmem>> -> memref<100x128xf32, #tpu.memory_space<vmem>>
      %dma_wait3A_77 = arith.constant 0 : i32
      %dma_wait3A_78 = tpu.memref_slice %arg8[%dma_wait3A_72, %dma_wait3A_73, %dma_wait3A_77] : memref<2x1x100xi32, #tpu.memory_space<vmem>> -> memref<1x1x100xi32, #tpu.memory_space<vmem>>
      %dma_wait3A_79 = tpu.memref_squeeze %dma_wait3A_78 : memref<1x1x100xi32, #tpu.memory_space<vmem>> -> memref<100xi32, #tpu.memory_space<vmem>>
      %dma_wait3A_80 = arith.constant 0 : i32
      %dma_wait3A_81 = arith.constant 0 : i32
      %dma_wait3A_82 = tpu.memref_slice %arg2[%dma_wait3A_80, %dma_wait3A_81] : memref<10000x128xf32, #tpu.memory_space<hbm>> -> memref<10000x128xf32, #tpu.memory_space<hbm>>
      tpu.wait_indirect_dma semaphore(%arg11 : memref<!tpu.dma_semaphore, #tpu.memory_space<semaphore_mem>>) src(%dma_wait3A_82 : memref<10000x128xf32, #tpu.memory_space<hbm>>) dst(%dma_wait3A_76 : memref<100x128xf32, #tpu.memory_space<vmem>>)
      %add3A_83 = arith.constant 1 : i32
      %add3A_84 = arith.addi %mul3A_29, %add3A_83 : i32
      %dma_start3A_85 = arith.constant 100 : i32
      %dma_start3A_86 = arith.constant 0 : i32
      %dma_start3A_87 = tpu.memref_slice %arg9[%dma_start3A_85, %dma_start3A_86] : memref<200x128xf32, #tpu.memory_space<vmem>> -> memref<100x128xf32, #tpu.memory_space<vmem>>
      %dma_start3A_88 = arith.constant 0 : i32
      %dma_start3A_89 = tpu.memref_slice %arg7[%add3A_84, %dma_start3A_88] : memref<100x100xi32, #tpu.memory_space<vmem>> -> memref<1x100xi32, #tpu.memory_space<vmem>>
      %dma_start3A_90 = tpu.memref_squeeze %dma_start3A_89 : memref<1x100xi32, #tpu.memory_space<vmem>> -> memref<100xi32, #tpu.memory_space<vmem>>
      %dma_start3A_91 = arith.constant 0 : i32
      %dma_start3A_92 = arith.constant 0 : i32
      %dma_start3A_93 = tpu.memref_slice %arg13[%dma_start3A_91, %dma_start3A_92] : memref<10000x128xf32, #tpu.memory_space<vmem_shared>> -> memref<10000x128xf32, #tpu.memory_space<vmem_shared>>
      tpu.enqueue_indirect_dma source(%dma_start3A_87 : memref<100x128xf32, #tpu.memory_space<vmem>>) target(%dma_start3A_93 : memref<10000x128xf32, #tpu.memory_space<vmem_shared>>) offsets(%dma_start3A_90 : memref<100xi32, #tpu.memory_space<vmem>>) semaphore(%arg12 : memref<!tpu.dma_semaphore, #tpu.memory_space<semaphore_mem>>) {add = true}
      %add3A_94 = arith.constant 2 : i32
      %add3A_95 = arith.addi %mul3A_29, %add3A_94 : i32
      %lt3A = arith.constant 100 : i32
      %lt3A_96 = arith.cmpi slt, %add3A_95, %lt3A : i32
      %convert_element_type3A_97 = arith.extui %lt3A_96 : i1 to i32
      %cond3A_98 = arith.constant 0 : i32
      %cond3A_99 = arith.cmpi ne, %convert_element_type3A_97, %cond3A_98 : i32
      scf.if %cond3A_99 {
        %add3A_119 = arith.constant 2 : i32
        %add3A_120 = arith.addi %mul3A_29, %add3A_119 : i32
        %add3A_121 = arith.constant 0 : i32
        %add3A_122 = arith.addi %add3A_120, %add3A_121 : i32
        %run_scoped3A_123 = arith.constant 0 : i32
        "tpu.region"() ({
          %run_scoped3A_129 = tpu.sem_alloc : memref<!tpu.dma_semaphore, #tpu.memory_space<semaphore_mem>>
          %dma_start3A_130 = arith.constant 0 : i32
          %dma_start3A_131 = arith.constant 0 : i32
          %dma_start3A_132 = tpu.memref_slice %arg8[%run_scoped3A_123, %dma_start3A_130, %dma_start3A_131] : memref<2x1x100xi32, #tpu.memory_space<vmem>> -> memref<1x1x100xi32, #tpu.memory_space<vmem>>
          %dma_start3A_133 = tpu.memref_squeeze %dma_start3A_132 : memref<1x1x100xi32, #tpu.memory_space<vmem>> -> memref<1x100xi32, #tpu.memory_space<vmem>>
          %dma_start3A_134 = arith.constant 0 : i32
          %dma_start3A_135 = arith.constant 0 : i32
          %dma_start3A_136 = tpu.memref_slice %arg3[%add3A, %add3A_122, %dma_start3A_134, %dma_start3A_135] : memref<32x100x1x100xi32, #tpu.memory_space<hbm>> -> memref<1x1x1x100xi32, #tpu.memory_space<hbm>>
          %dma_start3A_137 = tpu.memref_squeeze %dma_start3A_136 : memref<1x1x1x100xi32, #tpu.memory_space<hbm>> -> memref<1x100xi32, #tpu.memory_space<hbm>>
          %dma_start3A_138 = arith.constant 0 : i32
          %dma_start3A_139 = arith.constant 0 : i32
          %dma_start3A_140 = tpu.memref_slice %arg8[%run_scoped3A_123, %dma_start3A_138, %dma_start3A_139] : memref<2x1x100xi32, #tpu.memory_space<vmem>> -> memref<1x1x100xi32, #tpu.memory_space<vmem>>
          %dma_start3A_141 = tpu.memref_squeeze %dma_start3A_140 : memref<1x1x100xi32, #tpu.memory_space<vmem>> -> memref<1x100xi32, #tpu.memory_space<vmem>>
          %dma_start3A_142 = arith.constant 0 : i32
          %dma_start3A_143 = arith.constant 0 : i32
          %dma_start3A_144 = tpu.memref_slice %arg3[%add3A, %add3A_122, %dma_start3A_142, %dma_start3A_143] : memref<32x100x1x100xi32, #tpu.memory_space<hbm>> -> memref<1x1x1x100xi32, #tpu.memory_space<hbm>>
          %dma_start3A_145 = tpu.memref_squeeze %dma_start3A_144 : memref<1x1x1x100xi32, #tpu.memory_space<hbm>> -> memref<1x100xi32, #tpu.memory_space<hbm>>
          tpu.enqueue_dma source(%dma_start3A_145 : memref<1x100xi32, #tpu.memory_space<hbm>>) target(%dma_start3A_141 : memref<1x100xi32, #tpu.memory_space<vmem>>) target_semaphore(%run_scoped3A_129 : memref<!tpu.dma_semaphore, #tpu.memory_space<semaphore_mem>>)
          %dma_wait3A_146 = arith.constant 0 : i32
          %dma_wait3A_147 = arith.constant 0 : i32
          %dma_wait3A_148 = tpu.memref_slice %arg8[%run_scoped3A_123, %dma_wait3A_146, %dma_wait3A_147] : memref<2x1x100xi32, #tpu.memory_space<vmem>> -> memref<1x1x100xi32, #tpu.memory_space<vmem>>
          %dma_wait3A_149 = tpu.memref_squeeze %dma_wait3A_148 : memref<1x1x100xi32, #tpu.memory_space<vmem>> -> memref<1x100xi32, #tpu.memory_space<vmem>>
          %dma_wait3A_150 = arith.constant 0 : i32
          %dma_wait3A_151 = arith.constant 0 : i32
          %dma_wait3A_152 = tpu.memref_slice %arg3[%add3A, %add3A_122, %dma_wait3A_150, %dma_wait3A_151] : memref<32x100x1x100xi32, #tpu.memory_space<hbm>> -> memref<1x1x1x100xi32, #tpu.memory_space<hbm>>
          %dma_wait3A_153 = tpu.memref_squeeze %dma_wait3A_152 : memref<1x1x1x100xi32, #tpu.memory_space<hbm>> -> memref<1x100xi32, #tpu.memory_space<hbm>>
          %dma_wait3A_154 = arith.constant 0 : i32
          %dma_wait3A_155 = arith.constant 0 : i32
          %dma_wait3A_156 = tpu.memref_slice %arg8[%run_scoped3A_123, %dma_wait3A_154, %dma_wait3A_155] : memref<2x1x100xi32, #tpu.memory_space<vmem>> -> memref<1x1x100xi32, #tpu.memory_space<vmem>>
          %dma_wait3A_157 = tpu.memref_squeeze %dma_wait3A_156 : memref<1x1x100xi32, #tpu.memory_space<vmem>> -> memref<1x100xi32, #tpu.memory_space<vmem>>
          %dma_wait3A_158 = arith.constant 0 : i32
          %dma_wait3A_159 = arith.constant 0 : i32
          %dma_wait3A_160 = tpu.memref_slice %arg3[%add3A, %add3A_122, %dma_wait3A_158, %dma_wait3A_159] : memref<32x100x1x100xi32, #tpu.memory_space<hbm>> -> memref<1x1x1x100xi32, #tpu.memory_space<hbm>>
          %dma_wait3A_161 = tpu.memref_squeeze %dma_wait3A_160 : memref<1x1x1x100xi32, #tpu.memory_space<hbm>> -> memref<1x100xi32, #tpu.memory_space<hbm>>
          tpu.wait_dma2 semaphore(%run_scoped3A_129 : memref<!tpu.dma_semaphore, #tpu.memory_space<semaphore_mem>>) src(%dma_wait3A_161 : memref<1x100xi32, #tpu.memory_space<hbm>>) dst(%dma_wait3A_157 : memref<1x100xi32, #tpu.memory_space<vmem>>)
          tpu.yield
        }) : () -> ()
        %add3A_124 = arith.constant 2 : i32
        %add3A_125 = arith.addi %mul3A_29, %add3A_124 : i32
        %add3A_126 = arith.constant 1 : i32
        %add3A_127 = arith.addi %add3A_125, %add3A_126 : i32
        %run_scoped3A_128 = arith.constant 1 : i32
        "tpu.region"() ({
          %run_scoped3A_129 = tpu.sem_alloc : memref<!tpu.dma_semaphore, #tpu.memory_space<semaphore_mem>>
          %dma_start3A_130 = arith.constant 0 : i32
          %dma_start3A_131 = arith.constant 0 : i32
          %dma_start3A_132 = tpu.memref_slice %arg8[%run_scoped3A_128, %dma_start3A_130, %dma_start3A_131] : memref<2x1x100xi32, #tpu.memory_space<vmem>> -> memref<1x1x100xi32, #tpu.memory_space<vmem>>
          %dma_start3A_133 = tpu.memref_squeeze %dma_start3A_132 : memref<1x1x100xi32, #tpu.memory_space<vmem>> -> memref<1x100xi32, #tpu.memory_space<vmem>>
          %dma_start3A_134 = arith.constant 0 : i32
          %dma_start3A_135 = arith.constant 0 : i32
          %dma_start3A_136 = tpu.memref_slice %arg3[%add3A, %add3A_127, %dma_start3A_134, %dma_start3A_135] : memref<32x100x1x100xi32, #tpu.memory_space<hbm>> -> memref<1x1x1x100xi32, #tpu.memory_space<hbm>>
          %dma_start3A_137 = tpu.memref_squeeze %dma_start3A_136 : memref<1x1x1x100xi32, #tpu.memory_space<hbm>> -> memref<1x100xi32, #tpu.memory_space<hbm>>
          %dma_start3A_138 = arith.constant 0 : i32
          %dma_start3A_139 = arith.constant 0 : i32
          %dma_start3A_140 = tpu.memref_slice %arg8[%run_scoped3A_128, %dma_start3A_138, %dma_start3A_139] : memref<2x1x100xi32, #tpu.memory_space<vmem>> -> memref<1x1x100xi32, #tpu.memory_space<vmem>>
          %dma_start3A_141 = tpu.memref_squeeze %dma_start3A_140 : memref<1x1x100xi32, #tpu.memory_space<vmem>> -> memref<1x100xi32, #tpu.memory_space<vmem>>
          %dma_start3A_142 = arith.constant 0 : i32
          %dma_start3A_143 = arith.constant 0 : i32
          %dma_start3A_144 = tpu.memref_slice %arg3[%add3A, %add3A_127, %dma_start3A_142, %dma_start3A_143] : memref<32x100x1x100xi32, #tpu.memory_space<hbm>> -> memref<1x1x1x100xi32, #tpu.memory_space<hbm>>
          %dma_start3A_145 = tpu.memref_squeeze %dma_start3A_144 : memref<1x1x1x100xi32, #tpu.memory_space<hbm>> -> memref<1x100xi32, #tpu.memory_space<hbm>>
          tpu.enqueue_dma source(%dma_start3A_145 : memref<1x100xi32, #tpu.memory_space<hbm>>) target(%dma_start3A_141 : memref<1x100xi32, #tpu.memory_space<vmem>>) target_semaphore(%run_scoped3A_129 : memref<!tpu.dma_semaphore, #tpu.memory_space<semaphore_mem>>)
          %dma_wait3A_146 = arith.constant 0 : i32
          %dma_wait3A_147 = arith.constant 0 : i32
          %dma_wait3A_148 = tpu.memref_slice %arg8[%run_scoped3A_128, %dma_wait3A_146, %dma_wait3A_147] : memref<2x1x100xi32, #tpu.memory_space<vmem>> -> memref<1x1x100xi32, #tpu.memory_space<vmem>>
          %dma_wait3A_149 = tpu.memref_squeeze %dma_wait3A_148 : memref<1x1x100xi32, #tpu.memory_space<vmem>> -> memref<1x100xi32, #tpu.memory_space<vmem>>
          %dma_wait3A_150 = arith.constant 0 : i32
          %dma_wait3A_151 = arith.constant 0 : i32
          %dma_wait3A_152 = tpu.memref_slice %arg3[%add3A, %add3A_127, %dma_wait3A_150, %dma_wait3A_151] : memref<32x100x1x100xi32, #tpu.memory_space<hbm>> -> memref<1x1x1x100xi32, #tpu.memory_space<hbm>>
          %dma_wait3A_153 = tpu.memref_squeeze %dma_wait3A_152 : memref<1x1x1x100xi32, #tpu.memory_space<hbm>> -> memref<1x100xi32, #tpu.memory_space<hbm>>
          %dma_wait3A_154 = arith.constant 0 : i32
          %dma_wait3A_155 = arith.constant 0 : i32
          %dma_wait3A_156 = tpu.memref_slice %arg8[%run_scoped3A_128, %dma_wait3A_154, %dma_wait3A_155] : memref<2x1x100xi32, #tpu.memory_space<vmem>> -> memref<1x1x100xi32, #tpu.memory_space<vmem>>
          %dma_wait3A_157 = tpu.memref_squeeze %dma_wait3A_156 : memref<1x1x100xi32, #tpu.memory_space<vmem>> -> memref<1x100xi32, #tpu.memory_space<vmem>>
          %dma_wait3A_158 = arith.constant 0 : i32
          %dma_wait3A_159 = arith.constant 0 : i32
          %dma_wait3A_160 = tpu.memref_slice %arg3[%add3A, %add3A_127, %dma_wait3A_158, %dma_wait3A_159] : memref<32x100x1x100xi32, #tpu.memory_space<hbm>> -> memref<1x1x1x100xi32, #tpu.memory_space<hbm>>
          %dma_wait3A_161 = tpu.memref_squeeze %dma_wait3A_160 : memref<1x1x1x100xi32, #tpu.memory_space<hbm>> -> memref<1x100xi32, #tpu.memory_space<hbm>>
          tpu.wait_dma2 semaphore(%run_scoped3A_129 : memref<!tpu.dma_semaphore, #tpu.memory_space<semaphore_mem>>) src(%dma_wait3A_161 : memref<1x100xi32, #tpu.memory_space<hbm>>) dst(%dma_wait3A_157 : memref<1x100xi32, #tpu.memory_space<vmem>>)
          tpu.yield
        }) : () -> ()
      } else {
      }
      %dma_wait3A_100 = arith.constant 0 : i32
      %dma_wait3A_101 = arith.constant 0 : i32
      %dma_wait3A_102 = tpu.memref_slice %arg9[%dma_wait3A_100, %dma_wait3A_101] : memref<200x128xf32, #tpu.memory_space<vmem>> -> memref<100x128xf32, #tpu.memory_space<vmem>>
      %dma_wait3A_103 = arith.constant 0 : i32
      %dma_wait3A_104 = tpu.memref_slice %arg7[%add3A_62, %dma_wait3A_103] : memref<100x100xi32, #tpu.memory_space<vmem>> -> memref<1x100xi32, #tpu.memory_space<vmem>>
      %dma_wait3A_105 = tpu.memref_squeeze %dma_wait3A_104 : memref<1x100xi32, #tpu.memory_space<vmem>> -> memref<100xi32, #tpu.memory_space<vmem>>
      %dma_wait3A_106 = arith.constant 0 : i32
      %dma_wait3A_107 = arith.constant 0 : i32
      %dma_wait3A_108 = tpu.memref_slice %arg13[%dma_wait3A_106, %dma_wait3A_107] : memref<10000x128xf32, #tpu.memory_space<vmem_shared>> -> memref<10000x128xf32, #tpu.memory_space<vmem_shared>>
      tpu.wait_indirect_dma semaphore(%arg12 : memref<!tpu.dma_semaphore, #tpu.memory_space<semaphore_mem>>) src(%dma_wait3A_102 : memref<100x128xf32, #tpu.memory_space<vmem>>) dst(%dma_wait3A_108 : memref<10000x128xf32, #tpu.memory_space<vmem_shared>>)
      %dma_wait3A_109 = arith.constant 100 : i32
      %dma_wait3A_110 = arith.constant 0 : i32
      %dma_wait3A_111 = tpu.memref_slice %arg9[%dma_wait3A_109, %dma_wait3A_110] : memref<200x128xf32, #tpu.memory_space<vmem>> -> memref<100x128xf32, #tpu.memory_space<vmem>>
      %dma_wait3A_112 = arith.constant 0 : i32
      %dma_wait3A_113 = tpu.memref_slice %arg7[%add3A_84, %dma_wait3A_112] : memref<100x100xi32, #tpu.memory_space<vmem>> -> memref<1x100xi32, #tpu.memory_space<vmem>>
      %dma_wait3A_114 = tpu.memref_squeeze %dma_wait3A_113 : memref<1x100xi32, #tpu.memory_space<vmem>> -> memref<100xi32, #tpu.memory_space<vmem>>
      %dma_wait3A_115 = arith.constant 0 : i32
      %dma_wait3A_116 = arith.constant 0 : i32
      %dma_wait3A_117 = tpu.memref_slice %arg13[%dma_wait3A_115, %dma_wait3A_116] : memref<10000x128xf32, #tpu.memory_space<vmem_shared>> -> memref<10000x128xf32, #tpu.memory_space<vmem_shared>>
      tpu.wait_indirect_dma semaphore(%arg12 : memref<!tpu.dma_semaphore, #tpu.memory_space<semaphore_mem>>) src(%dma_wait3A_111 : memref<100x128xf32, #tpu.memory_space<vmem>>) dst(%dma_wait3A_117 : memref<10000x128xf32, #tpu.memory_space<vmem_shared>>)
      %scan3A_118 = arith.constant 0 : i32
      scf.yield %scan3A_118 : i32
    }
    %scan3A_15 = arith.constant 50 : i32
    %barrier3A_16 = arith.constant 0 : index
    tpu.barrier barrier_id(%barrier3A_16)
    %mul3A_17 = arith.constant 624 : i32
    %mul3A_18 = arith.muli %arg1, %mul3A_17 : i32
    %mul3A_19 = arith.constant 624 : i32
    %mul3A_20 = arith.muli %arg1, %mul3A_19 : i32
    "tpu.region"() ({
      %run_scoped3A_26 = tpu.sem_alloc : memref<!tpu.dma_semaphore, #tpu.memory_space<semaphore_mem>>
      %dma_start3A = arith.constant 0 : i32
      %dma_start3A_27 = tpu.memref_slice %arg6[%arg0, %mul3A_20, %dma_start3A] : memref<2x10000x128xf32, #tpu.memory_space<hbm>> -> memref<1x624x128xf32, #tpu.memory_space<hbm>>
      %dma_start3A_28 = tpu.memref_squeeze %dma_start3A_27 : memref<1x624x128xf32, #tpu.memory_space<hbm>> -> memref<624x128xf32, #tpu.memory_space<hbm>>
      %dma_start3A_29 = arith.constant 0 : i32
      %dma_start3A_30 = tpu.memref_slice %arg13[%mul3A_18, %dma_start3A_29] : memref<10000x128xf32, #tpu.memory_space<vmem_shared>> -> memref<624x128xf32, #tpu.memory_space<vmem_shared>>
      tpu.enqueue_dma source(%dma_start3A_30 : memref<624x128xf32, #tpu.memory_space<vmem_shared>>) target(%dma_start3A_28 : memref<624x128xf32, #tpu.memory_space<hbm>>) target_semaphore(%run_scoped3A_26 : memref<!tpu.dma_semaphore, #tpu.memory_space<semaphore_mem>>)
      %dma_wait3A = arith.constant 0 : i32
      %dma_wait3A_31 = tpu.memref_slice %arg6[%arg0, %mul3A_20, %dma_wait3A] : memref<2x10000x128xf32, #tpu.memory_space<hbm>> -> memref<1x624x128xf32, #tpu.memory_space<hbm>>
      %dma_wait3A_32 = tpu.memref_squeeze %dma_wait3A_31 : memref<1x624x128xf32, #tpu.memory_space<hbm>> -> memref<624x128xf32, #tpu.memory_space<hbm>>
      %dma_wait3A_33 = arith.constant 0 : i32
      %dma_wait3A_34 = tpu.memref_slice %arg13[%mul3A_18, %dma_wait3A_33] : memref<10000x128xf32, #tpu.memory_space<vmem_shared>> -> memref<624x128xf32, #tpu.memory_space<vmem_shared>>
      tpu.wait_dma2 semaphore(%run_scoped3A_26 : memref<!tpu.dma_semaphore, #tpu.memory_space<semaphore_mem>>) src(%dma_wait3A_34 : memref<624x128xf32, #tpu.memory_space<vmem_shared>>) dst(%dma_wait3A_32 : memref<624x128xf32, #tpu.memory_space<hbm>>)
      tpu.yield
    }) : () -> ()
    %eq3A_21 = arith.constant 0 : i32
    %eq3A_22 = arith.cmpi eq, %arg1, %eq3A_21 : i32
    %convert_element_type3A_23 = arith.extui %eq3A_22 : i1 to i32
    %cond3A_24 = arith.constant 0 : i32
    %cond3A_25 = arith.cmpi ne, %convert_element_type3A_23, %cond3A_24 : i32
    scf.if %cond3A_25 {
      "tpu.region"() ({
        %run_scoped3A_26 = tpu.sem_alloc : memref<!tpu.dma_semaphore, #tpu.memory_space<semaphore_mem>>
        %dma_start3A = arith.constant 9984 : i32
        %dma_start3A_27 = arith.constant 0 : i32
        %dma_start3A_28 = tpu.memref_slice %arg6[%arg0, %dma_start3A, %dma_start3A_27] : memref<2x10000x128xf32, #tpu.memory_space<hbm>> -> memref<1x16x128xf32, #tpu.memory_space<hbm>>
        %dma_start3A_29 = tpu.memref_squeeze %dma_start3A_28 : memref<1x16x128xf32, #tpu.memory_space<hbm>> -> memref<16x128xf32, #tpu.memory_space<hbm>>
        %dma_start3A_30 = arith.constant 9984 : i32
        %dma_start3A_31 = arith.constant 0 : i32
        %dma_start3A_32 = tpu.memref_slice %arg13[%dma_start3A_30, %dma_start3A_31] : memref<10000x128xf32, #tpu.memory_space<vmem_shared>> -> memref<16x128xf32, #tpu.memory_space<vmem_shared>>
        tpu.enqueue_dma source(%dma_start3A_32 : memref<16x128xf32, #tpu.memory_space<vmem_shared>>) target(%dma_start3A_29 : memref<16x128xf32, #tpu.memory_space<hbm>>) target_semaphore(%run_scoped3A_26 : memref<!tpu.dma_semaphore, #tpu.memory_space<semaphore_mem>>)
        %dma_wait3A = arith.constant 9984 : i32
        %dma_wait3A_33 = arith.constant 0 : i32
        %dma_wait3A_34 = tpu.memref_slice %arg6[%arg0, %dma_wait3A, %dma_wait3A_33] : memref<2x10000x128xf32, #tpu.memory_space<hbm>> -> memref<1x16x128xf32, #tpu.memory_space<hbm>>
        %dma_wait3A_35 = tpu.memref_squeeze %dma_wait3A_34 : memref<1x16x128xf32, #tpu.memory_space<hbm>> -> memref<16x128xf32, #tpu.memory_space<hbm>>
        %dma_wait3A_36 = arith.constant 9984 : i32
        %dma_wait3A_37 = arith.constant 0 : i32
        %dma_wait3A_38 = tpu.memref_slice %arg13[%dma_wait3A_36, %dma_wait3A_37] : memref<10000x128xf32, #tpu.memory_space<vmem_shared>> -> memref<16x128xf32, #tpu.memory_space<vmem_shared>>
        tpu.wait_dma2 semaphore(%run_scoped3A_26 : memref<!tpu.dma_semaphore, #tpu.memory_space<semaphore_mem>>) src(%dma_wait3A_38 : memref<16x128xf32, #tpu.memory_space<vmem_shared>>) dst(%dma_wait3A_35 : memref<16x128xf32, #tpu.memory_space<hbm>>)
        tpu.yield
      }) : () -> ()
    } else {
    }
    return
  }
}

#map = affine_map<(d0, d1) -> (0, 0)>
#map1 = affine_map<(d0, d1) -> (0, 0, 0, 0)>
#map2 = affine_map<(d0, d1) -> (0, 0, 0)>
module attributes {stable_mosaic.version = 14 : i64} {
  func.func @_spmm_call(%arg0: i32, %arg1: i32, %arg2: memref<10000x128xf32, #tpu.memory_space<hbm>>, %arg3: memref<32x100x1x100xi32, #tpu.memory_space<hbm>>, %arg4: memref<32x100x100xi32, #tpu.memory_space<hbm>>, %arg5: memref<10000x128xf32, #tpu.memory_space<hbm>>, %arg6: memref<2x10000x128xf32, #tpu.memory_space<hbm>>, %arg7: memref<100x100xi32, #tpu.memory_space<vmem>>, %arg8: memref<2x1x100xi32, #tpu.memory_space<vmem>>, %arg9: memref<200x128xf32, #tpu.memory_space<vmem>>, %arg10: memref<!tpu.dma_semaphore, #tpu.memory_space<semaphore_mem>>, %arg11: memref<!tpu.dma_semaphore, #tpu.memory_space<semaphore_mem>>, %arg12: memref<!tpu.dma_semaphore, #tpu.memory_space<semaphore_mem>>, %arg13: memref<10000x128xf32, #tpu.memory_space<vmem_shared>>) attributes {dimension_semantics = [#tpu.dimension_semantics<core_parallel>, #tpu.dimension_semantics<subcore_parallel>], iteration_bounds = array<i64: 2, 16>, scalar_prefetch = 0 : i64, scratch_operands = 7 : i64, tpu.core_type = #tpu.core_type<sc_vector_subcore>, window_params = [{transform_indices = #map}, {transform_indices = #map1}, {transform_indices = #map2}, {transform_indices = #map}, {transform_indices = #map2}]} {
    %mul3A = arith.constant 16 : i32
    %mul3A_0 = arith.muli %arg0, %mul3A : i32
    %add3A = arith.addi %mul3A_0, %arg1 : i32
    %mul3A_1 = arith.constant 624 : i32
    %mul3A_2 = arith.muli %arg1, %mul3A_1 : i32
    %mul3A_3 = arith.constant 624 : i32
    %mul3A_4 = arith.muli %arg1, %mul3A_3 : i32
    "tpu.region"() ({
      %run_scoped3A_26 = tpu.sem_alloc : memref<!tpu.dma_semaphore, #tpu.memory_space<semaphore_mem>>
      %dma_start3A = arith.constant 0 : i32
      %dma_start3A_27 = tpu.memref_slice %arg13[%mul3A_4, %dma_start3A] : memref<10000x128xf32, #tpu.memory_space<vmem_shared>> -> memref<624x128xf32, #tpu.memory_space<vmem_shared>>
      %dma_start3A_28 = arith.constant 0 : i32
      %dma_start3A_29 = tpu.memref_slice %arg5[%mul3A_2, %dma_start3A_28] : memref<10000x128xf32, #tpu.memory_space<hbm>> -> memref<624x128xf32, #tpu.memory_space<hbm>>
      tpu.enqueue_dma source(%dma_start3A_29 : memref<624x128xf32, #tpu.memory_space<hbm>>) target(%dma_start3A_27 : memref<624x128xf32, #tpu.memory_space<vmem_shared>>) target_semaphore(%run_scoped3A_26 : memref<!tpu.dma_semaphore, #tpu.memory_space<semaphore_mem>>)
      %dma_wait3A = arith.constant 0 : i32
      %dma_wait3A_30 = tpu.memref_slice %arg13[%mul3A_4, %dma_wait3A] : memref<10000x128xf32, #tpu.memory_space<vmem_shared>> -> memref<624x128xf32, #tpu.memory_space<vmem_shared>>
      %dma_wait3A_31 = arith.constant 0 : i32
      %dma_wait3A_32 = tpu.memref_slice %arg5[%mul3A_2, %dma_wait3A_31] : memref<10000x128xf32, #tpu.memory_space<hbm>> -> memref<624x128xf32, #tpu.memory_space<hbm>>
      tpu.wait_dma2 semaphore(%run_scoped3A_26 : memref<!tpu.dma_semaphore, #tpu.memory_space<semaphore_mem>>) src(%dma_wait3A_32 : memref<624x128xf32, #tpu.memory_space<hbm>>) dst(%dma_wait3A_30 : memref<624x128xf32, #tpu.memory_space<vmem_shared>>)
      tpu.yield
    }) : () -> ()
    %eq3A = arith.constant 0 : i32
    %eq3A_5 = arith.cmpi eq, %arg1, %eq3A : i32
    %convert_element_type3A = arith.extui %eq3A_5 : i1 to i32
    %cond3A = arith.constant 0 : i32
    %cond3A_6 = arith.cmpi ne, %convert_element_type3A, %cond3A : i32
    scf.if %cond3A_6 {
      "tpu.region"() ({
        %run_scoped3A_26 = tpu.sem_alloc : memref<!tpu.dma_semaphore, #tpu.memory_space<semaphore_mem>>
        %dma_start3A = arith.constant 9984 : i32
        %dma_start3A_27 = arith.constant 0 : i32
        %dma_start3A_28 = tpu.memref_slice %arg13[%dma_start3A, %dma_start3A_27] : memref<10000x128xf32, #tpu.memory_space<vmem_shared>> -> memref<16x128xf32, #tpu.memory_space<vmem_shared>>
        %dma_start3A_29 = arith.constant 9984 : i32
        %dma_start3A_30 = arith.constant 0 : i32
        %dma_start3A_31 = tpu.memref_slice %arg5[%dma_start3A_29, %dma_start3A_30] : memref<10000x128xf32, #tpu.memory_space<hbm>> -> memref<16x128xf32, #tpu.memory_space<hbm>>
        tpu.enqueue_dma source(%dma_start3A_31 : memref<16x128xf32, #tpu.memory_space<hbm>>) target(%dma_start3A_28 : memref<16x128xf32, #tpu.memory_space<vmem_shared>>) target_semaphore(%run_scoped3A_26 : memref<!tpu.dma_semaphore, #tpu.memory_space<semaphore_mem>>)
        %dma_wait3A = arith.constant 9984 : i32
        %dma_wait3A_32 = arith.constant 0 : i32
        %dma_wait3A_33 = tpu.memref_slice %arg13[%dma_wait3A, %dma_wait3A_32] : memref<10000x128xf32, #tpu.memory_space<vmem_shared>> -> memref<16x128xf32, #tpu.memory_space<vmem_shared>>
        %dma_wait3A_34 = arith.constant 9984 : i32
        %dma_wait3A_35 = arith.constant 0 : i32
        %dma_wait3A_36 = tpu.memref_slice %arg5[%dma_wait3A_34, %dma_wait3A_35] : memref<10000x128xf32, #tpu.memory_space<hbm>> -> memref<16x128xf32, #tpu.memory_space<hbm>>
        tpu.wait_dma2 semaphore(%run_scoped3A_26 : memref<!tpu.dma_semaphore, #tpu.memory_space<semaphore_mem>>) src(%dma_wait3A_36 : memref<16x128xf32, #tpu.memory_space<hbm>>) dst(%dma_wait3A_33 : memref<16x128xf32, #tpu.memory_space<vmem_shared>>)
        tpu.yield
      }) : () -> ()
    } else {
    }
    "tpu.region"() ({
      %run_scoped3A_26 = tpu.sem_alloc : memref<!tpu.dma_semaphore, #tpu.memory_space<semaphore_mem>>
      %dma_start3A = arith.constant 0 : i32
      %dma_start3A_27 = arith.constant 0 : i32
      %dma_start3A_28 = tpu.memref_slice %arg4[%add3A, %dma_start3A, %dma_start3A_27] : memref<32x100x100xi32, #tpu.memory_space<hbm>> -> memref<1x100x100xi32, #tpu.memory_space<hbm>>
      %dma_start3A_29 = tpu.memref_squeeze %dma_start3A_28 : memref<1x100x100xi32, #tpu.memory_space<hbm>> -> memref<100x100xi32, #tpu.memory_space<hbm>>
      %dma_start3A_30 = arith.constant 0 : i32
      %dma_start3A_31 = arith.constant 0 : i32
      %dma_start3A_32 = tpu.memref_slice %arg4[%add3A, %dma_start3A_30, %dma_start3A_31] : memref<32x100x100xi32, #tpu.memory_space<hbm>> -> memref<1x100x100xi32, #tpu.memory_space<hbm>>
      %dma_start3A_33 = tpu.memref_squeeze %dma_start3A_32 : memref<1x100x100xi32, #tpu.memory_space<hbm>> -> memref<100x100xi32, #tpu.memory_space<hbm>>
      tpu.enqueue_dma source(%dma_start3A_33 : memref<100x100xi32, #tpu.memory_space<hbm>>) target(%arg7 : memref<100x100xi32, #tpu.memory_space<vmem>>) target_semaphore(%run_scoped3A_26 : memref<!tpu.dma_semaphore, #tpu.memory_space<semaphore_mem>>)
      %dma_wait3A = arith.constant 0 : i32
      %dma_wait3A_34 = arith.constant 0 : i32
      %dma_wait3A_35 = tpu.memref_slice %arg4[%add3A, %dma_wait3A, %dma_wait3A_34] : memref<32x100x100xi32, #tpu.memory_space<hbm>> -> memref<1x100x100xi32, #tpu.memory_space<hbm>>
      %dma_wait3A_36 = tpu.memref_squeeze %dma_wait3A_35 : memref<1x100x100xi32, #tpu.memory_space<hbm>> -> memref<100x100xi32, #tpu.memory_space<hbm>>
      %dma_wait3A_37 = arith.constant 0 : i32
      %dma_wait3A_38 = arith.constant 0 : i32
      %dma_wait3A_39 = tpu.memref_slice %arg4[%add3A, %dma_wait3A_37, %dma_wait3A_38] : memref<32x100x100xi32, #tpu.memory_space<hbm>> -> memref<1x100x100xi32, #tpu.memory_space<hbm>>
      %dma_wait3A_40 = tpu.memref_squeeze %dma_wait3A_39 : memref<1x100x100xi32, #tpu.memory_space<hbm>> -> memref<100x100xi32, #tpu.memory_space<hbm>>
      tpu.wait_dma2 semaphore(%run_scoped3A_26 : memref<!tpu.dma_semaphore, #tpu.memory_space<semaphore_mem>>) src(%dma_wait3A_40 : memref<100x100xi32, #tpu.memory_space<hbm>>) dst(%arg7 : memref<100x100xi32, #tpu.memory_space<vmem>>)
      tpu.yield
    }) : () -> ()
    %run_scoped3A = arith.constant 0 : i32
    %run_scoped3A_7 = arith.constant 0 : i32
    "tpu.region"() ({
      %run_scoped3A_26 = tpu.sem_alloc : memref<!tpu.dma_semaphore, #tpu.memory_space<semaphore_mem>>
      %dma_start3A = arith.constant 0 : i32
      %dma_start3A_27 = arith.constant 0 : i32
      %dma_start3A_28 = tpu.memref_slice %arg8[%run_scoped3A_7, %dma_start3A, %dma_start3A_27] : memref<2x1x100xi32, #tpu.memory_space<vmem>> -> memref<1x1x100xi32, #tpu.memory_space<vmem>>
      %dma_start3A_29 = tpu.memref_squeeze %dma_start3A_28 : memref<1x1x100xi32, #tpu.memory_space<vmem>> -> memref<1x100xi32, #tpu.memory_space<vmem>>
      %dma_start3A_30 = arith.constant 0 : i32
      %dma_start3A_31 = arith.constant 0 : i32
      %dma_start3A_32 = tpu.memref_slice %arg3[%add3A, %run_scoped3A, %dma_start3A_30, %dma_start3A_31] : memref<32x100x1x100xi32, #tpu.memory_space<hbm>> -> memref<1x1x1x100xi32, #tpu.memory_space<hbm>>
      %dma_start3A_33 = tpu.memref_squeeze %dma_start3A_32 : memref<1x1x1x100xi32, #tpu.memory_space<hbm>> -> memref<1x100xi32, #tpu.memory_space<hbm>>
      %dma_start3A_34 = arith.constant 0 : i32
      %dma_start3A_35 = arith.constant 0 : i32
      %dma_start3A_36 = tpu.memref_slice %arg8[%run_scoped3A_7, %dma_start3A_34, %dma_start3A_35] : memref<2x1x100xi32, #tpu.memory_space<vmem>> -> memref<1x1x100xi32, #tpu.memory_space<vmem>>
      %dma_start3A_37 = tpu.memref_squeeze %dma_start3A_36 : memref<1x1x100xi32, #tpu.memory_space<vmem>> -> memref<1x100xi32, #tpu.memory_space<vmem>>
      %dma_start3A_38 = arith.constant 0 : i32
      %dma_start3A_39 = arith.constant 0 : i32
      %dma_start3A_40 = tpu.memref_slice %arg3[%add3A, %run_scoped3A, %dma_start3A_38, %dma_start3A_39] : memref<32x100x1x100xi32, #tpu.memory_space<hbm>> -> memref<1x1x1x100xi32, #tpu.memory_space<hbm>>
      %dma_start3A_41 = tpu.memref_squeeze %dma_start3A_40 : memref<1x1x1x100xi32, #tpu.memory_space<hbm>> -> memref<1x100xi32, #tpu.memory_space<hbm>>
      tpu.enqueue_dma source(%dma_start3A_41 : memref<1x100xi32, #tpu.memory_space<hbm>>) target(%dma_start3A_37 : memref<1x100xi32, #tpu.memory_space<vmem>>) target_semaphore(%run_scoped3A_26 : memref<!tpu.dma_semaphore, #tpu.memory_space<semaphore_mem>>)
      %dma_wait3A = arith.constant 0 : i32
      %dma_wait3A_42 = arith.constant 0 : i32
      %dma_wait3A_43 = tpu.memref_slice %arg8[%run_scoped3A_7, %dma_wait3A, %dma_wait3A_42] : memref<2x1x100xi32, #tpu.memory_space<vmem>> -> memref<1x1x100xi32, #tpu.memory_space<vmem>>
      %dma_wait3A_44 = tpu.memref_squeeze %dma_wait3A_43 : memref<1x1x100xi32, #tpu.memory_space<vmem>> -> memref<1x100xi32, #tpu.memory_space<vmem>>
      %dma_wait3A_45 = arith.constant 0 : i32
      %dma_wait3A_46 = arith.constant 0 : i32
      %dma_wait3A_47 = tpu.memref_slice %arg3[%add3A, %run_scoped3A, %dma_wait3A_45, %dma_wait3A_46] : memref<32x100x1x100xi32, #tpu.memory_space<hbm>> -> memref<1x1x1x100xi32, #tpu.memory_space<hbm>>
      %dma_wait3A_48 = tpu.memref_squeeze %dma_wait3A_47 : memref<1x1x1x100xi32, #tpu.memory_space<hbm>> -> memref<1x100xi32, #tpu.memory_space<hbm>>
      %dma_wait3A_49 = arith.constant 0 : i32
      %dma_wait3A_50 = arith.constant 0 : i32
      %dma_wait3A_51 = tpu.memref_slice %arg8[%run_scoped3A_7, %dma_wait3A_49, %dma_wait3A_50] : memref<2x1x100xi32, #tpu.memory_space<vmem>> -> memref<1x1x100xi32, #tpu.memory_space<vmem>>
      %dma_wait3A_52 = tpu.memref_squeeze %dma_wait3A_51 : memref<1x1x100xi32, #tpu.memory_space<vmem>> -> memref<1x100xi32, #tpu.memory_space<vmem>>
      %dma_wait3A_53 = arith.constant 0 : i32
      %dma_wait3A_54 = arith.constant 0 : i32
      %dma_wait3A_55 = tpu.memref_slice %arg3[%add3A, %run_scoped3A, %dma_wait3A_53, %dma_wait3A_54] : memref<32x100x1x100xi32, #tpu.memory_space<hbm>> -> memref<1x1x1x100xi32, #tpu.memory_space<hbm>>
      %dma_wait3A_56 = tpu.memref_squeeze %dma_wait3A_55 : memref<1x1x1x100xi32, #tpu.memory_space<hbm>> -> memref<1x100xi32, #tpu.memory_space<hbm>>
      tpu.wait_dma2 semaphore(%run_scoped3A_26 : memref<!tpu.dma_semaphore, #tpu.memory_space<semaphore_mem>>) src(%dma_wait3A_56 : memref<1x100xi32, #tpu.memory_space<hbm>>) dst(%dma_wait3A_52 : memref<1x100xi32, #tpu.memory_space<vmem>>)
      tpu.yield
    }) : () -> ()
    %run_scoped3A_8 = arith.constant 1 : i32
    %run_scoped3A_9 = arith.constant 1 : i32
    "tpu.region"() ({
      %run_scoped3A_26 = tpu.sem_alloc : memref<!tpu.dma_semaphore, #tpu.memory_space<semaphore_mem>>
      %dma_start3A = arith.constant 0 : i32
      %dma_start3A_27 = arith.constant 0 : i32
      %dma_start3A_28 = tpu.memref_slice %arg8[%run_scoped3A_9, %dma_start3A, %dma_start3A_27] : memref<2x1x100xi32, #tpu.memory_space<vmem>> -> memref<1x1x100xi32, #tpu.memory_space<vmem>>
      %dma_start3A_29 = tpu.memref_squeeze %dma_start3A_28 : memref<1x1x100xi32, #tpu.memory_space<vmem>> -> memref<1x100xi32, #tpu.memory_space<vmem>>
      %dma_start3A_30 = arith.constant 0 : i32
      %dma_start3A_31 = arith.constant 0 : i32
      %dma_start3A_32 = tpu.memref_slice %arg3[%add3A, %run_scoped3A_8, %dma_start3A_30, %dma_start3A_31] : memref<32x100x1x100xi32, #tpu.memory_space<hbm>> -> memref<1x1x1x100xi32, #tpu.memory_space<hbm>>
      %dma_start3A_33 = tpu.memref_squeeze %dma_start3A_32 : memref<1x1x1x100xi32, #tpu.memory_space<hbm>> -> memref<1x100xi32, #tpu.memory_space<hbm>>
      %dma_start3A_34 = arith.constant 0 : i32
      %dma_start3A_35 = arith.constant 0 : i32
      %dma_start3A_36 = tpu.memref_slice %arg8[%run_scoped3A_9, %dma_start3A_34, %dma_start3A_35] : memref<2x1x100xi32, #tpu.memory_space<vmem>> -> memref<1x1x100xi32, #tpu.memory_space<vmem>>
      %dma_start3A_37 = tpu.memref_squeeze %dma_start3A_36 : memref<1x1x100xi32, #tpu.memory_space<vmem>> -> memref<1x100xi32, #tpu.memory_space<vmem>>
      %dma_start3A_38 = arith.constant 0 : i32
      %dma_start3A_39 = arith.constant 0 : i32
      %dma_start3A_40 = tpu.memref_slice %arg3[%add3A, %run_scoped3A_8, %dma_start3A_38, %dma_start3A_39] : memref<32x100x1x100xi32, #tpu.memory_space<hbm>> -> memref<1x1x1x100xi32, #tpu.memory_space<hbm>>
      %dma_start3A_41 = tpu.memref_squeeze %dma_start3A_40 : memref<1x1x1x100xi32, #tpu.memory_space<hbm>> -> memref<1x100xi32, #tpu.memory_space<hbm>>
      tpu.enqueue_dma source(%dma_start3A_41 : memref<1x100xi32, #tpu.memory_space<hbm>>) target(%dma_start3A_37 : memref<1x100xi32, #tpu.memory_space<vmem>>) target_semaphore(%run_scoped3A_26 : memref<!tpu.dma_semaphore, #tpu.memory_space<semaphore_mem>>)
      %dma_wait3A = arith.constant 0 : i32
      %dma_wait3A_42 = arith.constant 0 : i32
      %dma_wait3A_43 = tpu.memref_slice %arg8[%run_scoped3A_9, %dma_wait3A, %dma_wait3A_42] : memref<2x1x100xi32, #tpu.memory_space<vmem>> -> memref<1x1x100xi32, #tpu.memory_space<vmem>>
      %dma_wait3A_44 = tpu.memref_squeeze %dma_wait3A_43 : memref<1x1x100xi32, #tpu.memory_space<vmem>> -> memref<1x100xi32, #tpu.memory_space<vmem>>
      %dma_wait3A_45 = arith.constant 0 : i32
      %dma_wait3A_46 = arith.constant 0 : i32
      %dma_wait3A_47 = tpu.memref_slice %arg3[%add3A, %run_scoped3A_8, %dma_wait3A_45, %dma_wait3A_46] : memref<32x100x1x100xi32, #tpu.memory_space<hbm>> -> memref<1x1x1x100xi32, #tpu.memory_space<hbm>>
      %dma_wait3A_48 = tpu.memref_squeeze %dma_wait3A_47 : memref<1x1x1x100xi32, #tpu.memory_space<hbm>> -> memref<1x100xi32, #tpu.memory_space<hbm>>
      %dma_wait3A_49 = arith.constant 0 : i32
      %dma_wait3A_50 = arith.constant 0 : i32
      %dma_wait3A_51 = tpu.memref_slice %arg8[%run_scoped3A_9, %dma_wait3A_49, %dma_wait3A_50] : memref<2x1x100xi32, #tpu.memory_space<vmem>> -> memref<1x1x100xi32, #tpu.memory_space<vmem>>
      %dma_wait3A_52 = tpu.memref_squeeze %dma_wait3A_51 : memref<1x1x100xi32, #tpu.memory_space<vmem>> -> memref<1x100xi32, #tpu.memory_space<vmem>>
      %dma_wait3A_53 = arith.constant 0 : i32
      %dma_wait3A_54 = arith.constant 0 : i32
      %dma_wait3A_55 = tpu.memref_slice %arg3[%add3A, %run_scoped3A_8, %dma_wait3A_53, %dma_wait3A_54] : memref<32x100x1x100xi32, #tpu.memory_space<hbm>> -> memref<1x1x1x100xi32, #tpu.memory_space<hbm>>
      %dma_wait3A_56 = tpu.memref_squeeze %dma_wait3A_55 : memref<1x1x1x100xi32, #tpu.memory_space<hbm>> -> memref<1x100xi32, #tpu.memory_space<hbm>>
      tpu.wait_dma2 semaphore(%run_scoped3A_26 : memref<!tpu.dma_semaphore, #tpu.memory_space<semaphore_mem>>) src(%dma_wait3A_56 : memref<1x100xi32, #tpu.memory_space<hbm>>) dst(%dma_wait3A_52 : memref<1x100xi32, #tpu.memory_space<vmem>>)
      tpu.yield
    }) : () -> ()
    %barrier3A = arith.constant 0 : index
    tpu.barrier barrier_id(%barrier3A)
    %scan3A = arith.constant 0 : i32
    %scan3A_10 = arith.constant 0 : i32
    %scan3A_11 = arith.constant 50 : i32
    %scan3A_12 = arith.addi %scan3A_10, %scan3A_11 : i32
    %scan3A_13 = arith.constant 1 : i32
    %scan3A_14 = scf.for %scan3A_26 = %scan3A_10 to %scan3A_12 step %scan3A_13 iter_args(%scan3A_27 = %scan3A) -> (i32)  : i32 {
      %mul3A_28 = arith.constant 2 : i32
      %mul3A_29 = arith.muli %scan3A_26, %mul3A_28 : i32
      %dma_start3A = arith.constant 0 : i32
      %dma_start3A_30 = arith.constant 0 : i32
      %dma_start3A_31 = arith.constant 0 : i32
      %dma_start3A_32 = arith.constant 0 : i32
      %dma_start3A_33 = tpu.memref_slice %arg9[%dma_start3A_31, %dma_start3A_32] : memref<200x128xf32, #tpu.memory_space<vmem>> -> memref<100x128xf32, #tpu.memory_space<vmem>>
      %dma_start3A_34 = arith.constant 0 : i32
      %dma_start3A_35 = tpu.memref_slice %arg8[%dma_start3A, %dma_start3A_30, %dma_start3A_34] : memref<2x1x100xi32, #tpu.memory_space<vmem>> -> memref<1x1x100xi32, #tpu.memory_space<vmem>>
      %dma_start3A_36 = tpu.memref_squeeze %dma_start3A_35 : memref<1x1x100xi32, #tpu.memory_space<vmem>> -> memref<100xi32, #tpu.memory_space<vmem>>
      %dma_start3A_37 = arith.constant 0 : i32
      %dma_start3A_38 = arith.constant 0 : i32
      %dma_start3A_39 = tpu.memref_slice %arg2[%dma_start3A_37, %dma_start3A_38] : memref<10000x128xf32, #tpu.memory_space<hbm>> -> memref<10000x128xf32, #tpu.memory_space<hbm>>
      tpu.enqueue_indirect_dma source(%dma_start3A_39 : memref<10000x128xf32, #tpu.memory_space<hbm>>) target(%dma_start3A_33 : memref<100x128xf32, #tpu.memory_space<vmem>>) offsets(%dma_start3A_36 : memref<100xi32, #tpu.memory_space<vmem>>) semaphore(%arg10 : memref<!tpu.dma_semaphore, #tpu.memory_space<semaphore_mem>>)
      %dma_start3A_40 = arith.constant 1 : i32
      %dma_start3A_41 = arith.constant 0 : i32
      %dma_start3A_42 = arith.constant 100 : i32
      %dma_start3A_43 = arith.constant 0 : i32
      %dma_start3A_44 = tpu.memref_slice %arg9[%dma_start3A_42, %dma_start3A_43] : memref<200x128xf32, #tpu.memory_space<vmem>> -> memref<100x128xf32, #tpu.memory_space<vmem>>
      %dma_start3A_45 = arith.constant 0 : i32
      %dma_start3A_46 = tpu.memref_slice %arg8[%dma_start3A_40, %dma_start3A_41, %dma_start3A_45] : memref<2x1x100xi32, #tpu.memory_space<vmem>> -> memref<1x1x100xi32, #tpu.memory_space<vmem>>
      %dma_start3A_47 = tpu.memref_squeeze %dma_start3A_46 : memref<1x1x100xi32, #tpu.memory_space<vmem>> -> memref<100xi32, #tpu.memory_space<vmem>>
      %dma_start3A_48 = arith.constant 0 : i32
      %dma_start3A_49 = arith.constant 0 : i32
      %dma_start3A_50 = tpu.memref_slice %arg2[%dma_start3A_48, %dma_start3A_49] : memref<10000x128xf32, #tpu.memory_space<hbm>> -> memref<10000x128xf32, #tpu.memory_space<hbm>>
      tpu.enqueue_indirect_dma source(%dma_start3A_50 : memref<10000x128xf32, #tpu.memory_space<hbm>>) target(%dma_start3A_44 : memref<100x128xf32, #tpu.memory_space<vmem>>) offsets(%dma_start3A_47 : memref<100xi32, #tpu.memory_space<vmem>>) semaphore(%arg11 : memref<!tpu.dma_semaphore, #tpu.memory_space<semaphore_mem>>)
      %dma_wait3A = arith.constant 0 : i32
      %dma_wait3A_51 = arith.constant 0 : i32
      %dma_wait3A_52 = arith.constant 0 : i32
      %dma_wait3A_53 = arith.constant 0 : i32
      %dma_wait3A_54 = tpu.memref_slice %arg9[%dma_wait3A_52, %dma_wait3A_53] : memref<200x128xf32, #tpu.memory_space<vmem>> -> memref<100x128xf32, #tpu.memory_space<vmem>>
      %dma_wait3A_55 = arith.constant 0 : i32
      %dma_wait3A_56 = tpu.memref_slice %arg8[%dma_wait3A, %dma_wait3A_51, %dma_wait3A_55] : memref<2x1x100xi32, #tpu.memory_space<vmem>> -> memref<1x1x100xi32, #tpu.memory_space<vmem>>
      %dma_wait3A_57 = tpu.memref_squeeze %dma_wait3A_56 : memref<1x1x100xi32, #tpu.memory_space<vmem>> -> memref<100xi32, #tpu.memory_space<vmem>>
      %dma_wait3A_58 = arith.constant 0 : i32
      %dma_wait3A_59 = arith.constant 0 : i32
      %dma_wait3A_60 = tpu.memref_slice %arg2[%dma_wait3A_58, %dma_wait3A_59] : memref<10000x128xf32, #tpu.memory_space<hbm>> -> memref<10000x128xf32, #tpu.memory_space<hbm>>
      tpu.wait_indirect_dma semaphore(%arg10 : memref<!tpu.dma_semaphore, #tpu.memory_space<semaphore_mem>>) src(%dma_wait3A_60 : memref<10000x128xf32, #tpu.memory_space<hbm>>) dst(%dma_wait3A_54 : memref<100x128xf32, #tpu.memory_space<vmem>>)
      %add3A_61 = arith.constant 0 : i32
      %add3A_62 = arith.addi %mul3A_29, %add3A_61 : i32
      %dma_start3A_63 = arith.constant 0 : i32
      %dma_start3A_64 = arith.constant 0 : i32
      %dma_start3A_65 = tpu.memref_slice %arg9[%dma_start3A_63, %dma_start3A_64] : memref<200x128xf32, #tpu.memory_space<vmem>> -> memref<100x128xf32, #tpu.memory_space<vmem>>
      %dma_start3A_66 = arith.constant 0 : i32
      %dma_start3A_67 = tpu.memref_slice %arg7[%add3A_62, %dma_start3A_66] : memref<100x100xi32, #tpu.memory_space<vmem>> -> memref<1x100xi32, #tpu.memory_space<vmem>>
      %dma_start3A_68 = tpu.memref_squeeze %dma_start3A_67 : memref<1x100xi32, #tpu.memory_space<vmem>> -> memref<100xi32, #tpu.memory_space<vmem>>
      %dma_start3A_69 = arith.constant 0 : i32
      %dma_start3A_70 = arith.constant 0 : i32
      %dma_start3A_71 = tpu.memref_slice %arg13[%dma_start3A_69, %dma_start3A_70] : memref<10000x128xf32, #tpu.memory_space<vmem_shared>> -> memref<10000x128xf32, #tpu.memory_space<vmem_shared>>
      tpu.enqueue_indirect_dma source(%dma_start3A_65 : memref<100x128xf32, #tpu.memory_space<vmem>>) target(%dma_start3A_71 : memref<10000x128xf32, #tpu.memory_space<vmem_shared>>) offsets(%dma_start3A_68 : memref<100xi32, #tpu.memory_space<vmem>>) semaphore(%arg12 : memref<!tpu.dma_semaphore, #tpu.memory_space<semaphore_mem>>) {add = true}
      %dma_wait3A_72 = arith.constant 1 : i32
      %dma_wait3A_73 = arith.constant 0 : i32
      %dma_wait3A_74 = arith.constant 100 : i32
      %dma_wait3A_75 = arith.constant 0 : i32
      %dma_wait3A_76 = tpu.memref_slice %arg9[%dma_wait3A_74, %dma_wait3A_75] : memref<200x128xf32, #tpu.memory_space<vmem>> -> memref<100x128xf32, #tpu.memory_space<vmem>>
      %dma_wait3A_77 = arith.constant 0 : i32
      %dma_wait3A_78 = tpu.memref_slice %arg8[%dma_wait3A_72, %dma_wait3A_73, %dma_wait3A_77] : memref<2x1x100xi32, #tpu.memory_space<vmem>> -> memref<1x1x100xi32, #tpu.memory_space<vmem>>
      %dma_wait3A_79 = tpu.memref_squeeze %dma_wait3A_78 : memref<1x1x100xi32, #tpu.memory_space<vmem>> -> memref<100xi32, #tpu.memory_space<vmem>>
      %dma_wait3A_80 = arith.constant 0 : i32
      %dma_wait3A_81 = arith.constant 0 : i32
      %dma_wait3A_82 = tpu.memref_slice %arg2[%dma_wait3A_80, %dma_wait3A_81] : memref<10000x128xf32, #tpu.memory_space<hbm>> -> memref<10000x128xf32, #tpu.memory_space<hbm>>
      tpu.wait_indirect_dma semaphore(%arg11 : memref<!tpu.dma_semaphore, #tpu.memory_space<semaphore_mem>>) src(%dma_wait3A_82 : memref<10000x128xf32, #tpu.memory_space<hbm>>) dst(%dma_wait3A_76 : memref<100x128xf32, #tpu.memory_space<vmem>>)
      %add3A_83 = arith.constant 1 : i32
      %add3A_84 = arith.addi %mul3A_29, %add3A_83 : i32
      %dma_start3A_85 = arith.constant 100 : i32
      %dma_start3A_86 = arith.constant 0 : i32
      %dma_start3A_87 = tpu.memref_slice %arg9[%dma_start3A_85, %dma_start3A_86] : memref<200x128xf32, #tpu.memory_space<vmem>> -> memref<100x128xf32, #tpu.memory_space<vmem>>
      %dma_start3A_88 = arith.constant 0 : i32
      %dma_start3A_89 = tpu.memref_slice %arg7[%add3A_84, %dma_start3A_88] : memref<100x100xi32, #tpu.memory_space<vmem>> -> memref<1x100xi32, #tpu.memory_space<vmem>>
      %dma_start3A_90 = tpu.memref_squeeze %dma_start3A_89 : memref<1x100xi32, #tpu.memory_space<vmem>> -> memref<100xi32, #tpu.memory_space<vmem>>
      %dma_start3A_91 = arith.constant 0 : i32
      %dma_start3A_92 = arith.constant 0 : i32
      %dma_start3A_93 = tpu.memref_slice %arg13[%dma_start3A_91, %dma_start3A_92] : memref<10000x128xf32, #tpu.memory_space<vmem_shared>> -> memref<10000x128xf32, #tpu.memory_space<vmem_shared>>
      tpu.enqueue_indirect_dma source(%dma_start3A_87 : memref<100x128xf32, #tpu.memory_space<vmem>>) target(%dma_start3A_93 : memref<10000x128xf32, #tpu.memory_space<vmem_shared>>) offsets(%dma_start3A_90 : memref<100xi32, #tpu.memory_space<vmem>>) semaphore(%arg12 : memref<!tpu.dma_semaphore, #tpu.memory_space<semaphore_mem>>) {add = true}
      %add3A_94 = arith.constant 2 : i32
      %add3A_95 = arith.addi %mul3A_29, %add3A_94 : i32
      %lt3A = arith.constant 100 : i32
      %lt3A_96 = arith.cmpi slt, %add3A_95, %lt3A : i32
      %convert_element_type3A_97 = arith.extui %lt3A_96 : i1 to i32
      %cond3A_98 = arith.constant 0 : i32
      %cond3A_99 = arith.cmpi ne, %convert_element_type3A_97, %cond3A_98 : i32
      scf.if %cond3A_99 {
        %add3A_119 = arith.constant 2 : i32
        %add3A_120 = arith.addi %mul3A_29, %add3A_119 : i32
        %add3A_121 = arith.constant 0 : i32
        %add3A_122 = arith.addi %add3A_120, %add3A_121 : i32
        %run_scoped3A_123 = arith.constant 0 : i32
        "tpu.region"() ({
          %run_scoped3A_129 = tpu.sem_alloc : memref<!tpu.dma_semaphore, #tpu.memory_space<semaphore_mem>>
          %dma_start3A_130 = arith.constant 0 : i32
          %dma_start3A_131 = arith.constant 0 : i32
          %dma_start3A_132 = tpu.memref_slice %arg8[%run_scoped3A_123, %dma_start3A_130, %dma_start3A_131] : memref<2x1x100xi32, #tpu.memory_space<vmem>> -> memref<1x1x100xi32, #tpu.memory_space<vmem>>
          %dma_start3A_133 = tpu.memref_squeeze %dma_start3A_132 : memref<1x1x100xi32, #tpu.memory_space<vmem>> -> memref<1x100xi32, #tpu.memory_space<vmem>>
          %dma_start3A_134 = arith.constant 0 : i32
          %dma_start3A_135 = arith.constant 0 : i32
          %dma_start3A_136 = tpu.memref_slice %arg3[%add3A, %add3A_122, %dma_start3A_134, %dma_start3A_135] : memref<32x100x1x100xi32, #tpu.memory_space<hbm>> -> memref<1x1x1x100xi32, #tpu.memory_space<hbm>>
          %dma_start3A_137 = tpu.memref_squeeze %dma_start3A_136 : memref<1x1x1x100xi32, #tpu.memory_space<hbm>> -> memref<1x100xi32, #tpu.memory_space<hbm>>
          %dma_start3A_138 = arith.constant 0 : i32
          %dma_start3A_139 = arith.constant 0 : i32
          %dma_start3A_140 = tpu.memref_slice %arg8[%run_scoped3A_123, %dma_start3A_138, %dma_start3A_139] : memref<2x1x100xi32, #tpu.memory_space<vmem>> -> memref<1x1x100xi32, #tpu.memory_space<vmem>>
          %dma_start3A_141 = tpu.memref_squeeze %dma_start3A_140 : memref<1x1x100xi32, #tpu.memory_space<vmem>> -> memref<1x100xi32, #tpu.memory_space<vmem>>
          %dma_start3A_142 = arith.constant 0 : i32
          %dma_start3A_143 = arith.constant 0 : i32
          %dma_start3A_144 = tpu.memref_slice %arg3[%add3A, %add3A_122, %dma_start3A_142, %dma_start3A_143] : memref<32x100x1x100xi32, #tpu.memory_space<hbm>> -> memref<1x1x1x100xi32, #tpu.memory_space<hbm>>
          %dma_start3A_145 = tpu.memref_squeeze %dma_start3A_144 : memref<1x1x1x100xi32, #tpu.memory_space<hbm>> -> memref<1x100xi32, #tpu.memory_space<hbm>>
          tpu.enqueue_dma source(%dma_start3A_145 : memref<1x100xi32, #tpu.memory_space<hbm>>) target(%dma_start3A_141 : memref<1x100xi32, #tpu.memory_space<vmem>>) target_semaphore(%run_scoped3A_129 : memref<!tpu.dma_semaphore, #tpu.memory_space<semaphore_mem>>)
          %dma_wait3A_146 = arith.constant 0 : i32
          %dma_wait3A_147 = arith.constant 0 : i32
          %dma_wait3A_148 = tpu.memref_slice %arg8[%run_scoped3A_123, %dma_wait3A_146, %dma_wait3A_147] : memref<2x1x100xi32, #tpu.memory_space<vmem>> -> memref<1x1x100xi32, #tpu.memory_space<vmem>>
          %dma_wait3A_149 = tpu.memref_squeeze %dma_wait3A_148 : memref<1x1x100xi32, #tpu.memory_space<vmem>> -> memref<1x100xi32, #tpu.memory_space<vmem>>
          %dma_wait3A_150 = arith.constant 0 : i32
          %dma_wait3A_151 = arith.constant 0 : i32
          %dma_wait3A_152 = tpu.memref_slice %arg3[%add3A, %add3A_122, %dma_wait3A_150, %dma_wait3A_151] : memref<32x100x1x100xi32, #tpu.memory_space<hbm>> -> memref<1x1x1x100xi32, #tpu.memory_space<hbm>>
          %dma_wait3A_153 = tpu.memref_squeeze %dma_wait3A_152 : memref<1x1x1x100xi32, #tpu.memory_space<hbm>> -> memref<1x100xi32, #tpu.memory_space<hbm>>
          %dma_wait3A_154 = arith.constant 0 : i32
          %dma_wait3A_155 = arith.constant 0 : i32
          %dma_wait3A_156 = tpu.memref_slice %arg8[%run_scoped3A_123, %dma_wait3A_154, %dma_wait3A_155] : memref<2x1x100xi32, #tpu.memory_space<vmem>> -> memref<1x1x100xi32, #tpu.memory_space<vmem>>
          %dma_wait3A_157 = tpu.memref_squeeze %dma_wait3A_156 : memref<1x1x100xi32, #tpu.memory_space<vmem>> -> memref<1x100xi32, #tpu.memory_space<vmem>>
          %dma_wait3A_158 = arith.constant 0 : i32
          %dma_wait3A_159 = arith.constant 0 : i32
          %dma_wait3A_160 = tpu.memref_slice %arg3[%add3A, %add3A_122, %dma_wait3A_158, %dma_wait3A_159] : memref<32x100x1x100xi32, #tpu.memory_space<hbm>> -> memref<1x1x1x100xi32, #tpu.memory_space<hbm>>
          %dma_wait3A_161 = tpu.memref_squeeze %dma_wait3A_160 : memref<1x1x1x100xi32, #tpu.memory_space<hbm>> -> memref<1x100xi32, #tpu.memory_space<hbm>>
          tpu.wait_dma2 semaphore(%run_scoped3A_129 : memref<!tpu.dma_semaphore, #tpu.memory_space<semaphore_mem>>) src(%dma_wait3A_161 : memref<1x100xi32, #tpu.memory_space<hbm>>) dst(%dma_wait3A_157 : memref<1x100xi32, #tpu.memory_space<vmem>>)
          tpu.yield
        }) : () -> ()
        %add3A_124 = arith.constant 2 : i32
        %add3A_125 = arith.addi %mul3A_29, %add3A_124 : i32
        %add3A_126 = arith.constant 1 : i32
        %add3A_127 = arith.addi %add3A_125, %add3A_126 : i32
        %run_scoped3A_128 = arith.constant 1 : i32
        "tpu.region"() ({
          %run_scoped3A_129 = tpu.sem_alloc : memref<!tpu.dma_semaphore, #tpu.memory_space<semaphore_mem>>
          %dma_start3A_130 = arith.constant 0 : i32
          %dma_start3A_131 = arith.constant 0 : i32
          %dma_start3A_132 = tpu.memref_slice %arg8[%run_scoped3A_128, %dma_start3A_130, %dma_start3A_131] : memref<2x1x100xi32, #tpu.memory_space<vmem>> -> memref<1x1x100xi32, #tpu.memory_space<vmem>>
          %dma_start3A_133 = tpu.memref_squeeze %dma_start3A_132 : memref<1x1x100xi32, #tpu.memory_space<vmem>> -> memref<1x100xi32, #tpu.memory_space<vmem>>
          %dma_start3A_134 = arith.constant 0 : i32
          %dma_start3A_135 = arith.constant 0 : i32
          %dma_start3A_136 = tpu.memref_slice %arg3[%add3A, %add3A_127, %dma_start3A_134, %dma_start3A_135] : memref<32x100x1x100xi32, #tpu.memory_space<hbm>> -> memref<1x1x1x100xi32, #tpu.memory_space<hbm>>
          %dma_start3A_137 = tpu.memref_squeeze %dma_start3A_136 : memref<1x1x1x100xi32, #tpu.memory_space<hbm>> -> memref<1x100xi32, #tpu.memory_space<hbm>>
          %dma_start3A_138 = arith.constant 0 : i32
          %dma_start3A_139 = arith.constant 0 : i32
          %dma_start3A_140 = tpu.memref_slice %arg8[%run_scoped3A_128, %dma_start3A_138, %dma_start3A_139] : memref<2x1x100xi32, #tpu.memory_space<vmem>> -> memref<1x1x100xi32, #tpu.memory_space<vmem>>
          %dma_start3A_141 = tpu.memref_squeeze %dma_start3A_140 : memref<1x1x100xi32, #tpu.memory_space<vmem>> -> memref<1x100xi32, #tpu.memory_space<vmem>>
          %dma_start3A_142 = arith.constant 0 : i32
          %dma_start3A_143 = arith.constant 0 : i32
          %dma_start3A_144 = tpu.memref_slice %arg3[%add3A, %add3A_127, %dma_start3A_142, %dma_start3A_143] : memref<32x100x1x100xi32, #tpu.memory_space<hbm>> -> memref<1x1x1x100xi32, #tpu.memory_space<hbm>>
          %dma_start3A_145 = tpu.memref_squeeze %dma_start3A_144 : memref<1x1x1x100xi32, #tpu.memory_space<hbm>> -> memref<1x100xi32, #tpu.memory_space<hbm>>
          tpu.enqueue_dma source(%dma_start3A_145 : memref<1x100xi32, #tpu.memory_space<hbm>>) target(%dma_start3A_141 : memref<1x100xi32, #tpu.memory_space<vmem>>) target_semaphore(%run_scoped3A_129 : memref<!tpu.dma_semaphore, #tpu.memory_space<semaphore_mem>>)
          %dma_wait3A_146 = arith.constant 0 : i32
          %dma_wait3A_147 = arith.constant 0 : i32
          %dma_wait3A_148 = tpu.memref_slice %arg8[%run_scoped3A_128, %dma_wait3A_146, %dma_wait3A_147] : memref<2x1x100xi32, #tpu.memory_space<vmem>> -> memref<1x1x100xi32, #tpu.memory_space<vmem>>
          %dma_wait3A_149 = tpu.memref_squeeze %dma_wait3A_148 : memref<1x1x100xi32, #tpu.memory_space<vmem>> -> memref<1x100xi32, #tpu.memory_space<vmem>>
          %dma_wait3A_150 = arith.constant 0 : i32
          %dma_wait3A_151 = arith.constant 0 : i32
          %dma_wait3A_152 = tpu.memref_slice %arg3[%add3A, %add3A_127, %dma_wait3A_150, %dma_wait3A_151] : memref<32x100x1x100xi32, #tpu.memory_space<hbm>> -> memref<1x1x1x100xi32, #tpu.memory_space<hbm>>
          %dma_wait3A_153 = tpu.memref_squeeze %dma_wait3A_152 : memref<1x1x1x100xi32, #tpu.memory_space<hbm>> -> memref<1x100xi32, #tpu.memory_space<hbm>>
          %dma_wait3A_154 = arith.constant 0 : i32
          %dma_wait3A_155 = arith.constant 0 : i32
          %dma_wait3A_156 = tpu.memref_slice %arg8[%run_scoped3A_128, %dma_wait3A_154, %dma_wait3A_155] : memref<2x1x100xi32, #tpu.memory_space<vmem>> -> memref<1x1x100xi32, #tpu.memory_space<vmem>>
          %dma_wait3A_157 = tpu.memref_squeeze %dma_wait3A_156 : memref<1x1x100xi32, #tpu.memory_space<vmem>> -> memref<1x100xi32, #tpu.memory_space<vmem>>
          %dma_wait3A_158 = arith.constant 0 : i32
          %dma_wait3A_159 = arith.constant 0 : i32
          %dma_wait3A_160 = tpu.memref_slice %arg3[%add3A, %add3A_127, %dma_wait3A_158, %dma_wait3A_159] : memref<32x100x1x100xi32, #tpu.memory_space<hbm>> -> memref<1x1x1x100xi32, #tpu.memory_space<hbm>>
          %dma_wait3A_161 = tpu.memref_squeeze %dma_wait3A_160 : memref<1x1x1x100xi32, #tpu.memory_space<hbm>> -> memref<1x100xi32, #tpu.memory_space<hbm>>
          tpu.wait_dma2 semaphore(%run_scoped3A_129 : memref<!tpu.dma_semaphore, #tpu.memory_space<semaphore_mem>>) src(%dma_wait3A_161 : memref<1x100xi32, #tpu.memory_space<hbm>>) dst(%dma_wait3A_157 : memref<1x100xi32, #tpu.memory_space<vmem>>)
          tpu.yield
        }) : () -> ()
      } else {
      }
      %dma_wait3A_100 = arith.constant 0 : i32
      %dma_wait3A_101 = arith.constant 0 : i32
      %dma_wait3A_102 = tpu.memref_slice %arg9[%dma_wait3A_100, %dma_wait3A_101] : memref<200x128xf32, #tpu.memory_space<vmem>> -> memref<100x128xf32, #tpu.memory_space<vmem>>
      %dma_wait3A_103 = arith.constant 0 : i32
      %dma_wait3A_104 = tpu.memref_slice %arg7[%add3A_62, %dma_wait3A_103] : memref<100x100xi32, #tpu.memory_space<vmem>> -> memref<1x100xi32, #tpu.memory_space<vmem>>
      %dma_wait3A_105 = tpu.memref_squeeze %dma_wait3A_104 : memref<1x100xi32, #tpu.memory_space<vmem>> -> memref<100xi32, #tpu.memory_space<vmem>>
      %dma_wait3A_106 = arith.constant 0 : i32
      %dma_wait3A_107 = arith.constant 0 : i32
      %dma_wait3A_108 = tpu.memref_slice %arg13[%dma_wait3A_106, %dma_wait3A_107] : memref<10000x128xf32, #tpu.memory_space<vmem_shared>> -> memref<10000x128xf32, #tpu.memory_space<vmem_shared>>
      tpu.wait_indirect_dma semaphore(%arg12 : memref<!tpu.dma_semaphore, #tpu.memory_space<semaphore_mem>>) src(%dma_wait3A_102 : memref<100x128xf32, #tpu.memory_space<vmem>>) dst(%dma_wait3A_108 : memref<10000x128xf32, #tpu.memory_space<vmem_shared>>)
      %dma_wait3A_109 = arith.constant 100 : i32
      %dma_wait3A_110 = arith.constant 0 : i32
      %dma_wait3A_111 = tpu.memref_slice %arg9[%dma_wait3A_109, %dma_wait3A_110] : memref<200x128xf32, #tpu.memory_space<vmem>> -> memref<100x128xf32, #tpu.memory_space<vmem>>
      %dma_wait3A_112 = arith.constant 0 : i32
      %dma_wait3A_113 = tpu.memref_slice %arg7[%add3A_84, %dma_wait3A_112] : memref<100x100xi32, #tpu.memory_space<vmem>> -> memref<1x100xi32, #tpu.memory_space<vmem>>
      %dma_wait3A_114 = tpu.memref_squeeze %dma_wait3A_113 : memref<1x100xi32, #tpu.memory_space<vmem>> -> memref<100xi32, #tpu.memory_space<vmem>>
      %dma_wait3A_115 = arith.constant 0 : i32
      %dma_wait3A_116 = arith.constant 0 : i32
      %dma_wait3A_117 = tpu.memref_slice %arg13[%dma_wait3A_115, %dma_wait3A_116] : memref<10000x128xf32, #tpu.memory_space<vmem_shared>> -> memref<10000x128xf32, #tpu.memory_space<vmem_shared>>
      tpu.wait_indirect_dma semaphore(%arg12 : memref<!tpu.dma_semaphore, #tpu.memory_space<semaphore_mem>>) src(%dma_wait3A_111 : memref<100x128xf32, #tpu.memory_space<vmem>>) dst(%dma_wait3A_117 : memref<10000x128xf32, #tpu.memory_space<vmem_shared>>)
      %scan3A_118 = arith.constant 0 : i32
      scf.yield %scan3A_118 : i32
    }
    %scan3A_15 = arith.constant 50 : i32
    %barrier3A_16 = arith.constant 0 : index
    tpu.barrier barrier_id(%barrier3A_16)
    %mul3A_17 = arith.constant 624 : i32
    %mul3A_18 = arith.muli %arg1, %mul3A_17 : i32
    %mul3A_19 = arith.constant 624 : i32
    %mul3A_20 = arith.muli %arg1, %mul3A_19 : i32
    "tpu.region"() ({
      %run_scoped3A_26 = tpu.sem_alloc : memref<!tpu.dma_semaphore, #tpu.memory_space<semaphore_mem>>
      %dma_start3A = arith.constant 0 : i32
      %dma_start3A_27 = tpu.memref_slice %arg6[%arg0, %mul3A_20, %dma_start3A] : memref<2x10000x128xf32, #tpu.memory_space<hbm>> -> memref<1x624x128xf32, #tpu.memory_space<hbm>>
      %dma_start3A_28 = tpu.memref_squeeze %dma_start3A_27 : memref<1x624x128xf32, #tpu.memory_space<hbm>> -> memref<624x128xf32, #tpu.memory_space<hbm>>
      %dma_start3A_29 = arith.constant 0 : i32
      %dma_start3A_30 = tpu.memref_slice %arg13[%mul3A_18, %dma_start3A_29] : memref<10000x128xf32, #tpu.memory_space<vmem_shared>> -> memref<624x128xf32, #tpu.memory_space<vmem_shared>>
      tpu.enqueue_dma source(%dma_start3A_30 : memref<624x128xf32, #tpu.memory_space<vmem_shared>>) target(%dma_start3A_28 : memref<624x128xf32, #tpu.memory_space<hbm>>) target_semaphore(%run_scoped3A_26 : memref<!tpu.dma_semaphore, #tpu.memory_space<semaphore_mem>>)
      %dma_wait3A = arith.constant 0 : i32
      %dma_wait3A_31 = tpu.memref_slice %arg6[%arg0, %mul3A_20, %dma_wait3A] : memref<2x10000x128xf32, #tpu.memory_space<hbm>> -> memref<1x624x128xf32, #tpu.memory_space<hbm>>
      %dma_wait3A_32 = tpu.memref_squeeze %dma_wait3A_31 : memref<1x624x128xf32, #tpu.memory_space<hbm>> -> memref<624x128xf32, #tpu.memory_space<hbm>>
      %dma_wait3A_33 = arith.constant 0 : i32
      %dma_wait3A_34 = tpu.memref_slice %arg13[%mul3A_18, %dma_wait3A_33] : memref<10000x128xf32, #tpu.memory_space<vmem_shared>> -> memref<624x128xf32, #tpu.memory_space<vmem_shared>>
      tpu.wait_dma2 semaphore(%run_scoped3A_26 : memref<!tpu.dma_semaphore, #tpu.memory_space<semaphore_mem>>) src(%dma_wait3A_34 : memref<624x128xf32, #tpu.memory_space<vmem_shared>>) dst(%dma_wait3A_32 : memref<624x128xf32, #tpu.memory_space<hbm>>)
      tpu.yield
    }) : () -> ()
    %eq3A_21 = arith.constant 0 : i32
    %eq3A_22 = arith.cmpi eq, %arg1, %eq3A_21 : i32
    %convert_element_type3A_23 = arith.extui %eq3A_22 : i1 to i32
    %cond3A_24 = arith.constant 0 : i32
    %cond3A_25 = arith.cmpi ne, %convert_element_type3A_23, %cond3A_24 : i32
    scf.if %cond3A_25 {
      "tpu.region"() ({
        %run_scoped3A_26 = tpu.sem_alloc : memref<!tpu.dma_semaphore, #tpu.memory_space<semaphore_mem>>
        %dma_start3A = arith.constant 9984 : i32
        %dma_start3A_27 = arith.constant 0 : i32
        %dma_start3A_28 = tpu.memref_slice %arg6[%arg0, %dma_start3A, %dma_start3A_27] : memref<2x10000x128xf32, #tpu.memory_space<hbm>> -> memref<1x16x128xf32, #tpu.memory_space<hbm>>
        %dma_start3A_29 = tpu.memref_squeeze %dma_start3A_28 : memref<1x16x128xf32, #tpu.memory_space<hbm>> -> memref<16x128xf32, #tpu.memory_space<hbm>>
        %dma_start3A_30 = arith.constant 9984 : i32
        %dma_start3A_31 = arith.constant 0 : i32
        %dma_start3A_32 = tpu.memref_slice %arg13[%dma_start3A_30, %dma_start3A_31] : memref<10000x128xf32, #tpu.memory_space<vmem_shared>> -> memref<16x128xf32, #tpu.memory_space<vmem_shared>>
        tpu.enqueue_dma source(%dma_start3A_32 : memref<16x128xf32, #tpu.memory_space<vmem_shared>>) target(%dma_start3A_29 : memref<16x128xf32, #tpu.memory_space<hbm>>) target_semaphore(%run_scoped3A_26 : memref<!tpu.dma_semaphore, #tpu.memory_space<semaphore_mem>>)
        %dma_wait3A = arith.constant 9984 : i32
        %dma_wait3A_33 = arith.constant 0 : i32
        %dma_wait3A_34 = tpu.memref_slice %arg6[%arg0, %dma_wait3A, %dma_wait3A_33] : memref<2x10000x128xf32, #tpu.memory_space<hbm>> -> memref<1x16x128xf32, #tpu.memory_space<hbm>>
        %dma_wait3A_35 = tpu.memref_squeeze %dma_wait3A_34 : memref<1x16x128xf32, #tpu.memory_space<hbm>> -> memref<16x128xf32, #tpu.memory_space<hbm>>
        %dma_wait3A_36 = arith.constant 9984 : i32
        %dma_wait3A_37 = arith.constant 0 : i32
        %dma_wait3A_38 = tpu.memref_slice %arg13[%dma_wait3A_36, %dma_wait3A_37] : memref<10000x128xf32, #tpu.memory_space<vmem_shared>> -> memref<16x128xf32, #tpu.memory_space<vmem_shared>>
        tpu.wait_dma2 semaphore(%run_scoped3A_26 : memref<!tpu.dma_semaphore, #tpu.memory_space<semaphore_mem>>) src(%dma_wait3A_38 : memref<16x128xf32, #tpu.memory_space<vmem_shared>>) dst(%dma_wait3A_35 : memref<16x128xf32, #tpu.memory_space<hbm>>)
        tpu.yield
      }) : () -> ()
    } else {
    }
    return
  }
}

#map = affine_map<(d0, d1) -> (0, 0)>
#map1 = affine_map<(d0, d1) -> (0, 0, 0, 0)>
#map2 = affine_map<(d0, d1) -> (0, 0, 0)>
module attributes {stable_mosaic.version = 14 : i64} {
  func.func @_spmm_call(%arg0: i32, %arg1: i32, %arg2: memref<10000x128xf32, #tpu.memory_space<hbm>>, %arg3: memref<32x100x1x100xi32, #tpu.memory_space<hbm>>, %arg4: memref<32x100x100xi32, #tpu.memory_space<hbm>>, %arg5: memref<10000x128xf32, #tpu.memory_space<hbm>>, %arg6: memref<2x10000x128xf32, #tpu.memory_space<hbm>>, %arg7: memref<100x100xi32, #tpu.memory_space<vmem>>, %arg8: memref<2x1x100xi32, #tpu.memory_space<vmem>>, %arg9: memref<200x128xf32, #tpu.memory_space<vmem>>, %arg10: memref<!tpu.dma_semaphore, #tpu.memory_space<semaphore_mem>>, %arg11: memref<!tpu.dma_semaphore, #tpu.memory_space<semaphore_mem>>, %arg12: memref<!tpu.dma_semaphore, #tpu.memory_space<semaphore_mem>>, %arg13: memref<10000x128xf32, #tpu.memory_space<vmem_shared>>) attributes {dimension_semantics = [#tpu.dimension_semantics<core_parallel>, #tpu.dimension_semantics<subcore_parallel>], iteration_bounds = array<i64: 2, 16>, scalar_prefetch = 0 : i64, scratch_operands = 7 : i64, tpu.core_type = #tpu.core_type<sc_vector_subcore>, window_params = [{transform_indices = #map}, {transform_indices = #map1}, {transform_indices = #map2}, {transform_indices = #map}, {transform_indices = #map2}]} {
    %mul3A = arith.constant 16 : i32
    %mul3A_0 = arith.muli %arg0, %mul3A : i32
    %add3A = arith.addi %mul3A_0, %arg1 : i32
    %mul3A_1 = arith.constant 624 : i32
    %mul3A_2 = arith.muli %arg1, %mul3A_1 : i32
    %mul3A_3 = arith.constant 624 : i32
    %mul3A_4 = arith.muli %arg1, %mul3A_3 : i32
    "tpu.region"() ({
      %run_scoped3A_26 = tpu.sem_alloc : memref<!tpu.dma_semaphore, #tpu.memory_space<semaphore_mem>>
      %dma_start3A = arith.constant 0 : i32
      %dma_start3A_27 = tpu.memref_slice %arg13[%mul3A_4, %dma_start3A] : memref<10000x128xf32, #tpu.memory_space<vmem_shared>> -> memref<624x128xf32, #tpu.memory_space<vmem_shared>>
      %dma_start3A_28 = arith.constant 0 : i32
      %dma_start3A_29 = tpu.memref_slice %arg5[%mul3A_2, %dma_start3A_28] : memref<10000x128xf32, #tpu.memory_space<hbm>> -> memref<624x128xf32, #tpu.memory_space<hbm>>
      tpu.enqueue_dma source(%dma_start3A_29 : memref<624x128xf32, #tpu.memory_space<hbm>>) target(%dma_start3A_27 : memref<624x128xf32, #tpu.memory_space<vmem_shared>>) target_semaphore(%run_scoped3A_26 : memref<!tpu.dma_semaphore, #tpu.memory_space<semaphore_mem>>)
      %dma_wait3A = arith.constant 0 : i32
      %dma_wait3A_30 = tpu.memref_slice %arg13[%mul3A_4, %dma_wait3A] : memref<10000x128xf32, #tpu.memory_space<vmem_shared>> -> memref<624x128xf32, #tpu.memory_space<vmem_shared>>
      %dma_wait3A_31 = arith.constant 0 : i32
      %dma_wait3A_32 = tpu.memref_slice %arg5[%mul3A_2, %dma_wait3A_31] : memref<10000x128xf32, #tpu.memory_space<hbm>> -> memref<624x128xf32, #tpu.memory_space<hbm>>
      tpu.wait_dma2 semaphore(%run_scoped3A_26 : memref<!tpu.dma_semaphore, #tpu.memory_space<semaphore_mem>>) src(%dma_wait3A_32 : memref<624x128xf32, #tpu.memory_space<hbm>>) dst(%dma_wait3A_30 : memref<624x128xf32, #tpu.memory_space<vmem_shared>>)
      tpu.yield
    }) : () -> ()
    %eq3A = arith.constant 0 : i32
    %eq3A_5 = arith.cmpi eq, %arg1, %eq3A : i32
    %convert_element_type3A = arith.extui %eq3A_5 : i1 to i32
    %cond3A = arith.constant 0 : i32
    %cond3A_6 = arith.cmpi ne, %convert_element_type3A, %cond3A : i32
    scf.if %cond3A_6 {
      "tpu.region"() ({
        %run_scoped3A_26 = tpu.sem_alloc : memref<!tpu.dma_semaphore, #tpu.memory_space<semaphore_mem>>
        %dma_start3A = arith.constant 9984 : i32
        %dma_start3A_27 = arith.constant 0 : i32
        %dma_start3A_28 = tpu.memref_slice %arg13[%dma_start3A, %dma_start3A_27] : memref<10000x128xf32, #tpu.memory_space<vmem_shared>> -> memref<16x128xf32, #tpu.memory_space<vmem_shared>>
        %dma_start3A_29 = arith.constant 9984 : i32
        %dma_start3A_30 = arith.constant 0 : i32
        %dma_start3A_31 = tpu.memref_slice %arg5[%dma_start3A_29, %dma_start3A_30] : memref<10000x128xf32, #tpu.memory_space<hbm>> -> memref<16x128xf32, #tpu.memory_space<hbm>>
        tpu.enqueue_dma source(%dma_start3A_31 : memref<16x128xf32, #tpu.memory_space<hbm>>) target(%dma_start3A_28 : memref<16x128xf32, #tpu.memory_space<vmem_shared>>) target_semaphore(%run_scoped3A_26 : memref<!tpu.dma_semaphore, #tpu.memory_space<semaphore_mem>>)
        %dma_wait3A = arith.constant 9984 : i32
        %dma_wait3A_32 = arith.constant 0 : i32
        %dma_wait3A_33 = tpu.memref_slice %arg13[%dma_wait3A, %dma_wait3A_32] : memref<10000x128xf32, #tpu.memory_space<vmem_shared>> -> memref<16x128xf32, #tpu.memory_space<vmem_shared>>
        %dma_wait3A_34 = arith.constant 9984 : i32
        %dma_wait3A_35 = arith.constant 0 : i32
        %dma_wait3A_36 = tpu.memref_slice %arg5[%dma_wait3A_34, %dma_wait3A_35] : memref<10000x128xf32, #tpu.memory_space<hbm>> -> memref<16x128xf32, #tpu.memory_space<hbm>>
        tpu.wait_dma2 semaphore(%run_scoped3A_26 : memref<!tpu.dma_semaphore, #tpu.memory_space<semaphore_mem>>) src(%dma_wait3A_36 : memref<16x128xf32, #tpu.memory_space<hbm>>) dst(%dma_wait3A_33 : memref<16x128xf32, #tpu.memory_space<vmem_shared>>)
        tpu.yield
      }) : () -> ()
    } else {
    }
    "tpu.region"() ({
      %run_scoped3A_26 = tpu.sem_alloc : memref<!tpu.dma_semaphore, #tpu.memory_space<semaphore_mem>>
      %dma_start3A = arith.constant 0 : i32
      %dma_start3A_27 = arith.constant 0 : i32
      %dma_start3A_28 = tpu.memref_slice %arg4[%add3A, %dma_start3A, %dma_start3A_27] : memref<32x100x100xi32, #tpu.memory_space<hbm>> -> memref<1x100x100xi32, #tpu.memory_space<hbm>>
      %dma_start3A_29 = tpu.memref_squeeze %dma_start3A_28 : memref<1x100x100xi32, #tpu.memory_space<hbm>> -> memref<100x100xi32, #tpu.memory_space<hbm>>
      %dma_start3A_30 = arith.constant 0 : i32
      %dma_start3A_31 = arith.constant 0 : i32
      %dma_start3A_32 = tpu.memref_slice %arg4[%add3A, %dma_start3A_30, %dma_start3A_31] : memref<32x100x100xi32, #tpu.memory_space<hbm>> -> memref<1x100x100xi32, #tpu.memory_space<hbm>>
      %dma_start3A_33 = tpu.memref_squeeze %dma_start3A_32 : memref<1x100x100xi32, #tpu.memory_space<hbm>> -> memref<100x100xi32, #tpu.memory_space<hbm>>
      tpu.enqueue_dma source(%dma_start3A_33 : memref<100x100xi32, #tpu.memory_space<hbm>>) target(%arg7 : memref<100x100xi32, #tpu.memory_space<vmem>>) target_semaphore(%run_scoped3A_26 : memref<!tpu.dma_semaphore, #tpu.memory_space<semaphore_mem>>)
      %dma_wait3A = arith.constant 0 : i32
      %dma_wait3A_34 = arith.constant 0 : i32
      %dma_wait3A_35 = tpu.memref_slice %arg4[%add3A, %dma_wait3A, %dma_wait3A_34] : memref<32x100x100xi32, #tpu.memory_space<hbm>> -> memref<1x100x100xi32, #tpu.memory_space<hbm>>
      %dma_wait3A_36 = tpu.memref_squeeze %dma_wait3A_35 : memref<1x100x100xi32, #tpu.memory_space<hbm>> -> memref<100x100xi32, #tpu.memory_space<hbm>>
      %dma_wait3A_37 = arith.constant 0 : i32
      %dma_wait3A_38 = arith.constant 0 : i32
      %dma_wait3A_39 = tpu.memref_slice %arg4[%add3A, %dma_wait3A_37, %dma_wait3A_38] : memref<32x100x100xi32, #tpu.memory_space<hbm>> -> memref<1x100x100xi32, #tpu.memory_space<hbm>>
      %dma_wait3A_40 = tpu.memref_squeeze %dma_wait3A_39 : memref<1x100x100xi32, #tpu.memory_space<hbm>> -> memref<100x100xi32, #tpu.memory_space<hbm>>
      tpu.wait_dma2 semaphore(%run_scoped3A_26 : memref<!tpu.dma_semaphore, #tpu.memory_space<semaphore_mem>>) src(%dma_wait3A_40 : memref<100x100xi32, #tpu.memory_space<hbm>>) dst(%arg7 : memref<100x100xi32, #tpu.memory_space<vmem>>)
      tpu.yield
    }) : () -> ()
    %run_scoped3A = arith.constant 0 : i32
    %run_scoped3A_7 = arith.constant 0 : i32
    "tpu.region"() ({
      %run_scoped3A_26 = tpu.sem_alloc : memref<!tpu.dma_semaphore, #tpu.memory_space<semaphore_mem>>
      %dma_start3A = arith.constant 0 : i32
      %dma_start3A_27 = arith.constant 0 : i32
      %dma_start3A_28 = tpu.memref_slice %arg8[%run_scoped3A_7, %dma_start3A, %dma_start3A_27] : memref<2x1x100xi32, #tpu.memory_space<vmem>> -> memref<1x1x100xi32, #tpu.memory_space<vmem>>
      %dma_start3A_29 = tpu.memref_squeeze %dma_start3A_28 : memref<1x1x100xi32, #tpu.memory_space<vmem>> -> memref<1x100xi32, #tpu.memory_space<vmem>>
      %dma_start3A_30 = arith.constant 0 : i32
      %dma_start3A_31 = arith.constant 0 : i32
      %dma_start3A_32 = tpu.memref_slice %arg3[%add3A, %run_scoped3A, %dma_start3A_30, %dma_start3A_31] : memref<32x100x1x100xi32, #tpu.memory_space<hbm>> -> memref<1x1x1x100xi32, #tpu.memory_space<hbm>>
      %dma_start3A_33 = tpu.memref_squeeze %dma_start3A_32 : memref<1x1x1x100xi32, #tpu.memory_space<hbm>> -> memref<1x100xi32, #tpu.memory_space<hbm>>
      %dma_start3A_34 = arith.constant 0 : i32
      %dma_start3A_35 = arith.constant 0 : i32
      %dma_start3A_36 = tpu.memref_slice %arg8[%run_scoped3A_7, %dma_start3A_34, %dma_start3A_35] : memref<2x1x100xi32, #tpu.memory_space<vmem>> -> memref<1x1x100xi32, #tpu.memory_space<vmem>>
      %dma_start3A_37 = tpu.memref_squeeze %dma_start3A_36 : memref<1x1x100xi32, #tpu.memory_space<vmem>> -> memref<1x100xi32, #tpu.memory_space<vmem>>
      %dma_start3A_38 = arith.constant 0 : i32
      %dma_start3A_39 = arith.constant 0 : i32
      %dma_start3A_40 = tpu.memref_slice %arg3[%add3A, %run_scoped3A, %dma_start3A_38, %dma_start3A_39] : memref<32x100x1x100xi32, #tpu.memory_space<hbm>> -> memref<1x1x1x100xi32, #tpu.memory_space<hbm>>
      %dma_start3A_41 = tpu.memref_squeeze %dma_start3A_40 : memref<1x1x1x100xi32, #tpu.memory_space<hbm>> -> memref<1x100xi32, #tpu.memory_space<hbm>>
      tpu.enqueue_dma source(%dma_start3A_41 : memref<1x100xi32, #tpu.memory_space<hbm>>) target(%dma_start3A_37 : memref<1x100xi32, #tpu.memory_space<vmem>>) target_semaphore(%run_scoped3A_26 : memref<!tpu.dma_semaphore, #tpu.memory_space<semaphore_mem>>)
      %dma_wait3A = arith.constant 0 : i32
      %dma_wait3A_42 = arith.constant 0 : i32
      %dma_wait3A_43 = tpu.memref_slice %arg8[%run_scoped3A_7, %dma_wait3A, %dma_wait3A_42] : memref<2x1x100xi32, #tpu.memory_space<vmem>> -> memref<1x1x100xi32, #tpu.memory_space<vmem>>
      %dma_wait3A_44 = tpu.memref_squeeze %dma_wait3A_43 : memref<1x1x100xi32, #tpu.memory_space<vmem>> -> memref<1x100xi32, #tpu.memory_space<vmem>>
      %dma_wait3A_45 = arith.constant 0 : i32
      %dma_wait3A_46 = arith.constant 0 : i32
      %dma_wait3A_47 = tpu.memref_slice %arg3[%add3A, %run_scoped3A, %dma_wait3A_45, %dma_wait3A_46] : memref<32x100x1x100xi32, #tpu.memory_space<hbm>> -> memref<1x1x1x100xi32, #tpu.memory_space<hbm>>
      %dma_wait3A_48 = tpu.memref_squeeze %dma_wait3A_47 : memref<1x1x1x100xi32, #tpu.memory_space<hbm>> -> memref<1x100xi32, #tpu.memory_space<hbm>>
      %dma_wait3A_49 = arith.constant 0 : i32
      %dma_wait3A_50 = arith.constant 0 : i32
      %dma_wait3A_51 = tpu.memref_slice %arg8[%run_scoped3A_7, %dma_wait3A_49, %dma_wait3A_50] : memref<2x1x100xi32, #tpu.memory_space<vmem>> -> memref<1x1x100xi32, #tpu.memory_space<vmem>>
      %dma_wait3A_52 = tpu.memref_squeeze %dma_wait3A_51 : memref<1x1x100xi32, #tpu.memory_space<vmem>> -> memref<1x100xi32, #tpu.memory_space<vmem>>
      %dma_wait3A_53 = arith.constant 0 : i32
      %dma_wait3A_54 = arith.constant 0 : i32
      %dma_wait3A_55 = tpu.memref_slice %arg3[%add3A, %run_scoped3A, %dma_wait3A_53, %dma_wait3A_54] : memref<32x100x1x100xi32, #tpu.memory_space<hbm>> -> memref<1x1x1x100xi32, #tpu.memory_space<hbm>>
      %dma_wait3A_56 = tpu.memref_squeeze %dma_wait3A_55 : memref<1x1x1x100xi32, #tpu.memory_space<hbm>> -> memref<1x100xi32, #tpu.memory_space<hbm>>
      tpu.wait_dma2 semaphore(%run_scoped3A_26 : memref<!tpu.dma_semaphore, #tpu.memory_space<semaphore_mem>>) src(%dma_wait3A_56 : memref<1x100xi32, #tpu.memory_space<hbm>>) dst(%dma_wait3A_52 : memref<1x100xi32, #tpu.memory_space<vmem>>)
      tpu.yield
    }) : () -> ()
    %run_scoped3A_8 = arith.constant 1 : i32
    %run_scoped3A_9 = arith.constant 1 : i32
    "tpu.region"() ({
      %run_scoped3A_26 = tpu.sem_alloc : memref<!tpu.dma_semaphore, #tpu.memory_space<semaphore_mem>>
      %dma_start3A = arith.constant 0 : i32
      %dma_start3A_27 = arith.constant 0 : i32
      %dma_start3A_28 = tpu.memref_slice %arg8[%run_scoped3A_9, %dma_start3A, %dma_start3A_27] : memref<2x1x100xi32, #tpu.memory_space<vmem>> -> memref<1x1x100xi32, #tpu.memory_space<vmem>>
      %dma_start3A_29 = tpu.memref_squeeze %dma_start3A_28 : memref<1x1x100xi32, #tpu.memory_space<vmem>> -> memref<1x100xi32, #tpu.memory_space<vmem>>
      %dma_start3A_30 = arith.constant 0 : i32
      %dma_start3A_31 = arith.constant 0 : i32
      %dma_start3A_32 = tpu.memref_slice %arg3[%add3A, %run_scoped3A_8, %dma_start3A_30, %dma_start3A_31] : memref<32x100x1x100xi32, #tpu.memory_space<hbm>> -> memref<1x1x1x100xi32, #tpu.memory_space<hbm>>
      %dma_start3A_33 = tpu.memref_squeeze %dma_start3A_32 : memref<1x1x1x100xi32, #tpu.memory_space<hbm>> -> memref<1x100xi32, #tpu.memory_space<hbm>>
      %dma_start3A_34 = arith.constant 0 : i32
      %dma_start3A_35 = arith.constant 0 : i32
      %dma_start3A_36 = tpu.memref_slice %arg8[%run_scoped3A_9, %dma_start3A_34, %dma_start3A_35] : memref<2x1x100xi32, #tpu.memory_space<vmem>> -> memref<1x1x100xi32, #tpu.memory_space<vmem>>
      %dma_start3A_37 = tpu.memref_squeeze %dma_start3A_36 : memref<1x1x100xi32, #tpu.memory_space<vmem>> -> memref<1x100xi32, #tpu.memory_space<vmem>>
      %dma_start3A_38 = arith.constant 0 : i32
      %dma_start3A_39 = arith.constant 0 : i32
      %dma_start3A_40 = tpu.memref_slice %arg3[%add3A, %run_scoped3A_8, %dma_start3A_38, %dma_start3A_39] : memref<32x100x1x100xi32, #tpu.memory_space<hbm>> -> memref<1x1x1x100xi32, #tpu.memory_space<hbm>>
      %dma_start3A_41 = tpu.memref_squeeze %dma_start3A_40 : memref<1x1x1x100xi32, #tpu.memory_space<hbm>> -> memref<1x100xi32, #tpu.memory_space<hbm>>
      tpu.enqueue_dma source(%dma_start3A_41 : memref<1x100xi32, #tpu.memory_space<hbm>>) target(%dma_start3A_37 : memref<1x100xi32, #tpu.memory_space<vmem>>) target_semaphore(%run_scoped3A_26 : memref<!tpu.dma_semaphore, #tpu.memory_space<semaphore_mem>>)
      %dma_wait3A = arith.constant 0 : i32
      %dma_wait3A_42 = arith.constant 0 : i32
      %dma_wait3A_43 = tpu.memref_slice %arg8[%run_scoped3A_9, %dma_wait3A, %dma_wait3A_42] : memref<2x1x100xi32, #tpu.memory_space<vmem>> -> memref<1x1x100xi32, #tpu.memory_space<vmem>>
      %dma_wait3A_44 = tpu.memref_squeeze %dma_wait3A_43 : memref<1x1x100xi32, #tpu.memory_space<vmem>> -> memref<1x100xi32, #tpu.memory_space<vmem>>
      %dma_wait3A_45 = arith.constant 0 : i32
      %dma_wait3A_46 = arith.constant 0 : i32
      %dma_wait3A_47 = tpu.memref_slice %arg3[%add3A, %run_scoped3A_8, %dma_wait3A_45, %dma_wait3A_46] : memref<32x100x1x100xi32, #tpu.memory_space<hbm>> -> memref<1x1x1x100xi32, #tpu.memory_space<hbm>>
      %dma_wait3A_48 = tpu.memref_squeeze %dma_wait3A_47 : memref<1x1x1x100xi32, #tpu.memory_space<hbm>> -> memref<1x100xi32, #tpu.memory_space<hbm>>
      %dma_wait3A_49 = arith.constant 0 : i32
      %dma_wait3A_50 = arith.constant 0 : i32
      %dma_wait3A_51 = tpu.memref_slice %arg8[%run_scoped3A_9, %dma_wait3A_49, %dma_wait3A_50] : memref<2x1x100xi32, #tpu.memory_space<vmem>> -> memref<1x1x100xi32, #tpu.memory_space<vmem>>
      %dma_wait3A_52 = tpu.memref_squeeze %dma_wait3A_51 : memref<1x1x100xi32, #tpu.memory_space<vmem>> -> memref<1x100xi32, #tpu.memory_space<vmem>>
      %dma_wait3A_53 = arith.constant 0 : i32
      %dma_wait3A_54 = arith.constant 0 : i32
      %dma_wait3A_55 = tpu.memref_slice %arg3[%add3A, %run_scoped3A_8, %dma_wait3A_53, %dma_wait3A_54] : memref<32x100x1x100xi32, #tpu.memory_space<hbm>> -> memref<1x1x1x100xi32, #tpu.memory_space<hbm>>
      %dma_wait3A_56 = tpu.memref_squeeze %dma_wait3A_55 : memref<1x1x1x100xi32, #tpu.memory_space<hbm>> -> memref<1x100xi32, #tpu.memory_space<hbm>>
      tpu.wait_dma2 semaphore(%run_scoped3A_26 : memref<!tpu.dma_semaphore, #tpu.memory_space<semaphore_mem>>) src(%dma_wait3A_56 : memref<1x100xi32, #tpu.memory_space<hbm>>) dst(%dma_wait3A_52 : memref<1x100xi32, #tpu.memory_space<vmem>>)
      tpu.yield
    }) : () -> ()
    %barrier3A = arith.constant 0 : index
    tpu.barrier barrier_id(%barrier3A)
    %scan3A = arith.constant 0 : i32
    %scan3A_10 = arith.constant 0 : i32
    %scan3A_11 = arith.constant 50 : i32
    %scan3A_12 = arith.addi %scan3A_10, %scan3A_11 : i32
    %scan3A_13 = arith.constant 1 : i32
    %scan3A_14 = scf.for %scan3A_26 = %scan3A_10 to %scan3A_12 step %scan3A_13 iter_args(%scan3A_27 = %scan3A) -> (i32)  : i32 {
      %mul3A_28 = arith.constant 2 : i32
      %mul3A_29 = arith.muli %scan3A_26, %mul3A_28 : i32
      %dma_start3A = arith.constant 0 : i32
      %dma_start3A_30 = arith.constant 0 : i32
      %dma_start3A_31 = arith.constant 0 : i32
      %dma_start3A_32 = arith.constant 0 : i32
      %dma_start3A_33 = tpu.memref_slice %arg9[%dma_start3A_31, %dma_start3A_32] : memref<200x128xf32, #tpu.memory_space<vmem>> -> memref<100x128xf32, #tpu.memory_space<vmem>>
      %dma_start3A_34 = arith.constant 0 : i32
      %dma_start3A_35 = tpu.memref_slice %arg8[%dma_start3A, %dma_start3A_30, %dma_start3A_34] : memref<2x1x100xi32, #tpu.memory_space<vmem>> -> memref<1x1x100xi32, #tpu.memory_space<vmem>>
      %dma_start3A_36 = tpu.memref_squeeze %dma_start3A_35 : memref<1x1x100xi32, #tpu.memory_space<vmem>> -> memref<100xi32, #tpu.memory_space<vmem>>
      %dma_start3A_37 = arith.constant 0 : i32
      %dma_start3A_38 = arith.constant 0 : i32
      %dma_start3A_39 = tpu.memref_slice %arg2[%dma_start3A_37, %dma_start3A_38] : memref<10000x128xf32, #tpu.memory_space<hbm>> -> memref<10000x128xf32, #tpu.memory_space<hbm>>
      tpu.enqueue_indirect_dma source(%dma_start3A_39 : memref<10000x128xf32, #tpu.memory_space<hbm>>) target(%dma_start3A_33 : memref<100x128xf32, #tpu.memory_space<vmem>>) offsets(%dma_start3A_36 : memref<100xi32, #tpu.memory_space<vmem>>) semaphore(%arg10 : memref<!tpu.dma_semaphore, #tpu.memory_space<semaphore_mem>>)
      %dma_start3A_40 = arith.constant 1 : i32
      %dma_start3A_41 = arith.constant 0 : i32
      %dma_start3A_42 = arith.constant 100 : i32
      %dma_start3A_43 = arith.constant 0 : i32
      %dma_start3A_44 = tpu.memref_slice %arg9[%dma_start3A_42, %dma_start3A_43] : memref<200x128xf32, #tpu.memory_space<vmem>> -> memref<100x128xf32, #tpu.memory_space<vmem>>
      %dma_start3A_45 = arith.constant 0 : i32
      %dma_start3A_46 = tpu.memref_slice %arg8[%dma_start3A_40, %dma_start3A_41, %dma_start3A_45] : memref<2x1x100xi32, #tpu.memory_space<vmem>> -> memref<1x1x100xi32, #tpu.memory_space<vmem>>
      %dma_start3A_47 = tpu.memref_squeeze %dma_start3A_46 : memref<1x1x100xi32, #tpu.memory_space<vmem>> -> memref<100xi32, #tpu.memory_space<vmem>>
      %dma_start3A_48 = arith.constant 0 : i32
      %dma_start3A_49 = arith.constant 0 : i32
      %dma_start3A_50 = tpu.memref_slice %arg2[%dma_start3A_48, %dma_start3A_49] : memref<10000x128xf32, #tpu.memory_space<hbm>> -> memref<10000x128xf32, #tpu.memory_space<hbm>>
      tpu.enqueue_indirect_dma source(%dma_start3A_50 : memref<10000x128xf32, #tpu.memory_space<hbm>>) target(%dma_start3A_44 : memref<100x128xf32, #tpu.memory_space<vmem>>) offsets(%dma_start3A_47 : memref<100xi32, #tpu.memory_space<vmem>>) semaphore(%arg11 : memref<!tpu.dma_semaphore, #tpu.memory_space<semaphore_mem>>)
      %dma_wait3A = arith.constant 0 : i32
      %dma_wait3A_51 = arith.constant 0 : i32
      %dma_wait3A_52 = arith.constant 0 : i32
      %dma_wait3A_53 = arith.constant 0 : i32
      %dma_wait3A_54 = tpu.memref_slice %arg9[%dma_wait3A_52, %dma_wait3A_53] : memref<200x128xf32, #tpu.memory_space<vmem>> -> memref<100x128xf32, #tpu.memory_space<vmem>>
      %dma_wait3A_55 = arith.constant 0 : i32
      %dma_wait3A_56 = tpu.memref_slice %arg8[%dma_wait3A, %dma_wait3A_51, %dma_wait3A_55] : memref<2x1x100xi32, #tpu.memory_space<vmem>> -> memref<1x1x100xi32, #tpu.memory_space<vmem>>
      %dma_wait3A_57 = tpu.memref_squeeze %dma_wait3A_56 : memref<1x1x100xi32, #tpu.memory_space<vmem>> -> memref<100xi32, #tpu.memory_space<vmem>>
      %dma_wait3A_58 = arith.constant 0 : i32
      %dma_wait3A_59 = arith.constant 0 : i32
      %dma_wait3A_60 = tpu.memref_slice %arg2[%dma_wait3A_58, %dma_wait3A_59] : memref<10000x128xf32, #tpu.memory_space<hbm>> -> memref<10000x128xf32, #tpu.memory_space<hbm>>
      tpu.wait_indirect_dma semaphore(%arg10 : memref<!tpu.dma_semaphore, #tpu.memory_space<semaphore_mem>>) src(%dma_wait3A_60 : memref<10000x128xf32, #tpu.memory_space<hbm>>) dst(%dma_wait3A_54 : memref<100x128xf32, #tpu.memory_space<vmem>>)
      %add3A_61 = arith.constant 0 : i32
      %add3A_62 = arith.addi %mul3A_29, %add3A_61 : i32
      %dma_start3A_63 = arith.constant 0 : i32
      %dma_start3A_64 = arith.constant 0 : i32
      %dma_start3A_65 = tpu.memref_slice %arg9[%dma_start3A_63, %dma_start3A_64] : memref<200x128xf32, #tpu.memory_space<vmem>> -> memref<100x128xf32, #tpu.memory_space<vmem>>
      %dma_start3A_66 = arith.constant 0 : i32
      %dma_start3A_67 = tpu.memref_slice %arg7[%add3A_62, %dma_start3A_66] : memref<100x100xi32, #tpu.memory_space<vmem>> -> memref<1x100xi32, #tpu.memory_space<vmem>>
      %dma_start3A_68 = tpu.memref_squeeze %dma_start3A_67 : memref<1x100xi32, #tpu.memory_space<vmem>> -> memref<100xi32, #tpu.memory_space<vmem>>
      %dma_start3A_69 = arith.constant 0 : i32
      %dma_start3A_70 = arith.constant 0 : i32
      %dma_start3A_71 = tpu.memref_slice %arg13[%dma_start3A_69, %dma_start3A_70] : memref<10000x128xf32, #tpu.memory_space<vmem_shared>> -> memref<10000x128xf32, #tpu.memory_space<vmem_shared>>
      tpu.enqueue_indirect_dma source(%dma_start3A_65 : memref<100x128xf32, #tpu.memory_space<vmem>>) target(%dma_start3A_71 : memref<10000x128xf32, #tpu.memory_space<vmem_shared>>) offsets(%dma_start3A_68 : memref<100xi32, #tpu.memory_space<vmem>>) semaphore(%arg12 : memref<!tpu.dma_semaphore, #tpu.memory_space<semaphore_mem>>) {add = true}
      %dma_wait3A_72 = arith.constant 1 : i32
      %dma_wait3A_73 = arith.constant 0 : i32
      %dma_wait3A_74 = arith.constant 100 : i32
      %dma_wait3A_75 = arith.constant 0 : i32
      %dma_wait3A_76 = tpu.memref_slice %arg9[%dma_wait3A_74, %dma_wait3A_75] : memref<200x128xf32, #tpu.memory_space<vmem>> -> memref<100x128xf32, #tpu.memory_space<vmem>>
      %dma_wait3A_77 = arith.constant 0 : i32
      %dma_wait3A_78 = tpu.memref_slice %arg8[%dma_wait3A_72, %dma_wait3A_73, %dma_wait3A_77] : memref<2x1x100xi32, #tpu.memory_space<vmem>> -> memref<1x1x100xi32, #tpu.memory_space<vmem>>
      %dma_wait3A_79 = tpu.memref_squeeze %dma_wait3A_78 : memref<1x1x100xi32, #tpu.memory_space<vmem>> -> memref<100xi32, #tpu.memory_space<vmem>>
      %dma_wait3A_80 = arith.constant 0 : i32
      %dma_wait3A_81 = arith.constant 0 : i32
      %dma_wait3A_82 = tpu.memref_slice %arg2[%dma_wait3A_80, %dma_wait3A_81] : memref<10000x128xf32, #tpu.memory_space<hbm>> -> memref<10000x128xf32, #tpu.memory_space<hbm>>
      tpu.wait_indirect_dma semaphore(%arg11 : memref<!tpu.dma_semaphore, #tpu.memory_space<semaphore_mem>>) src(%dma_wait3A_82 : memref<10000x128xf32, #tpu.memory_space<hbm>>) dst(%dma_wait3A_76 : memref<100x128xf32, #tpu.memory_space<vmem>>)
      %add3A_83 = arith.constant 1 : i32
      %add3A_84 = arith.addi %mul3A_29, %add3A_83 : i32
      %dma_start3A_85 = arith.constant 100 : i32
      %dma_start3A_86 = arith.constant 0 : i32
      %dma_start3A_87 = tpu.memref_slice %arg9[%dma_start3A_85, %dma_start3A_86] : memref<200x128xf32, #tpu.memory_space<vmem>> -> memref<100x128xf32, #tpu.memory_space<vmem>>
      %dma_start3A_88 = arith.constant 0 : i32
      %dma_start3A_89 = tpu.memref_slice %arg7[%add3A_84, %dma_start3A_88] : memref<100x100xi32, #tpu.memory_space<vmem>> -> memref<1x100xi32, #tpu.memory_space<vmem>>
      %dma_start3A_90 = tpu.memref_squeeze %dma_start3A_89 : memref<1x100xi32, #tpu.memory_space<vmem>> -> memref<100xi32, #tpu.memory_space<vmem>>
      %dma_start3A_91 = arith.constant 0 : i32
      %dma_start3A_92 = arith.constant 0 : i32
      %dma_start3A_93 = tpu.memref_slice %arg13[%dma_start3A_91, %dma_start3A_92] : memref<10000x128xf32, #tpu.memory_space<vmem_shared>> -> memref<10000x128xf32, #tpu.memory_space<vmem_shared>>
      tpu.enqueue_indirect_dma source(%dma_start3A_87 : memref<100x128xf32, #tpu.memory_space<vmem>>) target(%dma_start3A_93 : memref<10000x128xf32, #tpu.memory_space<vmem_shared>>) offsets(%dma_start3A_90 : memref<100xi32, #tpu.memory_space<vmem>>) semaphore(%arg12 : memref<!tpu.dma_semaphore, #tpu.memory_space<semaphore_mem>>) {add = true}
      %add3A_94 = arith.constant 2 : i32
      %add3A_95 = arith.addi %mul3A_29, %add3A_94 : i32
      %lt3A = arith.constant 100 : i32
      %lt3A_96 = arith.cmpi slt, %add3A_95, %lt3A : i32
      %convert_element_type3A_97 = arith.extui %lt3A_96 : i1 to i32
      %cond3A_98 = arith.constant 0 : i32
      %cond3A_99 = arith.cmpi ne, %convert_element_type3A_97, %cond3A_98 : i32
      scf.if %cond3A_99 {
        %add3A_119 = arith.constant 2 : i32
        %add3A_120 = arith.addi %mul3A_29, %add3A_119 : i32
        %add3A_121 = arith.constant 0 : i32
        %add3A_122 = arith.addi %add3A_120, %add3A_121 : i32
        %run_scoped3A_123 = arith.constant 0 : i32
        "tpu.region"() ({
          %run_scoped3A_129 = tpu.sem_alloc : memref<!tpu.dma_semaphore, #tpu.memory_space<semaphore_mem>>
          %dma_start3A_130 = arith.constant 0 : i32
          %dma_start3A_131 = arith.constant 0 : i32
          %dma_start3A_132 = tpu.memref_slice %arg8[%run_scoped3A_123, %dma_start3A_130, %dma_start3A_131] : memref<2x1x100xi32, #tpu.memory_space<vmem>> -> memref<1x1x100xi32, #tpu.memory_space<vmem>>
          %dma_start3A_133 = tpu.memref_squeeze %dma_start3A_132 : memref<1x1x100xi32, #tpu.memory_space<vmem>> -> memref<1x100xi32, #tpu.memory_space<vmem>>
          %dma_start3A_134 = arith.constant 0 : i32
          %dma_start3A_135 = arith.constant 0 : i32
          %dma_start3A_136 = tpu.memref_slice %arg3[%add3A, %add3A_122, %dma_start3A_134, %dma_start3A_135] : memref<32x100x1x100xi32, #tpu.memory_space<hbm>> -> memref<1x1x1x100xi32, #tpu.memory_space<hbm>>
          %dma_start3A_137 = tpu.memref_squeeze %dma_start3A_136 : memref<1x1x1x100xi32, #tpu.memory_space<hbm>> -> memref<1x100xi32, #tpu.memory_space<hbm>>
          %dma_start3A_138 = arith.constant 0 : i32
          %dma_start3A_139 = arith.constant 0 : i32
          %dma_start3A_140 = tpu.memref_slice %arg8[%run_scoped3A_123, %dma_start3A_138, %dma_start3A_139] : memref<2x1x100xi32, #tpu.memory_space<vmem>> -> memref<1x1x100xi32, #tpu.memory_space<vmem>>
          %dma_start3A_141 = tpu.memref_squeeze %dma_start3A_140 : memref<1x1x100xi32, #tpu.memory_space<vmem>> -> memref<1x100xi32, #tpu.memory_space<vmem>>
          %dma_start3A_142 = arith.constant 0 : i32
          %dma_start3A_143 = arith.constant 0 : i32
          %dma_start3A_144 = tpu.memref_slice %arg3[%add3A, %add3A_122, %dma_start3A_142, %dma_start3A_143] : memref<32x100x1x100xi32, #tpu.memory_space<hbm>> -> memref<1x1x1x100xi32, #tpu.memory_space<hbm>>
          %dma_start3A_145 = tpu.memref_squeeze %dma_start3A_144 : memref<1x1x1x100xi32, #tpu.memory_space<hbm>> -> memref<1x100xi32, #tpu.memory_space<hbm>>
          tpu.enqueue_dma source(%dma_start3A_145 : memref<1x100xi32, #tpu.memory_space<hbm>>) target(%dma_start3A_141 : memref<1x100xi32, #tpu.memory_space<vmem>>) target_semaphore(%run_scoped3A_129 : memref<!tpu.dma_semaphore, #tpu.memory_space<semaphore_mem>>)
          %dma_wait3A_146 = arith.constant 0 : i32
          %dma_wait3A_147 = arith.constant 0 : i32
          %dma_wait3A_148 = tpu.memref_slice %arg8[%run_scoped3A_123, %dma_wait3A_146, %dma_wait3A_147] : memref<2x1x100xi32, #tpu.memory_space<vmem>> -> memref<1x1x100xi32, #tpu.memory_space<vmem>>
          %dma_wait3A_149 = tpu.memref_squeeze %dma_wait3A_148 : memref<1x1x100xi32, #tpu.memory_space<vmem>> -> memref<1x100xi32, #tpu.memory_space<vmem>>
          %dma_wait3A_150 = arith.constant 0 : i32
          %dma_wait3A_151 = arith.constant 0 : i32
          %dma_wait3A_152 = tpu.memref_slice %arg3[%add3A, %add3A_122, %dma_wait3A_150, %dma_wait3A_151] : memref<32x100x1x100xi32, #tpu.memory_space<hbm>> -> memref<1x1x1x100xi32, #tpu.memory_space<hbm>>
          %dma_wait3A_153 = tpu.memref_squeeze %dma_wait3A_152 : memref<1x1x1x100xi32, #tpu.memory_space<hbm>> -> memref<1x100xi32, #tpu.memory_space<hbm>>
          %dma_wait3A_154 = arith.constant 0 : i32
          %dma_wait3A_155 = arith.constant 0 : i32
          %dma_wait3A_156 = tpu.memref_slice %arg8[%run_scoped3A_123, %dma_wait3A_154, %dma_wait3A_155] : memref<2x1x100xi32, #tpu.memory_space<vmem>> -> memref<1x1x100xi32, #tpu.memory_space<vmem>>
          %dma_wait3A_157 = tpu.memref_squeeze %dma_wait3A_156 : memref<1x1x100xi32, #tpu.memory_space<vmem>> -> memref<1x100xi32, #tpu.memory_space<vmem>>
          %dma_wait3A_158 = arith.constant 0 : i32
          %dma_wait3A_159 = arith.constant 0 : i32
          %dma_wait3A_160 = tpu.memref_slice %arg3[%add3A, %add3A_122, %dma_wait3A_158, %dma_wait3A_159] : memref<32x100x1x100xi32, #tpu.memory_space<hbm>> -> memref<1x1x1x100xi32, #tpu.memory_space<hbm>>
          %dma_wait3A_161 = tpu.memref_squeeze %dma_wait3A_160 : memref<1x1x1x100xi32, #tpu.memory_space<hbm>> -> memref<1x100xi32, #tpu.memory_space<hbm>>
          tpu.wait_dma2 semaphore(%run_scoped3A_129 : memref<!tpu.dma_semaphore, #tpu.memory_space<semaphore_mem>>) src(%dma_wait3A_161 : memref<1x100xi32, #tpu.memory_space<hbm>>) dst(%dma_wait3A_157 : memref<1x100xi32, #tpu.memory_space<vmem>>)
          tpu.yield
        }) : () -> ()
        %add3A_124 = arith.constant 2 : i32
        %add3A_125 = arith.addi %mul3A_29, %add3A_124 : i32
        %add3A_126 = arith.constant 1 : i32
        %add3A_127 = arith.addi %add3A_125, %add3A_126 : i32
        %run_scoped3A_128 = arith.constant 1 : i32
        "tpu.region"() ({
          %run_scoped3A_129 = tpu.sem_alloc : memref<!tpu.dma_semaphore, #tpu.memory_space<semaphore_mem>>
          %dma_start3A_130 = arith.constant 0 : i32
          %dma_start3A_131 = arith.constant 0 : i32
          %dma_start3A_132 = tpu.memref_slice %arg8[%run_scoped3A_128, %dma_start3A_130, %dma_start3A_131] : memref<2x1x100xi32, #tpu.memory_space<vmem>> -> memref<1x1x100xi32, #tpu.memory_space<vmem>>
          %dma_start3A_133 = tpu.memref_squeeze %dma_start3A_132 : memref<1x1x100xi32, #tpu.memory_space<vmem>> -> memref<1x100xi32, #tpu.memory_space<vmem>>
          %dma_start3A_134 = arith.constant 0 : i32
          %dma_start3A_135 = arith.constant 0 : i32
          %dma_start3A_136 = tpu.memref_slice %arg3[%add3A, %add3A_127, %dma_start3A_134, %dma_start3A_135] : memref<32x100x1x100xi32, #tpu.memory_space<hbm>> -> memref<1x1x1x100xi32, #tpu.memory_space<hbm>>
          %dma_start3A_137 = tpu.memref_squeeze %dma_start3A_136 : memref<1x1x1x100xi32, #tpu.memory_space<hbm>> -> memref<1x100xi32, #tpu.memory_space<hbm>>
          %dma_start3A_138 = arith.constant 0 : i32
          %dma_start3A_139 = arith.constant 0 : i32
          %dma_start3A_140 = tpu.memref_slice %arg8[%run_scoped3A_128, %dma_start3A_138, %dma_start3A_139] : memref<2x1x100xi32, #tpu.memory_space<vmem>> -> memref<1x1x100xi32, #tpu.memory_space<vmem>>
          %dma_start3A_141 = tpu.memref_squeeze %dma_start3A_140 : memref<1x1x100xi32, #tpu.memory_space<vmem>> -> memref<1x100xi32, #tpu.memory_space<vmem>>
          %dma_start3A_142 = arith.constant 0 : i32
          %dma_start3A_143 = arith.constant 0 : i32
          %dma_start3A_144 = tpu.memref_slice %arg3[%add3A, %add3A_127, %dma_start3A_142, %dma_start3A_143] : memref<32x100x1x100xi32, #tpu.memory_space<hbm>> -> memref<1x1x1x100xi32, #tpu.memory_space<hbm>>
          %dma_start3A_145 = tpu.memref_squeeze %dma_start3A_144 : memref<1x1x1x100xi32, #tpu.memory_space<hbm>> -> memref<1x100xi32, #tpu.memory_space<hbm>>
          tpu.enqueue_dma source(%dma_start3A_145 : memref<1x100xi32, #tpu.memory_space<hbm>>) target(%dma_start3A_141 : memref<1x100xi32, #tpu.memory_space<vmem>>) target_semaphore(%run_scoped3A_129 : memref<!tpu.dma_semaphore, #tpu.memory_space<semaphore_mem>>)
          %dma_wait3A_146 = arith.constant 0 : i32
          %dma_wait3A_147 = arith.constant 0 : i32
          %dma_wait3A_148 = tpu.memref_slice %arg8[%run_scoped3A_128, %dma_wait3A_146, %dma_wait3A_147] : memref<2x1x100xi32, #tpu.memory_space<vmem>> -> memref<1x1x100xi32, #tpu.memory_space<vmem>>
          %dma_wait3A_149 = tpu.memref_squeeze %dma_wait3A_148 : memref<1x1x100xi32, #tpu.memory_space<vmem>> -> memref<1x100xi32, #tpu.memory_space<vmem>>
          %dma_wait3A_150 = arith.constant 0 : i32
          %dma_wait3A_151 = arith.constant 0 : i32
          %dma_wait3A_152 = tpu.memref_slice %arg3[%add3A, %add3A_127, %dma_wait3A_150, %dma_wait3A_151] : memref<32x100x1x100xi32, #tpu.memory_space<hbm>> -> memref<1x1x1x100xi32, #tpu.memory_space<hbm>>
          %dma_wait3A_153 = tpu.memref_squeeze %dma_wait3A_152 : memref<1x1x1x100xi32, #tpu.memory_space<hbm>> -> memref<1x100xi32, #tpu.memory_space<hbm>>
          %dma_wait3A_154 = arith.constant 0 : i32
          %dma_wait3A_155 = arith.constant 0 : i32
          %dma_wait3A_156 = tpu.memref_slice %arg8[%run_scoped3A_128, %dma_wait3A_154, %dma_wait3A_155] : memref<2x1x100xi32, #tpu.memory_space<vmem>> -> memref<1x1x100xi32, #tpu.memory_space<vmem>>
          %dma_wait3A_157 = tpu.memref_squeeze %dma_wait3A_156 : memref<1x1x100xi32, #tpu.memory_space<vmem>> -> memref<1x100xi32, #tpu.memory_space<vmem>>
          %dma_wait3A_158 = arith.constant 0 : i32
          %dma_wait3A_159 = arith.constant 0 : i32
          %dma_wait3A_160 = tpu.memref_slice %arg3[%add3A, %add3A_127, %dma_wait3A_158, %dma_wait3A_159] : memref<32x100x1x100xi32, #tpu.memory_space<hbm>> -> memref<1x1x1x100xi32, #tpu.memory_space<hbm>>
          %dma_wait3A_161 = tpu.memref_squeeze %dma_wait3A_160 : memref<1x1x1x100xi32, #tpu.memory_space<hbm>> -> memref<1x100xi32, #tpu.memory_space<hbm>>
          tpu.wait_dma2 semaphore(%run_scoped3A_129 : memref<!tpu.dma_semaphore, #tpu.memory_space<semaphore_mem>>) src(%dma_wait3A_161 : memref<1x100xi32, #tpu.memory_space<hbm>>) dst(%dma_wait3A_157 : memref<1x100xi32, #tpu.memory_space<vmem>>)
          tpu.yield
        }) : () -> ()
      } else {
      }
      %dma_wait3A_100 = arith.constant 0 : i32
      %dma_wait3A_101 = arith.constant 0 : i32
      %dma_wait3A_102 = tpu.memref_slice %arg9[%dma_wait3A_100, %dma_wait3A_101] : memref<200x128xf32, #tpu.memory_space<vmem>> -> memref<100x128xf32, #tpu.memory_space<vmem>>
      %dma_wait3A_103 = arith.constant 0 : i32
      %dma_wait3A_104 = tpu.memref_slice %arg7[%add3A_62, %dma_wait3A_103] : memref<100x100xi32, #tpu.memory_space<vmem>> -> memref<1x100xi32, #tpu.memory_space<vmem>>
      %dma_wait3A_105 = tpu.memref_squeeze %dma_wait3A_104 : memref<1x100xi32, #tpu.memory_space<vmem>> -> memref<100xi32, #tpu.memory_space<vmem>>
      %dma_wait3A_106 = arith.constant 0 : i32
      %dma_wait3A_107 = arith.constant 0 : i32
      %dma_wait3A_108 = tpu.memref_slice %arg13[%dma_wait3A_106, %dma_wait3A_107] : memref<10000x128xf32, #tpu.memory_space<vmem_shared>> -> memref<10000x128xf32, #tpu.memory_space<vmem_shared>>
      tpu.wait_indirect_dma semaphore(%arg12 : memref<!tpu.dma_semaphore, #tpu.memory_space<semaphore_mem>>) src(%dma_wait3A_102 : memref<100x128xf32, #tpu.memory_space<vmem>>) dst(%dma_wait3A_108 : memref<10000x128xf32, #tpu.memory_space<vmem_shared>>)
      %dma_wait3A_109 = arith.constant 100 : i32
      %dma_wait3A_110 = arith.constant 0 : i32
      %dma_wait3A_111 = tpu.memref_slice %arg9[%dma_wait3A_109, %dma_wait3A_110] : memref<200x128xf32, #tpu.memory_space<vmem>> -> memref<100x128xf32, #tpu.memory_space<vmem>>
      %dma_wait3A_112 = arith.constant 0 : i32
      %dma_wait3A_113 = tpu.memref_slice %arg7[%add3A_84, %dma_wait3A_112] : memref<100x100xi32, #tpu.memory_space<vmem>> -> memref<1x100xi32, #tpu.memory_space<vmem>>
      %dma_wait3A_114 = tpu.memref_squeeze %dma_wait3A_113 : memref<1x100xi32, #tpu.memory_space<vmem>> -> memref<100xi32, #tpu.memory_space<vmem>>
      %dma_wait3A_115 = arith.constant 0 : i32
      %dma_wait3A_116 = arith.constant 0 : i32
      %dma_wait3A_117 = tpu.memref_slice %arg13[%dma_wait3A_115, %dma_wait3A_116] : memref<10000x128xf32, #tpu.memory_space<vmem_shared>> -> memref<10000x128xf32, #tpu.memory_space<vmem_shared>>
      tpu.wait_indirect_dma semaphore(%arg12 : memref<!tpu.dma_semaphore, #tpu.memory_space<semaphore_mem>>) src(%dma_wait3A_111 : memref<100x128xf32, #tpu.memory_space<vmem>>) dst(%dma_wait3A_117 : memref<10000x128xf32, #tpu.memory_space<vmem_shared>>)
      %scan3A_118 = arith.constant 0 : i32
      scf.yield %scan3A_118 : i32
    }
    %scan3A_15 = arith.constant 50 : i32
    %barrier3A_16 = arith.constant 0 : index
    tpu.barrier barrier_id(%barrier3A_16)
    %mul3A_17 = arith.constant 624 : i32
    %mul3A_18 = arith.muli %arg1, %mul3A_17 : i32
    %mul3A_19 = arith.constant 624 : i32
    %mul3A_20 = arith.muli %arg1, %mul3A_19 : i32
    "tpu.region"() ({
      %run_scoped3A_26 = tpu.sem_alloc : memref<!tpu.dma_semaphore, #tpu.memory_space<semaphore_mem>>
      %dma_start3A = arith.constant 0 : i32
      %dma_start3A_27 = tpu.memref_slice %arg6[%arg0, %mul3A_20, %dma_start3A] : memref<2x10000x128xf32, #tpu.memory_space<hbm>> -> memref<1x624x128xf32, #tpu.memory_space<hbm>>
      %dma_start3A_28 = tpu.memref_squeeze %dma_start3A_27 : memref<1x624x128xf32, #tpu.memory_space<hbm>> -> memref<624x128xf32, #tpu.memory_space<hbm>>
      %dma_start3A_29 = arith.constant 0 : i32
      %dma_start3A_30 = tpu.memref_slice %arg13[%mul3A_18, %dma_start3A_29] : memref<10000x128xf32, #tpu.memory_space<vmem_shared>> -> memref<624x128xf32, #tpu.memory_space<vmem_shared>>
      tpu.enqueue_dma source(%dma_start3A_30 : memref<624x128xf32, #tpu.memory_space<vmem_shared>>) target(%dma_start3A_28 : memref<624x128xf32, #tpu.memory_space<hbm>>) target_semaphore(%run_scoped3A_26 : memref<!tpu.dma_semaphore, #tpu.memory_space<semaphore_mem>>)
      %dma_wait3A = arith.constant 0 : i32
      %dma_wait3A_31 = tpu.memref_slice %arg6[%arg0, %mul3A_20, %dma_wait3A] : memref<2x10000x128xf32, #tpu.memory_space<hbm>> -> memref<1x624x128xf32, #tpu.memory_space<hbm>>
      %dma_wait3A_32 = tpu.memref_squeeze %dma_wait3A_31 : memref<1x624x128xf32, #tpu.memory_space<hbm>> -> memref<624x128xf32, #tpu.memory_space<hbm>>
      %dma_wait3A_33 = arith.constant 0 : i32
      %dma_wait3A_34 = tpu.memref_slice %arg13[%mul3A_18, %dma_wait3A_33] : memref<10000x128xf32, #tpu.memory_space<vmem_shared>> -> memref<624x128xf32, #tpu.memory_space<vmem_shared>>
      tpu.wait_dma2 semaphore(%run_scoped3A_26 : memref<!tpu.dma_semaphore, #tpu.memory_space<semaphore_mem>>) src(%dma_wait3A_34 : memref<624x128xf32, #tpu.memory_space<vmem_shared>>) dst(%dma_wait3A_32 : memref<624x128xf32, #tpu.memory_space<hbm>>)
      tpu.yield
    }) : () -> ()
    %eq3A_21 = arith.constant 0 : i32
    %eq3A_22 = arith.cmpi eq, %arg1, %eq3A_21 : i32
    %convert_element_type3A_23 = arith.extui %eq3A_22 : i1 to i32
    %cond3A_24 = arith.constant 0 : i32
    %cond3A_25 = arith.cmpi ne, %convert_element_type3A_23, %cond3A_24 : i32
    scf.if %cond3A_25 {
      "tpu.region"() ({
        %run_scoped3A_26 = tpu.sem_alloc : memref<!tpu.dma_semaphore, #tpu.memory_space<semaphore_mem>>
        %dma_start3A = arith.constant 9984 : i32
        %dma_start3A_27 = arith.constant 0 : i32
        %dma_start3A_28 = tpu.memref_slice %arg6[%arg0, %dma_start3A, %dma_start3A_27] : memref<2x10000x128xf32, #tpu.memory_space<hbm>> -> memref<1x16x128xf32, #tpu.memory_space<hbm>>
        %dma_start3A_29 = tpu.memref_squeeze %dma_start3A_28 : memref<1x16x128xf32, #tpu.memory_space<hbm>> -> memref<16x128xf32, #tpu.memory_space<hbm>>
        %dma_start3A_30 = arith.constant 9984 : i32
        %dma_start3A_31 = arith.constant 0 : i32
        %dma_start3A_32 = tpu.memref_slice %arg13[%dma_start3A_30, %dma_start3A_31] : memref<10000x128xf32, #tpu.memory_space<vmem_shared>> -> memref<16x128xf32, #tpu.memory_space<vmem_shared>>
        tpu.enqueue_dma source(%dma_start3A_32 : memref<16x128xf32, #tpu.memory_space<vmem_shared>>) target(%dma_start3A_29 : memref<16x128xf32, #tpu.memory_space<hbm>>) target_semaphore(%run_scoped3A_26 : memref<!tpu.dma_semaphore, #tpu.memory_space<semaphore_mem>>)
        %dma_wait3A = arith.constant 9984 : i32
        %dma_wait3A_33 = arith.constant 0 : i32
        %dma_wait3A_34 = tpu.memref_slice %arg6[%arg0, %dma_wait3A, %dma_wait3A_33] : memref<2x10000x128xf32, #tpu.memory_space<hbm>> -> memref<1x16x128xf32, #tpu.memory_space<hbm>>
        %dma_wait3A_35 = tpu.memref_squeeze %dma_wait3A_34 : memref<1x16x128xf32, #tpu.memory_space<hbm>> -> memref<16x128xf32, #tpu.memory_space<hbm>>
        %dma_wait3A_36 = arith.constant 9984 : i32
        %dma_wait3A_37 = arith.constant 0 : i32
        %dma_wait3A_38 = tpu.memref_slice %arg13[%dma_wait3A_36, %dma_wait3A_37] : memref<10000x128xf32, #tpu.memory_space<vmem_shared>> -> memref<16x128xf32, #tpu.memory_space<vmem_shared>>
        tpu.wait_dma2 semaphore(%run_scoped3A_26 : memref<!tpu.dma_semaphore, #tpu.memory_space<semaphore_mem>>) src(%dma_wait3A_38 : memref<16x128xf32, #tpu.memory_space<vmem_shared>>) dst(%dma_wait3A_35 : memref<16x128xf32, #tpu.memory_space<hbm>>)
        tpu.yield
      }) : () -> ()
    } else {
    }
    return
  }
}

module attributes {stable_mosaic.version = 14 : i64} {
  func.func @_pe_body(%arg0: memref<100x2048xf32, #tpu.memory_space<vmem>>, %arg1: memref<2048x128xf32, #tpu.memory_space<vmem>>, %arg2: memref<1x128xf32, #tpu.memory_space<vmem>>, %arg3: memref<100x128xf32, #tpu.memory_space<vmem>>) attributes {dimension_semantics = [], scalar_prefetch = 0 : i64, scratch_operands = 0 : i64, tpu.core_type = #tpu.core_type<tc>} {
    %get3A = arith.constant 0 : index
    %get3A_0 = arith.constant 0 : index
    %get3A_1 = vector.load %arg0[%get3A, %get3A_0] : memref<100x2048xf32, #tpu.memory_space<vmem>>, vector<100x2048xf32>
    %get3A_2 = arith.constant 0 : index
    %get3A_3 = arith.constant 0 : index
    %get3A_4 = vector.load %arg1[%get3A_2, %get3A_3] : memref<2048x128xf32, #tpu.memory_space<vmem>>, vector<2048x128xf32>
    %convert_element_type3A = arith.truncf %get3A_1 : vector<100x2048xf32> to vector<100x2048xbf16>
    %convert_element_type3A_5 = arith.truncf %get3A_4 : vector<2048x128xf32> to vector<2048x128xbf16>
    %dot_general3A = arith.constant dense<0.000000e+00> : vector<100x128xf32>
    %dot_general3A_6 = tpu.matmul %convert_element_type3A, %convert_element_type3A_5, %dot_general3A {dimension_numbers = #tpu.dot_dimension_numbers<[1], [0], [0], [1], [0, 0, 1, 1], [], []>, transpose_lhs_hint = false} : vector<100x2048xbf16>, vector<2048x128xbf16>, vector<100x128xf32> -> vector<100x128xf32>
    %get3A_7 = arith.constant 0 : index
    %get3A_8 = arith.constant 0 : index
    %get3A_9 = vector.load %arg2[%get3A_7, %get3A_8] : memref<1x128xf32, #tpu.memory_space<vmem>>, vector<1x128xf32>
    %add3A = vector.broadcast %get3A_9 : vector<1x128xf32> to vector<100x128xf32>
    %add3A_10 = arith.addf %dot_general3A_6, %add3A : vector<100x128xf32>
    %swap3A = arith.constant 0 : index
    %swap3A_11 = arith.constant 0 : index
    %swap3A_12 = vector.load %arg3[%swap3A, %swap3A_11] : memref<100x128xf32, #tpu.memory_space<vmem>>, vector<100x128xf32>
    tpu.vector_store %arg3[%swap3A, %swap3A_11], %add3A_10 {strides = array<i32>} : memref<100x128xf32, #tpu.memory_space<vmem>>, vector<100x128xf32>,
    return
  }
}

module attributes {stable_mosaic.version = 14 : i64} {
  func.func @_prep_body(%arg0: i32, %arg1: memref<2000x128xf32, #tpu.memory_space<vmem>>, %arg2: memref<2000x128xf32, #tpu.memory_space<vmem>>, %arg3: memref<128x128xf32, #tpu.memory_space<vmem>>, %arg4: memref<1x128xf32, #tpu.memory_space<vmem>>, %arg5: memref<2000x1xf32, #tpu.memory_space<vmem>>, %arg6: memref<2000x128xf32, #tpu.memory_space<vmem>>, %arg7: memref<2000x128xf32, #tpu.memory_space<vmem>>) attributes {dimension_semantics = [#tpu.dimension_semantics<arbitrary>], iteration_bounds = array<i64: 5>, scalar_prefetch = 0 : i64, scratch_operands = 0 : i64, tpu.core_type = #tpu.core_type<tc>, window_params = [{transform_indices = @transform_0, window_bounds = array<i64: 2000, 128>}, {pipeline_mode = #tpu.pipeline_mode<synchronous>, transform_indices = @transform_1, window_bounds = array<i64: 2000, 128>}, {pipeline_mode = #tpu.pipeline_mode<synchronous>, transform_indices = @transform_2, window_bounds = array<i64: 128, 128>}, {pipeline_mode = #tpu.pipeline_mode<synchronous>, transform_indices = @transform_3, window_bounds = array<i64: 1, 128>}, {transform_indices = @transform_4, window_bounds = array<i64: 2000, 1>}, {transform_indices = @transform_5, window_bounds = array<i64: 2000, 128>}, {transform_indices = @transform_6, window_bounds = array<i64: 2000, 128>}]} {
    %get3A = arith.constant 0 : index
    %get3A_0 = arith.constant 0 : index
    %get3A_1 = vector.load %arg1[%get3A, %get3A_0] : memref<2000x128xf32, #tpu.memory_space<vmem>>, vector<2000x128xf32>
    %get3A_2 = arith.constant 0 : index
    %get3A_3 = arith.constant 0 : index
    %get3A_4 = vector.load %arg3[%get3A_2, %get3A_3] : memref<128x128xf32, #tpu.memory_space<vmem>>, vector<128x128xf32>
    %convert_element_type3A = arith.truncf %get3A_1 : vector<2000x128xf32> to vector<2000x128xbf16>
    %convert_element_type3A_5 = arith.truncf %get3A_4 : vector<128x128xf32> to vector<128x128xbf16>
    %dot_general3A = arith.constant dense<0.000000e+00> : vector<2000x128xf32>
    %dot_general3A_6 = tpu.matmul %convert_element_type3A, %convert_element_type3A_5, %dot_general3A {dimension_numbers = #tpu.dot_dimension_numbers<[1], [0], [0], [1], [0, 0, 1, 1], [], []>, transpose_lhs_hint = false} : vector<2000x128xbf16>, vector<128x128xbf16>, vector<2000x128xf32> -> vector<2000x128xf32>
    %get3A_7 = arith.constant 0 : index
    %get3A_8 = arith.constant 0 : index
    %get3A_9 = vector.load %arg4[%get3A_7, %get3A_8] : memref<1x128xf32, #tpu.memory_space<vmem>>, vector<1x128xf32>
    %add3A = vector.broadcast %get3A_9 : vector<1x128xf32> to vector<2000x128xf32>
    %add3A_10 = arith.addf %dot_general3A_6, %add3A : vector<2000x128xf32>
    %get3A_11 = arith.constant 0 : index
    %get3A_12 = arith.constant 0 : index
    %get3A_13 = vector.load %arg2[%get3A_11, %get3A_12] : memref<2000x128xf32, #tpu.memory_space<vmem>>, vector<2000x128xf32>
    %add3A_14 = arith.addf %add3A_10, %get3A_13 : vector<2000x128xf32>
    %get3A_15 = arith.constant 0 : index
    %get3A_16 = arith.constant 0 : index
    %get3A_17 = vector.load %arg5[%get3A_15, %get3A_16] : memref<2000x1xf32, #tpu.memory_space<vmem>>, vector<2000x1xf32>
    %max3A = arith.constant 1.000000e+00 : f32
    %max3A_18 = vector.broadcast %max3A : f32 to vector<2000x1xf32>
    %max3A_19 = arith.maximumf %get3A_17, %max3A_18 : vector<2000x1xf32>
    %sqrt3A = math.sqrt %max3A_19 : vector<2000x1xf32>
    %div3A = arith.constant 1.000000e+00 : f32
    %div3A_20 = vector.broadcast %div3A : f32 to vector<2000x1xf32>
    %div3A_21 = arith.divf %div3A_20, %sqrt3A : vector<2000x1xf32>
    %swap3A = arith.constant 0 : index
    %swap3A_22 = arith.constant 0 : index
    %swap3A_23 = vector.load %arg6[%swap3A, %swap3A_22] : memref<2000x128xf32, #tpu.memory_space<vmem>>, vector<2000x128xf32>
    tpu.vector_store %arg6[%swap3A, %swap3A_22], %add3A_14 {strides = array<i32>} : memref<2000x128xf32, #tpu.memory_space<vmem>>, vector<2000x128xf32>,
    %mul3A = vector.broadcast %div3A_21 : vector<2000x1xf32> to vector<2000x128xf32>
    %mul3A_24 = arith.mulf %add3A_14, %mul3A : vector<2000x128xf32>
    %swap3A_25 = arith.constant 0 : index
    %swap3A_26 = arith.constant 0 : index
    %swap3A_27 = vector.load %arg7[%swap3A_25, %swap3A_26] : memref<2000x128xf32, #tpu.memory_space<vmem>>, vector<2000x128xf32>
    tpu.vector_store %arg7[%swap3A_25, %swap3A_26], %mul3A_24 {strides = array<i32>} : memref<2000x128xf32, #tpu.memory_space<vmem>>, vector<2000x128xf32>,
    return
  }
  func.func @transform_0(%arg0: i32) -> (i32, i32) {
    %c0_i32 = arith.constant 0 : i32
    %c0_i32_0 = arith.constant 0 : i32
    return %arg0, %c0_i32 : i32, i32
  }
  func.func @transform_1(%arg0: i32) -> (i32, i32) {
    %c0_i32 = arith.constant 0 : i32
    %c0_i32_0 = arith.constant 0 : i32
    %c0_i32_1 = arith.constant 0 : i32
    return %c0_i32, %c0_i32_0 : i32, i32
  }
  func.func @transform_2(%arg0: i32) -> (i32, i32) {
    %c0_i32 = arith.constant 0 : i32
    %c0_i32_0 = arith.constant 0 : i32
    %c0_i32_1 = arith.constant 0 : i32
    return %c0_i32, %c0_i32_0 : i32, i32
  }
  func.func @transform_3(%arg0: i32) -> (i32, i32) {
    %c0_i32 = arith.constant 0 : i32
    %c0_i32_0 = arith.constant 0 : i32
    %c0_i32_1 = arith.constant 0 : i32
    return %c0_i32, %c0_i32_0 : i32, i32
  }
  func.func @transform_4(%arg0: i32) -> (i32, i32) {
    %c0_i32 = arith.constant 0 : i32
    %c0_i32_0 = arith.constant 0 : i32
    return %arg0, %c0_i32 : i32, i32
  }
  func.func @transform_5(%arg0: i32) -> (i32, i32) {
    %c0_i32 = arith.constant 0 : i32
    %c0_i32_0 = arith.constant 0 : i32
    return %arg0, %c0_i32 : i32, i32
  }
  func.func @transform_6(%arg0: i32) -> (i32, i32) {
    %c0_i32 = arith.constant 0 : i32
    %c0_i32_0 = arith.constant 0 : i32
    return %arg0, %c0_i32 : i32, i32
  }
}

module attributes {stable_mosaic.version = 14 : i64} {
  func.func @_layer_body(%arg0: i32, %arg1: i32, %arg2: memref<1x2000x128xf32, #tpu.memory_space<vmem>>, %arg3: memref<1x2000x128xf32, #tpu.memory_space<vmem>>, %arg4: memref<2000x1xf32, #tpu.memory_space<vmem>>, %arg5: memref<128x128xf32, #tpu.memory_space<vmem>>, %arg6: memref<1x128xf32, #tpu.memory_space<vmem>>, %arg7: memref<2000x128xf32, #tpu.memory_space<vmem>>, %arg8: memref<1x128xf32, #tpu.memory_space<vmem>>, %arg9: memref<1x128xf32, #tpu.memory_space<vmem>>, %arg10: memref<2000x1xf32, #tpu.memory_space<vmem>>, %arg11: memref<2000x128xf32, #tpu.memory_space<vmem>>, %arg12: memref<2000x128xf32, #tpu.memory_space<vmem>>, %arg13: memref<10000x128xf32, #tpu.memory_space<vmem>>, %arg14: memref<1x128xf32, #tpu.memory_space<vmem>>, %arg15: memref<1x128xf32, #tpu.memory_space<vmem>>) attributes {dimension_semantics = [#tpu.dimension_semantics<arbitrary>, #tpu.dimension_semantics<arbitrary>], iteration_bounds = array<i64: 2, 5>, scalar_prefetch = 0 : i64, scratch_operands = 3 : i64, tpu.core_type = #tpu.core_type<tc>, window_params = [{transform_indices = @transform_0, window_bounds = array<i64: 1, 2000, 128>}, {transform_indices = @transform_1, window_bounds = array<i64: 1, 2000, 128>}, {transform_indices = @transform_2, window_bounds = array<i64: 2000, 1>}, {pipeline_mode = #tpu.pipeline_mode<synchronous>, transform_indices = @transform_3, window_bounds = array<i64: 128, 128>}, {pipeline_mode = #tpu.pipeline_mode<synchronous>, transform_indices = @transform_4, window_bounds = array<i64: 1, 128>}, {transform_indices = @transform_5, window_bounds = array<i64: 2000, 128>}, {pipeline_mode = #tpu.pipeline_mode<synchronous>, transform_indices = @transform_6, window_bounds = array<i64: 1, 128>}, {pipeline_mode = #tpu.pipeline_mode<synchronous>, transform_indices = @transform_7, window_bounds = array<i64: 1, 128>}, {transform_indices = @transform_8, window_bounds = array<i64: 2000, 1>}, {transform_indices = @transform_9, window_bounds = array<i64: 2000, 128>}, {transform_indices = @transform_10, window_bounds = array<i64: 2000, 128>}]} {
    %eq3A = arith.constant 0 : i32
    %eq3A_0 = arith.cmpi eq, %arg0, %eq3A : i32
    %convert_element_type3A = arith.extui %eq3A_0 : i1 to i32
    %cond3A = arith.constant 0 : i32
    %cond3A_1 = arith.cmpi ne, %convert_element_type3A, %cond3A : i32
    scf.if %cond3A_1 {
      %get3A = arith.constant 0 : index
      %get3A_7 = arith.constant 0 : index
      %get3A_8 = vector.load %arg4[%get3A, %get3A_7] : memref<2000x1xf32, #tpu.memory_space<vmem>>, vector<2000x1xf32>
      %max3A = arith.constant 1.000000e+00 : f32
      %max3A_9 = vector.broadcast %max3A : f32 to vector<2000x1xf32>
      %max3A_10 = arith.maximumf %get3A_8, %max3A_9 : vector<2000x1xf32>
      %sqrt3A = math.sqrt %max3A_10 : vector<2000x1xf32>
      %div3A = arith.constant 1.000000e+00 : f32
      %div3A_11 = vector.broadcast %div3A : f32 to vector<2000x1xf32>
      %div3A_12 = arith.divf %div3A_11, %sqrt3A : vector<2000x1xf32>
      %get3A_13 = arith.constant 0 : index
      %get3A_14 = arith.constant 0 : index
      %get3A_15 = arith.constant 0 : index
      %get3A_16 = vector.load %arg2[%get3A_13, %get3A_14, %get3A_15] : memref<1x2000x128xf32, #tpu.memory_space<vmem>>, vector<1x2000x128xf32>
      %get3A_17 = vector.shape_cast %get3A_16 : vector<1x2000x128xf32> to vector<2000x128xf32>
      %get3A_18 = arith.constant 0 : index
      %get3A_19 = arith.constant 0 : index
      %get3A_20 = arith.constant 0 : index
      %get3A_21 = vector.load %arg3[%get3A_18, %get3A_19, %get3A_20] : memref<1x2000x128xf32, #tpu.memory_space<vmem>>, vector<1x2000x128xf32>
      %get3A_22 = vector.shape_cast %get3A_21 : vector<1x2000x128xf32> to vector<2000x128xf32>
      %add3A = arith.addf %get3A_17, %get3A_22 : vector<2000x128xf32>
      %mul3A = vector.broadcast %div3A_12 : vector<2000x1xf32> to vector<2000x128xf32>
      %mul3A_23 = arith.mulf %add3A, %mul3A : vector<2000x128xf32>
      %get3A_24 = arith.constant 0 : index
      %get3A_25 = arith.constant 0 : index
      %get3A_26 = vector.load %arg5[%get3A_24, %get3A_25] : memref<128x128xf32, #tpu.memory_space<vmem>>, vector<128x128xf32>
      %convert_element_type3A_27 = arith.truncf %mul3A_23 : vector<2000x128xf32> to vector<2000x128xbf16>
      %convert_element_type3A_28 = arith.truncf %get3A_26 : vector<128x128xf32> to vector<128x128xbf16>
      %dot_general3A = arith.constant dense<0.000000e+00> : vector<2000x128xf32>
      %dot_general3A_29 = tpu.matmul %convert_element_type3A_27, %convert_element_type3A_28, %dot_general3A {dimension_numbers = #tpu.dot_dimension_numbers<[1], [0], [0], [1], [0, 0, 1, 1], [], []>, transpose_lhs_hint = false} : vector<2000x128xbf16>, vector<128x128xbf16>, vector<2000x128xf32> -> vector<2000x128xf32>
      %get3A_30 = arith.constant 0 : index
      %get3A_31 = arith.constant 0 : index
      %get3A_32 = vector.load %arg6[%get3A_30, %get3A_31] : memref<1x128xf32, #tpu.memory_space<vmem>>, vector<1x128xf32>
      %add3A_33 = vector.broadcast %get3A_32 : vector<1x128xf32> to vector<2000x128xf32>
      %add3A_34 = arith.addf %dot_general3A_29, %add3A_33 : vector<2000x128xf32>
      %mul3A_35 = arith.constant 2000 : i32
      %mul3A_36 = arith.muli %arg1, %mul3A_35 : i32
      %swap3A = arith.index_cast %mul3A_36 : i32 to index
      %swap3A_37 = arith.constant 0 : index
      %swap3A_38 = vector.load %arg13[%swap3A, %swap3A_37] : memref<10000x128xf32, #tpu.memory_space<vmem>>, vector<2000x128xf32>
      tpu.vector_store %arg13[%swap3A, %swap3A_37], %add3A_34 {strides = array<i32>} : memref<10000x128xf32, #tpu.memory_space<vmem>>, vector<2000x128xf32>,
      %eq3A_39 = arith.constant 0 : i32
      %eq3A_40 = arith.cmpi eq, %arg1, %eq3A_39 : i32
      %convert_element_type3A_41 = arith.extui %eq3A_40 : i1 to i32
      %cond3A_42 = arith.constant 0 : i32
      %cond3A_43 = arith.cmpi ne, %convert_element_type3A_41, %cond3A_42 : i32
      scf.if %cond3A_43 {
        %broadcast_in_dim3A_63 = arith.constant 0.000000e+00 : f32
        %broadcast_in_dim3A_64 = vector.broadcast %broadcast_in_dim3A_63 : f32 to vector<1x128xf32>
        %swap3A_65 = arith.constant 0 : index
        %swap3A_66 = arith.constant 0 : index
        %swap3A_67 = vector.load %arg14[%swap3A_65, %swap3A_66] : memref<1x128xf32, #tpu.memory_space<vmem>>, vector<1x128xf32>
        tpu.vector_store %arg14[%swap3A_65, %swap3A_66], %broadcast_in_dim3A_64 {strides = array<i32>} : memref<1x128xf32, #tpu.memory_space<vmem>>, vector<1x128xf32>,
        %broadcast_in_dim3A_68 = arith.constant 0.000000e+00 : f32
        %broadcast_in_dim3A_69 = vector.broadcast %broadcast_in_dim3A_68 : f32 to vector<1x128xf32>
        %swap3A_70 = arith.constant 0 : index
        %swap3A_71 = arith.constant 0 : index
        %swap3A_72 = vector.load %arg15[%swap3A_70, %swap3A_71] : memref<1x128xf32, #tpu.memory_space<vmem>>, vector<1x128xf32>
        tpu.vector_store %arg15[%swap3A_70, %swap3A_71], %broadcast_in_dim3A_69 {strides = array<i32>} : memref<1x128xf32, #tpu.memory_space<vmem>>, vector<1x128xf32>,
      } else {
      }
      %get3A_44 = arith.constant 0 : index
      %get3A_45 = arith.constant 0 : index
      %get3A_46 = vector.load %arg14[%get3A_44, %get3A_45] : memref<1x128xf32, #tpu.memory_space<vmem>>, vector<1x128xf32>
      %reduce_sum3A = arith.constant dense<0.000000e+00> : vector<128xf32>
      %reduce_sum3A_47 = vector.multi_reduction <add>, %add3A_34, %reduce_sum3A [0] : vector<2000x128xf32> to vector<128xf32>
      %broadcast_in_dim3A = vector.shape_cast %reduce_sum3A_47 : vector<128xf32> to vector<1x128xf32>
      %add3A_48 = arith.addf %get3A_46, %broadcast_in_dim3A : vector<1x128xf32>
      %swap3A_49 = arith.constant 0 : index
      %swap3A_50 = arith.constant 0 : index
      %swap3A_51 = vector.load %arg14[%swap3A_49, %swap3A_50] : memref<1x128xf32, #tpu.memory_space<vmem>>, vector<1x128xf32>
      tpu.vector_store %arg14[%swap3A_49, %swap3A_50], %add3A_48 {strides = array<i32>} : memref<1x128xf32, #tpu.memory_space<vmem>>, vector<1x128xf32>,
      %get3A_52 = arith.constant 0 : index
      %get3A_53 = arith.constant 0 : index
      %get3A_54 = vector.load %arg15[%get3A_52, %get3A_53] : memref<1x128xf32, #tpu.memory_space<vmem>>, vector<1x128xf32>
      %mul3A_55 = arith.mulf %add3A_34, %add3A_34 : vector<2000x128xf32>
      %reduce_sum3A_56 = arith.constant dense<0.000000e+00> : vector<128xf32>
      %reduce_sum3A_57 = vector.multi_reduction <add>, %mul3A_55, %reduce_sum3A_56 [0] : vector<2000x128xf32> to vector<128xf32>
      %broadcast_in_dim3A_58 = vector.shape_cast %reduce_sum3A_57 : vector<128xf32> to vector<1x128xf32>
      %add3A_59 = arith.addf %get3A_54, %broadcast_in_dim3A_58 : vector<1x128xf32>
      %swap3A_60 = arith.constant 0 : index
      %swap3A_61 = arith.constant 0 : index
      %swap3A_62 = vector.load %arg15[%swap3A_60, %swap3A_61] : memref<1x128xf32, #tpu.memory_space<vmem>>, vector<1x128xf32>
      tpu.vector_store %arg15[%swap3A_60, %swap3A_61], %add3A_59 {strides = array<i32>} : memref<1x128xf32, #tpu.memory_space<vmem>>, vector<1x128xf32>,
    } else {
    }
    %eq3A_2 = arith.constant 1 : i32
    %eq3A_3 = arith.cmpi eq, %arg0, %eq3A_2 : i32
    %convert_element_type3A_4 = arith.extui %eq3A_3 : i1 to i32
    %cond3A_5 = arith.constant 0 : i32
    %cond3A_6 = arith.cmpi ne, %convert_element_type3A_4, %cond3A_5 : i32
    scf.if %cond3A_6 {
      %get3A = arith.constant 0 : index
      %get3A_7 = arith.constant 0 : index
      %get3A_8 = vector.load %arg14[%get3A, %get3A_7] : memref<1x128xf32, #tpu.memory_space<vmem>>, vector<1x128xf32>
      %mul3A = arith.constant 9.99999974E-5 : f32
      %mul3A_9 = vector.broadcast %mul3A : f32 to vector<1x128xf32>
      %mul3A_10 = arith.mulf %get3A_8, %mul3A_9 : vector<1x128xf32>
      %get3A_11 = arith.constant 0 : index
      %get3A_12 = arith.constant 0 : index
      %get3A_13 = vector.load %arg15[%get3A_11, %get3A_12] : memref<1x128xf32, #tpu.memory_space<vmem>>, vector<1x128xf32>
      %mul3A_14 = arith.constant 9.99999974E-5 : f32
      %mul3A_15 = vector.broadcast %mul3A_14 : f32 to vector<1x128xf32>
      %mul3A_16 = arith.mulf %get3A_13, %mul3A_15 : vector<1x128xf32>
      %mul3A_17 = arith.mulf %mul3A_10, %mul3A_10 : vector<1x128xf32>
      %sub3A = arith.subf %mul3A_16, %mul3A_17 : vector<1x128xf32>
      %mul3A_18 = arith.constant 2000 : i32
      %mul3A_19 = arith.muli %arg1, %mul3A_18 : i32
      %get3A_20 = arith.index_cast %mul3A_19 : i32 to index
      %get3A_21 = arith.constant 0 : index
      %get3A_22 = vector.load %arg13[%get3A_20, %get3A_21] : memref<10000x128xf32, #tpu.memory_space<vmem>>, vector<2000x128xf32>
      %sub3A_23 = vector.broadcast %mul3A_10 : vector<1x128xf32> to vector<2000x128xf32>
      %sub3A_24 = arith.subf %get3A_22, %sub3A_23 : vector<2000x128xf32>
      %add3A = arith.constant 9.99999974E-6 : f32
      %add3A_25 = vector.broadcast %add3A : f32 to vector<1x128xf32>
      %add3A_26 = arith.addf %sub3A, %add3A_25 : vector<1x128xf32>
      %sqrt3A = math.sqrt %add3A_26 : vector<1x128xf32>
      %div3A = vector.broadcast %sqrt3A : vector<1x128xf32> to vector<2000x128xf32>
      %div3A_27 = arith.divf %sub3A_24, %div3A : vector<2000x128xf32>
      %get3A_28 = arith.constant 0 : index
      %get3A_29 = arith.constant 0 : index
      %get3A_30 = vector.load %arg8[%get3A_28, %get3A_29] : memref<1x128xf32, #tpu.memory_space<vmem>>, vector<1x128xf32>
      %mul3A_31 = vector.broadcast %get3A_30 : vector<1x128xf32> to vector<2000x128xf32>
      %mul3A_32 = arith.mulf %div3A_27, %mul3A_31 : vector<2000x128xf32>
      %get3A_33 = arith.constant 0 : index
      %get3A_34 = arith.constant 0 : index
      %get3A_35 = vector.load %arg9[%get3A_33, %get3A_34] : memref<1x128xf32, #tpu.memory_space<vmem>>, vector<1x128xf32>
      %add3A_36 = vector.broadcast %get3A_35 : vector<1x128xf32> to vector<2000x128xf32>
      %add3A_37 = arith.addf %mul3A_32, %add3A_36 : vector<2000x128xf32>
      %get3A_38 = arith.constant 0 : index
      %get3A_39 = arith.constant 0 : index
      %get3A_40 = vector.load %arg7[%get3A_38, %get3A_39] : memref<2000x128xf32, #tpu.memory_space<vmem>>, vector<2000x128xf32>
      %max3A = arith.constant 0.000000e+00 : f32
      %max3A_41 = vector.broadcast %max3A : f32 to vector<2000x128xf32>
      %max3A_42 = arith.maximumf %add3A_37, %max3A_41 : vector<2000x128xf32>
      %add3A_43 = arith.addf %get3A_40, %max3A_42 : vector<2000x128xf32>
      %swap3A = arith.constant 0 : index
      %swap3A_44 = arith.constant 0 : index
      %swap3A_45 = vector.load %arg11[%swap3A, %swap3A_44] : memref<2000x128xf32, #tpu.memory_space<vmem>>, vector<2000x128xf32>
      tpu.vector_store %arg11[%swap3A, %swap3A_44], %add3A_43 {strides = array<i32>} : memref<2000x128xf32, #tpu.memory_space<vmem>>, vector<2000x128xf32>,
      %get3A_46 = arith.constant 0 : index
      %get3A_47 = arith.constant 0 : index
      %get3A_48 = vector.load %arg10[%get3A_46, %get3A_47] : memref<2000x1xf32, #tpu.memory_space<vmem>>, vector<2000x1xf32>
      %max3A_49 = arith.constant 1.000000e+00 : f32
      %max3A_50 = vector.broadcast %max3A_49 : f32 to vector<2000x1xf32>
      %max3A_51 = arith.maximumf %get3A_48, %max3A_50 : vector<2000x1xf32>
      %sqrt3A_52 = math.sqrt %max3A_51 : vector<2000x1xf32>
      %div3A_53 = arith.constant 1.000000e+00 : f32
      %div3A_54 = vector.broadcast %div3A_53 : f32 to vector<2000x1xf32>
      %div3A_55 = arith.divf %div3A_54, %sqrt3A_52 : vector<2000x1xf32>
      %mul3A_56 = vector.broadcast %div3A_55 : vector<2000x1xf32> to vector<2000x128xf32>
      %mul3A_57 = arith.mulf %add3A_43, %mul3A_56 : vector<2000x128xf32>
      %swap3A_58 = arith.constant 0 : index
      %swap3A_59 = arith.constant 0 : index
      %swap3A_60 = vector.load %arg12[%swap3A_58, %swap3A_59] : memref<2000x128xf32, #tpu.memory_space<vmem>>, vector<2000x128xf32>
      tpu.vector_store %arg12[%swap3A_58, %swap3A_59], %mul3A_57 {strides = array<i32>} : memref<2000x128xf32, #tpu.memory_space<vmem>>, vector<2000x128xf32>,
    } else {
    }
    return
  }
  func.func @transform_0(%arg0: i32, %arg1: i32) -> (i32, i32, i32) {
    %sub3A = arith.constant 1 : i32
    %sub3A_0 = arith.subi %sub3A, %arg0 : i32
    %mul3A = arith.muli %arg1, %sub3A_0 : i32
    %c0_i32 = arith.constant 0 : i32
    %c0_i32_1 = arith.constant 0 : i32
    %c0_i32_2 = arith.constant 0 : i32
    return %c0_i32, %mul3A, %c0_i32_1 : i32, i32, i32
  }
  func.func @transform_1(%arg0: i32, %arg1: i32) -> (i32, i32, i32) {
    %sub3A = arith.constant 1 : i32
    %sub3A_0 = arith.subi %sub3A, %arg0 : i32
    %mul3A = arith.muli %arg1, %sub3A_0 : i32
    %c1_i32 = arith.constant 1 : i32
    %c0_i32 = arith.constant 0 : i32
    %c0_i32_1 = arith.constant 0 : i32
    return %c1_i32, %mul3A, %c0_i32 : i32, i32, i32
  }
  func.func @transform_2(%arg0: i32, %arg1: i32) -> (i32, i32) {
    %sub3A = arith.constant 1 : i32
    %sub3A_0 = arith.subi %sub3A, %arg0 : i32
    %mul3A = arith.muli %arg1, %sub3A_0 : i32
    %c0_i32 = arith.constant 0 : i32
    %c0_i32_1 = arith.constant 0 : i32
    return %mul3A, %c0_i32 : i32, i32
  }
  func.func @transform_3(%arg0: i32, %arg1: i32) -> (i32, i32) {
    %c0_i32 = arith.constant 0 : i32
    %c0_i32_0 = arith.constant 0 : i32
    %c0_i32_1 = arith.constant 0 : i32
    return %c0_i32, %c0_i32_0 : i32, i32
  }
  func.func @transform_4(%arg0: i32, %arg1: i32) -> (i32, i32) {
    %c0_i32 = arith.constant 0 : i32
    %c0_i32_0 = arith.constant 0 : i32
    %c0_i32_1 = arith.constant 0 : i32
    return %c0_i32, %c0_i32_0 : i32, i32
  }
  func.func @transform_5(%arg0: i32, %arg1: i32) -> (i32, i32) {
    %mul3A = arith.muli %arg1, %arg0 : i32
    %c0_i32 = arith.constant 0 : i32
    %c0_i32_0 = arith.constant 0 : i32
    return %mul3A, %c0_i32 : i32, i32
  }
  func.func @transform_6(%arg0: i32, %arg1: i32) -> (i32, i32) {
    %c0_i32 = arith.constant 0 : i32
    %c0_i32_0 = arith.constant 0 : i32
    %c0_i32_1 = arith.constant 0 : i32
    return %c0_i32, %c0_i32_0 : i32, i32
  }
  func.func @transform_7(%arg0: i32, %arg1: i32) -> (i32, i32) {
    %c0_i32 = arith.constant 0 : i32
    %c0_i32_0 = arith.constant 0 : i32
    %c0_i32_1 = arith.constant 0 : i32
    return %c0_i32, %c0_i32_0 : i32, i32
  }
  func.func @transform_8(%arg0: i32, %arg1: i32) -> (i32, i32) {
    %mul3A = arith.muli %arg1, %arg0 : i32
    %c0_i32 = arith.constant 0 : i32
    %c0_i32_0 = arith.constant 0 : i32
    return %mul3A, %c0_i32 : i32, i32
  }
  func.func @transform_9(%arg0: i32, %arg1: i32) -> (i32, i32) {
    %mul3A = arith.muli %arg1, %arg0 : i32
    %c0_i32 = arith.constant 0 : i32
    %c0_i32_0 = arith.constant 0 : i32
    return %mul3A, %c0_i32 : i32, i32
  }
  func.func @transform_10(%arg0: i32, %arg1: i32) -> (i32, i32) {
    %mul3A = arith.muli %arg1, %arg0 : i32
    %c0_i32 = arith.constant 0 : i32
    %c0_i32_0 = arith.constant 0 : i32
    return %mul3A, %c0_i32 : i32, i32
  }
}

module attributes {stable_mosaic.version = 14 : i64} {
  func.func @_layer_body(%arg0: i32, %arg1: i32, %arg2: memref<1x2000x128xf32, #tpu.memory_space<vmem>>, %arg3: memref<1x2000x128xf32, #tpu.memory_space<vmem>>, %arg4: memref<2000x1xf32, #tpu.memory_space<vmem>>, %arg5: memref<128x128xf32, #tpu.memory_space<vmem>>, %arg6: memref<1x128xf32, #tpu.memory_space<vmem>>, %arg7: memref<2000x128xf32, #tpu.memory_space<vmem>>, %arg8: memref<1x128xf32, #tpu.memory_space<vmem>>, %arg9: memref<1x128xf32, #tpu.memory_space<vmem>>, %arg10: memref<2000x1xf32, #tpu.memory_space<vmem>>, %arg11: memref<2000x128xf32, #tpu.memory_space<vmem>>, %arg12: memref<2000x128xf32, #tpu.memory_space<vmem>>, %arg13: memref<10000x128xf32, #tpu.memory_space<vmem>>, %arg14: memref<1x128xf32, #tpu.memory_space<vmem>>, %arg15: memref<1x128xf32, #tpu.memory_space<vmem>>) attributes {dimension_semantics = [#tpu.dimension_semantics<arbitrary>, #tpu.dimension_semantics<arbitrary>], iteration_bounds = array<i64: 2, 5>, scalar_prefetch = 0 : i64, scratch_operands = 3 : i64, tpu.core_type = #tpu.core_type<tc>, window_params = [{transform_indices = @transform_0, window_bounds = array<i64: 1, 2000, 128>}, {transform_indices = @transform_1, window_bounds = array<i64: 1, 2000, 128>}, {transform_indices = @transform_2, window_bounds = array<i64: 2000, 1>}, {pipeline_mode = #tpu.pipeline_mode<synchronous>, transform_indices = @transform_3, window_bounds = array<i64: 128, 128>}, {pipeline_mode = #tpu.pipeline_mode<synchronous>, transform_indices = @transform_4, window_bounds = array<i64: 1, 128>}, {transform_indices = @transform_5, window_bounds = array<i64: 2000, 128>}, {pipeline_mode = #tpu.pipeline_mode<synchronous>, transform_indices = @transform_6, window_bounds = array<i64: 1, 128>}, {pipeline_mode = #tpu.pipeline_mode<synchronous>, transform_indices = @transform_7, window_bounds = array<i64: 1, 128>}, {transform_indices = @transform_8, window_bounds = array<i64: 2000, 1>}, {transform_indices = @transform_9, window_bounds = array<i64: 2000, 128>}, {transform_indices = @transform_10, window_bounds = array<i64: 2000, 128>}]} {
    %eq3A = arith.constant 0 : i32
    %eq3A_0 = arith.cmpi eq, %arg0, %eq3A : i32
    %convert_element_type3A = arith.extui %eq3A_0 : i1 to i32
    %cond3A = arith.constant 0 : i32
    %cond3A_1 = arith.cmpi ne, %convert_element_type3A, %cond3A : i32
    scf.if %cond3A_1 {
      %get3A = arith.constant 0 : index
      %get3A_7 = arith.constant 0 : index
      %get3A_8 = vector.load %arg4[%get3A, %get3A_7] : memref<2000x1xf32, #tpu.memory_space<vmem>>, vector<2000x1xf32>
      %max3A = arith.constant 1.000000e+00 : f32
      %max3A_9 = vector.broadcast %max3A : f32 to vector<2000x1xf32>
      %max3A_10 = arith.maximumf %get3A_8, %max3A_9 : vector<2000x1xf32>
      %sqrt3A = math.sqrt %max3A_10 : vector<2000x1xf32>
      %div3A = arith.constant 1.000000e+00 : f32
      %div3A_11 = vector.broadcast %div3A : f32 to vector<2000x1xf32>
      %div3A_12 = arith.divf %div3A_11, %sqrt3A : vector<2000x1xf32>
      %get3A_13 = arith.constant 0 : index
      %get3A_14 = arith.constant 0 : index
      %get3A_15 = arith.constant 0 : index
      %get3A_16 = vector.load %arg2[%get3A_13, %get3A_14, %get3A_15] : memref<1x2000x128xf32, #tpu.memory_space<vmem>>, vector<1x2000x128xf32>
      %get3A_17 = vector.shape_cast %get3A_16 : vector<1x2000x128xf32> to vector<2000x128xf32>
      %get3A_18 = arith.constant 0 : index
      %get3A_19 = arith.constant 0 : index
      %get3A_20 = arith.constant 0 : index
      %get3A_21 = vector.load %arg3[%get3A_18, %get3A_19, %get3A_20] : memref<1x2000x128xf32, #tpu.memory_space<vmem>>, vector<1x2000x128xf32>
      %get3A_22 = vector.shape_cast %get3A_21 : vector<1x2000x128xf32> to vector<2000x128xf32>
      %add3A = arith.addf %get3A_17, %get3A_22 : vector<2000x128xf32>
      %mul3A = vector.broadcast %div3A_12 : vector<2000x1xf32> to vector<2000x128xf32>
      %mul3A_23 = arith.mulf %add3A, %mul3A : vector<2000x128xf32>
      %get3A_24 = arith.constant 0 : index
      %get3A_25 = arith.constant 0 : index
      %get3A_26 = vector.load %arg5[%get3A_24, %get3A_25] : memref<128x128xf32, #tpu.memory_space<vmem>>, vector<128x128xf32>
      %convert_element_type3A_27 = arith.truncf %mul3A_23 : vector<2000x128xf32> to vector<2000x128xbf16>
      %convert_element_type3A_28 = arith.truncf %get3A_26 : vector<128x128xf32> to vector<128x128xbf16>
      %dot_general3A = arith.constant dense<0.000000e+00> : vector<2000x128xf32>
      %dot_general3A_29 = tpu.matmul %convert_element_type3A_27, %convert_element_type3A_28, %dot_general3A {dimension_numbers = #tpu.dot_dimension_numbers<[1], [0], [0], [1], [0, 0, 1, 1], [], []>, transpose_lhs_hint = false} : vector<2000x128xbf16>, vector<128x128xbf16>, vector<2000x128xf32> -> vector<2000x128xf32>
      %get3A_30 = arith.constant 0 : index
      %get3A_31 = arith.constant 0 : index
      %get3A_32 = vector.load %arg6[%get3A_30, %get3A_31] : memref<1x128xf32, #tpu.memory_space<vmem>>, vector<1x128xf32>
      %add3A_33 = vector.broadcast %get3A_32 : vector<1x128xf32> to vector<2000x128xf32>
      %add3A_34 = arith.addf %dot_general3A_29, %add3A_33 : vector<2000x128xf32>
      %mul3A_35 = arith.constant 2000 : i32
      %mul3A_36 = arith.muli %arg1, %mul3A_35 : i32
      %swap3A = arith.index_cast %mul3A_36 : i32 to index
      %swap3A_37 = arith.constant 0 : index
      %swap3A_38 = vector.load %arg13[%swap3A, %swap3A_37] : memref<10000x128xf32, #tpu.memory_space<vmem>>, vector<2000x128xf32>
      tpu.vector_store %arg13[%swap3A, %swap3A_37], %add3A_34 {strides = array<i32>} : memref<10000x128xf32, #tpu.memory_space<vmem>>, vector<2000x128xf32>,
      %eq3A_39 = arith.constant 0 : i32
      %eq3A_40 = arith.cmpi eq, %arg1, %eq3A_39 : i32
      %convert_element_type3A_41 = arith.extui %eq3A_40 : i1 to i32
      %cond3A_42 = arith.constant 0 : i32
      %cond3A_43 = arith.cmpi ne, %convert_element_type3A_41, %cond3A_42 : i32
      scf.if %cond3A_43 {
        %broadcast_in_dim3A_63 = arith.constant 0.000000e+00 : f32
        %broadcast_in_dim3A_64 = vector.broadcast %broadcast_in_dim3A_63 : f32 to vector<1x128xf32>
        %swap3A_65 = arith.constant 0 : index
        %swap3A_66 = arith.constant 0 : index
        %swap3A_67 = vector.load %arg14[%swap3A_65, %swap3A_66] : memref<1x128xf32, #tpu.memory_space<vmem>>, vector<1x128xf32>
        tpu.vector_store %arg14[%swap3A_65, %swap3A_66], %broadcast_in_dim3A_64 {strides = array<i32>} : memref<1x128xf32, #tpu.memory_space<vmem>>, vector<1x128xf32>,
        %broadcast_in_dim3A_68 = arith.constant 0.000000e+00 : f32
        %broadcast_in_dim3A_69 = vector.broadcast %broadcast_in_dim3A_68 : f32 to vector<1x128xf32>
        %swap3A_70 = arith.constant 0 : index
        %swap3A_71 = arith.constant 0 : index
        %swap3A_72 = vector.load %arg15[%swap3A_70, %swap3A_71] : memref<1x128xf32, #tpu.memory_space<vmem>>, vector<1x128xf32>
        tpu.vector_store %arg15[%swap3A_70, %swap3A_71], %broadcast_in_dim3A_69 {strides = array<i32>} : memref<1x128xf32, #tpu.memory_space<vmem>>, vector<1x128xf32>,
      } else {
      }
      %get3A_44 = arith.constant 0 : index
      %get3A_45 = arith.constant 0 : index
      %get3A_46 = vector.load %arg14[%get3A_44, %get3A_45] : memref<1x128xf32, #tpu.memory_space<vmem>>, vector<1x128xf32>
      %reduce_sum3A = arith.constant dense<0.000000e+00> : vector<128xf32>
      %reduce_sum3A_47 = vector.multi_reduction <add>, %add3A_34, %reduce_sum3A [0] : vector<2000x128xf32> to vector<128xf32>
      %broadcast_in_dim3A = vector.shape_cast %reduce_sum3A_47 : vector<128xf32> to vector<1x128xf32>
      %add3A_48 = arith.addf %get3A_46, %broadcast_in_dim3A : vector<1x128xf32>
      %swap3A_49 = arith.constant 0 : index
      %swap3A_50 = arith.constant 0 : index
      %swap3A_51 = vector.load %arg14[%swap3A_49, %swap3A_50] : memref<1x128xf32, #tpu.memory_space<vmem>>, vector<1x128xf32>
      tpu.vector_store %arg14[%swap3A_49, %swap3A_50], %add3A_48 {strides = array<i32>} : memref<1x128xf32, #tpu.memory_space<vmem>>, vector<1x128xf32>,
      %get3A_52 = arith.constant 0 : index
      %get3A_53 = arith.constant 0 : index
      %get3A_54 = vector.load %arg15[%get3A_52, %get3A_53] : memref<1x128xf32, #tpu.memory_space<vmem>>, vector<1x128xf32>
      %mul3A_55 = arith.mulf %add3A_34, %add3A_34 : vector<2000x128xf32>
      %reduce_sum3A_56 = arith.constant dense<0.000000e+00> : vector<128xf32>
      %reduce_sum3A_57 = vector.multi_reduction <add>, %mul3A_55, %reduce_sum3A_56 [0] : vector<2000x128xf32> to vector<128xf32>
      %broadcast_in_dim3A_58 = vector.shape_cast %reduce_sum3A_57 : vector<128xf32> to vector<1x128xf32>
      %add3A_59 = arith.addf %get3A_54, %broadcast_in_dim3A_58 : vector<1x128xf32>
      %swap3A_60 = arith.constant 0 : index
      %swap3A_61 = arith.constant 0 : index
      %swap3A_62 = vector.load %arg15[%swap3A_60, %swap3A_61] : memref<1x128xf32, #tpu.memory_space<vmem>>, vector<1x128xf32>
      tpu.vector_store %arg15[%swap3A_60, %swap3A_61], %add3A_59 {strides = array<i32>} : memref<1x128xf32, #tpu.memory_space<vmem>>, vector<1x128xf32>,
    } else {
    }
    %eq3A_2 = arith.constant 1 : i32
    %eq3A_3 = arith.cmpi eq, %arg0, %eq3A_2 : i32
    %convert_element_type3A_4 = arith.extui %eq3A_3 : i1 to i32
    %cond3A_5 = arith.constant 0 : i32
    %cond3A_6 = arith.cmpi ne, %convert_element_type3A_4, %cond3A_5 : i32
    scf.if %cond3A_6 {
      %get3A = arith.constant 0 : index
      %get3A_7 = arith.constant 0 : index
      %get3A_8 = vector.load %arg14[%get3A, %get3A_7] : memref<1x128xf32, #tpu.memory_space<vmem>>, vector<1x128xf32>
      %mul3A = arith.constant 9.99999974E-5 : f32
      %mul3A_9 = vector.broadcast %mul3A : f32 to vector<1x128xf32>
      %mul3A_10 = arith.mulf %get3A_8, %mul3A_9 : vector<1x128xf32>
      %get3A_11 = arith.constant 0 : index
      %get3A_12 = arith.constant 0 : index
      %get3A_13 = vector.load %arg15[%get3A_11, %get3A_12] : memref<1x128xf32, #tpu.memory_space<vmem>>, vector<1x128xf32>
      %mul3A_14 = arith.constant 9.99999974E-5 : f32
      %mul3A_15 = vector.broadcast %mul3A_14 : f32 to vector<1x128xf32>
      %mul3A_16 = arith.mulf %get3A_13, %mul3A_15 : vector<1x128xf32>
      %mul3A_17 = arith.mulf %mul3A_10, %mul3A_10 : vector<1x128xf32>
      %sub3A = arith.subf %mul3A_16, %mul3A_17 : vector<1x128xf32>
      %mul3A_18 = arith.constant 2000 : i32
      %mul3A_19 = arith.muli %arg1, %mul3A_18 : i32
      %get3A_20 = arith.index_cast %mul3A_19 : i32 to index
      %get3A_21 = arith.constant 0 : index
      %get3A_22 = vector.load %arg13[%get3A_20, %get3A_21] : memref<10000x128xf32, #tpu.memory_space<vmem>>, vector<2000x128xf32>
      %sub3A_23 = vector.broadcast %mul3A_10 : vector<1x128xf32> to vector<2000x128xf32>
      %sub3A_24 = arith.subf %get3A_22, %sub3A_23 : vector<2000x128xf32>
      %add3A = arith.constant 9.99999974E-6 : f32
      %add3A_25 = vector.broadcast %add3A : f32 to vector<1x128xf32>
      %add3A_26 = arith.addf %sub3A, %add3A_25 : vector<1x128xf32>
      %sqrt3A = math.sqrt %add3A_26 : vector<1x128xf32>
      %div3A = vector.broadcast %sqrt3A : vector<1x128xf32> to vector<2000x128xf32>
      %div3A_27 = arith.divf %sub3A_24, %div3A : vector<2000x128xf32>
      %get3A_28 = arith.constant 0 : index
      %get3A_29 = arith.constant 0 : index
      %get3A_30 = vector.load %arg8[%get3A_28, %get3A_29] : memref<1x128xf32, #tpu.memory_space<vmem>>, vector<1x128xf32>
      %mul3A_31 = vector.broadcast %get3A_30 : vector<1x128xf32> to vector<2000x128xf32>
      %mul3A_32 = arith.mulf %div3A_27, %mul3A_31 : vector<2000x128xf32>
      %get3A_33 = arith.constant 0 : index
      %get3A_34 = arith.constant 0 : index
      %get3A_35 = vector.load %arg9[%get3A_33, %get3A_34] : memref<1x128xf32, #tpu.memory_space<vmem>>, vector<1x128xf32>
      %add3A_36 = vector.broadcast %get3A_35 : vector<1x128xf32> to vector<2000x128xf32>
      %add3A_37 = arith.addf %mul3A_32, %add3A_36 : vector<2000x128xf32>
      %get3A_38 = arith.constant 0 : index
      %get3A_39 = arith.constant 0 : index
      %get3A_40 = vector.load %arg7[%get3A_38, %get3A_39] : memref<2000x128xf32, #tpu.memory_space<vmem>>, vector<2000x128xf32>
      %max3A = arith.constant 0.000000e+00 : f32
      %max3A_41 = vector.broadcast %max3A : f32 to vector<2000x128xf32>
      %max3A_42 = arith.maximumf %add3A_37, %max3A_41 : vector<2000x128xf32>
      %add3A_43 = arith.addf %get3A_40, %max3A_42 : vector<2000x128xf32>
      %swap3A = arith.constant 0 : index
      %swap3A_44 = arith.constant 0 : index
      %swap3A_45 = vector.load %arg11[%swap3A, %swap3A_44] : memref<2000x128xf32, #tpu.memory_space<vmem>>, vector<2000x128xf32>
      tpu.vector_store %arg11[%swap3A, %swap3A_44], %add3A_43 {strides = array<i32>} : memref<2000x128xf32, #tpu.memory_space<vmem>>, vector<2000x128xf32>,
      %get3A_46 = arith.constant 0 : index
      %get3A_47 = arith.constant 0 : index
      %get3A_48 = vector.load %arg10[%get3A_46, %get3A_47] : memref<2000x1xf32, #tpu.memory_space<vmem>>, vector<2000x1xf32>
      %max3A_49 = arith.constant 1.000000e+00 : f32
      %max3A_50 = vector.broadcast %max3A_49 : f32 to vector<2000x1xf32>
      %max3A_51 = arith.maximumf %get3A_48, %max3A_50 : vector<2000x1xf32>
      %sqrt3A_52 = math.sqrt %max3A_51 : vector<2000x1xf32>
      %div3A_53 = arith.constant 1.000000e+00 : f32
      %div3A_54 = vector.broadcast %div3A_53 : f32 to vector<2000x1xf32>
      %div3A_55 = arith.divf %div3A_54, %sqrt3A_52 : vector<2000x1xf32>
      %mul3A_56 = vector.broadcast %div3A_55 : vector<2000x1xf32> to vector<2000x128xf32>
      %mul3A_57 = arith.mulf %add3A_43, %mul3A_56 : vector<2000x128xf32>
      %swap3A_58 = arith.constant 0 : index
      %swap3A_59 = arith.constant 0 : index
      %swap3A_60 = vector.load %arg12[%swap3A_58, %swap3A_59] : memref<2000x128xf32, #tpu.memory_space<vmem>>, vector<2000x128xf32>
      tpu.vector_store %arg12[%swap3A_58, %swap3A_59], %mul3A_57 {strides = array<i32>} : memref<2000x128xf32, #tpu.memory_space<vmem>>, vector<2000x128xf32>,
    } else {
    }
    return
  }
  func.func @transform_0(%arg0: i32, %arg1: i32) -> (i32, i32, i32) {
    %sub3A = arith.constant 1 : i32
    %sub3A_0 = arith.subi %sub3A, %arg0 : i32
    %mul3A = arith.muli %arg1, %sub3A_0 : i32
    %c0_i32 = arith.constant 0 : i32
    %c0_i32_1 = arith.constant 0 : i32
    %c0_i32_2 = arith.constant 0 : i32
    return %c0_i32, %mul3A, %c0_i32_1 : i32, i32, i32
  }
  func.func @transform_1(%arg0: i32, %arg1: i32) -> (i32, i32, i32) {
    %sub3A = arith.constant 1 : i32
    %sub3A_0 = arith.subi %sub3A, %arg0 : i32
    %mul3A = arith.muli %arg1, %sub3A_0 : i32
    %c1_i32 = arith.constant 1 : i32
    %c0_i32 = arith.constant 0 : i32
    %c0_i32_1 = arith.constant 0 : i32
    return %c1_i32, %mul3A, %c0_i32 : i32, i32, i32
  }
  func.func @transform_2(%arg0: i32, %arg1: i32) -> (i32, i32) {
    %sub3A = arith.constant 1 : i32
    %sub3A_0 = arith.subi %sub3A, %arg0 : i32
    %mul3A = arith.muli %arg1, %sub3A_0 : i32
    %c0_i32 = arith.constant 0 : i32
    %c0_i32_1 = arith.constant 0 : i32
    return %mul3A, %c0_i32 : i32, i32
  }
  func.func @transform_3(%arg0: i32, %arg1: i32) -> (i32, i32) {
    %c0_i32 = arith.constant 0 : i32
    %c0_i32_0 = arith.constant 0 : i32
    %c0_i32_1 = arith.constant 0 : i32
    return %c0_i32, %c0_i32_0 : i32, i32
  }
  func.func @transform_4(%arg0: i32, %arg1: i32) -> (i32, i32) {
    %c0_i32 = arith.constant 0 : i32
    %c0_i32_0 = arith.constant 0 : i32
    %c0_i32_1 = arith.constant 0 : i32
    return %c0_i32, %c0_i32_0 : i32, i32
  }
  func.func @transform_5(%arg0: i32, %arg1: i32) -> (i32, i32) {
    %mul3A = arith.muli %arg1, %arg0 : i32
    %c0_i32 = arith.constant 0 : i32
    %c0_i32_0 = arith.constant 0 : i32
    return %mul3A, %c0_i32 : i32, i32
  }
  func.func @transform_6(%arg0: i32, %arg1: i32) -> (i32, i32) {
    %c0_i32 = arith.constant 0 : i32
    %c0_i32_0 = arith.constant 0 : i32
    %c0_i32_1 = arith.constant 0 : i32
    return %c0_i32, %c0_i32_0 : i32, i32
  }
  func.func @transform_7(%arg0: i32, %arg1: i32) -> (i32, i32) {
    %c0_i32 = arith.constant 0 : i32
    %c0_i32_0 = arith.constant 0 : i32
    %c0_i32_1 = arith.constant 0 : i32
    return %c0_i32, %c0_i32_0 : i32, i32
  }
  func.func @transform_8(%arg0: i32, %arg1: i32) -> (i32, i32) {
    %mul3A = arith.muli %arg1, %arg0 : i32
    %c0_i32 = arith.constant 0 : i32
    %c0_i32_0 = arith.constant 0 : i32
    return %mul3A, %c0_i32 : i32, i32
  }
  func.func @transform_9(%arg0: i32, %arg1: i32) -> (i32, i32) {
    %mul3A = arith.muli %arg1, %arg0 : i32
    %c0_i32 = arith.constant 0 : i32
    %c0_i32_0 = arith.constant 0 : i32
    return %mul3A, %c0_i32 : i32, i32
  }
  func.func @transform_10(%arg0: i32, %arg1: i32) -> (i32, i32) {
    %mul3A = arith.muli %arg1, %arg0 : i32
    %c0_i32 = arith.constant 0 : i32
    %c0_i32_0 = arith.constant 0 : i32
    return %mul3A, %c0_i32 : i32, i32
  }
}

module attributes {stable_mosaic.version = 14 : i64} {
  func.func @_readout_body(%arg0: memref<100x100x128xf32, #tpu.memory_space<vmem>>, %arg1: memref<128x64xf32, #tpu.memory_space<vmem>>, %arg2: memref<1x64xf32, #tpu.memory_space<vmem>>, %arg3: memref<64x32xf32, #tpu.memory_space<vmem>>, %arg4: memref<1x32xf32, #tpu.memory_space<vmem>>, %arg5: memref<32x2xf32, #tpu.memory_space<vmem>>, %arg6: memref<1x2xf32, #tpu.memory_space<vmem>>, %arg7: memref<100x2xf32, #tpu.memory_space<vmem>>) attributes {dimension_semantics = [], scalar_prefetch = 0 : i64, scratch_operands = 0 : i64, tpu.core_type = #tpu.core_type<tc>} {
    %get3A = arith.constant 0 : index
    %get3A_0 = arith.constant 0 : index
    %get3A_1 = arith.constant 0 : index
    %get3A_2 = vector.load %arg0[%get3A, %get3A_0, %get3A_1] : memref<100x100x128xf32, #tpu.memory_space<vmem>>, vector<100x100x128xf32>
    %reduce_sum3A = arith.constant dense<0.000000e+00> : vector<100x128xf32>
    %reduce_sum3A_3 = vector.multi_reduction <add>, %get3A_2, %reduce_sum3A [1] : vector<100x100x128xf32> to vector<100x128xf32>
    %div3A = arith.constant 1.000000e+02 : f32
    %div3A_4 = vector.broadcast %div3A : f32 to vector<100x128xf32>
    %div3A_5 = arith.divf %reduce_sum3A_3, %div3A_4 : vector<100x128xf32>
    %get3A_6 = arith.constant 0 : index
    %get3A_7 = arith.constant 0 : index
    %get3A_8 = vector.load %arg1[%get3A_6, %get3A_7] : memref<128x64xf32, #tpu.memory_space<vmem>>, vector<128x64xf32>
    %convert_element_type3A = arith.truncf %div3A_5 : vector<100x128xf32> to vector<100x128xbf16>
    %convert_element_type3A_9 = arith.truncf %get3A_8 : vector<128x64xf32> to vector<128x64xbf16>
    %dot_general3A = arith.constant dense<0.000000e+00> : vector<100x64xf32>
    %dot_general3A_10 = tpu.matmul %convert_element_type3A, %convert_element_type3A_9, %dot_general3A {dimension_numbers = #tpu.dot_dimension_numbers<[1], [0], [0], [1], [0, 0, 1, 1], [], []>, transpose_lhs_hint = false} : vector<100x128xbf16>, vector<128x64xbf16>, vector<100x64xf32> -> vector<100x64xf32>
    %get3A_11 = arith.constant 0 : index
    %get3A_12 = arith.constant 0 : index
    %get3A_13 = vector.load %arg2[%get3A_11, %get3A_12] : memref<1x64xf32, #tpu.memory_space<vmem>>, vector<1x64xf32>
    %add3A = vector.broadcast %get3A_13 : vector<1x64xf32> to vector<100x64xf32>
    %add3A_14 = arith.addf %dot_general3A_10, %add3A : vector<100x64xf32>
    %max3A = arith.constant 0.000000e+00 : f32
    %max3A_15 = vector.broadcast %max3A : f32 to vector<100x64xf32>
    %max3A_16 = arith.maximumf %add3A_14, %max3A_15 : vector<100x64xf32>
    %get3A_17 = arith.constant 0 : index
    %get3A_18 = arith.constant 0 : index
    %get3A_19 = vector.load %arg3[%get3A_17, %get3A_18] : memref<64x32xf32, #tpu.memory_space<vmem>>, vector<64x32xf32>
    %convert_element_type3A_20 = arith.truncf %max3A_16 : vector<100x64xf32> to vector<100x64xbf16>
    %convert_element_type3A_21 = arith.truncf %get3A_19 : vector<64x32xf32> to vector<64x32xbf16>
    %dot_general3A_22 = arith.constant dense<0.000000e+00> : vector<100x32xf32>
    %dot_general3A_23 = tpu.matmul %convert_element_type3A_20, %convert_element_type3A_21, %dot_general3A_22 {dimension_numbers = #tpu.dot_dimension_numbers<[1], [0], [0], [1], [0, 0, 1, 1], [], []>, transpose_lhs_hint = false} : vector<100x64xbf16>, vector<64x32xbf16>, vector<100x32xf32> -> vector<100x32xf32>
    %get3A_24 = arith.constant 0 : index
    %get3A_25 = arith.constant 0 : index
    %get3A_26 = vector.load %arg4[%get3A_24, %get3A_25] : memref<1x32xf32, #tpu.memory_space<vmem>>, vector<1x32xf32>
    %add3A_27 = vector.broadcast %get3A_26 : vector<1x32xf32> to vector<100x32xf32>
    %add3A_28 = arith.addf %dot_general3A_23, %add3A_27 : vector<100x32xf32>
    %max3A_29 = arith.constant 0.000000e+00 : f32
    %max3A_30 = vector.broadcast %max3A_29 : f32 to vector<100x32xf32>
    %max3A_31 = arith.maximumf %add3A_28, %max3A_30 : vector<100x32xf32>
    %get3A_32 = arith.constant 0 : index
    %get3A_33 = arith.constant 0 : index
    %get3A_34 = vector.load %arg5[%get3A_32, %get3A_33] : memref<32x2xf32, #tpu.memory_space<vmem>>, vector<32x2xf32>
    %convert_element_type3A_35 = arith.truncf %max3A_31 : vector<100x32xf32> to vector<100x32xbf16>
    %convert_element_type3A_36 = arith.truncf %get3A_34 : vector<32x2xf32> to vector<32x2xbf16>
    %dot_general3A_37 = arith.constant dense<0.000000e+00> : vector<100x2xf32>
    %dot_general3A_38 = tpu.matmul %convert_element_type3A_35, %convert_element_type3A_36, %dot_general3A_37 {dimension_numbers = #tpu.dot_dimension_numbers<[1], [0], [0], [1], [0, 0, 1, 1], [], []>, transpose_lhs_hint = false} : vector<100x32xbf16>, vector<32x2xbf16>, vector<100x2xf32> -> vector<100x2xf32>
    %get3A_39 = arith.constant 0 : index
    %get3A_40 = arith.constant 0 : index
    %get3A_41 = vector.load %arg6[%get3A_39, %get3A_40] : memref<1x2xf32, #tpu.memory_space<vmem>>, vector<1x2xf32>
    %add3A_42 = vector.broadcast %get3A_41 : vector<1x2xf32> to vector<100x2xf32>
    %add3A_43 = arith.addf %dot_general3A_38, %add3A_42 : vector<100x2xf32>
    %swap3A = arith.constant 0 : index
    %swap3A_44 = arith.constant 0 : index
    %swap3A_45 = vector.load %arg7[%swap3A, %swap3A_44] : memref<100x2xf32, #tpu.memory_space<vmem>>, vector<100x2xf32>
    tpu.vector_store %arg7[%swap3A, %swap3A_44], %add3A_43 {strides = array<i32>} : memref<100x2xf32, #tpu.memory_space<vmem>>, vector<100x2xf32>,
    return
  }
}

</mosaic_0001>

<sc_bundles>
// kernel: kernel.14.cloned.1.call-start
scs
__scs_entry_jumppad:
0x0: {  	(pc) =	sbr.rel $0x88, $3  }
0x1: {  	(tag) =	ssettag $0x0;
	lr =	simm.s32 $0x1  }
0x2: {  	[smem:$0x3F90] =	sst lr;
	_ =	strace $0xD0000000  }
0x3: {  	_ = 	snop  }
0x4: {  	_ = 	snop  }
0x5: {  	_ = 	snop  }
0x6: {  	_ = 	snop  }
0x7: {  	_ = 	snop  }
__scs_overlays_trampoline_lowered:
0x8: {  	[smem:$0x3F9F] =	sst s0  }
0x9: {  	[smem:$0x3FA0] =	sst s1  }
0xa: {  	[smem:$0x3FA1] =	sst s2  }
0xb: {  	[smem:$0x3FA2] =	sst s3  }
0xc: {  	[smem:$0x3FA3] =	sst s4  }
0xd: {  	[smem:$0x3FA4] =	sst s5  }
0xe: {  	[smem:$0x3FA5] =	sst s6  }
0xf: {  	[smem:$0x3FA6] =	sst s7  }
0x10: {  	[smem:$0x3FA7] =	sst s8  }
0x11: {  	[smem:$0x3FA8] =	sst s9;
	s0 =	simm.s32 @!p0 $0x0  }
0x12: {  	s1 =	sld [smem:$0x3F8E];
	s0 =	simm.s32 @p0 $0x1  }
0x13: {  	[smem:$0x3FA9] =	sst s0;
	s0 =	simm.s32 @!p1 $0x0  }
0x14: {  	s2 =	sld [smem:$0x3F8D];
	s0 =	simm.s32 @p1 $0x1  }
0x15: {  	[smem:$0x3FAA] =	sst s0;
	s0 =	simm.s32 @!p2 $0x0  }
0x16: {  	s3 =	sld [smem:$0x3FDB];
	s0 =	simm.s32 @p2 $0x1  }
0x17: {  	s4 =	simm.s32 $0x1BF5;
	[smem:$0x3FAC] =	sst s0  }
0x18: {  	s0 =	sld [smem:$0x3F8F];
	_ =	swait.ge [sflag:s4], $0x0  }
0x19: {  	s7 =	sld [smem:$0x3F90]  }
0x1a: {  	s8 =	sadd.s32 $0xFFFFE003, lr  }
0x1b: {  	s9 =	sadd.s32 $0xFFFFFEF7, lr;
	s5 =	simm.s32 $0xFFFFFFFF;
	p2 =	slt.u32 s8, $0xFFFFF086  }
0x1c: {  	p1 =	slt.u32 s9, $0xF7A;
	s5 =	simm.s32 @!p2 $0x0  }
0x1d: {  	s5 =	simm.s32 @p1 $0x1;
	p0 =	seq.s32 s7, s2  }
0x1e: {  	s7 =	smul.u32 @!p0 $0xF7A, s2;
	p2 =	seq.s32 @!p0 s5, $0x0  }
0x1f: {  	s9 =	smul.u32 $0xF7A, s1;
	s8 =	simm.s32 @!p0 $0x1BF5;
	p2 =	por !p2, p0  }
0x20: {  	[sflag:s8] =	ssyncset.s32 @!p0 $0xFFFFF086;
	s6 =	sadd.s32 @!p0 s3, s7;
	s7 =	simm.s32 @!p0 $0x108  }
0x21: {  	s3 =	sadd.s32 s3, s9;
	s6 =	sadd.s32 @!p0 $0x88, s6;
	s7 =	simm.s32 @p2 $0x1082  }
0x22: {  	[simem:s7], [sflag:s8] =	dma.local @!p0 [hbm:s6], $0xF7A  }
0x23: {  	s9 =	sor.u32 $0xD0000000, s2;
	s6 =	simm.s32 $0x108;
	_ =	swait.ge @!p0 [sflag:s8], $0x0  }
0x24: {  	s3 =	sadd.s32 $0x88, s3;
	s6 =	simm.s32 @!p1 $0x1082;
	[sflag:s4] =	ssyncset.s32 $0xFFFFF086  }
0x25: {  	[simem:s6], [sflag:s4] =	dma.local [hbm:s3], $0xF7A  }
0x26: {  	[smem:$0x3F90] =	sst s1;
	(tag) =	ssettag s2;
	_ =	strace s9  }
0x27: {  	s1 =	sld [smem:$0x3FA0]  }
0x28: {  	s2 =	sld [smem:$0x3FA1]  }
0x29: {  	s4 =	sld [smem:$0x3FA3]  }
0x2a: {  	p0 =	seq.s32 s5, $0x0;
	s5 =	sld [smem:$0x3FA4]  }
0x2b: {  	s6 =	sld [smem:$0x3FA5]  }
0x2c: {  	s7 =	sld [smem:$0x3FA6]  }
0x2d: {  	s3 =	simm.s32 $0x108;
	s8 =	sld [smem:$0x3FA7]  }
0x2e: {  	s3 =	simm.s32 @!p0 $0x1082;
	s9 =	sld [smem:$0x3FA8]  }
0x2f: {  	lr =	sadd.s32 s0, s3;
	s0 =	sld [smem:$0x3F9F]  }
0x30: {  	s3 =	sld [smem:$0x3FA2]  }
0x31: {  	[smem:$0x3FAB] =	sst s10  }
0x32: {  	s10 =	sld [smem:$0x3FA9];
	_ =	sdelay $0x3  }
0x33: {  	p0 =	seq.s32 s10, $0x1;
	s10 =	sld [smem:$0x3FAB];
	_ =	sdelay $0x3  }
0x34: {  	[smem:$0x3FAB] =	sst s10  }
0x35: {  	s10 =	sld [smem:$0x3FAA];
	_ =	sdelay $0x3  }
0x36: {  	p1 =	seq.s32 s10, $0x1;
	s10 =	sld [smem:$0x3FAB];
	_ =	sdelay $0x3  }
0x37: {  	[smem:$0x3FAB] =	sst s10  }
0x38: {  	s10 =	sld [smem:$0x3FAC]  }
0x39: {  	_ = 	snop;
	(pc) =	sbr.ind lr, $3  }
0x3a: {  	_ = 	snop  }
0x3b: {  	_ = 	snop  }
0x3c: {  	p2 =	seq.s32 s10, $0x1;
	s10 =	sld [smem:$0x3FAB]  }
0x3d: {  	_ =	shalt  }
0x3e: {  	_ =	shalt  }
0x3f: {  	_ =	shalt  }
0x40: {  	_ =	shalt  }
0x41: {  	_ =	shalt  }
0x42: {  	_ =	shalt  }
0x43: {  	_ =	shalt  }
0x44: {  	_ =	shalt  }
0x45: {  	_ =	shalt  }
0x46: {  	_ =	shalt  }
0x47: {  	_ =	shalt  }
0x48: {  	_ =	shalt  }
0x49: {  	_ =	shalt  }
0x4a: {  	_ =	shalt  }
0x4b: {  	_ =	shalt  }
0x4c: {  	_ =	shalt  }
0x4d: {  	_ =	shalt  }
0x4e: {  	_ =	shalt  }
0x4f: {  	_ =	shalt  }
0x50: {  	_ =	shalt  }
0x51: {  	_ =	shalt  }
0x52: {  	_ =	shalt  }
0x53: {  	_ =	shalt  }
0x54: {  	_ =	shalt  }
0x55: {  	_ =	shalt  }
0x56: {  	_ =	shalt  }
0x57: {  	_ =	shalt  }
0x58: {  	_ =	shalt  }
0x59: {  	_ =	shalt  }
0x5a: {  	_ =	shalt  }
0x5b: {  	_ =	shalt  }
0x5c: {  	_ =	shalt  }
0x5d: {  	_ =	shalt  }
0x5e: {  	_ =	shalt  }
0x5f: {  	_ =	shalt  }
0x60: {  	_ =	shalt  }
0x61: {  	_ =	shalt  }
0x62: {  	_ =	shalt  }
0x63: {  	_ =	shalt  }
0x64: {  	_ =	shalt  }
0x65: {  	_ =	shalt  }
0x66: {  	_ =	shalt  }
0x67: {  	_ =	shalt  }
0x68: {  	_ =	shalt  }
0x69: {  	_ =	shalt  }
0x6a: {  	_ =	shalt  }
0x6b: {  	_ =	shalt  }
0x6c: {  	_ =	shalt  }
0x6d: {  	_ =	shalt  }
0x6e: {  	_ =	shalt  }
0x6f: {  	_ =	shalt  }
0x70: {  	_ =	shalt  }
0x71: {  	_ =	shalt  }
0x72: {  	_ =	shalt  }
0x73: {  	_ =	shalt  }
0x74: {  	_ =	shalt  }
0x75: {  	_ =	shalt  }
0x76: {  	_ =	shalt  }
0x77: {  	_ =	shalt  }
0x78: {  	_ =	shalt  }
0x79: {  	_ =	shalt  }
0x7a: {  	_ =	shalt  }
0x7b: {  	_ =	shalt  }
0x7c: {  	_ =	shalt  }
0x7d: {  	_ =	shalt  }
0x7e: {  	_ =	shalt  }
0x7f: {  	_ =	shalt  }
0x80: {  	_ =	shalt  }
0x81: {  	_ =	shalt  }
0x82: {  	_ =	shalt  }
0x83: {  	_ =	shalt  }
0x84: {  	_ =	shalt  }
0x85: {  	_ =	shalt  }
0x86: {  	_ =	shalt  }
0x87: {  	_ =	shalt  }
.Lfunc_end0:
.L_simem_size_0:
called_computation_lowered:
.L_overlay_start_0:
0x88: {  	s2 =	sld [smem:$0x3FD9]  }
0x89: {  	s3 =	sld [smem:$0x3FFE];
	_ =	sdelay $0x1  }
0x8a: {  	s1 =	srdreg.scid  }
0x8b: {  	s0 =	sand.u32 $0x1, s1  }
0x8c: {  	s16 =	sshll.u32 s0, $0xA;
	s2 =	sadd.s32 s3, s2  }
0x8d: {  	s2 =	sadd.s32 s2, s16  }
0x8e: {  	[smem:$0x3FB7] =	sst s2  }
0x8f: {  	_ = 	snop  }
0x90: {  	(tm) =	ssettm $0x1  }
0x91: {  	s17 =	sld [smem:$0x3FFB];
	_ =	sdelay $0x3  }
0x92: {  	_ =	strace s17  }
0x93: {  	s2 =	sld [smem:$0x3FFC];
	_ =	sdelay $0x3  }
0x94: {  	_ =	strace s2  }
0x95: {  	s2 =	sld [smem:$0x3FFD];
	_ =	sdelay $0x3  }
0x96: {  	_ =	strace s2  }
0x97: {  	_ =	strace $0x8FFFFFFF  }
0x98: {  	s18 =	sld [smem:$0x3FDB];
	_ =	sdelay $0x1  }
0x99: {  	s19 =	simm.s32 $_scs_section_size  }
0x9a: {  	s4 =	simm.s32 $_size__tile_overlayer_lowered;
	s5 =	simm.s32 $_tile_overlayer_lowered  }
0x9b: {  	s22 =	simm.s32 $0x1BFF;
	s21 =	sshll.u32 s5, $0x1;
	s2 =	sadd.s32 s19, s18  }
0x9c: {  	s6 =	simm.s32 $0x0;
	s20 =	sshll.u32 s4, $0x1;
	s4 =	sadd.s32 s21, s2  }
0x9d: {  	[timem:s6], [sflag:s22] =	dma.local [hbm:s4], s20  }
0x9e: {  	_ =	swait.ge [sflag:s22], s20  }
0x9f: {  	s3 =	ssub.s32 $0x0, s20;
	[sflag:s22] =	ssyncset.done $0x0  }
0xa0: {  	[sflag:s22] =	ssyncadd.s32 s3;
	_ =	sdelay $0x1  }
0xa1: {  	s23 =	simm.s32 $0x1B8B  }
0xa2: {  	_ =	swait.ge [sflag:s23], $0x1  }
0xa3: {  	[sflag:s23] =	ssyncset.done $0x0  }
0xa4: {  	s25 =	simm.s32 $0x1B8E;
	s24 =	sld [smem:$0x3FFE];
	[sflag:s23] =	ssyncadd.s32 $0xFFFFFFFF  }
0xa5: {  	s26 =	simm.s32 $execute0_lowered;
	[smem:$0x3FD2] =	sst s25  }
0xa6: {  	s4 =	sshll.u32 s26, $0x1;
	_ =	strace $0x80000046;
	[dreg:$0x1] =	wrdreg $0xFFFFFFFF  }
0xa7: {  	s28 =	simm.s32 $_size_execute0_lowered;
	s2 =	sadd.s32 s2, s4;
	[dreg:$0x0] =	wrdreg $0x0  }
0xa8: {  	s4 =	sshll.u32 s28, $0x1;
	[dreg:$0x2] =	wrdreg s2  }
0xa9: {  	[dreg:$0x3] =	wrdreg s4  }
0xaa: {  	[dreg:$0x4] =	wrdreg $0xC0  }
0xab: {  	_ =	task [dreg:s6], $0x5FFFF  }
0xac: {  	[dreg:$0x1] =	wrdreg $0xFFFFFFFF  }
0xad: {  	[dreg:$0x0] =	wrdreg $0x60  }
0xae: {  	[dreg:$0x2] =	wrdreg s24  }
0xaf: {  	[dreg:$0x3] =	wrdreg $0x83000  }
0xb0: {  	[dreg:$0x4] =	wrdreg $0x9  }
0xb1: {  	_ =	task.clear_ibuf [dreg:s6], $0x5FFFF;
	_ =	strace $0x90000046  }
0xb2: {  	s29 =	simm.s32 $0x9;
	_ =	strace $0x80000048  }
0xb3: {  	_ =	swait.ge [sflag:s29], $0x1  }
0xb4: {  	[sflag:s29] =	ssyncadd.s32 $0xFFFFFFFF  }
0xb5: {  	_ =	strace $0x90000048  }
0xb6: {  	_ =	sfence  }
0xb7: {  	s30 =	sld [smem:$0x0];
	_ =	sdelay $0x2  }
0xb8: {  	s31 =	sshll.u32 s1, $0xD;
	s1 =	sshrl.u32 s1, $0x2  }
0xb9: {  	s3 =	sand.u32 $0x4000, s31;
	s1 =	sadd.s32 s1, s30  }
0xba: {  	s0 =	sor.u32 s3, s0;
	s1 =	sshll.u32 s1, $0x11  }
0xbb: {  	s0 =	sor.u32 s1, s0  }
0xbc: {  	s0 =	sadd.s32 $0x8F2B, s0  }
0xbd: {  	[sflag:s0] =	ssyncadd.remote.s32 $0x1  }
0xbe: {  	_ =	sfence.sel $0xFFFF  }
0xbf: {  	[dreg:$0x0] =	wrdreg $0xFFFFFFFF;
	(pc) =	sbr.abs _section_cstart, $3  }
0xc0: {  	[dreg:$0x1] =	wrdreg $0xFFFFFFFF  }
0xc1: {  	_ =	task.clear_ibuf [dreg:s6], $0x2FFFF;
	_ =	strace $0x9FFFFFFF  }
0xc2: {  	(tm) =	ssettm $0x7FFFFFFF  }
0xc3: {  	_ =	shalt  }
tec
execute0_lowered:
.L_overlay_start_1:
0x0: {  	(tag) =	ssettag $0x1  }
0x1: {  	s4 =	rddreg [dreg:$0x0]  }
0x2: {  	s2 =	rddreg [dreg:$0x1]  }
0x3: {  	s0 =	rddreg [dreg:$0x2]  }
0x4: {  	s1 =	stileid.u32;
	s5 =	srdreg.scid;
	s3 =	simm.s32 $0x0  }
0x5: {  	s11 =	simm.s32 $0x8000;
	s14 =	simm.s32 $0x0;
	s5 =	sand.u32 $0x1, s5  }
0x6: {  	s6 =	smul.u32 $0x280, s1;
	[smem:$0x7FF] =	sst s3;
	s8 =	sshll.u32 s1, $0xC  }
0x7: {  	s12 =	sshll.u32 s1, $0x6;
	s7 =	smul.u32 $0x2800, s5;
	_ =	strace $0x80000047  }
0x8: {  	s8 =	sadd.s32 s8, s4;
	s9 =	ssub.s32 $0x2, s5;
	s5 =	sshll.u32 s5, $0x10  }
0x9: {  	s12 =	sor.u32 $0x1C01, s12;
	s10 =	sshrl.u32 s9, $0x1;
	s7 =	sadd.s32 s6, s7  }
0xa: {  	s5 =	sadd.s32 s5, s8;
	s8 =	simm.s32 $0x8080;
	s7 =	sshrl.u32 s7, $0x3  }
0xb: {  	s9 =	ssub.s32 s9, s10;
	s5 =	sadd.s32 $0x4E00, s5;
	s7 =	sadd.s32 s7, s4  }
0xc: {  	s10 =	simm.s32 $0x50;
	s4 =	sadd.s32 s6, s2;
	s6 =	sadd.s32 $0x24E00, s7  }
0xd: {  	v0 =	vimm.f32 $0.0e+00;
	v1 =	vimm.f32 $1.000000000e+00;
	s7 =	smax.u32 s9, $0x1;
	s9 =	simm.s32 $0x1;
	s13 =	sshrl.u32 s4, $0x3  }
.LBB2_1:
0xe: {  	[tilespmem:$0x8080] =	vst v0  }
0xf: {  	[tilespmem:$0x8090] =	vst v0  }
0x10: {  	[tilespmem:$0x80A0] =	vst v0  }
0x11: {  	[tilespmem:$0x80B0] =	vst v0  }
0x12: {  	[tilespmem:$0x80C0] =	vst v0  }
0x13: {  	[tilespmem:$0x80D0] =	vst v0  }
0x14: {  	[tilespmem:$0x80E0] =	vst v0  }
0x15: {  	[tilespmem:$0x80F0] =	vst v0  }
0x16: {  	[tilespmem:$0x8100] =	vst v0  }
0x17: {  	[tilespmem:$0x8110] =	vst v0  }
0x18: {  	[tilespmem:$0x8120] =	vst v0  }
0x19: {  	[tilespmem:$0x8130] =	vst v0  }
0x1a: {  	[tilespmem:$0x8140] =	vst v0  }
0x1b: {  	[tilespmem:$0x8150] =	vst v0  }
0x1c: {  	[tilespmem:$0x8160] =	vst v0  }
0x1d: {  	[tilespmem:$0x8170] =	vst v0  }
0x1e: {  	[tilespmem:$0x8180] =	vst v0  }
0x1f: {  	[tilespmem:$0x8190] =	vst v0  }
0x20: {  	[tilespmem:$0x81A0] =	vst v0  }
0x21: {  	[tilespmem:$0x81B0] =	vst v0  }
0x22: {  	[tilespmem:$0x81C0] =	vst v0  }
0x23: {  	[tilespmem:$0x81D0] =	vst v0  }
0x24: {  	[tilespmem:$0x81E0] =	vst v0  }
0x25: {  	[tilespmem:$0x81F0] =	vst v0  }
0x26: {  	[tilespmem:$0x8200] =	vst v0  }
0x27: {  	[tilespmem:$0x8210] =	vst v0  }
0x28: {  	[tilespmem:$0x8220] =	vst v0  }
0x29: {  	[tilespmem:$0x8230] =	vst v0  }
0x2a: {  	[tilespmem:$0x8240] =	vst v0  }
0x2b: {  	[tilespmem:$0x8250] =	vst v0  }
0x2c: {  	[tilespmem:$0x8260] =	vst v0  }
0x2d: {  	[tilespmem:$0x8270] =	vst v0  }
0x2e: {  	[tilespmem:$0x8280] =	vst v0  }
0x2f: {  	[tilespmem:$0x8290] =	vst v0  }
0x30: {  	[tilespmem:$0x82A0] =	vst v0  }
0x31: {  	[tilespmem:$0x82B0] =	vst v0  }
0x32: {  	[tilespmem:$0x82C0] =	vst v0  }
0x33: {  	[tilespmem:$0x82D0] =	vst v0  }
0x34: {  	[tilespmem:$0x82E0] =	vst v0  }
0x35: {  	[tilespmem:$0x82F0] =	vst v0  }
0x36: {  	[tilespmem:$0x8000] =	vst v1  }
0x37: {  	[tilespmem:$0x8010] =	vst v1  }
0x38: {  	[tilespmem:$0x8020] =	vst v1  }
0x39: {  	[tilespmem:$0x8030] =	vst v1  }
0x3a: {  	[tilespmem:$0x8040] =	vst v1  }
0x3b: {  	[spmem:s4] =	stream.linear.scatter [tilespmem:s8], [sflag:$0x1], $0x280, $0x38;
	[tilespmem:$0x8580] =	vst v63  }
0x3c: {  	_ =	swait.ge [sflag:s9], $0x280  }
0x3d: {  	[sflag:s9] =	ssyncset.done $0x0  }
0x3e: {  	[sflag:s9] =	ssyncadd.s32 $0xFFFFFD80  }
0x3f: {  	[tilespmem:s3], [sflag:$0x1] =	stream.linear.gather [hbm4b:s5+s3], $0x7D00, $0x38;
	[tilespmem:$0x8580] =	vst v63  }
0x40: {  	_ =	swait.ge [sflag:s9], $0x7D00  }
0x41: {  	[sflag:s9] =	ssyncset.done $0x0  }
0x42: {  	[sflag:s9] =	ssyncadd.s32 $0xFFFF8300  }
0x43: {  	s15 =	simm.s32 $0x0;
	[bflag:$0x0] =	sbarrier.arrive $0xFFFF  }
0x44: {  	[spmem:s2] =	stream.indirect.scatter.add.f32 [tilespmem:s11], [sflag:$0x1], $0x1, s15, s10, $0xb8;
	[tilespmem:$0x8580] =	vst v63  }
0x45: {  	_ =	swait.ge [sflag:s9], $0x50  }
0x46: {  	s15 =	simm.s32 $0x200;
	[sflag:s9] =	ssyncset.done $0x0  }
.LBB2_2:
0x47: {  	s16 =	sshra.s32 s15, $0x2;
	[sflag:s9] =	ssyncadd.s32 $0xFFFFFFB0;
	p0 =	sne.s32 s15, $0x1F200  }
0x48: {  	[spmem:s2] =	stream.indirect.scatter.add.f32 [tilespmem:s11], [sflag:$0x1], $0x1, s16, s10, $0xb8;
	[tilespmem:$0x8580] =	vst v63  }
.Ltmp0:
0x49: {  	_ = 	snop;
	(pc) =	sbr.rel @p0 .LBB2_2-.Ltmp0, $4  }
0x4a: {  	_ = 	snop  }
0x4b: {  	s15 =	sadd.s32 $0x200, s15  }
0x4c: {  	_ =	swait.ge [sflag:s9], $0x50  }
0x4d: {  	[sflag:s9] =	ssyncset.done $0x0  }
0x4e: {  	s14 =	sadd.s32 $0x1, s14  }
0x4f: {  	[sflag:s9] =	ssyncadd.s32 $0xFFFFFFB0;
	p0 =	sne.s32 s14, s7  }
.Ltmp1:
0x50: {  	[bflag:$0x0] =	sbarrier.arrive $0xFFFF;
	(pc) =	sbr.rel @p0 .LBB2_1-.Ltmp1, $4  }
0x51: {  	[hbm:s6], [sflag:s12] =	dma.local [spmem:s13], $0x50  }
0x52: {  	_ =	swait.ge [sflag:s9], $0x50  }
0x53: {  	[sflag:s9] =	ssyncset.done $0x0  }
0x54: {  	[sflag:s9] =	ssyncadd.s32 $0xFFFFFFB0  }
0x55: {  	_ =	sfence.sel $0x180000  }
0x56: {  	[bflag:$0x0] =	sbarrier.arrive $0xFFFF  }
0x57: {  	p0 =	sne.s32 s1, $0x0;
	_ =	strace $0x90000047  }
0x58: {  	s0 =	sadd.s32 @!p0 $0x100000, s0;
	[bflag:$0x2] =	sbarrier.arrive $0xFFFF  }
0x59: {  	[sflag:s0] =	ssyncadd.tile.s32 @!p0 $0x1;
	_ =	shalt  }
.Lfunc_end2:
_tile_overlayer_lowered:
.L_overlay_start_2:
0x5a: {  	(tag) =	ssettag $0x2  }
0x5b: {  	s0 =	rddreg [dreg:$0x0];
	s2 =	stileid.u32  }
0x5c: {  	s1 =	rddreg [dreg:$0x1];
	p0 =	sne.s32 s2, $0x0  }
0x5d: {  	s3 =	rddreg [dreg:$0x2];
	[bflag:$0x3] =	sbarrier.arrive $0xFFFF;
	s2 =	simm.s32 @!p0 $0x1C01  }
0x5e: {  	[timem:s3], [sflag:s2] =	dma.local @!p0 [hbm:s0], s1  }
0x5f: {  	s0 =	simm.s32 @!p0 $0x1  }
0x60: {  	_ =	swait.ge @!p0 [sflag:s0], s1  }
0x61: {  	s1 =	ssub.s32 @!p0 $0x0, s1;
	[sflag:s0] =	ssyncset.done @!p0 $0x0  }
0x62: {  	[sflag:s0] =	ssyncadd.s32 @!p0 s1  }
0x63: {  	[bflag:$0x3] =	sbarrier.arrive $0xFFFF  }
0x64: {  	_ =	shalt  }

// kernel: kernel.17.cloned.1.call-start
scs
__scs_entry_jumppad:
0x0: {  	(pc) =	sbr.rel $0x88, $3  }
0x1: {  	(tag) =	ssettag $0x0;
	lr =	simm.s32 $0x1  }
0x2: {  	[smem:$0x3F90] =	sst lr;
	_ =	strace $0xD0000000  }
0x3: {  	_ = 	snop  }
0x4: {  	_ = 	snop  }
0x5: {  	_ = 	snop  }
0x6: {  	_ = 	snop  }
0x7: {  	_ = 	snop  }
__scs_overlays_trampoline_lowered:
0x8: {  	[smem:$0x3F9F] =	sst s0  }
0x9: {  	[smem:$0x3FA0] =	sst s1  }
0xa: {  	[smem:$0x3FA1] =	sst s2  }
0xb: {  	[smem:$0x3FA2] =	sst s3  }
0xc: {  	[smem:$0x3FA3] =	sst s4  }
0xd: {  	[smem:$0x3FA4] =	sst s5  }
0xe: {  	[smem:$0x3FA5] =	sst s6  }
0xf: {  	[smem:$0x3FA6] =	sst s7  }
0x10: {  	[smem:$0x3FA7] =	sst s8  }
0x11: {  	[smem:$0x3FA8] =	sst s9;
	s0 =	simm.s32 @!p0 $0x0  }
0x12: {  	s1 =	sld [smem:$0x3F8E];
	s0 =	simm.s32 @p0 $0x1  }
0x13: {  	[smem:$0x3FA9] =	sst s0;
	s0 =	simm.s32 @!p1 $0x0  }
0x14: {  	s2 =	sld [smem:$0x3F8D];
	s0 =	simm.s32 @p1 $0x1  }
0x15: {  	[smem:$0x3FAA] =	sst s0;
	s0 =	simm.s32 @!p2 $0x0  }
0x16: {  	s3 =	sld [smem:$0x3FDB];
	s0 =	simm.s32 @p2 $0x1  }
0x17: {  	s4 =	simm.s32 $0x1BF5;
	[smem:$0x3FAC] =	sst s0  }
0x18: {  	s0 =	sld [smem:$0x3F8F];
	_ =	swait.ge [sflag:s4], $0x0  }
0x19: {  	s7 =	sld [smem:$0x3F90]  }
0x1a: {  	s8 =	sadd.s32 $0xFFFFE003, lr  }
0x1b: {  	s9 =	sadd.s32 $0xFFFFFEF7, lr;
	s5 =	simm.s32 $0xFFFFFFFF;
	p2 =	slt.u32 s8, $0xFFFFF086  }
0x1c: {  	p1 =	slt.u32 s9, $0xF7A;
	s5 =	simm.s32 @!p2 $0x0  }
0x1d: {  	s5 =	simm.s32 @p1 $0x1;
	p0 =	seq.s32 s7, s2  }
0x1e: {  	s7 =	smul.u32 @!p0 $0xF7A, s2;
	p2 =	seq.s32 @!p0 s5, $0x0  }
0x1f: {  	s9 =	smul.u32 $0xF7A, s1;
	s8 =	simm.s32 @!p0 $0x1BF5;
	p2 =	por !p2, p0  }
0x20: {  	[sflag:s8] =	ssyncset.s32 @!p0 $0xFFFFF086;
	s6 =	sadd.s32 @!p0 s3, s7;
	s7 =	simm.s32 @!p0 $0x108  }
0x21: {  	s3 =	sadd.s32 s3, s9;
	s6 =	sadd.s32 @!p0 $0x88, s6;
	s7 =	simm.s32 @p2 $0x1082  }
0x22: {  	[simem:s7], [sflag:s8] =	dma.local @!p0 [hbm:s6], $0xF7A  }
0x23: {  	s9 =	sor.u32 $0xD0000000, s2;
	s6 =	simm.s32 $0x108;
	_ =	swait.ge @!p0 [sflag:s8], $0x0  }
0x24: {  	s3 =	sadd.s32 $0x88, s3;
	s6 =	simm.s32 @!p1 $0x1082;
	[sflag:s4] =	ssyncset.s32 $0xFFFFF086  }
0x25: {  	[simem:s6], [sflag:s4] =	dma.local [hbm:s3], $0xF7A  }
0x26: {  	[smem:$0x3F90] =	sst s1;
	(tag) =	ssettag s2;
	_ =	strace s9  }
0x27: {  	s1 =	sld [smem:$0x3FA0]  }
0x28: {  	s2 =	sld [smem:$0x3FA1]  }
0x29: {  	s4 =	sld [smem:$0x3FA3]  }
0x2a: {  	p0 =	seq.s32 s5, $0x0;
	s5 =	sld [smem:$0x3FA4]  }
0x2b: {  	s6 =	sld [smem:$0x3FA5]  }
0x2c: {  	s7 =	sld [smem:$0x3FA6]  }
0x2d: {  	s3 =	simm.s32 $0x108;
	s8 =	sld [smem:$0x3FA7]  }
0x2e: {  	s3 =	simm.s32 @!p0 $0x1082;
	s9 =	sld [smem:$0x3FA8]  }
0x2f: {  	lr =	sadd.s32 s0, s3;
	s0 =	sld [smem:$0x3F9F]  }
0x30: {  	s3 =	sld [smem:$0x3FA2]  }
0x31: {  	[smem:$0x3FAB] =	sst s10  }
0x32: {  	s10 =	sld [smem:$0x3FA9];
	_ =	sdelay $0x3  }
0x33: {  	p0 =	seq.s32 s10, $0x1;
	s10 =	sld [smem:$0x3FAB];
	_ =	sdelay $0x3  }
0x34: {  	[smem:$0x3FAB] =	sst s10  }
0x35: {  	s10 =	sld [smem:$0x3FAA];
	_ =	sdelay $0x3  }
0x36: {  	p1 =	seq.s32 s10, $0x1;
	s10 =	sld [smem:$0x3FAB];
	_ =	sdelay $0x3  }
0x37: {  	[smem:$0x3FAB] =	sst s10  }
0x38: {  	s10 =	sld [smem:$0x3FAC]  }
0x39: {  	_ = 	snop;
	(pc) =	sbr.ind lr, $3  }
0x3a: {  	_ = 	snop  }
0x3b: {  	_ = 	snop  }
0x3c: {  	p2 =	seq.s32 s10, $0x1;
	s10 =	sld [smem:$0x3FAB]  }
0x3d: {  	_ =	shalt  }
0x3e: {  	_ =	shalt  }
0x3f: {  	_ =	shalt  }
0x40: {  	_ =	shalt  }
0x41: {  	_ =	shalt  }
0x42: {  	_ =	shalt  }
0x43: {  	_ =	shalt  }
0x44: {  	_ =	shalt  }
0x45: {  	_ =	shalt  }
0x46: {  	_ =	shalt  }
0x47: {  	_ =	shalt  }
0x48: {  	_ =	shalt  }
0x49: {  	_ =	shalt  }
0x4a: {  	_ =	shalt  }
0x4b: {  	_ =	shalt  }
0x4c: {  	_ =	shalt  }
0x4d: {  	_ =	shalt  }
0x4e: {  	_ =	shalt  }
0x4f: {  	_ =	shalt  }
0x50: {  	_ =	shalt  }
0x51: {  	_ =	shalt  }
0x52: {  	_ =	shalt  }
0x53: {  	_ =	shalt  }
0x54: {  	_ =	shalt  }
0x55: {  	_ =	shalt  }
0x56: {  	_ =	shalt  }
0x57: {  	_ =	shalt  }
0x58: {  	_ =	shalt  }
0x59: {  	_ =	shalt  }
0x5a: {  	_ =	shalt  }
0x5b: {  	_ =	shalt  }
0x5c: {  	_ =	shalt  }
0x5d: {  	_ =	shalt  }
0x5e: {  	_ =	shalt  }
0x5f: {  	_ =	shalt  }
0x60: {  	_ =	shalt  }
0x61: {  	_ =	shalt  }
0x62: {  	_ =	shalt  }
0x63: {  	_ =	shalt  }
0x64: {  	_ =	shalt  }
0x65: {  	_ =	shalt  }
0x66: {  	_ =	shalt  }
0x67: {  	_ =	shalt  }
0x68: {  	_ =	shalt  }
0x69: {  	_ =	shalt  }
0x6a: {  	_ =	shalt  }
0x6b: {  	_ =	shalt  }
0x6c: {  	_ =	shalt  }
0x6d: {  	_ =	shalt  }
0x6e: {  	_ =	shalt  }
0x6f: {  	_ =	shalt  }
0x70: {  	_ =	shalt  }
0x71: {  	_ =	shalt  }
0x72: {  	_ =	shalt  }
0x73: {  	_ =	shalt  }
0x74: {  	_ =	shalt  }
0x75: {  	_ =	shalt  }
0x76: {  	_ =	shalt  }
0x77: {  	_ =	shalt  }
0x78: {  	_ =	shalt  }
0x79: {  	_ =	shalt  }
0x7a: {  	_ =	shalt  }
0x7b: {  	_ =	shalt  }
0x7c: {  	_ =	shalt  }
0x7d: {  	_ =	shalt  }
0x7e: {  	_ =	shalt  }
0x7f: {  	_ =	shalt  }
0x80: {  	_ =	shalt  }
0x81: {  	_ =	shalt  }
0x82: {  	_ =	shalt  }
0x83: {  	_ =	shalt  }
0x84: {  	_ =	shalt  }
0x85: {  	_ =	shalt  }
0x86: {  	_ =	shalt  }
0x87: {  	_ =	shalt  }
.Lfunc_end0:
.L_simem_size_0:
called_computation.1_lowered:
.L_overlay_start_0:
0x88: {  	s2 =	sld [smem:$0x3FD9]  }
0x89: {  	s3 =	sld [smem:$0x3FFE];
	_ =	sdelay $0x1  }
0x8a: {  	s1 =	srdreg.scid  }
0x8b: {  	s0 =	sand.u32 $0x1, s1  }
0x8c: {  	s16 =	sshll.u32 s0, $0xA;
	s2 =	sadd.s32 s3, s2  }
0x8d: {  	s2 =	sadd.s32 s2, s16  }
0x8e: {  	[smem:$0x3FB7] =	sst s2  }
0x8f: {  	_ = 	snop  }
0x90: {  	(tm) =	ssettm $0x1  }
0x91: {  	s17 =	sld [smem:$0x3FFB];
	_ =	sdelay $0x3  }
0x92: {  	_ =	strace s17  }
0x93: {  	s2 =	sld [smem:$0x3FFC];
	_ =	sdelay $0x3  }
0x94: {  	_ =	strace s2  }
0x95: {  	s2 =	sld [smem:$0x3FFD];
	_ =	sdelay $0x3  }
0x96: {  	_ =	strace s2  }
0x97: {  	_ =	strace $0x8FFFFFFF  }
0x98: {  	s18 =	sld [smem:$0x3FDB];
	_ =	sdelay $0x1  }
0x99: {  	s19 =	simm.s32 $_scs_section_size  }
0x9a: {  	s4 =	simm.s32 $_size__tile_overlayer_lowered;
	s5 =	simm.s32 $_tile_overlayer_lowered  }
0x9b: {  	s22 =	simm.s32 $0x1BFF;
	s21 =	sshll.u32 s5, $0x1;
	s2 =	sadd.s32 s19, s18  }
0x9c: {  	s6 =	simm.s32 $0x0;
	s20 =	sshll.u32 s4, $0x1;
	s4 =	sadd.s32 s21, s2  }
0x9d: {  	[timem:s6], [sflag:s22] =	dma.local [hbm:s4], s20  }
0x9e: {  	_ =	swait.ge [sflag:s22], s20  }
0x9f: {  	s3 =	ssub.s32 $0x0, s20;
	[sflag:s22] =	ssyncset.done $0x0  }
0xa0: {  	[sflag:s22] =	ssyncadd.s32 s3;
	_ =	sdelay $0x1  }
0xa1: {  	s23 =	simm.s32 $0x1B8B  }
0xa2: {  	_ =	swait.ge [sflag:s23], $0x1  }
0xa3: {  	[sflag:s23] =	ssyncset.done $0x0  }
0xa4: {  	s25 =	simm.s32 $0x1B8E;
	s24 =	sld [smem:$0x3FFE];
	[sflag:s23] =	ssyncadd.s32 $0xFFFFFFFF  }
0xa5: {  	s26 =	simm.s32 $execute0_lowered;
	[smem:$0x3FD2] =	sst s25  }
0xa6: {  	s4 =	sshll.u32 s26, $0x1;
	_ =	strace $0x80000049;
	[dreg:$0x1] =	wrdreg $0xFFFFFFFF  }
0xa7: {  	s28 =	simm.s32 $_size_execute0_lowered;
	s2 =	sadd.s32 s2, s4;
	[dreg:$0x0] =	wrdreg $0x0  }
0xa8: {  	s4 =	sshll.u32 s28, $0x1;
	[dreg:$0x2] =	wrdreg s2  }
0xa9: {  	[dreg:$0x3] =	wrdreg s4  }
0xaa: {  	[dreg:$0x4] =	wrdreg $0xC0  }
0xab: {  	_ =	task [dreg:s6], $0x5FFFF  }
0xac: {  	[dreg:$0x1] =	wrdreg $0xFFFFFFFF  }
0xad: {  	[dreg:$0x0] =	wrdreg $0x60  }
0xae: {  	[dreg:$0x2] =	wrdreg s24  }
0xaf: {  	[dreg:$0x3] =	wrdreg $0x99000  }
0xb0: {  	[dreg:$0x4] =	wrdreg $0x9  }
0xb1: {  	_ =	task.clear_ibuf [dreg:s6], $0x5FFFF;
	_ =	strace $0x90000049  }
0xb2: {  	s29 =	simm.s32 $0x9;
	_ =	strace $0x8000004B  }
0xb3: {  	_ =	swait.ge [sflag:s29], $0x1  }
0xb4: {  	[sflag:s29] =	ssyncadd.s32 $0xFFFFFFFF  }
0xb5: {  	_ =	strace $0x9000004B  }
0xb6: {  	_ =	sfence  }
0xb7: {  	s30 =	sld [smem:$0x0];
	_ =	sdelay $0x2  }
0xb8: {  	s31 =	sshll.u32 s1, $0xD;
	s1 =	sshrl.u32 s1, $0x2  }
0xb9: {  	s3 =	sand.u32 $0x4000, s31;
	s1 =	sadd.s32 s1, s30  }
0xba: {  	s0 =	sor.u32 s3, s0;
	s1 =	sshll.u32 s1, $0x11  }
0xbb: {  	s0 =	sor.u32 s1, s0  }
0xbc: {  	s0 =	sadd.s32 $0x8F2B, s0  }
0xbd: {  	[sflag:s0] =	ssyncadd.remote.s32 $0x1  }
0xbe: {  	_ =	sfence.sel $0xFFFF  }
0xbf: {  	[dreg:$0x0] =	wrdreg $0xFFFFFFFF;
	(pc) =	sbr.abs _section_cstart, $3  }
0xc0: {  	[dreg:$0x1] =	wrdreg $0xFFFFFFFF  }
0xc1: {  	_ =	task.clear_ibuf [dreg:s6], $0x2FFFF;
	_ =	strace $0x9FFFFFFF  }
0xc2: {  	(tm) =	ssettm $0x7FFFFFFF  }
0xc3: {  	_ =	shalt  }
tec
execute0_lowered:
.L_overlay_start_1:
0x0: {  	(tag) =	ssettag $0x1  }
0x1: {  	s0 =	srdreg.scid;
	s6 =	rddreg [dreg:$0x0]  }
0x2: {  	s1 =	rddreg [dreg:$0x1];
	s15 =	stileid.u32;
	s2 =	simm.s32 $0x0  }
0x3: {  	s28 =	simm.s32 $0x3180;
	s29 =	simm.s32 $0x0;
	s7 =	sand.u32 $0x1, s0  }
0x4: {  	[smem:$0x7FF] =	sst s2;
	s8 =	smul.u32 $0x13800, s15;
	s14 =	sadd.s32 $0x32800, s6  }
0x5: {  	s9 =	smul.u32 $0x4E000, s15;
	s13 =	sadd.s32 $0xB4600, s6;
	s20 =	sshll.u32 s15, $0x6  }
0x6: {  	s17 =	sadd.s32 $0x138000, s1;
	p0 =	sne.s32 s15, $0x0;
	s3 =	sshll.u32 s7, $0x4  }
0x7: {  	_ =	strace $0x8000004A;
	s11 =	ssub.s32 $0x2, s7;
	s18 =	smul.u32 $0x138800, s7  }
0x8: {  	s23 =	smul.u32 $0x32000, s7;
	s17 =	sshrl.u32 @!p0 s17, $0x3;
	s5 =	sor.u32 s15, s3  }
0x9: {  	s3 =	sadd.s32 $0x66200, s6;
	s19 =	sshrl.u32 s8, $0x3;
	s12 =	sshrl.u32 s11, $0x1  }
0xa: {  	s9 =	sshrl.u32 s9, $0x2;
	s4 =	smul.u32 $0x680, s5;
	s12 =	ssub.s32 s11, s12  }
0xb: {  	s16 =	sadd.s32 s9, s1;
	s21 =	smul.u32 $0x3200, s5;
	s5 =	sor.u32 $0x1C04, s20  }
0xc: {  	s20 =	smul.u32 $0x3200, s15;
	s12 =	smax.u32 s12, $0x1;
	s15 =	sshrl.u32 s16, $0x3  }
0xd: {  	s16 =	simm.s32 $0x4;
	s10 =	sadd.s32 s4, s6;
	s4 =	sadd.s32 s19, s6  }
0xe: {  	s6 =	sadd.s32 $0xB4400, s6;
	s22 =	sshrl.u32 s21, $0x3;
	s19 =	sadd.s32 s8, s18  }
0xf: {  	s18 =	sshrl.u32 s18, $0x3;
	s11 =	sadd.s32 s20, s23;
	s20 =	simm.s32 $0x64  }
0x10: {  	s21 =	simm.s32 $0x3500;
	s23 =	simm.s32 $0x1;
	s4 =	sadd.s32 $0x8D400, s4  }
0x11: {  	s7 =	sadd.s32 s14, s22;
	s8 =	sadd.s32 $0x25800, s10;
	s24 =	sshrl.u32 s19, $0x3  }
0x12: {  	s25 =	sor.u32 $0x180, s11;
	s26 =	sor.u32 $0x100, s11;
	s19 =	simm.s32 $0x3480  }
0x13: {  	s22 =	simm.s32 $0x6700;
	s9 =	sadd.s32 $0x10, s7;
	s10 =	sadd.s32 s13, s24  }
0x14: {  	s13 =	sadd.s32 s13, s18;
	s30 =	sshrl.u32 s25, $0x3;
	s31 =	sshrl.u32 s26, $0x3  }
0x15: {  	s18 =	simm.s32 $0x3400;
	s24 =	simm.s32 $0x2;
	s25 =	simm.s32 $0x3  }
0x16: {  	s11 =	sadd.s32 $0x27000, s13;
	s13 =	sadd.s32 s30, s14;
	s14 =	sadd.s32 s31, s14  }
.LBB2_1:
0x17: {  	[spmem:s15], [sflag:s5] =	dma.local [hbm:s4], $0x2700  }
0x18: {  	_ =	swait.ge [sflag:s16], $0x2700  }
0x19: {  	[sflag:s16] =	ssyncset.done $0x0  }
0x1a: {  	s30 =	simm.s32 @!p0 $0x4;
	[sflag:s16] =	ssyncadd.s32 $0xFFFFD900  }
0x1b: {  	[spmem:s17], [sflag:s5] =	dma.local @!p0 [hbm:s6], $0x100  }
0x1c: {  	_ =	swait.ge @!p0 [sflag:s30], $0x100  }
0x1d: {  	[sflag:s30] =	ssyncset.done @!p0 $0x0  }
0x1e: {  	[sflag:s30] =	ssyncadd.s32 @!p0 $0xFFFFFF00  }
0x1f: {  	[tilespmem:s2], [sflag:$0x4] =	stream.linear.gather [hbm4b:s8+s2], $0x3200, $0x38;
	[tilespmem:$0x1D180] =	vst v63  }
0x20: {  	_ =	swait.ge [sflag:s16], $0x3200  }
0x21: {  	[sflag:s16] =	ssyncset.done $0x0  }
0x22: {  	[sflag:s16] =	ssyncadd.s32 $0xFFFFCE00  }
0x23: {  	[tilespmem:s18], [sflag:$0x4] =	stream.linear.gather [hbm4b:s7+s2], $0x80, $0x38;
	[tilespmem:$0x1D180] =	vst v63  }
0x24: {  	_ =	swait.ge [sflag:s16], $0x80  }
0x25: {  	[sflag:s16] =	ssyncset.done $0x0  }
0x26: {  	[sflag:s16] =	ssyncadd.s32 $0xFFFFFF80  }
0x27: {  	[tilespmem:s19], [sflag:$0x4] =	stream.linear.gather [hbm4b:s9+s2], $0x80, $0x38;
	[tilespmem:$0x1D180] =	vst v63  }
0x28: {  	_ =	swait.ge [sflag:s16], $0x80  }
0x29: {  	[sflag:s16] =	ssyncset.done $0x0  }
0x2a: {  	[sflag:s16] =	ssyncadd.s32 $0xFFFFFF80  }
0x2b: {  	[bflag:$0x0] =	sbarrier.arrive $0xFFFF  }
0x2c: {  	[tilespmem:s21], [sflag:$0x1] =	stream.indirect.gather [hbm4b:s3+s20], $0x80, s18, s20, $0xb8;
	[tilespmem:$0x1D180] =	vst v63  }
0x2d: {  	_ = 	snop  }
0x2e: {  	[tilespmem:s22], [sflag:$0x2] =	stream.indirect.gather [hbm4b:s3+s20], $0x80, s19, s20, $0xb8;
	[tilespmem:$0x1D180] =	vst v63  }
0x2f: {  	_ =	swait.ge [sflag:s23], $0x3200  }
0x30: {  	[sflag:s23] =	ssyncset.done $0x0  }
0x31: {  	s30 =	simm.s32 $0x0;
	[sflag:s23] =	ssyncadd.s32 $0xFFFFCE00  }
0x32: {  	[spmem:s1] =	stream.indirect.scatter.add.f32 [tilespmem:s21], [sflag:$0x3], $0x80, s30, s20, $0xb8;
	[tilespmem:$0x1D180] =	vst v63  }
0x33: {  	_ =	swait.ge [sflag:s24], $0x3200  }
0x34: {  	[sflag:s24] =	ssyncset.done $0x0  }
0x35: {  	s30 =	simm.s32 $0x80;
	[sflag:s24] =	ssyncadd.s32 $0xFFFFCE00  }
0x36: {  	[spmem:s1] =	stream.indirect.scatter.add.f32 [tilespmem:s22], [sflag:$0x3], $0x80, s30, s20, $0xb8;
	[tilespmem:$0x1D180] =	vst v63  }
0x37: {  	s31 =	sadd.s32 $0x0, s14  }
0x38: {  	[tilespmem:s18], [sflag:$0x4] =	stream.linear.gather [hbm4b:s31+s2], $0x80, $0x38;
	[tilespmem:$0x1D180] =	vst v63  }
0x39: {  	_ =	swait.ge [sflag:s16], $0x80  }
0x3a: {  	[sflag:s16] =	ssyncset.done $0x0  }
0x3b: {  	s31 =	sadd.s32 $0x0, s13;
	[sflag:s16] =	ssyncadd.s32 $0xFFFFFF80  }
0x3c: {  	[tilespmem:s19], [sflag:$0x4] =	stream.linear.gather [hbm4b:s31+s2], $0x80, $0x38;
	[tilespmem:$0x1D180] =	vst v63  }
0x3d: {  	_ =	swait.ge [sflag:s16], $0x80  }
0x3e: {  	[sflag:s16] =	ssyncset.done $0x0  }
0x3f: {  	[sflag:s16] =	ssyncadd.s32 $0xFFFFFF80  }
0x40: {  	_ =	swait.ge [sflag:s25], $0x3200  }
0x41: {  	[sflag:s25] =	ssyncset.done $0x0  }
0x42: {  	[sflag:s25] =	ssyncadd.s32 $0xFFFFCE00  }
0x43: {  	_ =	swait.ge [sflag:s25], $0x3200  }
0x44: {  	s31 =	simm.s32 $0x20;
	[sflag:s25] =	ssyncset.done $0x0  }
.LBB2_2:
0x45: {  	p1 =	sne.s32 s31, $0x600;
	[sflag:s25] =	ssyncadd.s32 $0xFFFFCE00;
	s30 =	sadd.s32 $0x100, s30  }
0x46: {  	[tilespmem:s21], [sflag:$0x1] =	stream.indirect.gather [hbm4b:s3+s20], $0x80, s18, s20, $0xb8;
	[tilespmem:$0x1D180] =	vst v63  }
0x47: {  	s0 =	smov.u32 s31;
	s31 =	sadd.s32 $0x20, s31  }
0x48: {  	[tilespmem:s22], [sflag:$0x2] =	stream.indirect.gather [hbm4b:s3+s20], $0x80, s19, s20, $0xb8;
	[tilespmem:$0x1D180] =	vst v63  }
0x49: {  	_ =	swait.ge [sflag:s23], $0x3200  }
0x4a: {  	[sflag:s23] =	ssyncset.done $0x0  }
0x4b: {  	s26 =	sadd.s32 $0xFFFFFF80, s30;
	[sflag:s23] =	ssyncadd.s32 $0xFFFFCE00  }
0x4c: {  	[spmem:s1] =	stream.indirect.scatter.add.f32 [tilespmem:s21], [sflag:$0x3], $0x80, s26, s20, $0xb8;
	[tilespmem:$0x1D180] =	vst v63  }
0x4d: {  	_ =	swait.ge [sflag:s24], $0x3200  }
0x4e: {  	[sflag:s24] =	ssyncset.done $0x0  }
0x4f: {  	[sflag:s24] =	ssyncadd.s32 $0xFFFFCE00  }
0x50: {  	[spmem:s1] =	stream.indirect.scatter.add.f32 [tilespmem:s22], [sflag:$0x3], $0x80, s30, s20, $0xb8;
	[tilespmem:$0x1D180] =	vst v63  }
0x51: {  	s26 =	sadd.s32 s0, s14  }
0x52: {  	[tilespmem:s18], [sflag:$0x4] =	stream.linear.gather [hbm4b:s26+s2], $0x80, $0x38;
	[tilespmem:$0x1D180] =	vst v63  }
0x53: {  	_ =	swait.ge [sflag:s16], $0x80  }
0x54: {  	[sflag:s16] =	ssyncset.done $0x0  }
0x55: {  	s0 =	sadd.s32 s0, s13;
	[sflag:s16] =	ssyncadd.s32 $0xFFFFFF80  }
0x56: {  	[tilespmem:s19], [sflag:$0x4] =	stream.linear.gather [hbm4b:s0+s2], $0x80, $0x38;
	[tilespmem:$0x1D180] =	vst v63  }
0x57: {  	_ =	swait.ge [sflag:s16], $0x80  }
0x58: {  	[sflag:s16] =	ssyncset.done $0x0  }
0x59: {  	[sflag:s16] =	ssyncadd.s32 $0xFFFFFF80  }
.Ltmp0:
0x5a: {  	_ =	swait.ge [sflag:s25], $0x3200;
	(pc) =	sbr.rel @p1 .LBB2_2-.Ltmp0, $4  }
0x5b: {  	[sflag:s25] =	ssyncset.done $0x0  }
0x5c: {  	[sflag:s25] =	ssyncadd.s32 $0xFFFFCE00  }
0x5d: {  	_ =	swait.ge [sflag:s25], $0x3200  }
0x5e: {  	[sflag:s25] =	ssyncset.done $0x0  }
0x5f: {  	[sflag:s25] =	ssyncadd.s32 $0xFFFFCE00  }
0x60: {  	[tilespmem:s21], [sflag:$0x1] =	stream.indirect.gather [hbm4b:s3+s20], $0x80, s18, s20, $0xb8;
	[tilespmem:$0x1D180] =	vst v63  }
0x61: {  	_ = 	snop  }
0x62: {  	[tilespmem:s22], [sflag:$0x2] =	stream.indirect.gather [hbm4b:s3+s20], $0x80, s19, s20, $0xb8;
	[tilespmem:$0x1D180] =	vst v63  }
0x63: {  	_ =	swait.ge [sflag:s23], $0x3200  }
0x64: {  	[sflag:s23] =	ssyncset.done $0x0  }
0x65: {  	s0 =	simm.s32 $0x3100;
	[sflag:s23] =	ssyncadd.s32 $0xFFFFCE00  }
0x66: {  	[spmem:s1] =	stream.indirect.scatter.add.f32 [tilespmem:s21], [sflag:$0x3], $0x80, s0, s20, $0xb8;
	[tilespmem:$0x1D180] =	vst v63  }
0x67: {  	_ =	swait.ge [sflag:s24], $0x3200  }
0x68: {  	[sflag:s24] =	ssyncset.done $0x0  }
0x69: {  	[sflag:s24] =	ssyncadd.s32 $0xFFFFCE00  }
0x6a: {  	[spmem:s1] =	stream.indirect.scatter.add.f32 [tilespmem:s22], [sflag:$0x3], $0x80, s28, s20, $0xb8;
	[tilespmem:$0x1D180] =	vst v63  }
0x6b: {  	_ =	swait.ge [sflag:s25], $0x3200  }
0x6c: {  	[sflag:s25] =	ssyncset.done $0x0  }
0x6d: {  	[sflag:s25] =	ssyncadd.s32 $0xFFFFCE00  }
0x6e: {  	_ =	swait.ge [sflag:s25], $0x3200  }
0x6f: {  	[sflag:s25] =	ssyncset.done $0x0  }
0x70: {  	[sflag:s25] =	ssyncadd.s32 $0xFFFFCE00  }
0x71: {  	[bflag:$0x0] =	sbarrier.arrive $0xFFFF  }
0x72: {  	[hbm:s10], [sflag:s5] =	dma.local [spmem:s15], $0x2700  }
0x73: {  	s29 =	sadd.s32 $0x1, s29;
	_ =	swait.ge [sflag:s16], $0x2700  }
0x74: {  	p1 =	sne.s32 s29, s12;
	[sflag:s16] =	ssyncset.done $0x0  }
.Ltmp1:
0x75: {  	s0 =	simm.s32 @!p0 $0x4;
	[sflag:s16] =	ssyncadd.s32 $0xFFFFD900;
	(pc) =	sbr.rel @p1 .LBB2_1-.Ltmp1, $4  }
0x76: {  	[hbm:s11], [sflag:s5] =	dma.local @!p0 [spmem:s17], $0x100  }
0x77: {  	_ =	swait.ge @!p0 [sflag:s0], $0x100  }
0x78: {  	[sflag:s0] =	ssyncset.done @!p0 $0x0  }
0x79: {  	[sflag:s0] =	ssyncadd.s32 @!p0 $0xFFFFFF00  }
0x7a: {  	_ =	sfence.sel $0x180000  }
0x7b: {  	[bflag:$0x0] =	sbarrier.arrive $0xFFFF  }
0x7c: {  	_ =	strace $0x9000004A  }
0x7d: {  	[bflag:$0x2] =	sbarrier.arrive $0xFFFF  }
0x7e: {  	s0 =	rddreg [dreg:$0x2]  }
0x7f: {  	s0 =	sadd.s32 @!p0 $0x100000, s0  }
0x80: {  	[sflag:s0] =	ssyncadd.tile.s32 @!p0 $0x1;
	_ =	shalt  }
.Lfunc_end2:
_tile_overlayer_lowered:
.L_overlay_start_2:
0x81: {  	(tag) =	ssettag $0x2  }
0x82: {  	s0 =	rddreg [dreg:$0x0];
	s2 =	stileid.u32  }
0x83: {  	s1 =	rddreg [dreg:$0x1];
	p0 =	sne.s32 s2, $0x0  }
0x84: {  	s3 =	rddreg [dreg:$0x2];
	[bflag:$0x3] =	sbarrier.arrive $0xFFFF;
	s2 =	simm.s32 @!p0 $0x1C04  }
0x85: {  	[timem:s3], [sflag:s2] =	dma.local @!p0 [hbm:s0], s1  }
0x86: {  	s0 =	simm.s32 @!p0 $0x4  }
0x87: {  	_ =	swait.ge @!p0 [sflag:s0], s1  }
0x88: {  	s1 =	ssub.s32 @!p0 $0x0, s1;
	[sflag:s0] =	ssyncset.done @!p0 $0x0  }
0x89: {  	[sflag:s0] =	ssyncadd.s32 @!p0 s1  }
0x8a: {  	[bflag:$0x3] =	sbarrier.arrive $0xFFFF  }
0x8b: {  	_ =	shalt  }

// kernel: kernel.20.cloned.1.call-start
scs
__scs_entry_jumppad:
0x0: {  	(pc) =	sbr.rel $0x88, $3  }
0x1: {  	(tag) =	ssettag $0x0;
	lr =	simm.s32 $0x1  }
0x2: {  	[smem:$0x3F90] =	sst lr;
	_ =	strace $0xD0000000  }
0x3: {  	_ = 	snop  }
0x4: {  	_ = 	snop  }
0x5: {  	_ = 	snop  }
0x6: {  	_ = 	snop  }
0x7: {  	_ = 	snop  }
__scs_overlays_trampoline_lowered:
0x8: {  	[smem:$0x3F9F] =	sst s0  }
0x9: {  	[smem:$0x3FA0] =	sst s1  }
0xa: {  	[smem:$0x3FA1] =	sst s2  }
0xb: {  	[smem:$0x3FA2] =	sst s3  }
0xc: {  	[smem:$0x3FA3] =	sst s4  }
0xd: {  	[smem:$0x3FA4] =	sst s5  }
0xe: {  	[smem:$0x3FA5] =	sst s6  }
0xf: {  	[smem:$0x3FA6] =	sst s7  }
0x10: {  	[smem:$0x3FA7] =	sst s8  }
0x11: {  	[smem:$0x3FA8] =	sst s9;
	s0 =	simm.s32 @!p0 $0x0  }
0x12: {  	s1 =	sld [smem:$0x3F8E];
	s0 =	simm.s32 @p0 $0x1  }
0x13: {  	[smem:$0x3FA9] =	sst s0;
	s0 =	simm.s32 @!p1 $0x0  }
0x14: {  	s2 =	sld [smem:$0x3F8D];
	s0 =	simm.s32 @p1 $0x1  }
0x15: {  	[smem:$0x3FAA] =	sst s0;
	s0 =	simm.s32 @!p2 $0x0  }
0x16: {  	s3 =	sld [smem:$0x3FDB];
	s0 =	simm.s32 @p2 $0x1  }
0x17: {  	s4 =	simm.s32 $0x1BF5;
	[smem:$0x3FAC] =	sst s0  }
0x18: {  	s0 =	sld [smem:$0x3F8F];
	_ =	swait.ge [sflag:s4], $0x0  }
0x19: {  	s7 =	sld [smem:$0x3F90]  }
0x1a: {  	s8 =	sadd.s32 $0xFFFFE003, lr  }
0x1b: {  	s9 =	sadd.s32 $0xFFFFFEF7, lr;
	s5 =	simm.s32 $0xFFFFFFFF;
	p2 =	slt.u32 s8, $0xFFFFF086  }
0x1c: {  	p1 =	slt.u32 s9, $0xF7A;
	s5 =	simm.s32 @!p2 $0x0  }
0x1d: {  	s5 =	simm.s32 @p1 $0x1;
	p0 =	seq.s32 s7, s2  }
0x1e: {  	s7 =	smul.u32 @!p0 $0xF7A, s2;
	p2 =	seq.s32 @!p0 s5, $0x0  }
0x1f: {  	s9 =	smul.u32 $0xF7A, s1;
	s8 =	simm.s32 @!p0 $0x1BF5;
	p2 =	por !p2, p0  }
0x20: {  	[sflag:s8] =	ssyncset.s32 @!p0 $0xFFFFF086;
	s6 =	sadd.s32 @!p0 s3, s7;
	s7 =	simm.s32 @!p0 $0x108  }
0x21: {  	s3 =	sadd.s32 s3, s9;
	s6 =	sadd.s32 @!p0 $0x88, s6;
	s7 =	simm.s32 @p2 $0x1082  }
0x22: {  	[simem:s7], [sflag:s8] =	dma.local @!p0 [hbm:s6], $0xF7A  }
0x23: {  	s9 =	sor.u32 $0xD0000000, s2;
	s6 =	simm.s32 $0x108;
	_ =	swait.ge @!p0 [sflag:s8], $0x0  }
0x24: {  	s3 =	sadd.s32 $0x88, s3;
	s6 =	simm.s32 @!p1 $0x1082;
	[sflag:s4] =	ssyncset.s32 $0xFFFFF086  }
0x25: {  	[simem:s6], [sflag:s4] =	dma.local [hbm:s3], $0xF7A  }
0x26: {  	[smem:$0x3F90] =	sst s1;
	(tag) =	ssettag s2;
	_ =	strace s9  }
0x27: {  	s1 =	sld [smem:$0x3FA0]  }
0x28: {  	s2 =	sld [smem:$0x3FA1]  }
0x29: {  	s4 =	sld [smem:$0x3FA3]  }
0x2a: {  	p0 =	seq.s32 s5, $0x0;
	s5 =	sld [smem:$0x3FA4]  }
0x2b: {  	s6 =	sld [smem:$0x3FA5]  }
0x2c: {  	s7 =	sld [smem:$0x3FA6]  }
0x2d: {  	s3 =	simm.s32 $0x108;
	s8 =	sld [smem:$0x3FA7]  }
0x2e: {  	s3 =	simm.s32 @!p0 $0x1082;
	s9 =	sld [smem:$0x3FA8]  }
0x2f: {  	lr =	sadd.s32 s0, s3;
	s0 =	sld [smem:$0x3F9F]  }
0x30: {  	s3 =	sld [smem:$0x3FA2]  }
0x31: {  	[smem:$0x3FAB] =	sst s10  }
0x32: {  	s10 =	sld [smem:$0x3FA9];
	_ =	sdelay $0x3  }
0x33: {  	p0 =	seq.s32 s10, $0x1;
	s10 =	sld [smem:$0x3FAB];
	_ =	sdelay $0x3  }
0x34: {  	[smem:$0x3FAB] =	sst s10  }
0x35: {  	s10 =	sld [smem:$0x3FAA];
	_ =	sdelay $0x3  }
0x36: {  	p1 =	seq.s32 s10, $0x1;
	s10 =	sld [smem:$0x3FAB];
	_ =	sdelay $0x3  }
0x37: {  	[smem:$0x3FAB] =	sst s10  }
0x38: {  	s10 =	sld [smem:$0x3FAC]  }
0x39: {  	_ = 	snop;
	(pc) =	sbr.ind lr, $3  }
0x3a: {  	_ = 	snop  }
0x3b: {  	_ = 	snop  }
0x3c: {  	p2 =	seq.s32 s10, $0x1;
	s10 =	sld [smem:$0x3FAB]  }
0x3d: {  	_ =	shalt  }
0x3e: {  	_ =	shalt  }
0x3f: {  	_ =	shalt  }
0x40: {  	_ =	shalt  }
0x41: {  	_ =	shalt  }
0x42: {  	_ =	shalt  }
0x43: {  	_ =	shalt  }
0x44: {  	_ =	shalt  }
0x45: {  	_ =	shalt  }
0x46: {  	_ =	shalt  }
0x47: {  	_ =	shalt  }
0x48: {  	_ =	shalt  }
0x49: {  	_ =	shalt  }
0x4a: {  	_ =	shalt  }
0x4b: {  	_ =	shalt  }
0x4c: {  	_ =	shalt  }
0x4d: {  	_ =	shalt  }
0x4e: {  	_ =	shalt  }
0x4f: {  	_ =	shalt  }
0x50: {  	_ =	shalt  }
0x51: {  	_ =	shalt  }
0x52: {  	_ =	shalt  }
0x53: {  	_ =	shalt  }
0x54: {  	_ =	shalt  }
0x55: {  	_ =	shalt  }
0x56: {  	_ =	shalt  }
0x57: {  	_ =	shalt  }
0x58: {  	_ =	shalt  }
0x59: {  	_ =	shalt  }
0x5a: {  	_ =	shalt  }
0x5b: {  	_ =	shalt  }
0x5c: {  	_ =	shalt  }
0x5d: {  	_ =	shalt  }
0x5e: {  	_ =	shalt  }
0x5f: {  	_ =	shalt  }
0x60: {  	_ =	shalt  }
0x61: {  	_ =	shalt  }
0x62: {  	_ =	shalt  }
0x63: {  	_ =	shalt  }
0x64: {  	_ =	shalt  }
0x65: {  	_ =	shalt  }
0x66: {  	_ =	shalt  }
0x67: {  	_ =	shalt  }
0x68: {  	_ =	shalt  }
0x69: {  	_ =	shalt  }
0x6a: {  	_ =	shalt  }
0x6b: {  	_ =	shalt  }
0x6c: {  	_ =	shalt  }
0x6d: {  	_ =	shalt  }
0x6e: {  	_ =	shalt  }
0x6f: {  	_ =	shalt  }
0x70: {  	_ =	shalt  }
0x71: {  	_ =	shalt  }
0x72: {  	_ =	shalt  }
0x73: {  	_ =	shalt  }
0x74: {  	_ =	shalt  }
0x75: {  	_ =	shalt  }
0x76: {  	_ =	shalt  }
0x77: {  	_ =	shalt  }
0x78: {  	_ =	shalt  }
0x79: {  	_ =	shalt  }
0x7a: {  	_ =	shalt  }
0x7b: {  	_ =	shalt  }
0x7c: {  	_ =	shalt  }
0x7d: {  	_ =	shalt  }
0x7e: {  	_ =	shalt  }
0x7f: {  	_ =	shalt  }
0x80: {  	_ =	shalt  }
0x81: {  	_ =	shalt  }
0x82: {  	_ =	shalt  }
0x83: {  	_ =	shalt  }
0x84: {  	_ =	shalt  }
0x85: {  	_ =	shalt  }
0x86: {  	_ =	shalt  }
0x87: {  	_ =	shalt  }
.Lfunc_end0:
.L_simem_size_0:
called_computation.2_lowered:
.L_overlay_start_0:
0x88: {  	s2 =	sld [smem:$0x3FD9]  }
0x89: {  	s3 =	sld [smem:$0x3FFE];
	_ =	sdelay $0x1  }
0x8a: {  	s1 =	srdreg.scid  }
0x8b: {  	s0 =	sand.u32 $0x1, s1  }
0x8c: {  	s16 =	sshll.u32 s0, $0xA;
	s2 =	sadd.s32 s3, s2  }
0x8d: {  	s2 =	sadd.s32 s2, s16  }
0x8e: {  	[smem:$0x3FB7] =	sst s2  }
0x8f: {  	_ = 	snop  }
0x90: {  	(tm) =	ssettm $0x1  }
0x91: {  	s17 =	sld [smem:$0x3FFB];
	_ =	sdelay $0x3  }
0x92: {  	_ =	strace s17  }
0x93: {  	s2 =	sld [smem:$0x3FFC];
	_ =	sdelay $0x3  }
0x94: {  	_ =	strace s2  }
0x95: {  	s2 =	sld [smem:$0x3FFD];
	_ =	sdelay $0x3  }
0x96: {  	_ =	strace s2  }
0x97: {  	_ =	strace $0x8FFFFFFF  }
0x98: {  	s18 =	sld [smem:$0x3FDB];
	_ =	sdelay $0x1  }
0x99: {  	s19 =	simm.s32 $_scs_section_size  }
0x9a: {  	s4 =	simm.s32 $_size__tile_overlayer_lowered;
	s5 =	simm.s32 $_tile_overlayer_lowered  }
0x9b: {  	s22 =	simm.s32 $0x1BFF;
	s21 =	sshll.u32 s5, $0x1;
	s2 =	sadd.s32 s19, s18  }
0x9c: {  	s6 =	simm.s32 $0x0;
	s20 =	sshll.u32 s4, $0x1;
	s4 =	sadd.s32 s21, s2  }
0x9d: {  	[timem:s6], [sflag:s22] =	dma.local [hbm:s4], s20  }
0x9e: {  	_ =	swait.ge [sflag:s22], s20  }
0x9f: {  	s3 =	ssub.s32 $0x0, s20;
	[sflag:s22] =	ssyncset.done $0x0  }
0xa0: {  	[sflag:s22] =	ssyncadd.s32 s3;
	_ =	sdelay $0x1  }
0xa1: {  	s23 =	simm.s32 $0x1B8B  }
0xa2: {  	_ =	swait.ge [sflag:s23], $0x1  }
0xa3: {  	[sflag:s23] =	ssyncset.done $0x0  }
0xa4: {  	s25 =	simm.s32 $0x1B8E;
	s24 =	sld [smem:$0x3FFE];
	[sflag:s23] =	ssyncadd.s32 $0xFFFFFFFF  }
0xa5: {  	s26 =	simm.s32 $execute0_lowered;
	[smem:$0x3FD2] =	sst s25  }
0xa6: {  	s4 =	sshll.u32 s26, $0x1;
	_ =	strace $0x8000004C;
	[dreg:$0x1] =	wrdreg $0xFFFFFFFF  }
0xa7: {  	s28 =	simm.s32 $_size_execute0_lowered;
	s2 =	sadd.s32 s2, s4;
	[dreg:$0x0] =	wrdreg $0x0  }
0xa8: {  	s4 =	sshll.u32 s28, $0x1;
	[dreg:$0x2] =	wrdreg s2  }
0xa9: {  	[dreg:$0x3] =	wrdreg s4  }
0xaa: {  	[dreg:$0x4] =	wrdreg $0xC0  }
0xab: {  	_ =	task [dreg:s6], $0x5FFFF  }
0xac: {  	[dreg:$0x1] =	wrdreg $0xFFFFFFFF  }
0xad: {  	[dreg:$0x0] =	wrdreg $0x60  }
0xae: {  	[dreg:$0x2] =	wrdreg s24  }
0xaf: {  	[dreg:$0x3] =	wrdreg $0x99000  }
0xb0: {  	[dreg:$0x4] =	wrdreg $0x9  }
0xb1: {  	_ =	task.clear_ibuf [dreg:s6], $0x5FFFF;
	_ =	strace $0x9000004C  }
0xb2: {  	s29 =	simm.s32 $0x9;
	_ =	strace $0x8000004E  }
0xb3: {  	_ =	swait.ge [sflag:s29], $0x1  }
0xb4: {  	[sflag:s29] =	ssyncadd.s32 $0xFFFFFFFF  }
0xb5: {  	_ =	strace $0x9000004E  }
0xb6: {  	_ =	sfence  }
0xb7: {  	s30 =	sld [smem:$0x0];
	_ =	sdelay $0x2  }
0xb8: {  	s31 =	sshll.u32 s1, $0xD;
	s1 =	sshrl.u32 s1, $0x2  }
0xb9: {  	s3 =	sand.u32 $0x4000, s31;
	s1 =	sadd.s32 s1, s30  }
0xba: {  	s0 =	sor.u32 s3, s0;
	s1 =	sshll.u32 s1, $0x11  }
0xbb: {  	s0 =	sor.u32 s1, s0  }
0xbc: {  	s0 =	sadd.s32 $0x8F2B, s0  }
0xbd: {  	[sflag:s0] =	ssyncadd.remote.s32 $0x1  }
0xbe: {  	_ =	sfence.sel $0xFFFF  }
0xbf: {  	[dreg:$0x0] =	wrdreg $0xFFFFFFFF;
	(pc) =	sbr.abs _section_cstart, $3  }
0xc0: {  	[dreg:$0x1] =	wrdreg $0xFFFFFFFF  }
0xc1: {  	_ =	task.clear_ibuf [dreg:s6], $0x2FFFF;
	_ =	strace $0x9FFFFFFF  }
0xc2: {  	(tm) =	ssettm $0x7FFFFFFF  }
0xc3: {  	_ =	shalt  }
tec
execute0_lowered:
.L_overlay_start_1:
0x0: {  	(tag) =	ssettag $0x1  }
0x1: {  	s0 =	srdreg.scid;
	s6 =	rddreg [dreg:$0x0]  }
0x2: {  	s1 =	rddreg [dreg:$0x1];
	s15 =	stileid.u32;
	s2 =	simm.s32 $0x0  }
0x3: {  	s28 =	simm.s32 $0x3180;
	s29 =	simm.s32 $0x0;
	s7 =	sand.u32 $0x1, s0  }
0x4: {  	[smem:$0x7FF] =	sst s2;
	s8 =	smul.u32 $0x13800, s15;
	s14 =	sadd.s32 $0x32800, s6  }
0x5: {  	s9 =	smul.u32 $0x4E000, s15;
	s13 =	sadd.s32 $0xB4600, s6;
	s20 =	sshll.u32 s15, $0x6  }
0x6: {  	s17 =	sadd.s32 $0x138000, s1;
	p0 =	sne.s32 s15, $0x0;
	s3 =	sshll.u32 s7, $0x4  }
0x7: {  	_ =	strace $0x8000004D;
	s11 =	ssub.s32 $0x2, s7;
	s18 =	smul.u32 $0x138800, s7  }
0x8: {  	s23 =	smul.u32 $0x32000, s7;
	s17 =	sshrl.u32 @!p0 s17, $0x3;
	s5 =	sor.u32 s15, s3  }
0x9: {  	s3 =	sadd.s32 $0x66200, s6;
	s19 =	sshrl.u32 s8, $0x3;
	s12 =	sshrl.u32 s11, $0x1  }
0xa: {  	s9 =	sshrl.u32 s9, $0x2;
	s4 =	smul.u32 $0x680, s5;
	s12 =	ssub.s32 s11, s12  }
0xb: {  	s16 =	sadd.s32 s9, s1;
	s21 =	smul.u32 $0x3200, s5;
	s5 =	sor.u32 $0x1C04, s20  }
0xc: {  	s20 =	smul.u32 $0x3200, s15;
	s12 =	smax.u32 s12, $0x1;
	s15 =	sshrl.u32 s16, $0x3  }
0xd: {  	s16 =	simm.s32 $0x4;
	s10 =	sadd.s32 s4, s6;
	s4 =	sadd.s32 s19, s6  }
0xe: {  	s6 =	sadd.s32 $0xB4400, s6;
	s22 =	sshrl.u32 s21, $0x3;
	s19 =	sadd.s32 s8, s18  }
0xf: {  	s18 =	sshrl.u32 s18, $0x3;
	s11 =	sadd.s32 s20, s23;
	s20 =	simm.s32 $0x64  }
0x10: {  	s21 =	simm.s32 $0x3500;
	s23 =	simm.s32 $0x1;
	s4 =	sadd.s32 $0x8D400, s4  }
0x11: {  	s7 =	sadd.s32 s14, s22;
	s8 =	sadd.s32 $0x25800, s10;
	s24 =	sshrl.u32 s19, $0x3  }
0x12: {  	s25 =	sor.u32 $0x180, s11;
	s26 =	sor.u32 $0x100, s11;
	s19 =	simm.s32 $0x3480  }
0x13: {  	s22 =	simm.s32 $0x6700;
	s9 =	sadd.s32 $0x10, s7;
	s10 =	sadd.s32 s13, s24  }
0x14: {  	s13 =	sadd.s32 s13, s18;
	s30 =	sshrl.u32 s25, $0x3;
	s31 =	sshrl.u32 s26, $0x3  }
0x15: {  	s18 =	simm.s32 $0x3400;
	s24 =	simm.s32 $0x2;
	s25 =	simm.s32 $0x3  }
0x16: {  	s11 =	sadd.s32 $0x27000, s13;
	s13 =	sadd.s32 s30, s14;
	s14 =	sadd.s32 s31, s14  }
.LBB2_1:
0x17: {  	[spmem:s15], [sflag:s5] =	dma.local [hbm:s4], $0x2700  }
0x18: {  	_ =	swait.ge [sflag:s16], $0x2700  }
0x19: {  	[sflag:s16] =	ssyncset.done $0x0  }
0x1a: {  	s30 =	simm.s32 @!p0 $0x4;
	[sflag:s16] =	ssyncadd.s32 $0xFFFFD900  }
0x1b: {  	[spmem:s17], [sflag:s5] =	dma.local @!p0 [hbm:s6], $0x100  }
0x1c: {  	_ =	swait.ge @!p0 [sflag:s30], $0x100  }
0x1d: {  	[sflag:s30] =	ssyncset.done @!p0 $0x0  }
0x1e: {  	[sflag:s30] =	ssyncadd.s32 @!p0 $0xFFFFFF00  }
0x1f: {  	[tilespmem:s2], [sflag:$0x4] =	stream.linear.gather [hbm4b:s8+s2], $0x3200, $0x38;
	[tilespmem:$0x1D180] =	vst v63  }
0x20: {  	_ =	swait.ge [sflag:s16], $0x3200  }
0x21: {  	[sflag:s16] =	ssyncset.done $0x0  }
0x22: {  	[sflag:s16] =	ssyncadd.s32 $0xFFFFCE00  }
0x23: {  	[tilespmem:s18], [sflag:$0x4] =	stream.linear.gather [hbm4b:s7+s2], $0x80, $0x38;
	[tilespmem:$0x1D180] =	vst v63  }
0x24: {  	_ =	swait.ge [sflag:s16], $0x80  }
0x25: {  	[sflag:s16] =	ssyncset.done $0x0  }
0x26: {  	[sflag:s16] =	ssyncadd.s32 $0xFFFFFF80  }
0x27: {  	[tilespmem:s19], [sflag:$0x4] =	stream.linear.gather [hbm4b:s9+s2], $0x80, $0x38;
	[tilespmem:$0x1D180] =	vst v63  }
0x28: {  	_ =	swait.ge [sflag:s16], $0x80  }
0x29: {  	[sflag:s16] =	ssyncset.done $0x0  }
0x2a: {  	[sflag:s16] =	ssyncadd.s32 $0xFFFFFF80  }
0x2b: {  	[bflag:$0x0] =	sbarrier.arrive $0xFFFF  }
0x2c: {  	[tilespmem:s21], [sflag:$0x1] =	stream.indirect.gather [hbm4b:s3+s20], $0x80, s18, s20, $0xb8;
	[tilespmem:$0x1D180] =	vst v63  }
0x2d: {  	_ = 	snop  }
0x2e: {  	[tilespmem:s22], [sflag:$0x2] =	stream.indirect.gather [hbm4b:s3+s20], $0x80, s19, s20, $0xb8;
	[tilespmem:$0x1D180] =	vst v63  }
0x2f: {  	_ =	swait.ge [sflag:s23], $0x3200  }
0x30: {  	[sflag:s23] =	ssyncset.done $0x0  }
0x31: {  	s30 =	simm.s32 $0x0;
	[sflag:s23] =	ssyncadd.s32 $0xFFFFCE00  }
0x32: {  	[spmem:s1] =	stream.indirect.scatter.add.f32 [tilespmem:s21], [sflag:$0x3], $0x80, s30, s20, $0xb8;
	[tilespmem:$0x1D180] =	vst v63  }
0x33: {  	_ =	swait.ge [sflag:s24], $0x3200  }
0x34: {  	[sflag:s24] =	ssyncset.done $0x0  }
0x35: {  	s30 =	simm.s32 $0x80;
	[sflag:s24] =	ssyncadd.s32 $0xFFFFCE00  }
0x36: {  	[spmem:s1] =	stream.indirect.scatter.add.f32 [tilespmem:s22], [sflag:$0x3], $0x80, s30, s20, $0xb8;
	[tilespmem:$0x1D180] =	vst v63  }
0x37: {  	s31 =	sadd.s32 $0x0, s14  }
0x38: {  	[tilespmem:s18], [sflag:$0x4] =	stream.linear.gather [hbm4b:s31+s2], $0x80, $0x38;
	[tilespmem:$0x1D180] =	vst v63  }
0x39: {  	_ =	swait.ge [sflag:s16], $0x80  }
0x3a: {  	[sflag:s16] =	ssyncset.done $0x0  }
0x3b: {  	s31 =	sadd.s32 $0x0, s13;
	[sflag:s16] =	ssyncadd.s32 $0xFFFFFF80  }
0x3c: {  	[tilespmem:s19], [sflag:$0x4] =	stream.linear.gather [hbm4b:s31+s2], $0x80, $0x38;
	[tilespmem:$0x1D180] =	vst v63  }
0x3d: {  	_ =	swait.ge [sflag:s16], $0x80  }
0x3e: {  	[sflag:s16] =	ssyncset.done $0x0  }
0x3f: {  	[sflag:s16] =	ssyncadd.s32 $0xFFFFFF80  }
0x40: {  	_ =	swait.ge [sflag:s25], $0x3200  }
0x41: {  	[sflag:s25] =	ssyncset.done $0x0  }
0x42: {  	[sflag:s25] =	ssyncadd.s32 $0xFFFFCE00  }
0x43: {  	_ =	swait.ge [sflag:s25], $0x3200  }
0x44: {  	s31 =	simm.s32 $0x20;
	[sflag:s25] =	ssyncset.done $0x0  }
.LBB2_2:
0x45: {  	p1 =	sne.s32 s31, $0x600;
	[sflag:s25] =	ssyncadd.s32 $0xFFFFCE00;
	s30 =	sadd.s32 $0x100, s30  }
0x46: {  	[tilespmem:s21], [sflag:$0x1] =	stream.indirect.gather [hbm4b:s3+s20], $0x80, s18, s20, $0xb8;
	[tilespmem:$0x1D180] =	vst v63  }
0x47: {  	s0 =	smov.u32 s31;
	s31 =	sadd.s32 $0x20, s31  }
0x48: {  	[tilespmem:s22], [sflag:$0x2] =	stream.indirect.gather [hbm4b:s3+s20], $0x80, s19, s20, $0xb8;
	[tilespmem:$0x1D180] =	vst v63  }
0x49: {  	_ =	swait.ge [sflag:s23], $0x3200  }
0x4a: {  	[sflag:s23] =	ssyncset.done $0x0  }
0x4b: {  	s26 =	sadd.s32 $0xFFFFFF80, s30;
	[sflag:s23] =	ssyncadd.s32 $0xFFFFCE00  }
0x4c: {  	[spmem:s1] =	stream.indirect.scatter.add.f32 [tilespmem:s21], [sflag:$0x3], $0x80, s26, s20, $0xb8;
	[tilespmem:$0x1D180] =	vst v63  }
0x4d: {  	_ =	swait.ge [sflag:s24], $0x3200  }
0x4e: {  	[sflag:s24] =	ssyncset.done $0x0  }
0x4f: {  	[sflag:s24] =	ssyncadd.s32 $0xFFFFCE00  }
0x50: {  	[spmem:s1] =	stream.indirect.scatter.add.f32 [tilespmem:s22], [sflag:$0x3], $0x80, s30, s20, $0xb8;
	[tilespmem:$0x1D180] =	vst v63  }
0x51: {  	s26 =	sadd.s32 s0, s14  }
0x52: {  	[tilespmem:s18], [sflag:$0x4] =	stream.linear.gather [hbm4b:s26+s2], $0x80, $0x38;
	[tilespmem:$0x1D180] =	vst v63  }
0x53: {  	_ =	swait.ge [sflag:s16], $0x80  }
0x54: {  	[sflag:s16] =	ssyncset.done $0x0  }
0x55: {  	s0 =	sadd.s32 s0, s13;
	[sflag:s16] =	ssyncadd.s32 $0xFFFFFF80  }
0x56: {  	[tilespmem:s19], [sflag:$0x4] =	stream.linear.gather [hbm4b:s0+s2], $0x80, $0x38;
	[tilespmem:$0x1D180] =	vst v63  }
0x57: {  	_ =	swait.ge [sflag:s16], $0x80  }
0x58: {  	[sflag:s16] =	ssyncset.done $0x0  }
0x59: {  	[sflag:s16] =	ssyncadd.s32 $0xFFFFFF80  }
.Ltmp0:
0x5a: {  	_ =	swait.ge [sflag:s25], $0x3200;
	(pc) =	sbr.rel @p1 .LBB2_2-.Ltmp0, $4  }
0x5b: {  	[sflag:s25] =	ssyncset.done $0x0  }
0x5c: {  	[sflag:s25] =	ssyncadd.s32 $0xFFFFCE00  }
0x5d: {  	_ =	swait.ge [sflag:s25], $0x3200  }
0x5e: {  	[sflag:s25] =	ssyncset.done $0x0  }
0x5f: {  	[sflag:s25] =	ssyncadd.s32 $0xFFFFCE00  }
0x60: {  	[tilespmem:s21], [sflag:$0x1] =	stream.indirect.gather [hbm4b:s3+s20], $0x80, s18, s20, $0xb8;
	[tilespmem:$0x1D180] =	vst v63  }
0x61: {  	_ = 	snop  }
0x62: {  	[tilespmem:s22], [sflag:$0x2] =	stream.indirect.gather [hbm4b:s3+s20], $0x80, s19, s20, $0xb8;
	[tilespmem:$0x1D180] =	vst v63  }
0x63: {  	_ =	swait.ge [sflag:s23], $0x3200  }
0x64: {  	[sflag:s23] =	ssyncset.done $0x0  }
0x65: {  	s0 =	simm.s32 $0x3100;
	[sflag:s23] =	ssyncadd.s32 $0xFFFFCE00  }
0x66: {  	[spmem:s1] =	stream.indirect.scatter.add.f32 [tilespmem:s21], [sflag:$0x3], $0x80, s0, s20, $0xb8;
	[tilespmem:$0x1D180] =	vst v63  }
0x67: {  	_ =	swait.ge [sflag:s24], $0x3200  }
0x68: {  	[sflag:s24] =	ssyncset.done $0x0  }
0x69: {  	[sflag:s24] =	ssyncadd.s32 $0xFFFFCE00  }
0x6a: {  	[spmem:s1] =	stream.indirect.scatter.add.f32 [tilespmem:s22], [sflag:$0x3], $0x80, s28, s20, $0xb8;
	[tilespmem:$0x1D180] =	vst v63  }
0x6b: {  	_ =	swait.ge [sflag:s25], $0x3200  }
0x6c: {  	[sflag:s25] =	ssyncset.done $0x0  }
0x6d: {  	[sflag:s25] =	ssyncadd.s32 $0xFFFFCE00  }
0x6e: {  	_ =	swait.ge [sflag:s25], $0x3200  }
0x6f: {  	[sflag:s25] =	ssyncset.done $0x0  }
0x70: {  	[sflag:s25] =	ssyncadd.s32 $0xFFFFCE00  }
0x71: {  	[bflag:$0x0] =	sbarrier.arrive $0xFFFF  }
0x72: {  	[hbm:s10], [sflag:s5] =	dma.local [spmem:s15], $0x2700  }
0x73: {  	s29 =	sadd.s32 $0x1, s29;
	_ =	swait.ge [sflag:s16], $0x2700  }
0x74: {  	p1 =	sne.s32 s29, s12;
	[sflag:s16] =	ssyncset.done $0x0  }
.Ltmp1:
0x75: {  	s0 =	simm.s32 @!p0 $0x4;
	[sflag:s16] =	ssyncadd.s32 $0xFFFFD900;
	(pc) =	sbr.rel @p1 .LBB2_1-.Ltmp1, $4  }
0x76: {  	[hbm:s11], [sflag:s5] =	dma.local @!p0 [spmem:s17], $0x100  }
0x77: {  	_ =	swait.ge @!p0 [sflag:s0], $0x100  }
0x78: {  	[sflag:s0] =	ssyncset.done @!p0 $0x0  }
0x79: {  	[sflag:s0] =	ssyncadd.s32 @!p0 $0xFFFFFF00  }
0x7a: {  	_ =	sfence.sel $0x180000  }
0x7b: {  	[bflag:$0x0] =	sbarrier.arrive $0xFFFF  }
0x7c: {  	_ =	strace $0x9000004D  }
0x7d: {  	[bflag:$0x2] =	sbarrier.arrive $0xFFFF  }
0x7e: {  	s0 =	rddreg [dreg:$0x2]  }
0x7f: {  	s0 =	sadd.s32 @!p0 $0x100000, s0  }
0x80: {  	[sflag:s0] =	ssyncadd.tile.s32 @!p0 $0x1;
	_ =	shalt  }
.Lfunc_end2:
_tile_overlayer_lowered:
.L_overlay_start_2:
0x81: {  	(tag) =	ssettag $0x2  }
0x82: {  	s0 =	rddreg [dreg:$0x0];
	s2 =	stileid.u32  }
0x83: {  	s1 =	rddreg [dreg:$0x1];
	p0 =	sne.s32 s2, $0x0  }
0x84: {  	s3 =	rddreg [dreg:$0x2];
	[bflag:$0x3] =	sbarrier.arrive $0xFFFF;
	s2 =	simm.s32 @!p0 $0x1C04  }
0x85: {  	[timem:s3], [sflag:s2] =	dma.local @!p0 [hbm:s0], s1  }
0x86: {  	s0 =	simm.s32 @!p0 $0x4  }
0x87: {  	_ =	swait.ge @!p0 [sflag:s0], s1  }
0x88: {  	s1 =	ssub.s32 @!p0 $0x0, s1;
	[sflag:s0] =	ssyncset.done @!p0 $0x0  }
0x89: {  	[sflag:s0] =	ssyncadd.s32 @!p0 s1  }
0x8a: {  	[bflag:$0x3] =	sbarrier.arrive $0xFFFF  }
0x8b: {  	_ =	shalt  }

// kernel: kernel.23.cloned.1.call-start
scs
__scs_entry_jumppad:
0x0: {  	(pc) =	sbr.rel $0x88, $3  }
0x1: {  	(tag) =	ssettag $0x0;
	lr =	simm.s32 $0x1  }
0x2: {  	[smem:$0x3F90] =	sst lr;
	_ =	strace $0xD0000000  }
0x3: {  	_ = 	snop  }
0x4: {  	_ = 	snop  }
0x5: {  	_ = 	snop  }
0x6: {  	_ = 	snop  }
0x7: {  	_ = 	snop  }
__scs_overlays_trampoline_lowered:
0x8: {  	[smem:$0x3F9F] =	sst s0  }
0x9: {  	[smem:$0x3FA0] =	sst s1  }
0xa: {  	[smem:$0x3FA1] =	sst s2  }
0xb: {  	[smem:$0x3FA2] =	sst s3  }
0xc: {  	[smem:$0x3FA3] =	sst s4  }
0xd: {  	[smem:$0x3FA4] =	sst s5  }
0xe: {  	[smem:$0x3FA5] =	sst s6  }
0xf: {  	[smem:$0x3FA6] =	sst s7  }
0x10: {  	[smem:$0x3FA7] =	sst s8  }
0x11: {  	[smem:$0x3FA8] =	sst s9;
	s0 =	simm.s32 @!p0 $0x0  }
0x12: {  	s1 =	sld [smem:$0x3F8E];
	s0 =	simm.s32 @p0 $0x1  }
0x13: {  	[smem:$0x3FA9] =	sst s0;
	s0 =	simm.s32 @!p1 $0x0  }
0x14: {  	s2 =	sld [smem:$0x3F8D];
	s0 =	simm.s32 @p1 $0x1  }
0x15: {  	[smem:$0x3FAA] =	sst s0;
	s0 =	simm.s32 @!p2 $0x0  }
0x16: {  	s3 =	sld [smem:$0x3FDB];
	s0 =	simm.s32 @p2 $0x1  }
0x17: {  	s4 =	simm.s32 $0x1BF5;
	[smem:$0x3FAC] =	sst s0  }
0x18: {  	s0 =	sld [smem:$0x3F8F];
	_ =	swait.ge [sflag:s4], $0x0  }
0x19: {  	s7 =	sld [smem:$0x3F90]  }
0x1a: {  	s8 =	sadd.s32 $0xFFFFE003, lr  }
0x1b: {  	s9 =	sadd.s32 $0xFFFFFEF7, lr;
	s5 =	simm.s32 $0xFFFFFFFF;
	p2 =	slt.u32 s8, $0xFFFFF086  }
0x1c: {  	p1 =	slt.u32 s9, $0xF7A;
	s5 =	simm.s32 @!p2 $0x0  }
0x1d: {  	s5 =	simm.s32 @p1 $0x1;
	p0 =	seq.s32 s7, s2  }
0x1e: {  	s7 =	smul.u32 @!p0 $0xF7A, s2;
	p2 =	seq.s32 @!p0 s5, $0x0  }
0x1f: {  	s9 =	smul.u32 $0xF7A, s1;
	s8 =	simm.s32 @!p0 $0x1BF5;
	p2 =	por !p2, p0  }
0x20: {  	[sflag:s8] =	ssyncset.s32 @!p0 $0xFFFFF086;
	s6 =	sadd.s32 @!p0 s3, s7;
	s7 =	simm.s32 @!p0 $0x108  }
0x21: {  	s3 =	sadd.s32 s3, s9;
	s6 =	sadd.s32 @!p0 $0x88, s6;
	s7 =	simm.s32 @p2 $0x1082  }
0x22: {  	[simem:s7], [sflag:s8] =	dma.local @!p0 [hbm:s6], $0xF7A  }
0x23: {  	s9 =	sor.u32 $0xD0000000, s2;
	s6 =	simm.s32 $0x108;
	_ =	swait.ge @!p0 [sflag:s8], $0x0  }
0x24: {  	s3 =	sadd.s32 $0x88, s3;
	s6 =	simm.s32 @!p1 $0x1082;
	[sflag:s4] =	ssyncset.s32 $0xFFFFF086  }
0x25: {  	[simem:s6], [sflag:s4] =	dma.local [hbm:s3], $0xF7A  }
0x26: {  	[smem:$0x3F90] =	sst s1;
	(tag) =	ssettag s2;
	_ =	strace s9  }
0x27: {  	s1 =	sld [smem:$0x3FA0]  }
0x28: {  	s2 =	sld [smem:$0x3FA1]  }
0x29: {  	s4 =	sld [smem:$0x3FA3]  }
0x2a: {  	p0 =	seq.s32 s5, $0x0;
	s5 =	sld [smem:$0x3FA4]  }
0x2b: {  	s6 =	sld [smem:$0x3FA5]  }
0x2c: {  	s7 =	sld [smem:$0x3FA6]  }
0x2d: {  	s3 =	simm.s32 $0x108;
	s8 =	sld [smem:$0x3FA7]  }
0x2e: {  	s3 =	simm.s32 @!p0 $0x1082;
	s9 =	sld [smem:$0x3FA8]  }
0x2f: {  	lr =	sadd.s32 s0, s3;
	s0 =	sld [smem:$0x3F9F]  }
0x30: {  	s3 =	sld [smem:$0x3FA2]  }
0x31: {  	[smem:$0x3FAB] =	sst s10  }
0x32: {  	s10 =	sld [smem:$0x3FA9];
	_ =	sdelay $0x3  }
0x33: {  	p0 =	seq.s32 s10, $0x1;
	s10 =	sld [smem:$0x3FAB];
	_ =	sdelay $0x3  }
0x34: {  	[smem:$0x3FAB] =	sst s10  }
0x35: {  	s10 =	sld [smem:$0x3FAA];
	_ =	sdelay $0x3  }
0x36: {  	p1 =	seq.s32 s10, $0x1;
	s10 =	sld [smem:$0x3FAB];
	_ =	sdelay $0x3  }
0x37: {  	[smem:$0x3FAB] =	sst s10  }
0x38: {  	s10 =	sld [smem:$0x3FAC]  }
0x39: {  	_ = 	snop;
	(pc) =	sbr.ind lr, $3  }
0x3a: {  	_ = 	snop  }
0x3b: {  	_ = 	snop  }
0x3c: {  	p2 =	seq.s32 s10, $0x1;
	s10 =	sld [smem:$0x3FAB]  }
0x3d: {  	_ =	shalt  }
0x3e: {  	_ =	shalt  }
0x3f: {  	_ =	shalt  }
0x40: {  	_ =	shalt  }
0x41: {  	_ =	shalt  }
0x42: {  	_ =	shalt  }
0x43: {  	_ =	shalt  }
0x44: {  	_ =	shalt  }
0x45: {  	_ =	shalt  }
0x46: {  	_ =	shalt  }
0x47: {  	_ =	shalt  }
0x48: {  	_ =	shalt  }
0x49: {  	_ =	shalt  }
0x4a: {  	_ =	shalt  }
0x4b: {  	_ =	shalt  }
0x4c: {  	_ =	shalt  }
0x4d: {  	_ =	shalt  }
0x4e: {  	_ =	shalt  }
0x4f: {  	_ =	shalt  }
0x50: {  	_ =	shalt  }
0x51: {  	_ =	shalt  }
0x52: {  	_ =	shalt  }
0x53: {  	_ =	shalt  }
0x54: {  	_ =	shalt  }
0x55: {  	_ =	shalt  }
0x56: {  	_ =	shalt  }
0x57: {  	_ =	shalt  }
0x58: {  	_ =	shalt  }
0x59: {  	_ =	shalt  }
0x5a: {  	_ =	shalt  }
0x5b: {  	_ =	shalt  }
0x5c: {  	_ =	shalt  }
0x5d: {  	_ =	shalt  }
0x5e: {  	_ =	shalt  }
0x5f: {  	_ =	shalt  }
0x60: {  	_ =	shalt  }
0x61: {  	_ =	shalt  }
0x62: {  	_ =	shalt  }
0x63: {  	_ =	shalt  }
0x64: {  	_ =	shalt  }
0x65: {  	_ =	shalt  }
0x66: {  	_ =	shalt  }
0x67: {  	_ =	shalt  }
0x68: {  	_ =	shalt  }
0x69: {  	_ =	shalt  }
0x6a: {  	_ =	shalt  }
0x6b: {  	_ =	shalt  }
0x6c: {  	_ =	shalt  }
0x6d: {  	_ =	shalt  }
0x6e: {  	_ =	shalt  }
0x6f: {  	_ =	shalt  }
0x70: {  	_ =	shalt  }
0x71: {  	_ =	shalt  }
0x72: {  	_ =	shalt  }
0x73: {  	_ =	shalt  }
0x74: {  	_ =	shalt  }
0x75: {  	_ =	shalt  }
0x76: {  	_ =	shalt  }
0x77: {  	_ =	shalt  }
0x78: {  	_ =	shalt  }
0x79: {  	_ =	shalt  }
0x7a: {  	_ =	shalt  }
0x7b: {  	_ =	shalt  }
0x7c: {  	_ =	shalt  }
0x7d: {  	_ =	shalt  }
0x7e: {  	_ =	shalt  }
0x7f: {  	_ =	shalt  }
0x80: {  	_ =	shalt  }
0x81: {  	_ =	shalt  }
0x82: {  	_ =	shalt  }
0x83: {  	_ =	shalt  }
0x84: {  	_ =	shalt  }
0x85: {  	_ =	shalt  }
0x86: {  	_ =	shalt  }
0x87: {  	_ =	shalt  }
.Lfunc_end0:
.L_simem_size_0:
called_computation.3_lowered:
.L_overlay_start_0:
0x88: {  	s2 =	sld [smem:$0x3FD9]  }
0x89: {  	s3 =	sld [smem:$0x3FFE];
	_ =	sdelay $0x1  }
0x8a: {  	s1 =	srdreg.scid  }
0x8b: {  	s0 =	sand.u32 $0x1, s1  }
0x8c: {  	s16 =	sshll.u32 s0, $0xA;
	s2 =	sadd.s32 s3, s2  }
0x8d: {  	s2 =	sadd.s32 s2, s16  }
0x8e: {  	[smem:$0x3FB7] =	sst s2  }
0x8f: {  	_ = 	snop  }
0x90: {  	(tm) =	ssettm $0x1  }
0x91: {  	s17 =	sld [smem:$0x3FFB];
	_ =	sdelay $0x3  }
0x92: {  	_ =	strace s17  }
0x93: {  	s2 =	sld [smem:$0x3FFC];
	_ =	sdelay $0x3  }
0x94: {  	_ =	strace s2  }
0x95: {  	s2 =	sld [smem:$0x3FFD];
	_ =	sdelay $0x3  }
0x96: {  	_ =	strace s2  }
0x97: {  	_ =	strace $0x8FFFFFFF  }
0x98: {  	s18 =	sld [smem:$0x3FDB];
	_ =	sdelay $0x1  }
0x99: {  	s19 =	simm.s32 $_scs_section_size  }
0x9a: {  	s4 =	simm.s32 $_size__tile_overlayer_lowered;
	s5 =	simm.s32 $_tile_overlayer_lowered  }
0x9b: {  	s22 =	simm.s32 $0x1BFF;
	s21 =	sshll.u32 s5, $0x1;
	s2 =	sadd.s32 s19, s18  }
0x9c: {  	s6 =	simm.s32 $0x0;
	s20 =	sshll.u32 s4, $0x1;
	s4 =	sadd.s32 s21, s2  }
0x9d: {  	[timem:s6], [sflag:s22] =	dma.local [hbm:s4], s20  }
0x9e: {  	_ =	swait.ge [sflag:s22], s20  }
0x9f: {  	s3 =	ssub.s32 $0x0, s20;
	[sflag:s22] =	ssyncset.done $0x0  }
0xa0: {  	[sflag:s22] =	ssyncadd.s32 s3;
	_ =	sdelay $0x1  }
0xa1: {  	s23 =	simm.s32 $0x1B8B  }
0xa2: {  	_ =	swait.ge [sflag:s23], $0x1  }
0xa3: {  	[sflag:s23] =	ssyncset.done $0x0  }
0xa4: {  	s25 =	simm.s32 $0x1B8E;
	s24 =	sld [smem:$0x3FFE];
	[sflag:s23] =	ssyncadd.s32 $0xFFFFFFFF  }
0xa5: {  	s26 =	simm.s32 $execute0_lowered;
	[smem:$0x3FD2] =	sst s25  }
0xa6: {  	s4 =	sshll.u32 s26, $0x1;
	_ =	strace $0x8000004F;
	[dreg:$0x1] =	wrdreg $0xFFFFFFFF  }
0xa7: {  	s28 =	simm.s32 $_size_execute0_lowered;
	s2 =	sadd.s32 s2, s4;
	[dreg:$0x0] =	wrdreg $0x0  }
0xa8: {  	s4 =	sshll.u32 s28, $0x1;
	[dreg:$0x2] =	wrdreg s2  }
0xa9: {  	[dreg:$0x3] =	wrdreg s4  }
0xaa: {  	[dreg:$0x4] =	wrdreg $0xC0  }
0xab: {  	_ =	task [dreg:s6], $0x5FFFF  }
0xac: {  	[dreg:$0x1] =	wrdreg $0xFFFFFFFF  }
0xad: {  	[dreg:$0x0] =	wrdreg $0x60  }
0xae: {  	[dreg:$0x2] =	wrdreg s24  }
0xaf: {  	[dreg:$0x3] =	wrdreg $0x99000  }
0xb0: {  	[dreg:$0x4] =	wrdreg $0x9  }
0xb1: {  	_ =	task.clear_ibuf [dreg:s6], $0x5FFFF;
	_ =	strace $0x9000004F  }
0xb2: {  	s29 =	simm.s32 $0x9;
	_ =	strace $0x80000051  }
0xb3: {  	_ =	swait.ge [sflag:s29], $0x1  }
0xb4: {  	[sflag:s29] =	ssyncadd.s32 $0xFFFFFFFF  }
0xb5: {  	_ =	strace $0x90000051  }
0xb6: {  	_ =	sfence  }
0xb7: {  	s30 =	sld [smem:$0x0];
	_ =	sdelay $0x2  }
0xb8: {  	s31 =	sshll.u32 s1, $0xD;
	s1 =	sshrl.u32 s1, $0x2  }
0xb9: {  	s3 =	sand.u32 $0x4000, s31;
	s1 =	sadd.s32 s1, s30  }
0xba: {  	s0 =	sor.u32 s3, s0;
	s1 =	sshll.u32 s1, $0x11  }
0xbb: {  	s0 =	sor.u32 s1, s0  }
0xbc: {  	s0 =	sadd.s32 $0x8F2B, s0  }
0xbd: {  	[sflag:s0] =	ssyncadd.remote.s32 $0x1  }
0xbe: {  	_ =	sfence.sel $0xFFFF  }
0xbf: {  	[dreg:$0x0] =	wrdreg $0xFFFFFFFF;
	(pc) =	sbr.abs _section_cstart, $3  }
0xc0: {  	[dreg:$0x1] =	wrdreg $0xFFFFFFFF  }
0xc1: {  	_ =	task.clear_ibuf [dreg:s6], $0x2FFFF;
	_ =	strace $0x9FFFFFFF  }
0xc2: {  	(tm) =	ssettm $0x7FFFFFFF  }
0xc3: {  	_ =	shalt  }
tec
execute0_lowered:
.L_overlay_start_1:
0x0: {  	(tag) =	ssettag $0x1  }
0x1: {  	s0 =	srdreg.scid;
	s6 =	rddreg [dreg:$0x0]  }
0x2: {  	s1 =	rddreg [dreg:$0x1];
	s15 =	stileid.u32;
	s2 =	simm.s32 $0x0  }
0x3: {  	s28 =	simm.s32 $0x3180;
	s29 =	simm.s32 $0x0;
	s7 =	sand.u32 $0x1, s0  }
0x4: {  	[smem:$0x7FF] =	sst s2;
	s8 =	smul.u32 $0x13800, s15;
	s14 =	sadd.s32 $0x32800, s6  }
0x5: {  	s9 =	smul.u32 $0x4E000, s15;
	s13 =	sadd.s32 $0xB4600, s6;
	s20 =	sshll.u32 s15, $0x6  }
0x6: {  	s17 =	sadd.s32 $0x138000, s1;
	p0 =	sne.s32 s15, $0x0;
	s3 =	sshll.u32 s7, $0x4  }
0x7: {  	_ =	strace $0x80000050;
	s11 =	ssub.s32 $0x2, s7;
	s18 =	smul.u32 $0x138800, s7  }
0x8: {  	s23 =	smul.u32 $0x32000, s7;
	s17 =	sshrl.u32 @!p0 s17, $0x3;
	s5 =	sor.u32 s15, s3  }
0x9: {  	s3 =	sadd.s32 $0x66200, s6;
	s19 =	sshrl.u32 s8, $0x3;
	s12 =	sshrl.u32 s11, $0x1  }
0xa: {  	s9 =	sshrl.u32 s9, $0x2;
	s4 =	smul.u32 $0x680, s5;
	s12 =	ssub.s32 s11, s12  }
0xb: {  	s16 =	sadd.s32 s9, s1;
	s21 =	smul.u32 $0x3200, s5;
	s5 =	sor.u32 $0x1C04, s20  }
0xc: {  	s20 =	smul.u32 $0x3200, s15;
	s12 =	smax.u32 s12, $0x1;
	s15 =	sshrl.u32 s16, $0x3  }
0xd: {  	s16 =	simm.s32 $0x4;
	s10 =	sadd.s32 s4, s6;
	s4 =	sadd.s32 s19, s6  }
0xe: {  	s6 =	sadd.s32 $0xB4400, s6;
	s22 =	sshrl.u32 s21, $0x3;
	s19 =	sadd.s32 s8, s18  }
0xf: {  	s18 =	sshrl.u32 s18, $0x3;
	s11 =	sadd.s32 s20, s23;
	s20 =	simm.s32 $0x64  }
0x10: {  	s21 =	simm.s32 $0x3500;
	s23 =	simm.s32 $0x1;
	s4 =	sadd.s32 $0x8D400, s4  }
0x11: {  	s7 =	sadd.s32 s14, s22;
	s8 =	sadd.s32 $0x25800, s10;
	s24 =	sshrl.u32 s19, $0x3  }
0x12: {  	s25 =	sor.u32 $0x180, s11;
	s26 =	sor.u32 $0x100, s11;
	s19 =	simm.s32 $0x3480  }
0x13: {  	s22 =	simm.s32 $0x6700;
	s9 =	sadd.s32 $0x10, s7;
	s10 =	sadd.s32 s13, s24  }
0x14: {  	s13 =	sadd.s32 s13, s18;
	s30 =	sshrl.u32 s25, $0x3;
	s31 =	sshrl.u32 s26, $0x3  }
0x15: {  	s18 =	simm.s32 $0x3400;
	s24 =	simm.s32 $0x2;
	s25 =	simm.s32 $0x3  }
0x16: {  	s11 =	sadd.s32 $0x27000, s13;
	s13 =	sadd.s32 s30, s14;
	s14 =	sadd.s32 s31, s14  }
.LBB2_1:
0x17: {  	[spmem:s15], [sflag:s5] =	dma.local [hbm:s4], $0x2700  }
0x18: {  	_ =	swait.ge [sflag:s16], $0x2700  }
0x19: {  	[sflag:s16] =	ssyncset.done $0x0  }
0x1a: {  	s30 =	simm.s32 @!p0 $0x4;
	[sflag:s16] =	ssyncadd.s32 $0xFFFFD900  }
0x1b: {  	[spmem:s17], [sflag:s5] =	dma.local @!p0 [hbm:s6], $0x100  }
0x1c: {  	_ =	swait.ge @!p0 [sflag:s30], $0x100  }
0x1d: {  	[sflag:s30] =	ssyncset.done @!p0 $0x0  }
0x1e: {  	[sflag:s30] =	ssyncadd.s32 @!p0 $0xFFFFFF00  }
0x1f: {  	[tilespmem:s2], [sflag:$0x4] =	stream.linear.gather [hbm4b:s8+s2], $0x3200, $0x38;
	[tilespmem:$0x1D180] =	vst v63  }
0x20: {  	_ =	swait.ge [sflag:s16], $0x3200  }
0x21: {  	[sflag:s16] =	ssyncset.done $0x0  }
0x22: {  	[sflag:s16] =	ssyncadd.s32 $0xFFFFCE00  }
0x23: {  	[tilespmem:s18], [sflag:$0x4] =	stream.linear.gather [hbm4b:s7+s2], $0x80, $0x38;
	[tilespmem:$0x1D180] =	vst v63  }
0x24: {  	_ =	swait.ge [sflag:s16], $0x80  }
0x25: {  	[sflag:s16] =	ssyncset.done $0x0  }
0x26: {  	[sflag:s16] =	ssyncadd.s32 $0xFFFFFF80  }
0x27: {  	[tilespmem:s19], [sflag:$0x4] =	stream.linear.gather [hbm4b:s9+s2], $0x80, $0x38;
	[tilespmem:$0x1D180] =	vst v63  }
0x28: {  	_ =	swait.ge [sflag:s16], $0x80  }
0x29: {  	[sflag:s16] =	ssyncset.done $0x0  }
0x2a: {  	[sflag:s16] =	ssyncadd.s32 $0xFFFFFF80  }
0x2b: {  	[bflag:$0x0] =	sbarrier.arrive $0xFFFF  }
0x2c: {  	[tilespmem:s21], [sflag:$0x1] =	stream.indirect.gather [hbm4b:s3+s20], $0x80, s18, s20, $0xb8;
	[tilespmem:$0x1D180] =	vst v63  }
0x2d: {  	_ = 	snop  }
0x2e: {  	[tilespmem:s22], [sflag:$0x2] =	stream.indirect.gather [hbm4b:s3+s20], $0x80, s19, s20, $0xb8;
	[tilespmem:$0x1D180] =	vst v63  }
0x2f: {  	_ =	swait.ge [sflag:s23], $0x3200  }
0x30: {  	[sflag:s23] =	ssyncset.done $0x0  }
0x31: {  	s30 =	simm.s32 $0x0;
	[sflag:s23] =	ssyncadd.s32 $0xFFFFCE00  }
0x32: {  	[spmem:s1] =	stream.indirect.scatter.add.f32 [tilespmem:s21], [sflag:$0x3], $0x80, s30, s20, $0xb8;
	[tilespmem:$0x1D180] =	vst v63  }
0x33: {  	_ =	swait.ge [sflag:s24], $0x3200  }
0x34: {  	[sflag:s24] =	ssyncset.done $0x0  }
0x35: {  	s30 =	simm.s32 $0x80;
	[sflag:s24] =	ssyncadd.s32 $0xFFFFCE00  }
0x36: {  	[spmem:s1] =	stream.indirect.scatter.add.f32 [tilespmem:s22], [sflag:$0x3], $0x80, s30, s20, $0xb8;
	[tilespmem:$0x1D180] =	vst v63  }
0x37: {  	s31 =	sadd.s32 $0x0, s14  }
0x38: {  	[tilespmem:s18], [sflag:$0x4] =	stream.linear.gather [hbm4b:s31+s2], $0x80, $0x38;
	[tilespmem:$0x1D180] =	vst v63  }
0x39: {  	_ =	swait.ge [sflag:s16], $0x80  }
0x3a: {  	[sflag:s16] =	ssyncset.done $0x0  }
0x3b: {  	s31 =	sadd.s32 $0x0, s13;
	[sflag:s16] =	ssyncadd.s32 $0xFFFFFF80  }
0x3c: {  	[tilespmem:s19], [sflag:$0x4] =	stream.linear.gather [hbm4b:s31+s2], $0x80, $0x38;
	[tilespmem:$0x1D180] =	vst v63  }
0x3d: {  	_ =	swait.ge [sflag:s16], $0x80  }
0x3e: {  	[sflag:s16] =	ssyncset.done $0x0  }
0x3f: {  	[sflag:s16] =	ssyncadd.s32 $0xFFFFFF80  }
0x40: {  	_ =	swait.ge [sflag:s25], $0x3200  }
0x41: {  	[sflag:s25] =	ssyncset.done $0x0  }
0x42: {  	[sflag:s25] =	ssyncadd.s32 $0xFFFFCE00  }
0x43: {  	_ =	swait.ge [sflag:s25], $0x3200  }
0x44: {  	s31 =	simm.s32 $0x20;
	[sflag:s25] =	ssyncset.done $0x0  }
.LBB2_2:
0x45: {  	p1 =	sne.s32 s31, $0x600;
	[sflag:s25] =	ssyncadd.s32 $0xFFFFCE00;
	s30 =	sadd.s32 $0x100, s30  }
0x46: {  	[tilespmem:s21], [sflag:$0x1] =	stream.indirect.gather [hbm4b:s3+s20], $0x80, s18, s20, $0xb8;
	[tilespmem:$0x1D180] =	vst v63  }
0x47: {  	s0 =	smov.u32 s31;
	s31 =	sadd.s32 $0x20, s31  }
0x48: {  	[tilespmem:s22], [sflag:$0x2] =	stream.indirect.gather [hbm4b:s3+s20], $0x80, s19, s20, $0xb8;
	[tilespmem:$0x1D180] =	vst v63  }
0x49: {  	_ =	swait.ge [sflag:s23], $0x3200  }
0x4a: {  	[sflag:s23] =	ssyncset.done $0x0  }
0x4b: {  	s26 =	sadd.s32 $0xFFFFFF80, s30;
	[sflag:s23] =	ssyncadd.s32 $0xFFFFCE00  }
0x4c: {  	[spmem:s1] =	stream.indirect.scatter.add.f32 [tilespmem:s21], [sflag:$0x3], $0x80, s26, s20, $0xb8;
	[tilespmem:$0x1D180] =	vst v63  }
0x4d: {  	_ =	swait.ge [sflag:s24], $0x3200  }
0x4e: {  	[sflag:s24] =	ssyncset.done $0x0  }
0x4f: {  	[sflag:s24] =	ssyncadd.s32 $0xFFFFCE00  }
0x50: {  	[spmem:s1] =	stream.indirect.scatter.add.f32 [tilespmem:s22], [sflag:$0x3], $0x80, s30, s20, $0xb8;
	[tilespmem:$0x1D180] =	vst v63  }
0x51: {  	s26 =	sadd.s32 s0, s14  }
0x52: {  	[tilespmem:s18], [sflag:$0x4] =	stream.linear.gather [hbm4b:s26+s2], $0x80, $0x38;
	[tilespmem:$0x1D180] =	vst v63  }
0x53: {  	_ =	swait.ge [sflag:s16], $0x80  }
0x54: {  	[sflag:s16] =	ssyncset.done $0x0  }
0x55: {  	s0 =	sadd.s32 s0, s13;
	[sflag:s16] =	ssyncadd.s32 $0xFFFFFF80  }
0x56: {  	[tilespmem:s19], [sflag:$0x4] =	stream.linear.gather [hbm4b:s0+s2], $0x80, $0x38;
	[tilespmem:$0x1D180] =	vst v63  }
0x57: {  	_ =	swait.ge [sflag:s16], $0x80  }
0x58: {  	[sflag:s16] =	ssyncset.done $0x0  }
0x59: {  	[sflag:s16] =	ssyncadd.s32 $0xFFFFFF80  }
.Ltmp0:
0x5a: {  	_ =	swait.ge [sflag:s25], $0x3200;
	(pc) =	sbr.rel @p1 .LBB2_2-.Ltmp0, $4  }
0x5b: {  	[sflag:s25] =	ssyncset.done $0x0  }
0x5c: {  	[sflag:s25] =	ssyncadd.s32 $0xFFFFCE00  }
0x5d: {  	_ =	swait.ge [sflag:s25], $0x3200  }
0x5e: {  	[sflag:s25] =	ssyncset.done $0x0  }
0x5f: {  	[sflag:s25] =	ssyncadd.s32 $0xFFFFCE00  }
0x60: {  	[tilespmem:s21], [sflag:$0x1] =	stream.indirect.gather [hbm4b:s3+s20], $0x80, s18, s20, $0xb8;
	[tilespmem:$0x1D180] =	vst v63  }
0x61: {  	_ = 	snop  }
0x62: {  	[tilespmem:s22], [sflag:$0x2] =	stream.indirect.gather [hbm4b:s3+s20], $0x80, s19, s20, $0xb8;
	[tilespmem:$0x1D180] =	vst v63  }
0x63: {  	_ =	swait.ge [sflag:s23], $0x3200  }
0x64: {  	[sflag:s23] =	ssyncset.done $0x0  }
0x65: {  	s0 =	simm.s32 $0x3100;
	[sflag:s23] =	ssyncadd.s32 $0xFFFFCE00  }
0x66: {  	[spmem:s1] =	stream.indirect.scatter.add.f32 [tilespmem:s21], [sflag:$0x3], $0x80, s0, s20, $0xb8;
	[tilespmem:$0x1D180] =	vst v63  }
0x67: {  	_ =	swait.ge [sflag:s24], $0x3200  }
0x68: {  	[sflag:s24] =	ssyncset.done $0x0  }
0x69: {  	[sflag:s24] =	ssyncadd.s32 $0xFFFFCE00  }
0x6a: {  	[spmem:s1] =	stream.indirect.scatter.add.f32 [tilespmem:s22], [sflag:$0x3], $0x80, s28, s20, $0xb8;
	[tilespmem:$0x1D180] =	vst v63  }
0x6b: {  	_ =	swait.ge [sflag:s25], $0x3200  }
0x6c: {  	[sflag:s25] =	ssyncset.done $0x0  }
0x6d: {  	[sflag:s25] =	ssyncadd.s32 $0xFFFFCE00  }
0x6e: {  	_ =	swait.ge [sflag:s25], $0x3200  }
0x6f: {  	[sflag:s25] =	ssyncset.done $0x0  }
0x70: {  	[sflag:s25] =	ssyncadd.s32 $0xFFFFCE00  }
0x71: {  	[bflag:$0x0] =	sbarrier.arrive $0xFFFF  }
0x72: {  	[hbm:s10], [sflag:s5] =	dma.local [spmem:s15], $0x2700  }
0x73: {  	s29 =	sadd.s32 $0x1, s29;
	_ =	swait.ge [sflag:s16], $0x2700  }
0x74: {  	p1 =	sne.s32 s29, s12;
	[sflag:s16] =	ssyncset.done $0x0  }
.Ltmp1:
0x75: {  	s0 =	simm.s32 @!p0 $0x4;
	[sflag:s16] =	ssyncadd.s32 $0xFFFFD900;
	(pc) =	sbr.rel @p1 .LBB2_1-.Ltmp1, $4  }
0x76: {  	[hbm:s11], [sflag:s5] =	dma.local @!p0 [spmem:s17], $0x100  }
0x77: {  	_ =	swait.ge @!p0 [sflag:s0], $0x100  }
0x78: {  	[sflag:s0] =	ssyncset.done @!p0 $0x0  }
0x79: {  	[sflag:s0] =	ssyncadd.s32 @!p0 $0xFFFFFF00  }
0x7a: {  	_ =	sfence.sel $0x180000  }
0x7b: {  	[bflag:$0x0] =	sbarrier.arrive $0xFFFF  }
0x7c: {  	_ =	strace $0x90000050  }
0x7d: {  	[bflag:$0x2] =	sbarrier.arrive $0xFFFF  }
0x7e: {  	s0 =	rddreg [dreg:$0x2]  }
0x7f: {  	s0 =	sadd.s32 @!p0 $0x100000, s0  }
0x80: {  	[sflag:s0] =	ssyncadd.tile.s32 @!p0 $0x1;
	_ =	shalt  }
.Lfunc_end2:
_tile_overlayer_lowered:
.L_overlay_start_2:
0x81: {  	(tag) =	ssettag $0x2  }
0x82: {  	s0 =	rddreg [dreg:$0x0];
	s2 =	stileid.u32  }
0x83: {  	s1 =	rddreg [dreg:$0x1];
	p0 =	sne.s32 s2, $0x0  }
0x84: {  	s3 =	rddreg [dreg:$0x2];
	[bflag:$0x3] =	sbarrier.arrive $0xFFFF;
	s2 =	simm.s32 @!p0 $0x1C04  }
0x85: {  	[timem:s3], [sflag:s2] =	dma.local @!p0 [hbm:s0], s1  }
0x86: {  	s0 =	simm.s32 @!p0 $0x4  }
0x87: {  	_ =	swait.ge @!p0 [sflag:s0], s1  }
0x88: {  	s1 =	ssub.s32 @!p0 $0x0, s1;
	[sflag:s0] =	ssyncset.done @!p0 $0x0  }
0x89: {  	[sflag:s0] =	ssyncadd.s32 @!p0 s1  }
0x8a: {  	[bflag:$0x3] =	sbarrier.arrive $0xFFFF  }
0x8b: {  	_ =	shalt  }

// kernel: kernel.26.cloned.1.call-start
scs
__scs_entry_jumppad:
0x0: {  	(pc) =	sbr.rel $0x88, $3  }
0x1: {  	(tag) =	ssettag $0x0;
	lr =	simm.s32 $0x1  }
0x2: {  	[smem:$0x3F90] =	sst lr;
	_ =	strace $0xD0000000  }
0x3: {  	_ = 	snop  }
0x4: {  	_ = 	snop  }
0x5: {  	_ = 	snop  }
0x6: {  	_ = 	snop  }
0x7: {  	_ = 	snop  }
__scs_overlays_trampoline_lowered:
0x8: {  	[smem:$0x3F9F] =	sst s0  }
0x9: {  	[smem:$0x3FA0] =	sst s1  }
0xa: {  	[smem:$0x3FA1] =	sst s2  }
0xb: {  	[smem:$0x3FA2] =	sst s3  }
0xc: {  	[smem:$0x3FA3] =	sst s4  }
0xd: {  	[smem:$0x3FA4] =	sst s5  }
0xe: {  	[smem:$0x3FA5] =	sst s6  }
0xf: {  	[smem:$0x3FA6] =	sst s7  }
0x10: {  	[smem:$0x3FA7] =	sst s8  }
0x11: {  	[smem:$0x3FA8] =	sst s9;
	s0 =	simm.s32 @!p0 $0x0  }
0x12: {  	s1 =	sld [smem:$0x3F8E];
	s0 =	simm.s32 @p0 $0x1  }
0x13: {  	[smem:$0x3FA9] =	sst s0;
	s0 =	simm.s32 @!p1 $0x0  }
0x14: {  	s2 =	sld [smem:$0x3F8D];
	s0 =	simm.s32 @p1 $0x1  }
0x15: {  	[smem:$0x3FAA] =	sst s0;
	s0 =	simm.s32 @!p2 $0x0  }
0x16: {  	s3 =	sld [smem:$0x3FDB];
	s0 =	simm.s32 @p2 $0x1  }
0x17: {  	s4 =	simm.s32 $0x1BF5;
	[smem:$0x3FAC] =	sst s0  }
0x18: {  	s0 =	sld [smem:$0x3F8F];
	_ =	swait.ge [sflag:s4], $0x0  }
0x19: {  	s7 =	sld [smem:$0x3F90]  }
0x1a: {  	s8 =	sadd.s32 $0xFFFFE003, lr  }
0x1b: {  	s9 =	sadd.s32 $0xFFFFFEF7, lr;
	s5 =	simm.s32 $0xFFFFFFFF;
	p2 =	slt.u32 s8, $0xFFFFF086  }
0x1c: {  	p1 =	slt.u32 s9, $0xF7A;
	s5 =	simm.s32 @!p2 $0x0  }
0x1d: {  	s5 =	simm.s32 @p1 $0x1;
	p0 =	seq.s32 s7, s2  }
0x1e: {  	s7 =	smul.u32 @!p0 $0xF7A, s2;
	p2 =	seq.s32 @!p0 s5, $0x0  }
0x1f: {  	s9 =	smul.u32 $0xF7A, s1;
	s8 =	simm.s32 @!p0 $0x1BF5;
	p2 =	por !p2, p0  }
0x20: {  	[sflag:s8] =	ssyncset.s32 @!p0 $0xFFFFF086;
	s6 =	sadd.s32 @!p0 s3, s7;
	s7 =	simm.s32 @!p0 $0x108  }
0x21: {  	s3 =	sadd.s32 s3, s9;
	s6 =	sadd.s32 @!p0 $0x88, s6;
	s7 =	simm.s32 @p2 $0x1082  }
0x22: {  	[simem:s7], [sflag:s8] =	dma.local @!p0 [hbm:s6], $0xF7A  }
0x23: {  	s9 =	sor.u32 $0xD0000000, s2;
	s6 =	simm.s32 $0x108;
	_ =	swait.ge @!p0 [sflag:s8], $0x0  }
0x24: {  	s3 =	sadd.s32 $0x88, s3;
	s6 =	simm.s32 @!p1 $0x1082;
	[sflag:s4] =	ssyncset.s32 $0xFFFFF086  }
0x25: {  	[simem:s6], [sflag:s4] =	dma.local [hbm:s3], $0xF7A  }
0x26: {  	[smem:$0x3F90] =	sst s1;
	(tag) =	ssettag s2;
	_ =	strace s9  }
0x27: {  	s1 =	sld [smem:$0x3FA0]  }
0x28: {  	s2 =	sld [smem:$0x3FA1]  }
0x29: {  	s4 =	sld [smem:$0x3FA3]  }
0x2a: {  	p0 =	seq.s32 s5, $0x0;
	s5 =	sld [smem:$0x3FA4]  }
0x2b: {  	s6 =	sld [smem:$0x3FA5]  }
0x2c: {  	s7 =	sld [smem:$0x3FA6]  }
0x2d: {  	s3 =	simm.s32 $0x108;
	s8 =	sld [smem:$0x3FA7]  }
0x2e: {  	s3 =	simm.s32 @!p0 $0x1082;
	s9 =	sld [smem:$0x3FA8]  }
0x2f: {  	lr =	sadd.s32 s0, s3;
	s0 =	sld [smem:$0x3F9F]  }
0x30: {  	s3 =	sld [smem:$0x3FA2]  }
0x31: {  	[smem:$0x3FAB] =	sst s10  }
0x32: {  	s10 =	sld [smem:$0x3FA9];
	_ =	sdelay $0x3  }
0x33: {  	p0 =	seq.s32 s10, $0x1;
	s10 =	sld [smem:$0x3FAB];
	_ =	sdelay $0x3  }
0x34: {  	[smem:$0x3FAB] =	sst s10  }
0x35: {  	s10 =	sld [smem:$0x3FAA];
	_ =	sdelay $0x3  }
0x36: {  	p1 =	seq.s32 s10, $0x1;
	s10 =	sld [smem:$0x3FAB];
	_ =	sdelay $0x3  }
0x37: {  	[smem:$0x3FAB] =	sst s10  }
0x38: {  	s10 =	sld [smem:$0x3FAC]  }
0x39: {  	_ = 	snop;
	(pc) =	sbr.ind lr, $3  }
0x3a: {  	_ = 	snop  }
0x3b: {  	_ = 	snop  }
0x3c: {  	p2 =	seq.s32 s10, $0x1;
	s10 =	sld [smem:$0x3FAB]  }
0x3d: {  	_ =	shalt  }
0x3e: {  	_ =	shalt  }
0x3f: {  	_ =	shalt  }
0x40: {  	_ =	shalt  }
0x41: {  	_ =	shalt  }
0x42: {  	_ =	shalt  }
0x43: {  	_ =	shalt  }
0x44: {  	_ =	shalt  }
0x45: {  	_ =	shalt  }
0x46: {  	_ =	shalt  }
0x47: {  	_ =	shalt  }
0x48: {  	_ =	shalt  }
0x49: {  	_ =	shalt  }
0x4a: {  	_ =	shalt  }
0x4b: {  	_ =	shalt  }
0x4c: {  	_ =	shalt  }
0x4d: {  	_ =	shalt  }
0x4e: {  	_ =	shalt  }
0x4f: {  	_ =	shalt  }
0x50: {  	_ =	shalt  }
0x51: {  	_ =	shalt  }
0x52: {  	_ =	shalt  }
0x53: {  	_ =	shalt  }
0x54: {  	_ =	shalt  }
0x55: {  	_ =	shalt  }
0x56: {  	_ =	shalt  }
0x57: {  	_ =	shalt  }
0x58: {  	_ =	shalt  }
0x59: {  	_ =	shalt  }
0x5a: {  	_ =	shalt  }
0x5b: {  	_ =	shalt  }
0x5c: {  	_ =	shalt  }
0x5d: {  	_ =	shalt  }
0x5e: {  	_ =	shalt  }
0x5f: {  	_ =	shalt  }
0x60: {  	_ =	shalt  }
0x61: {  	_ =	shalt  }
0x62: {  	_ =	shalt  }
0x63: {  	_ =	shalt  }
0x64: {  	_ =	shalt  }
0x65: {  	_ =	shalt  }
0x66: {  	_ =	shalt  }
0x67: {  	_ =	shalt  }
0x68: {  	_ =	shalt  }
0x69: {  	_ =	shalt  }
0x6a: {  	_ =	shalt  }
0x6b: {  	_ =	shalt  }
0x6c: {  	_ =	shalt  }
0x6d: {  	_ =	shalt  }
0x6e: {  	_ =	shalt  }
0x6f: {  	_ =	shalt  }
0x70: {  	_ =	shalt  }
0x71: {  	_ =	shalt  }
0x72: {  	_ =	shalt  }
0x73: {  	_ =	shalt  }
0x74: {  	_ =	shalt  }
0x75: {  	_ =	shalt  }
0x76: {  	_ =	shalt  }
0x77: {  	_ =	shalt  }
0x78: {  	_ =	shalt  }
0x79: {  	_ =	shalt  }
0x7a: {  	_ =	shalt  }
0x7b: {  	_ =	shalt  }
0x7c: {  	_ =	shalt  }
0x7d: {  	_ =	shalt  }
0x7e: {  	_ =	shalt  }
0x7f: {  	_ =	shalt  }
0x80: {  	_ =	shalt  }
0x81: {  	_ =	shalt  }
0x82: {  	_ =	shalt  }
0x83: {  	_ =	shalt  }
0x84: {  	_ =	shalt  }
0x85: {  	_ =	shalt  }
0x86: {  	_ =	shalt  }
0x87: {  	_ =	shalt  }
.Lfunc_end0:
.L_simem_size_0:
called_computation.4_lowered:
.L_overlay_start_0:
0x88: {  	s2 =	sld [smem:$0x3FD9]  }
0x89: {  	s3 =	sld [smem:$0x3FFE];
	_ =	sdelay $0x1  }
0x8a: {  	s1 =	srdreg.scid  }
0x8b: {  	s0 =	sand.u32 $0x1, s1  }
0x8c: {  	s16 =	sshll.u32 s0, $0xA;
	s2 =	sadd.s32 s3, s2  }
0x8d: {  	s2 =	sadd.s32 s2, s16  }
0x8e: {  	[smem:$0x3FB7] =	sst s2  }
0x8f: {  	_ = 	snop  }
0x90: {  	(tm) =	ssettm $0x1  }
0x91: {  	s17 =	sld [smem:$0x3FFB];
	_ =	sdelay $0x3  }
0x92: {  	_ =	strace s17  }
0x93: {  	s2 =	sld [smem:$0x3FFC];
	_ =	sdelay $0x3  }
0x94: {  	_ =	strace s2  }
0x95: {  	s2 =	sld [smem:$0x3FFD];
	_ =	sdelay $0x3  }
0x96: {  	_ =	strace s2  }
0x97: {  	_ =	strace $0x8FFFFFFF  }
0x98: {  	s18 =	sld [smem:$0x3FDB];
	_ =	sdelay $0x1  }
0x99: {  	s19 =	simm.s32 $_scs_section_size  }
0x9a: {  	s4 =	simm.s32 $_size__tile_overlayer_lowered;
	s5 =	simm.s32 $_tile_overlayer_lowered  }
0x9b: {  	s22 =	simm.s32 $0x1BFF;
	s21 =	sshll.u32 s5, $0x1;
	s2 =	sadd.s32 s19, s18  }
0x9c: {  	s6 =	simm.s32 $0x0;
	s20 =	sshll.u32 s4, $0x1;
	s4 =	sadd.s32 s21, s2  }
0x9d: {  	[timem:s6], [sflag:s22] =	dma.local [hbm:s4], s20  }
0x9e: {  	_ =	swait.ge [sflag:s22], s20  }
0x9f: {  	s3 =	ssub.s32 $0x0, s20;
	[sflag:s22] =	ssyncset.done $0x0  }
0xa0: {  	[sflag:s22] =	ssyncadd.s32 s3;
	_ =	sdelay $0x1  }
0xa1: {  	s23 =	simm.s32 $0x1B8B  }
0xa2: {  	_ =	swait.ge [sflag:s23], $0x1  }
0xa3: {  	[sflag:s23] =	ssyncset.done $0x0  }
0xa4: {  	s25 =	simm.s32 $0x1B8E;
	s24 =	sld [smem:$0x3FFE];
	[sflag:s23] =	ssyncadd.s32 $0xFFFFFFFF  }
0xa5: {  	s26 =	simm.s32 $execute0_lowered;
	[smem:$0x3FD2] =	sst s25  }
0xa6: {  	s4 =	sshll.u32 s26, $0x1;
	_ =	strace $0x80000052;
	[dreg:$0x1] =	wrdreg $0xFFFFFFFF  }
0xa7: {  	s28 =	simm.s32 $_size_execute0_lowered;
	s2 =	sadd.s32 s2, s4;
	[dreg:$0x0] =	wrdreg $0x0  }
0xa8: {  	s4 =	sshll.u32 s28, $0x1;
	[dreg:$0x2] =	wrdreg s2  }
0xa9: {  	[dreg:$0x3] =	wrdreg s4  }
0xaa: {  	[dreg:$0x4] =	wrdreg $0xC0  }
0xab: {  	_ =	task [dreg:s6], $0x5FFFF  }
0xac: {  	[dreg:$0x1] =	wrdreg $0xFFFFFFFF  }
0xad: {  	[dreg:$0x0] =	wrdreg $0x60  }
0xae: {  	[dreg:$0x2] =	wrdreg s24  }
0xaf: {  	[dreg:$0x3] =	wrdreg $0x99000  }
0xb0: {  	[dreg:$0x4] =	wrdreg $0x9  }
0xb1: {  	_ =	task.clear_ibuf [dreg:s6], $0x5FFFF;
	_ =	strace $0x90000052  }
0xb2: {  	s29 =	simm.s32 $0x9;
	_ =	strace $0x80000054  }
0xb3: {  	_ =	swait.ge [sflag:s29], $0x1  }
0xb4: {  	[sflag:s29] =	ssyncadd.s32 $0xFFFFFFFF  }
0xb5: {  	_ =	strace $0x90000054  }
0xb6: {  	_ =	sfence  }
0xb7: {  	s30 =	sld [smem:$0x0];
	_ =	sdelay $0x2  }
0xb8: {  	s31 =	sshll.u32 s1, $0xD;
	s1 =	sshrl.u32 s1, $0x2  }
0xb9: {  	s3 =	sand.u32 $0x4000, s31;
	s1 =	sadd.s32 s1, s30  }
0xba: {  	s0 =	sor.u32 s3, s0;
	s1 =	sshll.u32 s1, $0x11  }
0xbb: {  	s0 =	sor.u32 s1, s0  }
0xbc: {  	s0 =	sadd.s32 $0x8F2B, s0  }
0xbd: {  	[sflag:s0] =	ssyncadd.remote.s32 $0x1  }
0xbe: {  	_ =	sfence.sel $0xFFFF  }
0xbf: {  	[dreg:$0x0] =	wrdreg $0xFFFFFFFF;
	(pc) =	sbr.abs _section_cstart, $3  }
0xc0: {  	[dreg:$0x1] =	wrdreg $0xFFFFFFFF  }
0xc1: {  	_ =	task.clear_ibuf [dreg:s6], $0x2FFFF;
	_ =	strace $0x9FFFFFFF  }
0xc2: {  	(tm) =	ssettm $0x7FFFFFFF  }
0xc3: {  	_ =	shalt  }
tec
execute0_lowered:
.L_overlay_start_1:
0x0: {  	(tag) =	ssettag $0x1  }
0x1: {  	s0 =	srdreg.scid;
	s6 =	rddreg [dreg:$0x0]  }
0x2: {  	s1 =	rddreg [dreg:$0x1];
	s15 =	stileid.u32;
	s2 =	simm.s32 $0x0  }
0x3: {  	s28 =	simm.s32 $0x3180;
	s29 =	simm.s32 $0x0;
	s7 =	sand.u32 $0x1, s0  }
0x4: {  	[smem:$0x7FF] =	sst s2;
	s8 =	smul.u32 $0x13800, s15;
	s14 =	sadd.s32 $0x32800, s6  }
0x5: {  	s9 =	smul.u32 $0x4E000, s15;
	s13 =	sadd.s32 $0xB4600, s6;
	s20 =	sshll.u32 s15, $0x6  }
0x6: {  	s17 =	sadd.s32 $0x138000, s1;
	p0 =	sne.s32 s15, $0x0;
	s3 =	sshll.u32 s7, $0x4  }
0x7: {  	_ =	strace $0x80000053;
	s11 =	ssub.s32 $0x2, s7;
	s18 =	smul.u32 $0x138800, s7  }
0x8: {  	s23 =	smul.u32 $0x32000, s7;
	s17 =	sshrl.u32 @!p0 s17, $0x3;
	s5 =	sor.u32 s15, s3  }
0x9: {  	s3 =	sadd.s32 $0x66200, s6;
	s19 =	sshrl.u32 s8, $0x3;
	s12 =	sshrl.u32 s11, $0x1  }
0xa: {  	s9 =	sshrl.u32 s9, $0x2;
	s4 =	smul.u32 $0x680, s5;
	s12 =	ssub.s32 s11, s12  }
0xb: {  	s16 =	sadd.s32 s9, s1;
	s21 =	smul.u32 $0x3200, s5;
	s5 =	sor.u32 $0x1C04, s20  }
0xc: {  	s20 =	smul.u32 $0x3200, s15;
	s12 =	smax.u32 s12, $0x1;
	s15 =	sshrl.u32 s16, $0x3  }
0xd: {  	s16 =	simm.s32 $0x4;
	s10 =	sadd.s32 s4, s6;
	s4 =	sadd.s32 s19, s6  }
0xe: {  	s6 =	sadd.s32 $0xB4400, s6;
	s22 =	sshrl.u32 s21, $0x3;
	s19 =	sadd.s32 s8, s18  }
0xf: {  	s18 =	sshrl.u32 s18, $0x3;
	s11 =	sadd.s32 s20, s23;
	s20 =	simm.s32 $0x64  }
0x10: {  	s21 =	simm.s32 $0x3500;
	s23 =	simm.s32 $0x1;
	s4 =	sadd.s32 $0x8D400, s4  }
0x11: {  	s7 =	sadd.s32 s14, s22;
	s8 =	sadd.s32 $0x25800, s10;
	s24 =	sshrl.u32 s19, $0x3  }
0x12: {  	s25 =	sor.u32 $0x180, s11;
	s26 =	sor.u32 $0x100, s11;
	s19 =	simm.s32 $0x3480  }
0x13: {  	s22 =	simm.s32 $0x6700;
	s9 =	sadd.s32 $0x10, s7;
	s10 =	sadd.s32 s13, s24  }
0x14: {  	s13 =	sadd.s32 s13, s18;
	s30 =	sshrl.u32 s25, $0x3;
	s31 =	sshrl.u32 s26, $0x3  }
0x15: {  	s18 =	simm.s32 $0x3400;
	s24 =	simm.s32 $0x2;
	s25 =	simm.s32 $0x3  }
0x16: {  	s11 =	sadd.s32 $0x27000, s13;
	s13 =	sadd.s32 s30, s14;
	s14 =	sadd.s32 s31, s14  }
.LBB2_1:
0x17: {  	[spmem:s15], [sflag:s5] =	dma.local [hbm:s4], $0x2700  }
0x18: {  	_ =	swait.ge [sflag:s16], $0x2700  }
0x19: {  	[sflag:s16] =	ssyncset.done $0x0  }
0x1a: {  	s30 =	simm.s32 @!p0 $0x4;
	[sflag:s16] =	ssyncadd.s32 $0xFFFFD900  }
0x1b: {  	[spmem:s17], [sflag:s5] =	dma.local @!p0 [hbm:s6], $0x100  }
0x1c: {  	_ =	swait.ge @!p0 [sflag:s30], $0x100  }
0x1d: {  	[sflag:s30] =	ssyncset.done @!p0 $0x0  }
0x1e: {  	[sflag:s30] =	ssyncadd.s32 @!p0 $0xFFFFFF00  }
0x1f: {  	[tilespmem:s2], [sflag:$0x4] =	stream.linear.gather [hbm4b:s8+s2], $0x3200, $0x38;
	[tilespmem:$0x1D180] =	vst v63  }
0x20: {  	_ =	swait.ge [sflag:s16], $0x3200  }
0x21: {  	[sflag:s16] =	ssyncset.done $0x0  }
0x22: {  	[sflag:s16] =	ssyncadd.s32 $0xFFFFCE00  }
0x23: {  	[tilespmem:s18], [sflag:$0x4] =	stream.linear.gather [hbm4b:s7+s2], $0x80, $0x38;
	[tilespmem:$0x1D180] =	vst v63  }
0x24: {  	_ =	swait.ge [sflag:s16], $0x80  }
0x25: {  	[sflag:s16] =	ssyncset.done $0x0  }
0x26: {  	[sflag:s16] =	ssyncadd.s32 $0xFFFFFF80  }
0x27: {  	[tilespmem:s19], [sflag:$0x4] =	stream.linear.gather [hbm4b:s9+s2], $0x80, $0x38;
	[tilespmem:$0x1D180] =	vst v63  }
0x28: {  	_ =	swait.ge [sflag:s16], $0x80  }
0x29: {  	[sflag:s16] =	ssyncset.done $0x0  }
0x2a: {  	[sflag:s16] =	ssyncadd.s32 $0xFFFFFF80  }
0x2b: {  	[bflag:$0x0] =	sbarrier.arrive $0xFFFF  }
0x2c: {  	[tilespmem:s21], [sflag:$0x1] =	stream.indirect.gather [hbm4b:s3+s20], $0x80, s18, s20, $0xb8;
	[tilespmem:$0x1D180] =	vst v63  }
0x2d: {  	_ = 	snop  }
0x2e: {  	[tilespmem:s22], [sflag:$0x2] =	stream.indirect.gather [hbm4b:s3+s20], $0x80, s19, s20, $0xb8;
	[tilespmem:$0x1D180] =	vst v63  }
0x2f: {  	_ =	swait.ge [sflag:s23], $0x3200  }
0x30: {  	[sflag:s23] =	ssyncset.done $0x0  }
0x31: {  	s30 =	simm.s32 $0x0;
	[sflag:s23] =	ssyncadd.s32 $0xFFFFCE00  }
0x32: {  	[spmem:s1] =	stream.indirect.scatter.add.f32 [tilespmem:s21], [sflag:$0x3], $0x80, s30, s20, $0xb8;
	[tilespmem:$0x1D180] =	vst v63  }
0x33: {  	_ =	swait.ge [sflag:s24], $0x3200  }
0x34: {  	[sflag:s24] =	ssyncset.done $0x0  }
0x35: {  	s30 =	simm.s32 $0x80;
	[sflag:s24] =	ssyncadd.s32 $0xFFFFCE00  }
0x36: {  	[spmem:s1] =	stream.indirect.scatter.add.f32 [tilespmem:s22], [sflag:$0x3], $0x80, s30, s20, $0xb8;
	[tilespmem:$0x1D180] =	vst v63  }
0x37: {  	s31 =	sadd.s32 $0x0, s14  }
0x38: {  	[tilespmem:s18], [sflag:$0x4] =	stream.linear.gather [hbm4b:s31+s2], $0x80, $0x38;
	[tilespmem:$0x1D180] =	vst v63  }
0x39: {  	_ =	swait.ge [sflag:s16], $0x80  }
0x3a: {  	[sflag:s16] =	ssyncset.done $0x0  }
0x3b: {  	s31 =	sadd.s32 $0x0, s13;
	[sflag:s16] =	ssyncadd.s32 $0xFFFFFF80  }
0x3c: {  	[tilespmem:s19], [sflag:$0x4] =	stream.linear.gather [hbm4b:s31+s2], $0x80, $0x38;
	[tilespmem:$0x1D180] =	vst v63  }
0x3d: {  	_ =	swait.ge [sflag:s16], $0x80  }
0x3e: {  	[sflag:s16] =	ssyncset.done $0x0  }
0x3f: {  	[sflag:s16] =	ssyncadd.s32 $0xFFFFFF80  }
0x40: {  	_ =	swait.ge [sflag:s25], $0x3200  }
0x41: {  	[sflag:s25] =	ssyncset.done $0x0  }
0x42: {  	[sflag:s25] =	ssyncadd.s32 $0xFFFFCE00  }
0x43: {  	_ =	swait.ge [sflag:s25], $0x3200  }
0x44: {  	s31 =	simm.s32 $0x20;
	[sflag:s25] =	ssyncset.done $0x0  }
.LBB2_2:
0x45: {  	p1 =	sne.s32 s31, $0x600;
	[sflag:s25] =	ssyncadd.s32 $0xFFFFCE00;
	s30 =	sadd.s32 $0x100, s30  }
0x46: {  	[tilespmem:s21], [sflag:$0x1] =	stream.indirect.gather [hbm4b:s3+s20], $0x80, s18, s20, $0xb8;
	[tilespmem:$0x1D180] =	vst v63  }
0x47: {  	s0 =	smov.u32 s31;
	s31 =	sadd.s32 $0x20, s31  }
0x48: {  	[tilespmem:s22], [sflag:$0x2] =	stream.indirect.gather [hbm4b:s3+s20], $0x80, s19, s20, $0xb8;
	[tilespmem:$0x1D180] =	vst v63  }
0x49: {  	_ =	swait.ge [sflag:s23], $0x3200  }
0x4a: {  	[sflag:s23] =	ssyncset.done $0x0  }
0x4b: {  	s26 =	sadd.s32 $0xFFFFFF80, s30;
	[sflag:s23] =	ssyncadd.s32 $0xFFFFCE00  }
0x4c: {  	[spmem:s1] =	stream.indirect.scatter.add.f32 [tilespmem:s21], [sflag:$0x3], $0x80, s26, s20, $0xb8;
	[tilespmem:$0x1D180] =	vst v63  }
0x4d: {  	_ =	swait.ge [sflag:s24], $0x3200  }
0x4e: {  	[sflag:s24] =	ssyncset.done $0x0  }
0x4f: {  	[sflag:s24] =	ssyncadd.s32 $0xFFFFCE00  }
0x50: {  	[spmem:s1] =	stream.indirect.scatter.add.f32 [tilespmem:s22], [sflag:$0x3], $0x80, s30, s20, $0xb8;
	[tilespmem:$0x1D180] =	vst v63  }
0x51: {  	s26 =	sadd.s32 s0, s14  }
0x52: {  	[tilespmem:s18], [sflag:$0x4] =	stream.linear.gather [hbm4b:s26+s2], $0x80, $0x38;
	[tilespmem:$0x1D180] =	vst v63  }
0x53: {  	_ =	swait.ge [sflag:s16], $0x80  }
0x54: {  	[sflag:s16] =	ssyncset.done $0x0  }
0x55: {  	s0 =	sadd.s32 s0, s13;
	[sflag:s16] =	ssyncadd.s32 $0xFFFFFF80  }
0x56: {  	[tilespmem:s19], [sflag:$0x4] =	stream.linear.gather [hbm4b:s0+s2], $0x80, $0x38;
	[tilespmem:$0x1D180] =	vst v63  }
0x57: {  	_ =	swait.ge [sflag:s16], $0x80  }
0x58: {  	[sflag:s16] =	ssyncset.done $0x0  }
0x59: {  	[sflag:s16] =	ssyncadd.s32 $0xFFFFFF80  }
.Ltmp0:
0x5a: {  	_ =	swait.ge [sflag:s25], $0x3200;
	(pc) =	sbr.rel @p1 .LBB2_2-.Ltmp0, $4  }
0x5b: {  	[sflag:s25] =	ssyncset.done $0x0  }
0x5c: {  	[sflag:s25] =	ssyncadd.s32 $0xFFFFCE00  }
0x5d: {  	_ =	swait.ge [sflag:s25], $0x3200  }
0x5e: {  	[sflag:s25] =	ssyncset.done $0x0  }
0x5f: {  	[sflag:s25] =	ssyncadd.s32 $0xFFFFCE00  }
0x60: {  	[tilespmem:s21], [sflag:$0x1] =	stream.indirect.gather [hbm4b:s3+s20], $0x80, s18, s20, $0xb8;
	[tilespmem:$0x1D180] =	vst v63  }
0x61: {  	_ = 	snop  }
0x62: {  	[tilespmem:s22], [sflag:$0x2] =	stream.indirect.gather [hbm4b:s3+s20], $0x80, s19, s20, $0xb8;
	[tilespmem:$0x1D180] =	vst v63  }
0x63: {  	_ =	swait.ge [sflag:s23], $0x3200  }
0x64: {  	[sflag:s23] =	ssyncset.done $0x0  }
0x65: {  	s0 =	simm.s32 $0x3100;
	[sflag:s23] =	ssyncadd.s32 $0xFFFFCE00  }
0x66: {  	[spmem:s1] =	stream.indirect.scatter.add.f32 [tilespmem:s21], [sflag:$0x3], $0x80, s0, s20, $0xb8;
	[tilespmem:$0x1D180] =	vst v63  }
0x67: {  	_ =	swait.ge [sflag:s24], $0x3200  }
0x68: {  	[sflag:s24] =	ssyncset.done $0x0  }
0x69: {  	[sflag:s24] =	ssyncadd.s32 $0xFFFFCE00  }
0x6a: {  	[spmem:s1] =	stream.indirect.scatter.add.f32 [tilespmem:s22], [sflag:$0x3], $0x80, s28, s20, $0xb8;
	[tilespmem:$0x1D180] =	vst v63  }
0x6b: {  	_ =	swait.ge [sflag:s25], $0x3200  }
0x6c: {  	[sflag:s25] =	ssyncset.done $0x0  }
0x6d: {  	[sflag:s25] =	ssyncadd.s32 $0xFFFFCE00  }
0x6e: {  	_ =	swait.ge [sflag:s25], $0x3200  }
0x6f: {  	[sflag:s25] =	ssyncset.done $0x0  }
0x70: {  	[sflag:s25] =	ssyncadd.s32 $0xFFFFCE00  }
0x71: {  	[bflag:$0x0] =	sbarrier.arrive $0xFFFF  }
0x72: {  	[hbm:s10], [sflag:s5] =	dma.local [spmem:s15], $0x2700  }
0x73: {  	s29 =	sadd.s32 $0x1, s29;
	_ =	swait.ge [sflag:s16], $0x2700  }
0x74: {  	p1 =	sne.s32 s29, s12;
	[sflag:s16] =	ssyncset.done $0x0  }
.Ltmp1:
0x75: {  	s0 =	simm.s32 @!p0 $0x4;
	[sflag:s16] =	ssyncadd.s32 $0xFFFFD900;
	(pc) =	sbr.rel @p1 .LBB2_1-.Ltmp1, $4  }
0x76: {  	[hbm:s11], [sflag:s5] =	dma.local @!p0 [spmem:s17], $0x100  }
0x77: {  	_ =	swait.ge @!p0 [sflag:s0], $0x100  }
0x78: {  	[sflag:s0] =	ssyncset.done @!p0 $0x0  }
0x79: {  	[sflag:s0] =	ssyncadd.s32 @!p0 $0xFFFFFF00  }
0x7a: {  	_ =	sfence.sel $0x180000  }
0x7b: {  	[bflag:$0x0] =	sbarrier.arrive $0xFFFF  }
0x7c: {  	_ =	strace $0x90000053  }
0x7d: {  	[bflag:$0x2] =	sbarrier.arrive $0xFFFF  }
0x7e: {  	s0 =	rddreg [dreg:$0x2]  }
0x7f: {  	s0 =	sadd.s32 @!p0 $0x100000, s0  }
0x80: {  	[sflag:s0] =	ssyncadd.tile.s32 @!p0 $0x1;
	_ =	shalt  }
.Lfunc_end2:
_tile_overlayer_lowered:
.L_overlay_start_2:
0x81: {  	(tag) =	ssettag $0x2  }
0x82: {  	s0 =	rddreg [dreg:$0x0];
	s2 =	stileid.u32  }
0x83: {  	s1 =	rddreg [dreg:$0x1];
	p0 =	sne.s32 s2, $0x0  }
0x84: {  	s3 =	rddreg [dreg:$0x2];
	[bflag:$0x3] =	sbarrier.arrive $0xFFFF;
	s2 =	simm.s32 @!p0 $0x1C04  }
0x85: {  	[timem:s3], [sflag:s2] =	dma.local @!p0 [hbm:s0], s1  }
0x86: {  	s0 =	simm.s32 @!p0 $0x4  }
0x87: {  	_ =	swait.ge @!p0 [sflag:s0], s1  }
0x88: {  	s1 =	ssub.s32 @!p0 $0x0, s1;
	[sflag:s0] =	ssyncset.done @!p0 $0x0  }
0x89: {  	[sflag:s0] =	ssyncadd.s32 @!p0 s1  }
0x8a: {  	[bflag:$0x3] =	sbarrier.arrive $0xFFFF  }
0x8b: {  	_ =	shalt  }

</sc_bundles>
